<compile_context>
chip_gen: v7x
topology: tpu7x:2x2x1
jax: 0.10.2.dev20260603
libtpu: 0.0.44.dev20260713+nightly
codegen_flags: <defaults>
</compile_context>

<pallas_src>
import dataclasses
import functools

import jax
import jax.numpy as jnp
from jax import lax
from jax.experimental import pallas as pl
from jax.experimental.pallas import tpu as pltpu
from jax.experimental.pallas import tpu_sc as plsc

N = 10000
E = 320000
D = 128

NC = 2
NS = 16
NW = NC * NS
EPT = E // NW
CH = 80
NCH = EPT // CH
NP = 10112
RPS = NP // NS

_mesh = plsc.VectorSubcoreMesh(core_axis_name="c", subcore_axis_name="s")

_sc_params = pltpu.CompilerParams()
if "needs_layout_passes" in pltpu.CompilerParams.__dataclass_fields__:
    _sc_params = dataclasses.replace(_sc_params, needs_layout_passes=False)



@functools.partial(
    pl.kernel,
    out_type=jax.ShapeDtypeStruct((NW, N), jnp.float32),
    mesh=_mesh,
    scratch_types=[
        pltpu.VMEM((EPT,), jnp.int32),
        pltpu.VMEM((N,), jnp.float32),
    ],
    compiler_params=_sc_params,
)
def _degree_kernel(col_hbm, zeros_hbm, out_hbm, cols_v, hist_v):
    c = lax.axis_index("c")
    s = lax.axis_index("s")
    wid = c * NS + s
    pltpu.sync_copy(col_hbm.at[pl.ds(wid * EPT, EPT)], cols_v)
    pltpu.sync_copy(zeros_hbm, hist_v)
    ones = jnp.ones((16,), jnp.float32)

    @pl.loop(0, EPT // 16)
    def _(i):
        idx = cols_v[pl.ds(i * 16, 16)]
        plsc.addupdate_scatter(hist_v, [idx], ones)

    pltpu.sync_copy(hist_v, out_hbm.at[wid])




NBUF = 4
NST = 8
NTAIL = 5

assert NCH % NST == NTAIL


@functools.partial(
    pl.kernel,
    out_type=jax.ShapeDtypeStruct((NC, NP, D), jnp.float32),
    mesh=_mesh,
    scratch_types=[
        pltpu.VMEM((NST, 2, CH), jnp.int32),
        pltpu.VMEM((NBUF, CH, D), jnp.float32),
        pltpu.VMEM_SHARED((NP, D), jnp.float32),
    ] + [pltpu.SemaphoreType.DMA] * (2 * NBUF + NST),
)
def _aggregate_kernel(src_hbm, idx_hbm, zeros_hbm, out_hbm,
                      stage, dbuf, acc_sh, *sems):
    gsem = sems[:NBUF]
    ssem = sems[NBUF:2 * NBUF]
    isem = sems[2 * NBUF:]
    c = lax.axis_index("c")
    s = lax.axis_index("s")
    wid = c * NS + s
    pltpu.sync_copy(zeros_hbm.at[pl.ds(s * RPS, RPS)],
                    acc_sh.at[pl.ds(s * RPS, RPS)])
    for k in range(5):
        pltpu.async_copy(idx_hbm.at[wid, k], stage.at[k], isem[k])
    for k in range(3):
        pltpu.make_async_copy(idx_hbm.at[wid, k], stage.at[k], isem[k]).wait()
        pltpu.async_copy(src_hbm.at[stage.at[k, 0]], dbuf.at[k], gsem[k])
    plsc.subcore_barrier()

    def _slot(k, b, traced):
        bb = b % NBUF
        b3 = (b + 3) % NBUF
        st3 = (b + 3) % NST
        st5 = (b + 5) % NST
        pltpu.make_async_copy(src_hbm.at[stage.at[b, 0]],
                              dbuf.at[bb], gsem[bb]).wait()
        pltpu.async_copy(dbuf.at[bb], acc_sh.at[stage.at[b, 1]],
                         ssem[bb], add=True)

        def _drain():
            pltpu.make_async_copy(dbuf.at[b3], acc_sh.at[stage.at[b, 1]],
                                  ssem[b3]).wait()

        def _next_gather():
            pltpu.make_async_copy(idx_hbm.at[wid, k + 3], stage.at[st3],
                                  isem[st3]).wait()
            pltpu.async_copy(src_hbm.at[stage.at[st3, 0]],
                             dbuf.at[b3], gsem[b3])

        def _next_idx():
            pltpu.async_copy(idx_hbm.at[wid, k + 5], stage.at[st5],
                             isem[st5])

        if traced:
            pl.when(k >= 1)(_drain)
            _next_gather()
            _next_idx()
        else:
            _drain()
            if k + 3 < NCH:
                _next_gather()
            if k + 5 < NCH:
                _next_idx()

    @pl.loop(0, NCH - NTAIL, step=NST)
    def _(j):
        for b in range(NST):
            _slot(j + b, b, True)

    for k in range(NCH - NTAIL, NCH):
        _slot(k, k % NST, False)

    pltpu.make_async_copy(dbuf.at[(NCH - 1) % NBUF],
                          acc_sh.at[stage.at[(NCH - 1) % NST, 1]],
                          ssem[(NCH - 1) % NBUF]).wait()

    plsc.subcore_barrier()
    pltpu.sync_copy(acc_sh.at[pl.ds(s * RPS, RPS)],
                    out_hbm.at[c, pl.ds(s * RPS, RPS)])



BLK = 1000


def _norm_body(hist_ref, x_ref, w_ref, xwp_ref, dis_ref):
    deg = jnp.sum(hist_ref[...], axis=0) + 1.0
    dis = lax.rsqrt(deg)
    dis_ref[...] = dis
    xwp_ref[...] = lax.dot_general(
        x_ref[...] * dis, w_ref[...], (((1,), (1,)), ((), ())),
        preferred_element_type=jnp.float32)


def _norm(hist, x, w):
    return pl.pallas_call(
        _norm_body,
        grid=(N // BLK,),
        in_specs=[
            pl.BlockSpec((NW, BLK, 1), lambda i: (0, i, 0)),
            pl.BlockSpec((BLK, D), lambda i: (i, 0)),
            pl.BlockSpec((D, D), lambda i: (0, 0)),
        ],
        out_specs=[
            pl.BlockSpec((BLK, D), lambda i: (i, 0)),
            pl.BlockSpec((BLK, 1), lambda i: (i, 0)),
        ],
        out_shape=[
            jax.ShapeDtypeStruct((N, D), jnp.float32),
            jax.ShapeDtypeStruct((N, 1), jnp.float32),
        ],
    )(hist, x, w)


def _layer2_body(acc_ref, xwp_ref, dis_ref, b_ref, w_ref, o_ref):
    pre = acc_ref[0] + acc_ref[1] + xwp_ref[...]
    h = jnp.maximum(pre * dis_ref[...] + b_ref[...], 0.0)
    o_ref[...] = lax.dot_general(
        h, w_ref[...], (((1,), (1,)), ((), ())),
        preferred_element_type=jnp.float32) * dis_ref[...]


def _layer2(acc, xwp, dis, b, w):
    return pl.pallas_call(
        _layer2_body,
        grid=(N // BLK,),
        in_specs=[
            pl.BlockSpec((NC, BLK, D), lambda i: (0, i, 0)),
            pl.BlockSpec((BLK, D), lambda i: (i, 0)),
            pl.BlockSpec((BLK, 1), lambda i: (i, 0)),
            pl.BlockSpec((1, D), lambda i: (0, 0)),
            pl.BlockSpec((D, D), lambda i: (0, 0)),
        ],
        out_specs=pl.BlockSpec((BLK, D), lambda i: (i, 0)),
        out_shape=jax.ShapeDtypeStruct((N, D), jnp.float32),
    )(acc, xwp, dis, b, w)


def _combine_body(acc_ref, xwp_ref, dis_ref, b_ref, o_ref):
    pre = acc_ref[0] + acc_ref[1] + xwp_ref[...]
    o_ref[...] = pre * dis_ref[...] + b_ref[...]


def _combine(acc, xwp, dis, b):
    return pl.pallas_call(
        _combine_body,
        grid=(N // BLK,),
        in_specs=[
            pl.BlockSpec((NC, BLK, D), lambda i: (0, i, 0)),
            pl.BlockSpec((BLK, D), lambda i: (i, 0)),
            pl.BlockSpec((BLK, 1), lambda i: (i, 0)),
            pl.BlockSpec((1, D), lambda i: (0, 0)),
        ],
        out_specs=pl.BlockSpec((BLK, D), lambda i: (i, 0)),
        out_shape=jax.ShapeDtypeStruct((N, D), jnp.float32),
    )(acc, xwp, dis, b)




def kernel(x, edge_index, W1, b1, W2, b2):
    row = edge_index[0].reshape(NW, NCH, 1, CH)
    col = edge_index[1].reshape(NW, NCH, 1, CH)
    idxc = jnp.concatenate([row, col], axis=2)
    col_flat = edge_index[1]
    zeros_nd = jnp.zeros((NP, D), jnp.float32)
    zeros_n = jnp.zeros((N,), jnp.float32)
    b1r = b1.reshape(1, D)
    b2r = b2.reshape(1, D)

    hist = _degree_kernel(col_flat, zeros_n).reshape(NW, N, 1)
    xw1p, dis = _norm(hist, x, W1)
    acc1 = _aggregate_kernel(xw1p, idxc, zeros_nd)
    xw2p = _layer2(acc1, xw1p, dis, b1r, W2)
    acc2 = _aggregate_kernel(xw2p, idxc, zeros_nd)
    return _combine(acc2, xw2p, dis, b2r)

# --- scband reference (transcript-rebuilt; emitter-appended) ---
"""Pipeline reference for scband-gcnmodel-34239479284114 (READ-ONLY COPY).

The authoritative reference and input builder live on the scoring server;
editing this copy changes nothing except your own understanding.
"""

import jax, jax.numpy as jnp
import numpy as np

N_NODES = 10000
N_EDGES = 320000
D_IN = 128
D_HID = 128
D_OUT = 128


def setup_inputs(seed: int = 0) -> dict:
    key = jax.random.key(seed)
    k1, k2, k3, k4, k5, k6 = jax.random.split(key, 6)
    x = jax.random.normal(k1, (N_NODES, D_IN), dtype=jnp.float32)
    edge_index = jax.random.randint(k2, (2, N_EDGES), 0, N_NODES, dtype=jnp.int32)
    # Linear weights (PyTorch Linear: out = x @ W.T), Kaiming-uniform-ish scale
    s1 = 1.0 / np.sqrt(D_IN)
    s2 = 1.0 / np.sqrt(D_HID)
    W1 = jax.random.uniform(k3, (D_HID, D_IN), dtype=jnp.float32, minval=-s1, maxval=s1)
    b1 = jnp.zeros((D_HID,), dtype=jnp.float32)
    W2 = jax.random.uniform(k4, (D_OUT, D_HID), dtype=jnp.float32, minval=-s2, maxval=s2)
    b2 = jnp.zeros((D_OUT,), dtype=jnp.float32)
    return {"x": x, "edge_index": edge_index, "W1": W1, "b1": b1, "W2": W2, "b2": b2}


def _gcn_conv(x, edge_index, W, b):
    n = x.shape[0]
    row = edge_index[0]
    col = edge_index[1]
    # add_self_loops
    sl = jnp.arange(n, dtype=row.dtype)
    row = jnp.concatenate([row, sl])
    col = jnp.concatenate([col, sl])
    # x = lin(x)
    xw = x @ W.T
    # degree(col, n)
    deg = jnp.zeros((n,), dtype=xw.dtype).at[col].add(1.0)
    deg_inv_sqrt = jnp.where(deg > 0, deg ** -0.5, 0.0)
    norm = deg_inv_sqrt[row] * deg_inv_sqrt[col]
    # message: norm * x_j (x_j = xw[row]); aggregate add at col
    msg = norm[:, None] * jnp.take(xw, row, axis=0)
    out = jnp.zeros_like(xw).at[col].add(msg)
    return out + b


def reference(x, edge_index, W1, b1, W2, b2):
    h = _gcn_conv(x, edge_index, W1, b1)
    h = jax.nn.relu(h)
    # dropout is identity in eval mode (p=0.5, train=False)
    out = _gcn_conv(h, edge_index, W2, b2)
    return out

if __name__ == "__main__":
    import jax
    _d = setup_inputs()
    print(jax.jit(kernel)(*tuple(_d.values())))

</pallas_src>

<mosaic_0001>
#map = affine_map<(d0, d1) -> (0, 0)>
#map1 = affine_map<(d0, d1) -> (0, 0, 0, 0)>
#map2 = affine_map<(d0, d1) -> (0, 0, 0)>
module attributes {stable_mosaic.version = 14 : i64} {
  func.func @_aggregate_kernel(%arg0: i32, %arg1: i32, %arg2: memref<10000x128xf32, #tpu.memory_space<hbm>>, %arg3: memref<32x125x2x80xi32, #tpu.memory_space<hbm>>, %arg4: memref<10112x128xf32, #tpu.memory_space<hbm>>, %arg5: memref<2x10112x128xf32, #tpu.memory_space<hbm>>, %arg6: memref<8x2x80xi32, #tpu.memory_space<vmem>>, %arg7: memref<4x80x128xf32, #tpu.memory_space<vmem>>, %arg8: memref<10112x128xf32, #tpu.memory_space<vmem_shared>>, %arg9: memref<!tpu.dma_semaphore, #tpu.memory_space<semaphore_mem>>, %arg10: memref<!tpu.dma_semaphore, #tpu.memory_space<semaphore_mem>>, %arg11: memref<!tpu.dma_semaphore, #tpu.memory_space<semaphore_mem>>, %arg12: memref<!tpu.dma_semaphore, #tpu.memory_space<semaphore_mem>>, %arg13: memref<!tpu.dma_semaphore, #tpu.memory_space<semaphore_mem>>, %arg14: memref<!tpu.dma_semaphore, #tpu.memory_space<semaphore_mem>>, %arg15: memref<!tpu.dma_semaphore, #tpu.memory_space<semaphore_mem>>, %arg16: memref<!tpu.dma_semaphore, #tpu.memory_space<semaphore_mem>>, %arg17: memref<!tpu.dma_semaphore, #tpu.memory_space<semaphore_mem>>, %arg18: memref<!tpu.dma_semaphore, #tpu.memory_space<semaphore_mem>>, %arg19: memref<!tpu.dma_semaphore, #tpu.memory_space<semaphore_mem>>, %arg20: memref<!tpu.dma_semaphore, #tpu.memory_space<semaphore_mem>>, %arg21: memref<!tpu.dma_semaphore, #tpu.memory_space<semaphore_mem>>, %arg22: memref<!tpu.dma_semaphore, #tpu.memory_space<semaphore_mem>>, %arg23: memref<!tpu.dma_semaphore, #tpu.memory_space<semaphore_mem>>, %arg24: memref<!tpu.dma_semaphore, #tpu.memory_space<semaphore_mem>>) attributes {dimension_semantics = [#tpu.dimension_semantics<core_parallel>, #tpu.dimension_semantics<subcore_parallel>], iteration_bounds = array<i64: 2, 16>, scalar_prefetch = 0 : i64, scratch_operands = 19 : i64, tpu.core_type = #tpu.core_type<sc_vector_subcore>, window_params = [{transform_indices = #map}, {transform_indices = #map1}, {transform_indices = #map}, {transform_indices = #map2}]} {
    %mul3A = arith.constant 16 : i32
    %mul3A_0 = arith.muli %arg0, %mul3A : i32
    %add3A = arith.addi %mul3A_0, %arg1 : i32
    %mul3A_1 = arith.constant 632 : i32
    %mul3A_2 = arith.muli %arg1, %mul3A_1 : i32
    %mul3A_3 = arith.constant 632 : i32
    %mul3A_4 = arith.muli %arg1, %mul3A_3 : i32
    "tpu.region"() ({
      %run_scoped3A = tpu.sem_alloc : memref<!tpu.dma_semaphore, #tpu.memory_space<semaphore_mem>>
      %dma_start3A_465 = arith.constant 0 : i32
      %dma_start3A_466 = tpu.memref_slice %arg8[%mul3A_4, %dma_start3A_465] : memref<10112x128xf32, #tpu.memory_space<vmem_shared>> -> memref<632x128xf32, #tpu.memory_space<vmem_shared>>
      %dma_start3A_467 = arith.constant 0 : i32
      %dma_start3A_468 = tpu.memref_slice %arg4[%mul3A_2, %dma_start3A_467] : memref<10112x128xf32, #tpu.memory_space<hbm>> -> memref<632x128xf32, #tpu.memory_space<hbm>>
      tpu.enqueue_dma source(%dma_start3A_468 : memref<632x128xf32, #tpu.memory_space<hbm>>) target(%dma_start3A_466 : memref<632x128xf32, #tpu.memory_space<vmem_shared>>) target_semaphore(%run_scoped3A : memref<!tpu.dma_semaphore, #tpu.memory_space<semaphore_mem>>)
      %dma_wait3A_469 = arith.constant 0 : i32
      %dma_wait3A_470 = tpu.memref_slice %arg8[%mul3A_4, %dma_wait3A_469] : memref<10112x128xf32, #tpu.memory_space<vmem_shared>> -> memref<632x128xf32, #tpu.memory_space<vmem_shared>>
      %dma_wait3A_471 = arith.constant 0 : i32
      %dma_wait3A_472 = tpu.memref_slice %arg4[%mul3A_2, %dma_wait3A_471] : memref<10112x128xf32, #tpu.memory_space<hbm>> -> memref<632x128xf32, #tpu.memory_space<hbm>>
      tpu.wait_dma2 semaphore(%run_scoped3A : memref<!tpu.dma_semaphore, #tpu.memory_space<semaphore_mem>>) src(%dma_wait3A_472 : memref<632x128xf32, #tpu.memory_space<hbm>>) dst(%dma_wait3A_470 : memref<632x128xf32, #tpu.memory_space<vmem_shared>>)
      tpu.yield
    }) : () -> ()
    %dma_start3A = arith.constant 0 : i32
    %dma_start3A_5 = arith.constant 0 : i32
    %dma_start3A_6 = arith.constant 0 : i32
    %dma_start3A_7 = arith.constant 0 : i32
    %dma_start3A_8 = tpu.memref_slice %arg6[%dma_start3A_5, %dma_start3A_6, %dma_start3A_7] : memref<8x2x80xi32, #tpu.memory_space<vmem>> -> memref<1x2x80xi32, #tpu.memory_space<vmem>>
    %dma_start3A_9 = tpu.memref_squeeze %dma_start3A_8 : memref<1x2x80xi32, #tpu.memory_space<vmem>> -> memref<2x80xi32, #tpu.memory_space<vmem>>
    %dma_start3A_10 = arith.constant 0 : i32
    %dma_start3A_11 = arith.constant 0 : i32
    %dma_start3A_12 = tpu.memref_slice %arg3[%add3A, %dma_start3A, %dma_start3A_10, %dma_start3A_11] : memref<32x125x2x80xi32, #tpu.memory_space<hbm>> -> memref<1x1x2x80xi32, #tpu.memory_space<hbm>>
    %dma_start3A_13 = tpu.memref_squeeze %dma_start3A_12 : memref<1x1x2x80xi32, #tpu.memory_space<hbm>> -> memref<2x80xi32, #tpu.memory_space<hbm>>
    %dma_start3A_14 = arith.constant 0 : i32
    %dma_start3A_15 = arith.constant 0 : i32
    %dma_start3A_16 = tpu.memref_slice %arg6[%dma_start3A_5, %dma_start3A_14, %dma_start3A_15] : memref<8x2x80xi32, #tpu.memory_space<vmem>> -> memref<1x2x80xi32, #tpu.memory_space<vmem>>
    %dma_start3A_17 = tpu.memref_squeeze %dma_start3A_16 : memref<1x2x80xi32, #tpu.memory_space<vmem>> -> memref<2x80xi32, #tpu.memory_space<vmem>>
    %dma_start3A_18 = arith.constant 0 : i32
    %dma_start3A_19 = arith.constant 0 : i32
    %dma_start3A_20 = tpu.memref_slice %arg3[%add3A, %dma_start3A, %dma_start3A_18, %dma_start3A_19] : memref<32x125x2x80xi32, #tpu.memory_space<hbm>> -> memref<1x1x2x80xi32, #tpu.memory_space<hbm>>
    %dma_start3A_21 = tpu.memref_squeeze %dma_start3A_20 : memref<1x1x2x80xi32, #tpu.memory_space<hbm>> -> memref<2x80xi32, #tpu.memory_space<hbm>>
    tpu.enqueue_dma source(%dma_start3A_21 : memref<2x80xi32, #tpu.memory_space<hbm>>) target(%dma_start3A_17 : memref<2x80xi32, #tpu.memory_space<vmem>>) target_semaphore(%arg17 : memref<!tpu.dma_semaphore, #tpu.memory_space<semaphore_mem>>)
    %dma_start3A_22 = arith.constant 1 : i32
    %dma_start3A_23 = arith.constant 1 : i32
    %dma_start3A_24 = arith.constant 0 : i32
    %dma_start3A_25 = arith.constant 0 : i32
    %dma_start3A_26 = tpu.memref_slice %arg6[%dma_start3A_23, %dma_start3A_24, %dma_start3A_25] : memref<8x2x80xi32, #tpu.memory_space<vmem>> -> memref<1x2x80xi32, #tpu.memory_space<vmem>>
    %dma_start3A_27 = tpu.memref_squeeze %dma_start3A_26 : memref<1x2x80xi32, #tpu.memory_space<vmem>> -> memref<2x80xi32, #tpu.memory_space<vmem>>
    %dma_start3A_28 = arith.constant 0 : i32
    %dma_start3A_29 = arith.constant 0 : i32
    %dma_start3A_30 = tpu.memref_slice %arg3[%add3A, %dma_start3A_22, %dma_start3A_28, %dma_start3A_29] : memref<32x125x2x80xi32, #tpu.memory_space<hbm>> -> memref<1x1x2x80xi32, #tpu.memory_space<hbm>>
    %dma_start3A_31 = tpu.memref_squeeze %dma_start3A_30 : memref<1x1x2x80xi32, #tpu.memory_space<hbm>> -> memref<2x80xi32, #tpu.memory_space<hbm>>
    %dma_start3A_32 = arith.constant 0 : i32
    %dma_start3A_33 = arith.constant 0 : i32
    %dma_start3A_34 = tpu.memref_slice %arg6[%dma_start3A_23, %dma_start3A_32, %dma_start3A_33] : memref<8x2x80xi32, #tpu.memory_space<vmem>> -> memref<1x2x80xi32, #tpu.memory_space<vmem>>
    %dma_start3A_35 = tpu.memref_squeeze %dma_start3A_34 : memref<1x2x80xi32, #tpu.memory_space<vmem>> -> memref<2x80xi32, #tpu.memory_space<vmem>>
    %dma_start3A_36 = arith.constant 0 : i32
    %dma_start3A_37 = arith.constant 0 : i32
    %dma_start3A_38 = tpu.memref_slice %arg3[%add3A, %dma_start3A_22, %dma_start3A_36, %dma_start3A_37] : memref<32x125x2x80xi32, #tpu.memory_space<hbm>> -> memref<1x1x2x80xi32, #tpu.memory_space<hbm>>
    %dma_start3A_39 = tpu.memref_squeeze %dma_start3A_38 : memref<1x1x2x80xi32, #tpu.memory_space<hbm>> -> memref<2x80xi32, #tpu.memory_space<hbm>>
    tpu.enqueue_dma source(%dma_start3A_39 : memref<2x80xi32, #tpu.memory_space<hbm>>) target(%dma_start3A_35 : memref<2x80xi32, #tpu.memory_space<vmem>>) target_semaphore(%arg18 : memref<!tpu.dma_semaphore, #tpu.memory_space<semaphore_mem>>)
    %dma_start3A_40 = arith.constant 2 : i32
    %dma_start3A_41 = arith.constant 2 : i32
    %dma_start3A_42 = arith.constant 0 : i32
    %dma_start3A_43 = arith.constant 0 : i32
    %dma_start3A_44 = tpu.memref_slice %arg6[%dma_start3A_41, %dma_start3A_42, %dma_start3A_43] : memref<8x2x80xi32, #tpu.memory_space<vmem>> -> memref<1x2x80xi32, #tpu.memory_space<vmem>>
    %dma_start3A_45 = tpu.memref_squeeze %dma_start3A_44 : memref<1x2x80xi32, #tpu.memory_space<vmem>> -> memref<2x80xi32, #tpu.memory_space<vmem>>
    %dma_start3A_46 = arith.constant 0 : i32
    %dma_start3A_47 = arith.constant 0 : i32
    %dma_start3A_48 = tpu.memref_slice %arg3[%add3A, %dma_start3A_40, %dma_start3A_46, %dma_start3A_47] : memref<32x125x2x80xi32, #tpu.memory_space<hbm>> -> memref<1x1x2x80xi32, #tpu.memory_space<hbm>>
    %dma_start3A_49 = tpu.memref_squeeze %dma_start3A_48 : memref<1x1x2x80xi32, #tpu.memory_space<hbm>> -> memref<2x80xi32, #tpu.memory_space<hbm>>
    %dma_start3A_50 = arith.constant 0 : i32
    %dma_start3A_51 = arith.constant 0 : i32
    %dma_start3A_52 = tpu.memref_slice %arg6[%dma_start3A_41, %dma_start3A_50, %dma_start3A_51] : memref<8x2x80xi32, #tpu.memory_space<vmem>> -> memref<1x2x80xi32, #tpu.memory_space<vmem>>
    %dma_start3A_53 = tpu.memref_squeeze %dma_start3A_52 : memref<1x2x80xi32, #tpu.memory_space<vmem>> -> memref<2x80xi32, #tpu.memory_space<vmem>>
    %dma_start3A_54 = arith.constant 0 : i32
    %dma_start3A_55 = arith.constant 0 : i32
    %dma_start3A_56 = tpu.memref_slice %arg3[%add3A, %dma_start3A_40, %dma_start3A_54, %dma_start3A_55] : memref<32x125x2x80xi32, #tpu.memory_space<hbm>> -> memref<1x1x2x80xi32, #tpu.memory_space<hbm>>
    %dma_start3A_57 = tpu.memref_squeeze %dma_start3A_56 : memref<1x1x2x80xi32, #tpu.memory_space<hbm>> -> memref<2x80xi32, #tpu.memory_space<hbm>>
    tpu.enqueue_dma source(%dma_start3A_57 : memref<2x80xi32, #tpu.memory_space<hbm>>) target(%dma_start3A_53 : memref<2x80xi32, #tpu.memory_space<vmem>>) target_semaphore(%arg19 : memref<!tpu.dma_semaphore, #tpu.memory_space<semaphore_mem>>)
    %dma_start3A_58 = arith.constant 3 : i32
    %dma_start3A_59 = arith.constant 3 : i32
    %dma_start3A_60 = arith.constant 0 : i32
    %dma_start3A_61 = arith.constant 0 : i32
    %dma_start3A_62 = tpu.memref_slice %arg6[%dma_start3A_59, %dma_start3A_60, %dma_start3A_61] : memref<8x2x80xi32, #tpu.memory_space<vmem>> -> memref<1x2x80xi32, #tpu.memory_space<vmem>>
    %dma_start3A_63 = tpu.memref_squeeze %dma_start3A_62 : memref<1x2x80xi32, #tpu.memory_space<vmem>> -> memref<2x80xi32, #tpu.memory_space<vmem>>
    %dma_start3A_64 = arith.constant 0 : i32
    %dma_start3A_65 = arith.constant 0 : i32
    %dma_start3A_66 = tpu.memref_slice %arg3[%add3A, %dma_start3A_58, %dma_start3A_64, %dma_start3A_65] : memref<32x125x2x80xi32, #tpu.memory_space<hbm>> -> memref<1x1x2x80xi32, #tpu.memory_space<hbm>>
    %dma_start3A_67 = tpu.memref_squeeze %dma_start3A_66 : memref<1x1x2x80xi32, #tpu.memory_space<hbm>> -> memref<2x80xi32, #tpu.memory_space<hbm>>
    %dma_start3A_68 = arith.constant 0 : i32
    %dma_start3A_69 = arith.constant 0 : i32
    %dma_start3A_70 = tpu.memref_slice %arg6[%dma_start3A_59, %dma_start3A_68, %dma_start3A_69] : memref<8x2x80xi32, #tpu.memory_space<vmem>> -> memref<1x2x80xi32, #tpu.memory_space<vmem>>
    %dma_start3A_71 = tpu.memref_squeeze %dma_start3A_70 : memref<1x2x80xi32, #tpu.memory_space<vmem>> -> memref<2x80xi32, #tpu.memory_space<vmem>>
    %dma_start3A_72 = arith.constant 0 : i32
    %dma_start3A_73 = arith.constant 0 : i32
    %dma_start3A_74 = tpu.memref_slice %arg3[%add3A, %dma_start3A_58, %dma_start3A_72, %dma_start3A_73] : memref<32x125x2x80xi32, #tpu.memory_space<hbm>> -> memref<1x1x2x80xi32, #tpu.memory_space<hbm>>
    %dma_start3A_75 = tpu.memref_squeeze %dma_start3A_74 : memref<1x1x2x80xi32, #tpu.memory_space<hbm>> -> memref<2x80xi32, #tpu.memory_space<hbm>>
    tpu.enqueue_dma source(%dma_start3A_75 : memref<2x80xi32, #tpu.memory_space<hbm>>) target(%dma_start3A_71 : memref<2x80xi32, #tpu.memory_space<vmem>>) target_semaphore(%arg20 : memref<!tpu.dma_semaphore, #tpu.memory_space<semaphore_mem>>)
    %dma_start3A_76 = arith.constant 4 : i32
    %dma_start3A_77 = arith.constant 4 : i32
    %dma_start3A_78 = arith.constant 0 : i32
    %dma_start3A_79 = arith.constant 0 : i32
    %dma_start3A_80 = tpu.memref_slice %arg6[%dma_start3A_77, %dma_start3A_78, %dma_start3A_79] : memref<8x2x80xi32, #tpu.memory_space<vmem>> -> memref<1x2x80xi32, #tpu.memory_space<vmem>>
    %dma_start3A_81 = tpu.memref_squeeze %dma_start3A_80 : memref<1x2x80xi32, #tpu.memory_space<vmem>> -> memref<2x80xi32, #tpu.memory_space<vmem>>
    %dma_start3A_82 = arith.constant 0 : i32
    %dma_start3A_83 = arith.constant 0 : i32
    %dma_start3A_84 = tpu.memref_slice %arg3[%add3A, %dma_start3A_76, %dma_start3A_82, %dma_start3A_83] : memref<32x125x2x80xi32, #tpu.memory_space<hbm>> -> memref<1x1x2x80xi32, #tpu.memory_space<hbm>>
    %dma_start3A_85 = tpu.memref_squeeze %dma_start3A_84 : memref<1x1x2x80xi32, #tpu.memory_space<hbm>> -> memref<2x80xi32, #tpu.memory_space<hbm>>
    %dma_start3A_86 = arith.constant 0 : i32
    %dma_start3A_87 = arith.constant 0 : i32
    %dma_start3A_88 = tpu.memref_slice %arg6[%dma_start3A_77, %dma_start3A_86, %dma_start3A_87] : memref<8x2x80xi32, #tpu.memory_space<vmem>> -> memref<1x2x80xi32, #tpu.memory_space<vmem>>
    %dma_start3A_89 = tpu.memref_squeeze %dma_start3A_88 : memref<1x2x80xi32, #tpu.memory_space<vmem>> -> memref<2x80xi32, #tpu.memory_space<vmem>>
    %dma_start3A_90 = arith.constant 0 : i32
    %dma_start3A_91 = arith.constant 0 : i32
    %dma_start3A_92 = tpu.memref_slice %arg3[%add3A, %dma_start3A_76, %dma_start3A_90, %dma_start3A_91] : memref<32x125x2x80xi32, #tpu.memory_space<hbm>> -> memref<1x1x2x80xi32, #tpu.memory_space<hbm>>
    %dma_start3A_93 = tpu.memref_squeeze %dma_start3A_92 : memref<1x1x2x80xi32, #tpu.memory_space<hbm>> -> memref<2x80xi32, #tpu.memory_space<hbm>>
    tpu.enqueue_dma source(%dma_start3A_93 : memref<2x80xi32, #tpu.memory_space<hbm>>) target(%dma_start3A_89 : memref<2x80xi32, #tpu.memory_space<vmem>>) target_semaphore(%arg21 : memref<!tpu.dma_semaphore, #tpu.memory_space<semaphore_mem>>)
    %dma_wait3A = arith.constant 0 : i32
    %dma_wait3A_94 = arith.constant 0 : i32
    %dma_wait3A_95 = arith.constant 0 : i32
    %dma_wait3A_96 = arith.constant 0 : i32
    %dma_wait3A_97 = tpu.memref_slice %arg6[%dma_wait3A_94, %dma_wait3A_95, %dma_wait3A_96] : memref<8x2x80xi32, #tpu.memory_space<vmem>> -> memref<1x2x80xi32, #tpu.memory_space<vmem>>
    %dma_wait3A_98 = tpu.memref_squeeze %dma_wait3A_97 : memref<1x2x80xi32, #tpu.memory_space<vmem>> -> memref<2x80xi32, #tpu.memory_space<vmem>>
    %dma_wait3A_99 = arith.constant 0 : i32
    %dma_wait3A_100 = arith.constant 0 : i32
    %dma_wait3A_101 = tpu.memref_slice %arg3[%add3A, %dma_wait3A, %dma_wait3A_99, %dma_wait3A_100] : memref<32x125x2x80xi32, #tpu.memory_space<hbm>> -> memref<1x1x2x80xi32, #tpu.memory_space<hbm>>
    %dma_wait3A_102 = tpu.memref_squeeze %dma_wait3A_101 : memref<1x1x2x80xi32, #tpu.memory_space<hbm>> -> memref<2x80xi32, #tpu.memory_space<hbm>>
    %dma_wait3A_103 = arith.constant 0 : i32
    %dma_wait3A_104 = arith.constant 0 : i32
    %dma_wait3A_105 = tpu.memref_slice %arg6[%dma_wait3A_94, %dma_wait3A_103, %dma_wait3A_104] : memref<8x2x80xi32, #tpu.memory_space<vmem>> -> memref<1x2x80xi32, #tpu.memory_space<vmem>>
    %dma_wait3A_106 = tpu.memref_squeeze %dma_wait3A_105 : memref<1x2x80xi32, #tpu.memory_space<vmem>> -> memref<2x80xi32, #tpu.memory_space<vmem>>
    %dma_wait3A_107 = arith.constant 0 : i32
    %dma_wait3A_108 = arith.constant 0 : i32
    %dma_wait3A_109 = tpu.memref_slice %arg3[%add3A, %dma_wait3A, %dma_wait3A_107, %dma_wait3A_108] : memref<32x125x2x80xi32, #tpu.memory_space<hbm>> -> memref<1x1x2x80xi32, #tpu.memory_space<hbm>>
    %dma_wait3A_110 = tpu.memref_squeeze %dma_wait3A_109 : memref<1x1x2x80xi32, #tpu.memory_space<hbm>> -> memref<2x80xi32, #tpu.memory_space<hbm>>
    tpu.wait_dma2 semaphore(%arg17 : memref<!tpu.dma_semaphore, #tpu.memory_space<semaphore_mem>>) src(%dma_wait3A_110 : memref<2x80xi32, #tpu.memory_space<hbm>>) dst(%dma_wait3A_106 : memref<2x80xi32, #tpu.memory_space<vmem>>)
    %dma_start3A_111 = arith.constant 0 : i32
    %dma_start3A_112 = arith.constant 0 : i32
    %dma_start3A_113 = arith.constant 0 : i32
    %dma_start3A_114 = arith.constant 0 : i32
    %dma_start3A_115 = arith.constant 0 : i32
    %dma_start3A_116 = tpu.memref_slice %arg7[%dma_start3A_113, %dma_start3A_114, %dma_start3A_115] : memref<4x80x128xf32, #tpu.memory_space<vmem>> -> memref<1x80x128xf32, #tpu.memory_space<vmem>>
    %dma_start3A_117 = tpu.memref_squeeze %dma_start3A_116 : memref<1x80x128xf32, #tpu.memory_space<vmem>> -> memref<80x128xf32, #tpu.memory_space<vmem>>
    %dma_start3A_118 = arith.constant 0 : i32
    %dma_start3A_119 = tpu.memref_slice %arg6[%dma_start3A_111, %dma_start3A_112, %dma_start3A_118] : memref<8x2x80xi32, #tpu.memory_space<vmem>> -> memref<1x1x80xi32, #tpu.memory_space<vmem>>
    %dma_start3A_120 = tpu.memref_squeeze %dma_start3A_119 : memref<1x1x80xi32, #tpu.memory_space<vmem>> -> memref<80xi32, #tpu.memory_space<vmem>>
    %dma_start3A_121 = arith.constant 0 : i32
    %dma_start3A_122 = arith.constant 0 : i32
    %dma_start3A_123 = tpu.memref_slice %arg2[%dma_start3A_121, %dma_start3A_122] : memref<10000x128xf32, #tpu.memory_space<hbm>> -> memref<10000x128xf32, #tpu.memory_space<hbm>>
    tpu.enqueue_indirect_dma source(%dma_start3A_123 : memref<10000x128xf32, #tpu.memory_space<hbm>>) target(%dma_start3A_117 : memref<80x128xf32, #tpu.memory_space<vmem>>) offsets(%dma_start3A_120 : memref<80xi32, #tpu.memory_space<vmem>>) semaphore(%arg9 : memref<!tpu.dma_semaphore, #tpu.memory_space<semaphore_mem>>)
    %dma_wait3A_124 = arith.constant 1 : i32
    %dma_wait3A_125 = arith.constant 1 : i32
    %dma_wait3A_126 = arith.constant 0 : i32
    %dma_wait3A_127 = arith.constant 0 : i32
    %dma_wait3A_128 = tpu.memref_slice %arg6[%dma_wait3A_125, %dma_wait3A_126, %dma_wait3A_127] : memref<8x2x80xi32, #tpu.memory_space<vmem>> -> memref<1x2x80xi32, #tpu.memory_space<vmem>>
    %dma_wait3A_129 = tpu.memref_squeeze %dma_wait3A_128 : memref<1x2x80xi32, #tpu.memory_space<vmem>> -> memref<2x80xi32, #tpu.memory_space<vmem>>
    %dma_wait3A_130 = arith.constant 0 : i32
    %dma_wait3A_131 = arith.constant 0 : i32
    %dma_wait3A_132 = tpu.memref_slice %arg3[%add3A, %dma_wait3A_124, %dma_wait3A_130, %dma_wait3A_131] : memref<32x125x2x80xi32, #tpu.memory_space<hbm>> -> memref<1x1x2x80xi32, #tpu.memory_space<hbm>>
    %dma_wait3A_133 = tpu.memref_squeeze %dma_wait3A_132 : memref<1x1x2x80xi32, #tpu.memory_space<hbm>> -> memref<2x80xi32, #tpu.memory_space<hbm>>
    %dma_wait3A_134 = arith.constant 0 : i32
    %dma_wait3A_135 = arith.constant 0 : i32
    %dma_wait3A_136 = tpu.memref_slice %arg6[%dma_wait3A_125, %dma_wait3A_134, %dma_wait3A_135] : memref<8x2x80xi32, #tpu.memory_space<vmem>> -> memref<1x2x80xi32, #tpu.memory_space<vmem>>
    %dma_wait3A_137 = tpu.memref_squeeze %dma_wait3A_136 : memref<1x2x80xi32, #tpu.memory_space<vmem>> -> memref<2x80xi32, #tpu.memory_space<vmem>>
    %dma_wait3A_138 = arith.constant 0 : i32
    %dma_wait3A_139 = arith.constant 0 : i32
    %dma_wait3A_140 = tpu.memref_slice %arg3[%add3A, %dma_wait3A_124, %dma_wait3A_138, %dma_wait3A_139] : memref<32x125x2x80xi32, #tpu.memory_space<hbm>> -> memref<1x1x2x80xi32, #tpu.memory_space<hbm>>
    %dma_wait3A_141 = tpu.memref_squeeze %dma_wait3A_140 : memref<1x1x2x80xi32, #tpu.memory_space<hbm>> -> memref<2x80xi32, #tpu.memory_space<hbm>>
    tpu.wait_dma2 semaphore(%arg18 : memref<!tpu.dma_semaphore, #tpu.memory_space<semaphore_mem>>) src(%dma_wait3A_141 : memref<2x80xi32, #tpu.memory_space<hbm>>) dst(%dma_wait3A_137 : memref<2x80xi32, #tpu.memory_space<vmem>>)
    %dma_start3A_142 = arith.constant 1 : i32
    %dma_start3A_143 = arith.constant 0 : i32
    %dma_start3A_144 = arith.constant 1 : i32
    %dma_start3A_145 = arith.constant 0 : i32
    %dma_start3A_146 = arith.constant 0 : i32
    %dma_start3A_147 = tpu.memref_slice %arg7[%dma_start3A_144, %dma_start3A_145, %dma_start3A_146] : memref<4x80x128xf32, #tpu.memory_space<vmem>> -> memref<1x80x128xf32, #tpu.memory_space<vmem>>
    %dma_start3A_148 = tpu.memref_squeeze %dma_start3A_147 : memref<1x80x128xf32, #tpu.memory_space<vmem>> -> memref<80x128xf32, #tpu.memory_space<vmem>>
    %dma_start3A_149 = arith.constant 0 : i32
    %dma_start3A_150 = tpu.memref_slice %arg6[%dma_start3A_142, %dma_start3A_143, %dma_start3A_149] : memref<8x2x80xi32, #tpu.memory_space<vmem>> -> memref<1x1x80xi32, #tpu.memory_space<vmem>>
    %dma_start3A_151 = tpu.memref_squeeze %dma_start3A_150 : memref<1x1x80xi32, #tpu.memory_space<vmem>> -> memref<80xi32, #tpu.memory_space<vmem>>
    %dma_start3A_152 = arith.constant 0 : i32
    %dma_start3A_153 = arith.constant 0 : i32
    %dma_start3A_154 = tpu.memref_slice %arg2[%dma_start3A_152, %dma_start3A_153] : memref<10000x128xf32, #tpu.memory_space<hbm>> -> memref<10000x128xf32, #tpu.memory_space<hbm>>
    tpu.enqueue_indirect_dma source(%dma_start3A_154 : memref<10000x128xf32, #tpu.memory_space<hbm>>) target(%dma_start3A_148 : memref<80x128xf32, #tpu.memory_space<vmem>>) offsets(%dma_start3A_151 : memref<80xi32, #tpu.memory_space<vmem>>) semaphore(%arg10 : memref<!tpu.dma_semaphore, #tpu.memory_space<semaphore_mem>>)
    %dma_wait3A_155 = arith.constant 2 : i32
    %dma_wait3A_156 = arith.constant 2 : i32
    %dma_wait3A_157 = arith.constant 0 : i32
    %dma_wait3A_158 = arith.constant 0 : i32
    %dma_wait3A_159 = tpu.memref_slice %arg6[%dma_wait3A_156, %dma_wait3A_157, %dma_wait3A_158] : memref<8x2x80xi32, #tpu.memory_space<vmem>> -> memref<1x2x80xi32, #tpu.memory_space<vmem>>
    %dma_wait3A_160 = tpu.memref_squeeze %dma_wait3A_159 : memref<1x2x80xi32, #tpu.memory_space<vmem>> -> memref<2x80xi32, #tpu.memory_space<vmem>>
    %dma_wait3A_161 = arith.constant 0 : i32
    %dma_wait3A_162 = arith.constant 0 : i32
    %dma_wait3A_163 = tpu.memref_slice %arg3[%add3A, %dma_wait3A_155, %dma_wait3A_161, %dma_wait3A_162] : memref<32x125x2x80xi32, #tpu.memory_space<hbm>> -> memref<1x1x2x80xi32, #tpu.memory_space<hbm>>
    %dma_wait3A_164 = tpu.memref_squeeze %dma_wait3A_163 : memref<1x1x2x80xi32, #tpu.memory_space<hbm>> -> memref<2x80xi32, #tpu.memory_space<hbm>>
    %dma_wait3A_165 = arith.constant 0 : i32
    %dma_wait3A_166 = arith.constant 0 : i32
    %dma_wait3A_167 = tpu.memref_slice %arg6[%dma_wait3A_156, %dma_wait3A_165, %dma_wait3A_166] : memref<8x2x80xi32, #tpu.memory_space<vmem>> -> memref<1x2x80xi32, #tpu.memory_space<vmem>>
    %dma_wait3A_168 = tpu.memref_squeeze %dma_wait3A_167 : memref<1x2x80xi32, #tpu.memory_space<vmem>> -> memref<2x80xi32, #tpu.memory_space<vmem>>
    %dma_wait3A_169 = arith.constant 0 : i32
    %dma_wait3A_170 = arith.constant 0 : i32
    %dma_wait3A_171 = tpu.memref_slice %arg3[%add3A, %dma_wait3A_155, %dma_wait3A_169, %dma_wait3A_170] : memref<32x125x2x80xi32, #tpu.memory_space<hbm>> -> memref<1x1x2x80xi32, #tpu.memory_space<hbm>>
    %dma_wait3A_172 = tpu.memref_squeeze %dma_wait3A_171 : memref<1x1x2x80xi32, #tpu.memory_space<hbm>> -> memref<2x80xi32, #tpu.memory_space<hbm>>
    tpu.wait_dma2 semaphore(%arg19 : memref<!tpu.dma_semaphore, #tpu.memory_space<semaphore_mem>>) src(%dma_wait3A_172 : memref<2x80xi32, #tpu.memory_space<hbm>>) dst(%dma_wait3A_168 : memref<2x80xi32, #tpu.memory_space<vmem>>)
    %dma_start3A_173 = arith.constant 2 : i32
    %dma_start3A_174 = arith.constant 0 : i32
    %dma_start3A_175 = arith.constant 2 : i32
    %dma_start3A_176 = arith.constant 0 : i32
    %dma_start3A_177 = arith.constant 0 : i32
    %dma_start3A_178 = tpu.memref_slice %arg7[%dma_start3A_175, %dma_start3A_176, %dma_start3A_177] : memref<4x80x128xf32, #tpu.memory_space<vmem>> -> memref<1x80x128xf32, #tpu.memory_space<vmem>>
    %dma_start3A_179 = tpu.memref_squeeze %dma_start3A_178 : memref<1x80x128xf32, #tpu.memory_space<vmem>> -> memref<80x128xf32, #tpu.memory_space<vmem>>
    %dma_start3A_180 = arith.constant 0 : i32
    %dma_start3A_181 = tpu.memref_slice %arg6[%dma_start3A_173, %dma_start3A_174, %dma_start3A_180] : memref<8x2x80xi32, #tpu.memory_space<vmem>> -> memref<1x1x80xi32, #tpu.memory_space<vmem>>
    %dma_start3A_182 = tpu.memref_squeeze %dma_start3A_181 : memref<1x1x80xi32, #tpu.memory_space<vmem>> -> memref<80xi32, #tpu.memory_space<vmem>>
    %dma_start3A_183 = arith.constant 0 : i32
    %dma_start3A_184 = arith.constant 0 : i32
    %dma_start3A_185 = tpu.memref_slice %arg2[%dma_start3A_183, %dma_start3A_184] : memref<10000x128xf32, #tpu.memory_space<hbm>> -> memref<10000x128xf32, #tpu.memory_space<hbm>>
    tpu.enqueue_indirect_dma source(%dma_start3A_185 : memref<10000x128xf32, #tpu.memory_space<hbm>>) target(%dma_start3A_179 : memref<80x128xf32, #tpu.memory_space<vmem>>) offsets(%dma_start3A_182 : memref<80xi32, #tpu.memory_space<vmem>>) semaphore(%arg11 : memref<!tpu.dma_semaphore, #tpu.memory_space<semaphore_mem>>)
    %barrier3A = arith.constant 0 : index
    tpu.barrier barrier_id(%barrier3A)
    %scan3A = arith.constant 0 : i32
    %scan3A_186 = arith.constant 15 : i32
    %scan3A_187 = arith.addi %scan3A, %scan3A_186 : i32
    %scan3A_188 = arith.constant 1 : i32
    scf.for %scan3A_465 = %scan3A to %scan3A_187 step %scan3A_188  : i32 {
      %mul3A_466 = arith.constant 8 : i32
      %mul3A_467 = arith.muli %scan3A_465, %mul3A_466 : i32
      %add3A_468 = arith.constant 0 : i32
      %add3A_469 = arith.addi %add3A_468, %mul3A_467 : i32
      %add3A_470 = arith.constant 0 : i32
      %add3A_471 = arith.addi %add3A_469, %add3A_470 : i32
      %dma_wait3A_472 = arith.constant 0 : i32
      %dma_wait3A_473 = arith.constant 0 : i32
      %dma_wait3A_474 = arith.constant 0 : i32
      %dma_wait3A_475 = arith.constant 0 : i32
      %dma_wait3A_476 = arith.constant 0 : i32
      %dma_wait3A_477 = tpu.memref_slice %arg7[%dma_wait3A_474, %dma_wait3A_475, %dma_wait3A_476] : memref<4x80x128xf32, #tpu.memory_space<vmem>> -> memref<1x80x128xf32, #tpu.memory_space<vmem>>
      %dma_wait3A_478 = tpu.memref_squeeze %dma_wait3A_477 : memref<1x80x128xf32, #tpu.memory_space<vmem>> -> memref<80x128xf32, #tpu.memory_space<vmem>>
      %dma_wait3A_479 = arith.constant 0 : i32
      %dma_wait3A_480 = tpu.memref_slice %arg6[%dma_wait3A_472, %dma_wait3A_473, %dma_wait3A_479] : memref<8x2x80xi32, #tpu.memory_space<vmem>> -> memref<1x1x80xi32, #tpu.memory_space<vmem>>
      %dma_wait3A_481 = tpu.memref_squeeze %dma_wait3A_480 : memref<1x1x80xi32, #tpu.memory_space<vmem>> -> memref<80xi32, #tpu.memory_space<vmem>>
      %dma_wait3A_482 = arith.constant 0 : i32
      %dma_wait3A_483 = arith.constant 0 : i32
      %dma_wait3A_484 = tpu.memref_slice %arg2[%dma_wait3A_482, %dma_wait3A_483] : memref<10000x128xf32, #tpu.memory_space<hbm>> -> memref<10000x128xf32, #tpu.memory_space<hbm>>
      tpu.wait_indirect_dma semaphore(%arg9 : memref<!tpu.dma_semaphore, #tpu.memory_space<semaphore_mem>>) src(%dma_wait3A_484 : memref<10000x128xf32, #tpu.memory_space<hbm>>) dst(%dma_wait3A_478 : memref<80x128xf32, #tpu.memory_space<vmem>>)
      %dma_start3A_485 = arith.constant 0 : i32
      %dma_start3A_486 = arith.constant 0 : i32
      %dma_start3A_487 = arith.constant 1 : i32
      %dma_start3A_488 = arith.constant 0 : i32
      %dma_start3A_489 = arith.constant 0 : i32
      %dma_start3A_490 = tpu.memref_slice %arg7[%dma_start3A_485, %dma_start3A_488, %dma_start3A_489] : memref<4x80x128xf32, #tpu.memory_space<vmem>> -> memref<1x80x128xf32, #tpu.memory_space<vmem>>
      %dma_start3A_491 = tpu.memref_squeeze %dma_start3A_490 : memref<1x80x128xf32, #tpu.memory_space<vmem>> -> memref<80x128xf32, #tpu.memory_space<vmem>>
      %dma_start3A_492 = arith.constant 0 : i32
      %dma_start3A_493 = tpu.memref_slice %arg6[%dma_start3A_486, %dma_start3A_487, %dma_start3A_492] : memref<8x2x80xi32, #tpu.memory_space<vmem>> -> memref<1x1x80xi32, #tpu.memory_space<vmem>>
      %dma_start3A_494 = tpu.memref_squeeze %dma_start3A_493 : memref<1x1x80xi32, #tpu.memory_space<vmem>> -> memref<80xi32, #tpu.memory_space<vmem>>
      %dma_start3A_495 = arith.constant 0 : i32
      %dma_start3A_496 = arith.constant 0 : i32
      %dma_start3A_497 = tpu.memref_slice %arg8[%dma_start3A_495, %dma_start3A_496] : memref<10112x128xf32, #tpu.memory_space<vmem_shared>> -> memref<10112x128xf32, #tpu.memory_space<vmem_shared>>
      tpu.enqueue_indirect_dma source(%dma_start3A_491 : memref<80x128xf32, #tpu.memory_space<vmem>>) target(%dma_start3A_497 : memref<10112x128xf32, #tpu.memory_space<vmem_shared>>) offsets(%dma_start3A_494 : memref<80xi32, #tpu.memory_space<vmem>>) semaphore(%arg13 : memref<!tpu.dma_semaphore, #tpu.memory_space<semaphore_mem>>) {add = true}
      %ge3A = arith.constant 1 : i32
      %ge3A_498 = arith.cmpi sge, %add3A_471, %ge3A : i32
      %convert_element_type3A = arith.extui %ge3A_498 : i1 to i32
      %cond3A = arith.constant 0 : i32
      %cond3A_499 = arith.cmpi ne, %convert_element_type3A, %cond3A : i32
      scf.if %cond3A_499 {
        %dma_wait3A_1139 = arith.constant 3 : i32
        %dma_wait3A_1140 = arith.constant 0 : i32
        %dma_wait3A_1141 = arith.constant 1 : i32
        %dma_wait3A_1142 = arith.constant 0 : i32
        %dma_wait3A_1143 = arith.constant 0 : i32
        %dma_wait3A_1144 = tpu.memref_slice %arg7[%dma_wait3A_1139, %dma_wait3A_1142, %dma_wait3A_1143] : memref<4x80x128xf32, #tpu.memory_space<vmem>> -> memref<1x80x128xf32, #tpu.memory_space<vmem>>
        %dma_wait3A_1145 = tpu.memref_squeeze %dma_wait3A_1144 : memref<1x80x128xf32, #tpu.memory_space<vmem>> -> memref<80x128xf32, #tpu.memory_space<vmem>>
        %dma_wait3A_1146 = arith.constant 0 : i32
        %dma_wait3A_1147 = tpu.memref_slice %arg6[%dma_wait3A_1140, %dma_wait3A_1141, %dma_wait3A_1146] : memref<8x2x80xi32, #tpu.memory_space<vmem>> -> memref<1x1x80xi32, #tpu.memory_space<vmem>>
        %dma_wait3A_1148 = tpu.memref_squeeze %dma_wait3A_1147 : memref<1x1x80xi32, #tpu.memory_space<vmem>> -> memref<80xi32, #tpu.memory_space<vmem>>
        %dma_wait3A_1149 = arith.constant 0 : i32
        %dma_wait3A_1150 = arith.constant 0 : i32
        %dma_wait3A_1151 = tpu.memref_slice %arg8[%dma_wait3A_1149, %dma_wait3A_1150] : memref<10112x128xf32, #tpu.memory_space<vmem_shared>> -> memref<10112x128xf32, #tpu.memory_space<vmem_shared>>
        tpu.wait_indirect_dma semaphore(%arg16 : memref<!tpu.dma_semaphore, #tpu.memory_space<semaphore_mem>>) src(%dma_wait3A_1145 : memref<80x128xf32, #tpu.memory_space<vmem>>) dst(%dma_wait3A_1151 : memref<10112x128xf32, #tpu.memory_space<vmem_shared>>)
      } else {
      }
      %add3A_500 = arith.constant 3 : i32
      %add3A_501 = arith.addi %add3A_471, %add3A_500 : i32
      %dma_wait3A_502 = arith.constant 3 : i32
      %dma_wait3A_503 = arith.constant 0 : i32
      %dma_wait3A_504 = arith.constant 0 : i32
      %dma_wait3A_505 = tpu.memref_slice %arg6[%dma_wait3A_502, %dma_wait3A_503, %dma_wait3A_504] : memref<8x2x80xi32, #tpu.memory_space<vmem>> -> memref<1x2x80xi32, #tpu.memory_space<vmem>>
      %dma_wait3A_506 = tpu.memref_squeeze %dma_wait3A_505 : memref<1x2x80xi32, #tpu.memory_space<vmem>> -> memref<2x80xi32, #tpu.memory_space<vmem>>
      %dma_wait3A_507 = arith.constant 0 : i32
      %dma_wait3A_508 = arith.constant 0 : i32
      %dma_wait3A_509 = tpu.memref_slice %arg3[%add3A, %add3A_501, %dma_wait3A_507, %dma_wait3A_508] : memref<32x125x2x80xi32, #tpu.memory_space<hbm>> -> memref<1x1x2x80xi32, #tpu.memory_space<hbm>>
      %dma_wait3A_510 = tpu.memref_squeeze %dma_wait3A_509 : memref<1x1x2x80xi32, #tpu.memory_space<hbm>> -> memref<2x80xi32, #tpu.memory_space<hbm>>
      %dma_wait3A_511 = arith.constant 0 : i32
      %dma_wait3A_512 = arith.constant 0 : i32
      %dma_wait3A_513 = tpu.memref_slice %arg6[%dma_wait3A_502, %dma_wait3A_511, %dma_wait3A_512] : memref<8x2x80xi32, #tpu.memory_space<vmem>> -> memref<1x2x80xi32, #tpu.memory_space<vmem>>
      %dma_wait3A_514 = tpu.memref_squeeze %dma_wait3A_513 : memref<1x2x80xi32, #tpu.memory_space<vmem>> -> memref<2x80xi32, #tpu.memory_space<vmem>>
      %dma_wait3A_515 = arith.constant 0 : i32
      %dma_wait3A_516 = arith.constant 0 : i32
      %dma_wait3A_517 = tpu.memref_slice %arg3[%add3A, %add3A_501, %dma_wait3A_515, %dma_wait3A_516] : memref<32x125x2x80xi32, #tpu.memory_space<hbm>> -> memref<1x1x2x80xi32, #tpu.memory_space<hbm>>
      %dma_wait3A_518 = tpu.memref_squeeze %dma_wait3A_517 : memref<1x1x2x80xi32, #tpu.memory_space<hbm>> -> memref<2x80xi32, #tpu.memory_space<hbm>>
      tpu.wait_dma2 semaphore(%arg20 : memref<!tpu.dma_semaphore, #tpu.memory_space<semaphore_mem>>) src(%dma_wait3A_518 : memref<2x80xi32, #tpu.memory_space<hbm>>) dst(%dma_wait3A_514 : memref<2x80xi32, #tpu.memory_space<vmem>>)
      %dma_start3A_519 = arith.constant 3 : i32
      %dma_start3A_520 = arith.constant 0 : i32
      %dma_start3A_521 = arith.constant 3 : i32
      %dma_start3A_522 = arith.constant 0 : i32
      %dma_start3A_523 = arith.constant 0 : i32
      %dma_start3A_524 = tpu.memref_slice %arg7[%dma_start3A_521, %dma_start3A_522, %dma_start3A_523] : memref<4x80x128xf32, #tpu.memory_space<vmem>> -> memref<1x80x128xf32, #tpu.memory_space<vmem>>
      %dma_start3A_525 = tpu.memref_squeeze %dma_start3A_524 : memref<1x80x128xf32, #tpu.memory_space<vmem>> -> memref<80x128xf32, #tpu.memory_space<vmem>>
      %dma_start3A_526 = arith.constant 0 : i32
      %dma_start3A_527 = tpu.memref_slice %arg6[%dma_start3A_519, %dma_start3A_520, %dma_start3A_526] : memref<8x2x80xi32, #tpu.memory_space<vmem>> -> memref<1x1x80xi32, #tpu.memory_space<vmem>>
      %dma_start3A_528 = tpu.memref_squeeze %dma_start3A_527 : memref<1x1x80xi32, #tpu.memory_space<vmem>> -> memref<80xi32, #tpu.memory_space<vmem>>
      %dma_start3A_529 = arith.constant 0 : i32
      %dma_start3A_530 = arith.constant 0 : i32
      %dma_start3A_531 = tpu.memref_slice %arg2[%dma_start3A_529, %dma_start3A_530] : memref<10000x128xf32, #tpu.memory_space<hbm>> -> memref<10000x128xf32, #tpu.memory_space<hbm>>
      tpu.enqueue_indirect_dma source(%dma_start3A_531 : memref<10000x128xf32, #tpu.memory_space<hbm>>) target(%dma_start3A_525 : memref<80x128xf32, #tpu.memory_space<vmem>>) offsets(%dma_start3A_528 : memref<80xi32, #tpu.memory_space<vmem>>) semaphore(%arg12 : memref<!tpu.dma_semaphore, #tpu.memory_space<semaphore_mem>>)
      %add3A_532 = arith.constant 5 : i32
      %add3A_533 = arith.addi %add3A_471, %add3A_532 : i32
      %dma_start3A_534 = arith.constant 5 : i32
      %dma_start3A_535 = arith.constant 0 : i32
      %dma_start3A_536 = arith.constant 0 : i32
      %dma_start3A_537 = tpu.memref_slice %arg6[%dma_start3A_534, %dma_start3A_535, %dma_start3A_536] : memref<8x2x80xi32, #tpu.memory_space<vmem>> -> memref<1x2x80xi32, #tpu.memory_space<vmem>>
      %dma_start3A_538 = tpu.memref_squeeze %dma_start3A_537 : memref<1x2x80xi32, #tpu.memory_space<vmem>> -> memref<2x80xi32, #tpu.memory_space<vmem>>
      %dma_start3A_539 = arith.constant 0 : i32
      %dma_start3A_540 = arith.constant 0 : i32
      %dma_start3A_541 = tpu.memref_slice %arg3[%add3A, %add3A_533, %dma_start3A_539, %dma_start3A_540] : memref<32x125x2x80xi32, #tpu.memory_space<hbm>> -> memref<1x1x2x80xi32, #tpu.memory_space<hbm>>
      %dma_start3A_542 = tpu.memref_squeeze %dma_start3A_541 : memref<1x1x2x80xi32, #tpu.memory_space<hbm>> -> memref<2x80xi32, #tpu.memory_space<hbm>>
      %dma_start3A_543 = arith.constant 0 : i32
      %dma_start3A_544 = arith.constant 0 : i32
      %dma_start3A_545 = tpu.memref_slice %arg6[%dma_start3A_534, %dma_start3A_543, %dma_start3A_544] : memref<8x2x80xi32, #tpu.memory_space<vmem>> -> memref<1x2x80xi32, #tpu.memory_space<vmem>>
      %dma_start3A_546 = tpu.memref_squeeze %dma_start3A_545 : memref<1x2x80xi32, #tpu.memory_space<vmem>> -> memref<2x80xi32, #tpu.memory_space<vmem>>
      %dma_start3A_547 = arith.constant 0 : i32
      %dma_start3A_548 = arith.constant 0 : i32
      %dma_start3A_549 = tpu.memref_slice %arg3[%add3A, %add3A_533, %dma_start3A_547, %dma_start3A_548] : memref<32x125x2x80xi32, #tpu.memory_space<hbm>> -> memref<1x1x2x80xi32, #tpu.memory_space<hbm>>
      %dma_start3A_550 = tpu.memref_squeeze %dma_start3A_549 : memref<1x1x2x80xi32, #tpu.memory_space<hbm>> -> memref<2x80xi32, #tpu.memory_space<hbm>>
      tpu.enqueue_dma source(%dma_start3A_550 : memref<2x80xi32, #tpu.memory_space<hbm>>) target(%dma_start3A_546 : memref<2x80xi32, #tpu.memory_space<vmem>>) target_semaphore(%arg22 : memref<!tpu.dma_semaphore, #tpu.memory_space<semaphore_mem>>)
      %add3A_551 = arith.constant 1 : i32
      %add3A_552 = arith.addi %add3A_469, %add3A_551 : i32
      %dma_wait3A_553 = arith.constant 1 : i32
      %dma_wait3A_554 = arith.constant 0 : i32
      %dma_wait3A_555 = arith.constant 1 : i32
      %dma_wait3A_556 = arith.constant 0 : i32
      %dma_wait3A_557 = arith.constant 0 : i32
      %dma_wait3A_558 = tpu.memref_slice %arg7[%dma_wait3A_555, %dma_wait3A_556, %dma_wait3A_557] : memref<4x80x128xf32, #tpu.memory_space<vmem>> -> memref<1x80x128xf32, #tpu.memory_space<vmem>>
      %dma_wait3A_559 = tpu.memref_squeeze %dma_wait3A_558 : memref<1x80x128xf32, #tpu.memory_space<vmem>> -> memref<80x128xf32, #tpu.memory_space<vmem>>
      %dma_wait3A_560 = arith.constant 0 : i32
      %dma_wait3A_561 = tpu.memref_slice %arg6[%dma_wait3A_553, %dma_wait3A_554, %dma_wait3A_560] : memref<8x2x80xi32, #tpu.memory_space<vmem>> -> memref<1x1x80xi32, #tpu.memory_space<vmem>>
      %dma_wait3A_562 = tpu.memref_squeeze %dma_wait3A_561 : memref<1x1x80xi32, #tpu.memory_space<vmem>> -> memref<80xi32, #tpu.memory_space<vmem>>
      %dma_wait3A_563 = arith.constant 0 : i32
      %dma_wait3A_564 = arith.constant 0 : i32
      %dma_wait3A_565 = tpu.memref_slice %arg2[%dma_wait3A_563, %dma_wait3A_564] : memref<10000x128xf32, #tpu.memory_space<hbm>> -> memref<10000x128xf32, #tpu.memory_space<hbm>>
      tpu.wait_indirect_dma semaphore(%arg10 : memref<!tpu.dma_semaphore, #tpu.memory_space<semaphore_mem>>) src(%dma_wait3A_565 : memref<10000x128xf32, #tpu.memory_space<hbm>>) dst(%dma_wait3A_559 : memref<80x128xf32, #tpu.memory_space<vmem>>)
      %dma_start3A_566 = arith.constant 1 : i32
      %dma_start3A_567 = arith.constant 1 : i32
      %dma_start3A_568 = arith.constant 1 : i32
      %dma_start3A_569 = arith.constant 0 : i32
      %dma_start3A_570 = arith.constant 0 : i32
      %dma_start3A_571 = tpu.memref_slice %arg7[%dma_start3A_566, %dma_start3A_569, %dma_start3A_570] : memref<4x80x128xf32, #tpu.memory_space<vmem>> -> memref<1x80x128xf32, #tpu.memory_space<vmem>>
      %dma_start3A_572 = tpu.memref_squeeze %dma_start3A_571 : memref<1x80x128xf32, #tpu.memory_space<vmem>> -> memref<80x128xf32, #tpu.memory_space<vmem>>
      %dma_start3A_573 = arith.constant 0 : i32
      %dma_start3A_574 = tpu.memref_slice %arg6[%dma_start3A_567, %dma_start3A_568, %dma_start3A_573] : memref<8x2x80xi32, #tpu.memory_space<vmem>> -> memref<1x1x80xi32, #tpu.memory_space<vmem>>
      %dma_start3A_575 = tpu.memref_squeeze %dma_start3A_574 : memref<1x1x80xi32, #tpu.memory_space<vmem>> -> memref<80xi32, #tpu.memory_space<vmem>>
      %dma_start3A_576 = arith.constant 0 : i32
      %dma_start3A_577 = arith.constant 0 : i32
      %dma_start3A_578 = tpu.memref_slice %arg8[%dma_start3A_576, %dma_start3A_577] : memref<10112x128xf32, #tpu.memory_space<vmem_shared>> -> memref<10112x128xf32, #tpu.memory_space<vmem_shared>>
      tpu.enqueue_indirect_dma source(%dma_start3A_572 : memref<80x128xf32, #tpu.memory_space<vmem>>) target(%dma_start3A_578 : memref<10112x128xf32, #tpu.memory_space<vmem_shared>>) offsets(%dma_start3A_575 : memref<80xi32, #tpu.memory_space<vmem>>) semaphore(%arg14 : memref<!tpu.dma_semaphore, #tpu.memory_space<semaphore_mem>>) {add = true}
      %ge3A_579 = arith.constant 1 : i32
      %ge3A_580 = arith.cmpi sge, %add3A_552, %ge3A_579 : i32
      %convert_element_type3A_581 = arith.extui %ge3A_580 : i1 to i32
      %cond3A_582 = arith.constant 0 : i32
      %cond3A_583 = arith.cmpi ne, %convert_element_type3A_581, %cond3A_582 : i32
      scf.if %cond3A_583 {
        %dma_wait3A_1139 = arith.constant 0 : i32
        %dma_wait3A_1140 = arith.constant 1 : i32
        %dma_wait3A_1141 = arith.constant 1 : i32
        %dma_wait3A_1142 = arith.constant 0 : i32
        %dma_wait3A_1143 = arith.constant 0 : i32
        %dma_wait3A_1144 = tpu.memref_slice %arg7[%dma_wait3A_1139, %dma_wait3A_1142, %dma_wait3A_1143] : memref<4x80x128xf32, #tpu.memory_space<vmem>> -> memref<1x80x128xf32, #tpu.memory_space<vmem>>
        %dma_wait3A_1145 = tpu.memref_squeeze %dma_wait3A_1144 : memref<1x80x128xf32, #tpu.memory_space<vmem>> -> memref<80x128xf32, #tpu.memory_space<vmem>>
        %dma_wait3A_1146 = arith.constant 0 : i32
        %dma_wait3A_1147 = tpu.memref_slice %arg6[%dma_wait3A_1140, %dma_wait3A_1141, %dma_wait3A_1146] : memref<8x2x80xi32, #tpu.memory_space<vmem>> -> memref<1x1x80xi32, #tpu.memory_space<vmem>>
        %dma_wait3A_1148 = tpu.memref_squeeze %dma_wait3A_1147 : memref<1x1x80xi32, #tpu.memory_space<vmem>> -> memref<80xi32, #tpu.memory_space<vmem>>
        %dma_wait3A_1149 = arith.constant 0 : i32
        %dma_wait3A_1150 = arith.constant 0 : i32
        %dma_wait3A_1151 = tpu.memref_slice %arg8[%dma_wait3A_1149, %dma_wait3A_1150] : memref<10112x128xf32, #tpu.memory_space<vmem_shared>> -> memref<10112x128xf32, #tpu.memory_space<vmem_shared>>
        tpu.wait_indirect_dma semaphore(%arg13 : memref<!tpu.dma_semaphore, #tpu.memory_space<semaphore_mem>>) src(%dma_wait3A_1145 : memref<80x128xf32, #tpu.memory_space<vmem>>) dst(%dma_wait3A_1151 : memref<10112x128xf32, #tpu.memory_space<vmem_shared>>)
      } else {
      }
      %add3A_584 = arith.constant 3 : i32
      %add3A_585 = arith.addi %add3A_552, %add3A_584 : i32
      %dma_wait3A_586 = arith.constant 4 : i32
      %dma_wait3A_587 = arith.constant 0 : i32
      %dma_wait3A_588 = arith.constant 0 : i32
      %dma_wait3A_589 = tpu.memref_slice %arg6[%dma_wait3A_586, %dma_wait3A_587, %dma_wait3A_588] : memref<8x2x80xi32, #tpu.memory_space<vmem>> -> memref<1x2x80xi32, #tpu.memory_space<vmem>>
      %dma_wait3A_590 = tpu.memref_squeeze %dma_wait3A_589 : memref<1x2x80xi32, #tpu.memory_space<vmem>> -> memref<2x80xi32, #tpu.memory_space<vmem>>
      %dma_wait3A_591 = arith.constant 0 : i32
      %dma_wait3A_592 = arith.constant 0 : i32
      %dma_wait3A_593 = tpu.memref_slice %arg3[%add3A, %add3A_585, %dma_wait3A_591, %dma_wait3A_592] : memref<32x125x2x80xi32, #tpu.memory_space<hbm>> -> memref<1x1x2x80xi32, #tpu.memory_space<hbm>>
      %dma_wait3A_594 = tpu.memref_squeeze %dma_wait3A_593 : memref<1x1x2x80xi32, #tpu.memory_space<hbm>> -> memref<2x80xi32, #tpu.memory_space<hbm>>
      %dma_wait3A_595 = arith.constant 0 : i32
      %dma_wait3A_596 = arith.constant 0 : i32
      %dma_wait3A_597 = tpu.memref_slice %arg6[%dma_wait3A_586, %dma_wait3A_595, %dma_wait3A_596] : memref<8x2x80xi32, #tpu.memory_space<vmem>> -> memref<1x2x80xi32, #tpu.memory_space<vmem>>
      %dma_wait3A_598 = tpu.memref_squeeze %dma_wait3A_597 : memref<1x2x80xi32, #tpu.memory_space<vmem>> -> memref<2x80xi32, #tpu.memory_space<vmem>>
      %dma_wait3A_599 = arith.constant 0 : i32
      %dma_wait3A_600 = arith.constant 0 : i32
      %dma_wait3A_601 = tpu.memref_slice %arg3[%add3A, %add3A_585, %dma_wait3A_599, %dma_wait3A_600] : memref<32x125x2x80xi32, #tpu.memory_space<hbm>> -> memref<1x1x2x80xi32, #tpu.memory_space<hbm>>
      %dma_wait3A_602 = tpu.memref_squeeze %dma_wait3A_601 : memref<1x1x2x80xi32, #tpu.memory_space<hbm>> -> memref<2x80xi32, #tpu.memory_space<hbm>>
      tpu.wait_dma2 semaphore(%arg21 : memref<!tpu.dma_semaphore, #tpu.memory_space<semaphore_mem>>) src(%dma_wait3A_602 : memref<2x80xi32, #tpu.memory_space<hbm>>) dst(%dma_wait3A_598 : memref<2x80xi32, #tpu.memory_space<vmem>>)
      %dma_start3A_603 = arith.constant 4 : i32
      %dma_start3A_604 = arith.constant 0 : i32
      %dma_start3A_605 = arith.constant 0 : i32
      %dma_start3A_606 = arith.constant 0 : i32
      %dma_start3A_607 = arith.constant 0 : i32
      %dma_start3A_608 = tpu.memref_slice %arg7[%dma_start3A_605, %dma_start3A_606, %dma_start3A_607] : memref<4x80x128xf32, #tpu.memory_space<vmem>> -> memref<1x80x128xf32, #tpu.memory_space<vmem>>
      %dma_start3A_609 = tpu.memref_squeeze %dma_start3A_608 : memref<1x80x128xf32, #tpu.memory_space<vmem>> -> memref<80x128xf32, #tpu.memory_space<vmem>>
      %dma_start3A_610 = arith.constant 0 : i32
      %dma_start3A_611 = tpu.memref_slice %arg6[%dma_start3A_603, %dma_start3A_604, %dma_start3A_610] : memref<8x2x80xi32, #tpu.memory_space<vmem>> -> memref<1x1x80xi32, #tpu.memory_space<vmem>>
      %dma_start3A_612 = tpu.memref_squeeze %dma_start3A_611 : memref<1x1x80xi32, #tpu.memory_space<vmem>> -> memref<80xi32, #tpu.memory_space<vmem>>
      %dma_start3A_613 = arith.constant 0 : i32
      %dma_start3A_614 = arith.constant 0 : i32
      %dma_start3A_615 = tpu.memref_slice %arg2[%dma_start3A_613, %dma_start3A_614] : memref<10000x128xf32, #tpu.memory_space<hbm>> -> memref<10000x128xf32, #tpu.memory_space<hbm>>
      tpu.enqueue_indirect_dma source(%dma_start3A_615 : memref<10000x128xf32, #tpu.memory_space<hbm>>) target(%dma_start3A_609 : memref<80x128xf32, #tpu.memory_space<vmem>>) offsets(%dma_start3A_612 : memref<80xi32, #tpu.memory_space<vmem>>) semaphore(%arg9 : memref<!tpu.dma_semaphore, #tpu.memory_space<semaphore_mem>>)
      %add3A_616 = arith.constant 5 : i32
      %add3A_617 = arith.addi %add3A_552, %add3A_616 : i32
      %dma_start3A_618 = arith.constant 6 : i32
      %dma_start3A_619 = arith.constant 0 : i32
      %dma_start3A_620 = arith.constant 0 : i32
      %dma_start3A_621 = tpu.memref_slice %arg6[%dma_start3A_618, %dma_start3A_619, %dma_start3A_620] : memref<8x2x80xi32, #tpu.memory_space<vmem>> -> memref<1x2x80xi32, #tpu.memory_space<vmem>>
      %dma_start3A_622 = tpu.memref_squeeze %dma_start3A_621 : memref<1x2x80xi32, #tpu.memory_space<vmem>> -> memref<2x80xi32, #tpu.memory_space<vmem>>
      %dma_start3A_623 = arith.constant 0 : i32
      %dma_start3A_624 = arith.constant 0 : i32
      %dma_start3A_625 = tpu.memref_slice %arg3[%add3A, %add3A_617, %dma_start3A_623, %dma_start3A_624] : memref<32x125x2x80xi32, #tpu.memory_space<hbm>> -> memref<1x1x2x80xi32, #tpu.memory_space<hbm>>
      %dma_start3A_626 = tpu.memref_squeeze %dma_start3A_625 : memref<1x1x2x80xi32, #tpu.memory_space<hbm>> -> memref<2x80xi32, #tpu.memory_space<hbm>>
      %dma_start3A_627 = arith.constant 0 : i32
      %dma_start3A_628 = arith.constant 0 : i32
      %dma_start3A_629 = tpu.memref_slice %arg6[%dma_start3A_618, %dma_start3A_627, %dma_start3A_628] : memref<8x2x80xi32, #tpu.memory_space<vmem>> -> memref<1x2x80xi32, #tpu.memory_space<vmem>>
      %dma_start3A_630 = tpu.memref_squeeze %dma_start3A_629 : memref<1x2x80xi32, #tpu.memory_space<vmem>> -> memref<2x80xi32, #tpu.memory_space<vmem>>
      %dma_start3A_631 = arith.constant 0 : i32
      %dma_start3A_632 = arith.constant 0 : i32
      %dma_start3A_633 = tpu.memref_slice %arg3[%add3A, %add3A_617, %dma_start3A_631, %dma_start3A_632] : memref<32x125x2x80xi32, #tpu.memory_space<hbm>> -> memref<1x1x2x80xi32, #tpu.memory_space<hbm>>
      %dma_start3A_634 = tpu.memref_squeeze %dma_start3A_633 : memref<1x1x2x80xi32, #tpu.memory_space<hbm>> -> memref<2x80xi32, #tpu.memory_space<hbm>>
      tpu.enqueue_dma source(%dma_start3A_634 : memref<2x80xi32, #tpu.memory_space<hbm>>) target(%dma_start3A_630 : memref<2x80xi32, #tpu.memory_space<vmem>>) target_semaphore(%arg23 : memref<!tpu.dma_semaphore, #tpu.memory_space<semaphore_mem>>)
      %add3A_635 = arith.constant 2 : i32
      %add3A_636 = arith.addi %add3A_469, %add3A_635 : i32
      %dma_wait3A_637 = arith.constant 2 : i32
      %dma_wait3A_638 = arith.constant 0 : i32
      %dma_wait3A_639 = arith.constant 2 : i32
      %dma_wait3A_640 = arith.constant 0 : i32
      %dma_wait3A_641 = arith.constant 0 : i32
      %dma_wait3A_642 = tpu.memref_slice %arg7[%dma_wait3A_639, %dma_wait3A_640, %dma_wait3A_641] : memref<4x80x128xf32, #tpu.memory_space<vmem>> -> memref<1x80x128xf32, #tpu.memory_space<vmem>>
      %dma_wait3A_643 = tpu.memref_squeeze %dma_wait3A_642 : memref<1x80x128xf32, #tpu.memory_space<vmem>> -> memref<80x128xf32, #tpu.memory_space<vmem>>
      %dma_wait3A_644 = arith.constant 0 : i32
      %dma_wait3A_645 = tpu.memref_slice %arg6[%dma_wait3A_637, %dma_wait3A_638, %dma_wait3A_644] : memref<8x2x80xi32, #tpu.memory_space<vmem>> -> memref<1x1x80xi32, #tpu.memory_space<vmem>>
      %dma_wait3A_646 = tpu.memref_squeeze %dma_wait3A_645 : memref<1x1x80xi32, #tpu.memory_space<vmem>> -> memref<80xi32, #tpu.memory_space<vmem>>
      %dma_wait3A_647 = arith.constant 0 : i32
      %dma_wait3A_648 = arith.constant 0 : i32
      %dma_wait3A_649 = tpu.memref_slice %arg2[%dma_wait3A_647, %dma_wait3A_648] : memref<10000x128xf32, #tpu.memory_space<hbm>> -> memref<10000x128xf32, #tpu.memory_space<hbm>>
      tpu.wait_indirect_dma semaphore(%arg11 : memref<!tpu.dma_semaphore, #tpu.memory_space<semaphore_mem>>) src(%dma_wait3A_649 : memref<10000x128xf32, #tpu.memory_space<hbm>>) dst(%dma_wait3A_643 : memref<80x128xf32, #tpu.memory_space<vmem>>)
      %dma_start3A_650 = arith.constant 2 : i32
      %dma_start3A_651 = arith.constant 2 : i32
      %dma_start3A_652 = arith.constant 1 : i32
      %dma_start3A_653 = arith.constant 0 : i32
      %dma_start3A_654 = arith.constant 0 : i32
      %dma_start3A_655 = tpu.memref_slice %arg7[%dma_start3A_650, %dma_start3A_653, %dma_start3A_654] : memref<4x80x128xf32, #tpu.memory_space<vmem>> -> memref<1x80x128xf32, #tpu.memory_space<vmem>>
      %dma_start3A_656 = tpu.memref_squeeze %dma_start3A_655 : memref<1x80x128xf32, #tpu.memory_space<vmem>> -> memref<80x128xf32, #tpu.memory_space<vmem>>
      %dma_start3A_657 = arith.constant 0 : i32
      %dma_start3A_658 = tpu.memref_slice %arg6[%dma_start3A_651, %dma_start3A_652, %dma_start3A_657] : memref<8x2x80xi32, #tpu.memory_space<vmem>> -> memref<1x1x80xi32, #tpu.memory_space<vmem>>
      %dma_start3A_659 = tpu.memref_squeeze %dma_start3A_658 : memref<1x1x80xi32, #tpu.memory_space<vmem>> -> memref<80xi32, #tpu.memory_space<vmem>>
      %dma_start3A_660 = arith.constant 0 : i32
      %dma_start3A_661 = arith.constant 0 : i32
      %dma_start3A_662 = tpu.memref_slice %arg8[%dma_start3A_660, %dma_start3A_661] : memref<10112x128xf32, #tpu.memory_space<vmem_shared>> -> memref<10112x128xf32, #tpu.memory_space<vmem_shared>>
      tpu.enqueue_indirect_dma source(%dma_start3A_656 : memref<80x128xf32, #tpu.memory_space<vmem>>) target(%dma_start3A_662 : memref<10112x128xf32, #tpu.memory_space<vmem_shared>>) offsets(%dma_start3A_659 : memref<80xi32, #tpu.memory_space<vmem>>) semaphore(%arg15 : memref<!tpu.dma_semaphore, #tpu.memory_space<semaphore_mem>>) {add = true}
      %ge3A_663 = arith.constant 1 : i32
      %ge3A_664 = arith.cmpi sge, %add3A_636, %ge3A_663 : i32
      %convert_element_type3A_665 = arith.extui %ge3A_664 : i1 to i32
      %cond3A_666 = arith.constant 0 : i32
      %cond3A_667 = arith.cmpi ne, %convert_element_type3A_665, %cond3A_666 : i32
      scf.if %cond3A_667 {
        %dma_wait3A_1139 = arith.constant 1 : i32
        %dma_wait3A_1140 = arith.constant 2 : i32
        %dma_wait3A_1141 = arith.constant 1 : i32
        %dma_wait3A_1142 = arith.constant 0 : i32
        %dma_wait3A_1143 = arith.constant 0 : i32
        %dma_wait3A_1144 = tpu.memref_slice %arg7[%dma_wait3A_1139, %dma_wait3A_1142, %dma_wait3A_1143] : memref<4x80x128xf32, #tpu.memory_space<vmem>> -> memref<1x80x128xf32, #tpu.memory_space<vmem>>
        %dma_wait3A_1145 = tpu.memref_squeeze %dma_wait3A_1144 : memref<1x80x128xf32, #tpu.memory_space<vmem>> -> memref<80x128xf32, #tpu.memory_space<vmem>>
        %dma_wait3A_1146 = arith.constant 0 : i32
        %dma_wait3A_1147 = tpu.memref_slice %arg6[%dma_wait3A_1140, %dma_wait3A_1141, %dma_wait3A_1146] : memref<8x2x80xi32, #tpu.memory_space<vmem>> -> memref<1x1x80xi32, #tpu.memory_space<vmem>>
        %dma_wait3A_1148 = tpu.memref_squeeze %dma_wait3A_1147 : memref<1x1x80xi32, #tpu.memory_space<vmem>> -> memref<80xi32, #tpu.memory_space<vmem>>
        %dma_wait3A_1149 = arith.constant 0 : i32
        %dma_wait3A_1150 = arith.constant 0 : i32
        %dma_wait3A_1151 = tpu.memref_slice %arg8[%dma_wait3A_1149, %dma_wait3A_1150] : memref<10112x128xf32, #tpu.memory_space<vmem_shared>> -> memref<10112x128xf32, #tpu.memory_space<vmem_shared>>
        tpu.wait_indirect_dma semaphore(%arg14 : memref<!tpu.dma_semaphore, #tpu.memory_space<semaphore_mem>>) src(%dma_wait3A_1145 : memref<80x128xf32, #tpu.memory_space<vmem>>) dst(%dma_wait3A_1151 : memref<10112x128xf32, #tpu.memory_space<vmem_shared>>)
      } else {
      }
      %add3A_668 = arith.constant 3 : i32
      %add3A_669 = arith.addi %add3A_636, %add3A_668 : i32
      %dma_wait3A_670 = arith.constant 5 : i32
      %dma_wait3A_671 = arith.constant 0 : i32
      %dma_wait3A_672 = arith.constant 0 : i32
      %dma_wait3A_673 = tpu.memref_slice %arg6[%dma_wait3A_670, %dma_wait3A_671, %dma_wait3A_672] : memref<8x2x80xi32, #tpu.memory_space<vmem>> -> memref<1x2x80xi32, #tpu.memory_space<vmem>>
      %dma_wait3A_674 = tpu.memref_squeeze %dma_wait3A_673 : memref<1x2x80xi32, #tpu.memory_space<vmem>> -> memref<2x80xi32, #tpu.memory_space<vmem>>
      %dma_wait3A_675 = arith.constant 0 : i32
      %dma_wait3A_676 = arith.constant 0 : i32
      %dma_wait3A_677 = tpu.memref_slice %arg3[%add3A, %add3A_669, %dma_wait3A_675, %dma_wait3A_676] : memref<32x125x2x80xi32, #tpu.memory_space<hbm>> -> memref<1x1x2x80xi32, #tpu.memory_space<hbm>>
      %dma_wait3A_678 = tpu.memref_squeeze %dma_wait3A_677 : memref<1x1x2x80xi32, #tpu.memory_space<hbm>> -> memref<2x80xi32, #tpu.memory_space<hbm>>
      %dma_wait3A_679 = arith.constant 0 : i32
      %dma_wait3A_680 = arith.constant 0 : i32
      %dma_wait3A_681 = tpu.memref_slice %arg6[%dma_wait3A_670, %dma_wait3A_679, %dma_wait3A_680] : memref<8x2x80xi32, #tpu.memory_space<vmem>> -> memref<1x2x80xi32, #tpu.memory_space<vmem>>
      %dma_wait3A_682 = tpu.memref_squeeze %dma_wait3A_681 : memref<1x2x80xi32, #tpu.memory_space<vmem>> -> memref<2x80xi32, #tpu.memory_space<vmem>>
      %dma_wait3A_683 = arith.constant 0 : i32
      %dma_wait3A_684 = arith.constant 0 : i32
      %dma_wait3A_685 = tpu.memref_slice %arg3[%add3A, %add3A_669, %dma_wait3A_683, %dma_wait3A_684] : memref<32x125x2x80xi32, #tpu.memory_space<hbm>> -> memref<1x1x2x80xi32, #tpu.memory_space<hbm>>
      %dma_wait3A_686 = tpu.memref_squeeze %dma_wait3A_685 : memref<1x1x2x80xi32, #tpu.memory_space<hbm>> -> memref<2x80xi32, #tpu.memory_space<hbm>>
      tpu.wait_dma2 semaphore(%arg22 : memref<!tpu.dma_semaphore, #tpu.memory_space<semaphore_mem>>) src(%dma_wait3A_686 : memref<2x80xi32, #tpu.memory_space<hbm>>) dst(%dma_wait3A_682 : memref<2x80xi32, #tpu.memory_space<vmem>>)
      %dma_start3A_687 = arith.constant 5 : i32
      %dma_start3A_688 = arith.constant 0 : i32
      %dma_start3A_689 = arith.constant 1 : i32
      %dma_start3A_690 = arith.constant 0 : i32
      %dma_start3A_691 = arith.constant 0 : i32
      %dma_start3A_692 = tpu.memref_slice %arg7[%dma_start3A_689, %dma_start3A_690, %dma_start3A_691] : memref<4x80x128xf32, #tpu.memory_space<vmem>> -> memref<1x80x128xf32, #tpu.memory_space<vmem>>
      %dma_start3A_693 = tpu.memref_squeeze %dma_start3A_692 : memref<1x80x128xf32, #tpu.memory_space<vmem>> -> memref<80x128xf32, #tpu.memory_space<vmem>>
      %dma_start3A_694 = arith.constant 0 : i32
      %dma_start3A_695 = tpu.memref_slice %arg6[%dma_start3A_687, %dma_start3A_688, %dma_start3A_694] : memref<8x2x80xi32, #tpu.memory_space<vmem>> -> memref<1x1x80xi32, #tpu.memory_space<vmem>>
      %dma_start3A_696 = tpu.memref_squeeze %dma_start3A_695 : memref<1x1x80xi32, #tpu.memory_space<vmem>> -> memref<80xi32, #tpu.memory_space<vmem>>
      %dma_start3A_697 = arith.constant 0 : i32
      %dma_start3A_698 = arith.constant 0 : i32
      %dma_start3A_699 = tpu.memref_slice %arg2[%dma_start3A_697, %dma_start3A_698] : memref<10000x128xf32, #tpu.memory_space<hbm>> -> memref<10000x128xf32, #tpu.memory_space<hbm>>
      tpu.enqueue_indirect_dma source(%dma_start3A_699 : memref<10000x128xf32, #tpu.memory_space<hbm>>) target(%dma_start3A_693 : memref<80x128xf32, #tpu.memory_space<vmem>>) offsets(%dma_start3A_696 : memref<80xi32, #tpu.memory_space<vmem>>) semaphore(%arg10 : memref<!tpu.dma_semaphore, #tpu.memory_space<semaphore_mem>>)
      %add3A_700 = arith.constant 5 : i32
      %add3A_701 = arith.addi %add3A_636, %add3A_700 : i32
      %dma_start3A_702 = arith.constant 7 : i32
      %dma_start3A_703 = arith.constant 0 : i32
      %dma_start3A_704 = arith.constant 0 : i32
      %dma_start3A_705 = tpu.memref_slice %arg6[%dma_start3A_702, %dma_start3A_703, %dma_start3A_704] : memref<8x2x80xi32, #tpu.memory_space<vmem>> -> memref<1x2x80xi32, #tpu.memory_space<vmem>>
      %dma_start3A_706 = tpu.memref_squeeze %dma_start3A_705 : memref<1x2x80xi32, #tpu.memory_space<vmem>> -> memref<2x80xi32, #tpu.memory_space<vmem>>
      %dma_start3A_707 = arith.constant 0 : i32
      %dma_start3A_708 = arith.constant 0 : i32
      %dma_start3A_709 = tpu.memref_slice %arg3[%add3A, %add3A_701, %dma_start3A_707, %dma_start3A_708] : memref<32x125x2x80xi32, #tpu.memory_space<hbm>> -> memref<1x1x2x80xi32, #tpu.memory_space<hbm>>
      %dma_start3A_710 = tpu.memref_squeeze %dma_start3A_709 : memref<1x1x2x80xi32, #tpu.memory_space<hbm>> -> memref<2x80xi32, #tpu.memory_space<hbm>>
      %dma_start3A_711 = arith.constant 0 : i32
      %dma_start3A_712 = arith.constant 0 : i32
      %dma_start3A_713 = tpu.memref_slice %arg6[%dma_start3A_702, %dma_start3A_711, %dma_start3A_712] : memref<8x2x80xi32, #tpu.memory_space<vmem>> -> memref<1x2x80xi32, #tpu.memory_space<vmem>>
      %dma_start3A_714 = tpu.memref_squeeze %dma_start3A_713 : memref<1x2x80xi32, #tpu.memory_space<vmem>> -> memref<2x80xi32, #tpu.memory_space<vmem>>
      %dma_start3A_715 = arith.constant 0 : i32
      %dma_start3A_716 = arith.constant 0 : i32
      %dma_start3A_717 = tpu.memref_slice %arg3[%add3A, %add3A_701, %dma_start3A_715, %dma_start3A_716] : memref<32x125x2x80xi32, #tpu.memory_space<hbm>> -> memref<1x1x2x80xi32, #tpu.memory_space<hbm>>
      %dma_start3A_718 = tpu.memref_squeeze %dma_start3A_717 : memref<1x1x2x80xi32, #tpu.memory_space<hbm>> -> memref<2x80xi32, #tpu.memory_space<hbm>>
      tpu.enqueue_dma source(%dma_start3A_718 : memref<2x80xi32, #tpu.memory_space<hbm>>) target(%dma_start3A_714 : memref<2x80xi32, #tpu.memory_space<vmem>>) target_semaphore(%arg24 : memref<!tpu.dma_semaphore, #tpu.memory_space<semaphore_mem>>)
      %add3A_719 = arith.constant 3 : i32
      %add3A_720 = arith.addi %add3A_469, %add3A_719 : i32
      %dma_wait3A_721 = arith.constant 3 : i32
      %dma_wait3A_722 = arith.constant 0 : i32
      %dma_wait3A_723 = arith.constant 3 : i32
      %dma_wait3A_724 = arith.constant 0 : i32
      %dma_wait3A_725 = arith.constant 0 : i32
      %dma_wait3A_726 = tpu.memref_slice %arg7[%dma_wait3A_723, %dma_wait3A_724, %dma_wait3A_725] : memref<4x80x128xf32, #tpu.memory_space<vmem>> -> memref<1x80x128xf32, #tpu.memory_space<vmem>>
      %dma_wait3A_727 = tpu.memref_squeeze %dma_wait3A_726 : memref<1x80x128xf32, #tpu.memory_space<vmem>> -> memref<80x128xf32, #tpu.memory_space<vmem>>
      %dma_wait3A_728 = arith.constant 0 : i32
      %dma_wait3A_729 = tpu.memref_slice %arg6[%dma_wait3A_721, %dma_wait3A_722, %dma_wait3A_728] : memref<8x2x80xi32, #tpu.memory_space<vmem>> -> memref<1x1x80xi32, #tpu.memory_space<vmem>>
      %dma_wait3A_730 = tpu.memref_squeeze %dma_wait3A_729 : memref<1x1x80xi32, #tpu.memory_space<vmem>> -> memref<80xi32, #tpu.memory_space<vmem>>
      %dma_wait3A_731 = arith.constant 0 : i32
      %dma_wait3A_732 = arith.constant 0 : i32
      %dma_wait3A_733 = tpu.memref_slice %arg2[%dma_wait3A_731, %dma_wait3A_732] : memref<10000x128xf32, #tpu.memory_space<hbm>> -> memref<10000x128xf32, #tpu.memory_space<hbm>>
      tpu.wait_indirect_dma semaphore(%arg12 : memref<!tpu.dma_semaphore, #tpu.memory_space<semaphore_mem>>) src(%dma_wait3A_733 : memref<10000x128xf32, #tpu.memory_space<hbm>>) dst(%dma_wait3A_727 : memref<80x128xf32, #tpu.memory_space<vmem>>)
      %dma_start3A_734 = arith.constant 3 : i32
      %dma_start3A_735 = arith.constant 3 : i32
      %dma_start3A_736 = arith.constant 1 : i32
      %dma_start3A_737 = arith.constant 0 : i32
      %dma_start3A_738 = arith.constant 0 : i32
      %dma_start3A_739 = tpu.memref_slice %arg7[%dma_start3A_734, %dma_start3A_737, %dma_start3A_738] : memref<4x80x128xf32, #tpu.memory_space<vmem>> -> memref<1x80x128xf32, #tpu.memory_space<vmem>>
      %dma_start3A_740 = tpu.memref_squeeze %dma_start3A_739 : memref<1x80x128xf32, #tpu.memory_space<vmem>> -> memref<80x128xf32, #tpu.memory_space<vmem>>
      %dma_start3A_741 = arith.constant 0 : i32
      %dma_start3A_742 = tpu.memref_slice %arg6[%dma_start3A_735, %dma_start3A_736, %dma_start3A_741] : memref<8x2x80xi32, #tpu.memory_space<vmem>> -> memref<1x1x80xi32, #tpu.memory_space<vmem>>
      %dma_start3A_743 = tpu.memref_squeeze %dma_start3A_742 : memref<1x1x80xi32, #tpu.memory_space<vmem>> -> memref<80xi32, #tpu.memory_space<vmem>>
      %dma_start3A_744 = arith.constant 0 : i32
      %dma_start3A_745 = arith.constant 0 : i32
      %dma_start3A_746 = tpu.memref_slice %arg8[%dma_start3A_744, %dma_start3A_745] : memref<10112x128xf32, #tpu.memory_space<vmem_shared>> -> memref<10112x128xf32, #tpu.memory_space<vmem_shared>>
      tpu.enqueue_indirect_dma source(%dma_start3A_740 : memref<80x128xf32, #tpu.memory_space<vmem>>) target(%dma_start3A_746 : memref<10112x128xf32, #tpu.memory_space<vmem_shared>>) offsets(%dma_start3A_743 : memref<80xi32, #tpu.memory_space<vmem>>) semaphore(%arg16 : memref<!tpu.dma_semaphore, #tpu.memory_space<semaphore_mem>>) {add = true}
      %ge3A_747 = arith.constant 1 : i32
      %ge3A_748 = arith.cmpi sge, %add3A_720, %ge3A_747 : i32
      %convert_element_type3A_749 = arith.extui %ge3A_748 : i1 to i32
      %cond3A_750 = arith.constant 0 : i32
      %cond3A_751 = arith.cmpi ne, %convert_element_type3A_749, %cond3A_750 : i32
      scf.if %cond3A_751 {
        %dma_wait3A_1139 = arith.constant 2 : i32
        %dma_wait3A_1140 = arith.constant 3 : i32
        %dma_wait3A_1141 = arith.constant 1 : i32
        %dma_wait3A_1142 = arith.constant 0 : i32
        %dma_wait3A_1143 = arith.constant 0 : i32
        %dma_wait3A_1144 = tpu.memref_slice %arg7[%dma_wait3A_1139, %dma_wait3A_1142, %dma_wait3A_1143] : memref<4x80x128xf32, #tpu.memory_space<vmem>> -> memref<1x80x128xf32, #tpu.memory_space<vmem>>
        %dma_wait3A_1145 = tpu.memref_squeeze %dma_wait3A_1144 : memref<1x80x128xf32, #tpu.memory_space<vmem>> -> memref<80x128xf32, #tpu.memory_space<vmem>>
        %dma_wait3A_1146 = arith.constant 0 : i32
        %dma_wait3A_1147 = tpu.memref_slice %arg6[%dma_wait3A_1140, %dma_wait3A_1141, %dma_wait3A_1146] : memref<8x2x80xi32, #tpu.memory_space<vmem>> -> memref<1x1x80xi32, #tpu.memory_space<vmem>>
        %dma_wait3A_1148 = tpu.memref_squeeze %dma_wait3A_1147 : memref<1x1x80xi32, #tpu.memory_space<vmem>> -> memref<80xi32, #tpu.memory_space<vmem>>
        %dma_wait3A_1149 = arith.constant 0 : i32
        %dma_wait3A_1150 = arith.constant 0 : i32
        %dma_wait3A_1151 = tpu.memref_slice %arg8[%dma_wait3A_1149, %dma_wait3A_1150] : memref<10112x128xf32, #tpu.memory_space<vmem_shared>> -> memref<10112x128xf32, #tpu.memory_space<vmem_shared>>
        tpu.wait_indirect_dma semaphore(%arg15 : memref<!tpu.dma_semaphore, #tpu.memory_space<semaphore_mem>>) src(%dma_wait3A_1145 : memref<80x128xf32, #tpu.memory_space<vmem>>) dst(%dma_wait3A_1151 : memref<10112x128xf32, #tpu.memory_space<vmem_shared>>)
      } else {
      }
      %add3A_752 = arith.constant 3 : i32
      %add3A_753 = arith.addi %add3A_720, %add3A_752 : i32
      %dma_wait3A_754 = arith.constant 6 : i32
      %dma_wait3A_755 = arith.constant 0 : i32
      %dma_wait3A_756 = arith.constant 0 : i32
      %dma_wait3A_757 = tpu.memref_slice %arg6[%dma_wait3A_754, %dma_wait3A_755, %dma_wait3A_756] : memref<8x2x80xi32, #tpu.memory_space<vmem>> -> memref<1x2x80xi32, #tpu.memory_space<vmem>>
      %dma_wait3A_758 = tpu.memref_squeeze %dma_wait3A_757 : memref<1x2x80xi32, #tpu.memory_space<vmem>> -> memref<2x80xi32, #tpu.memory_space<vmem>>
      %dma_wait3A_759 = arith.constant 0 : i32
      %dma_wait3A_760 = arith.constant 0 : i32
      %dma_wait3A_761 = tpu.memref_slice %arg3[%add3A, %add3A_753, %dma_wait3A_759, %dma_wait3A_760] : memref<32x125x2x80xi32, #tpu.memory_space<hbm>> -> memref<1x1x2x80xi32, #tpu.memory_space<hbm>>
      %dma_wait3A_762 = tpu.memref_squeeze %dma_wait3A_761 : memref<1x1x2x80xi32, #tpu.memory_space<hbm>> -> memref<2x80xi32, #tpu.memory_space<hbm>>
      %dma_wait3A_763 = arith.constant 0 : i32
      %dma_wait3A_764 = arith.constant 0 : i32
      %dma_wait3A_765 = tpu.memref_slice %arg6[%dma_wait3A_754, %dma_wait3A_763, %dma_wait3A_764] : memref<8x2x80xi32, #tpu.memory_space<vmem>> -> memref<1x2x80xi32, #tpu.memory_space<vmem>>
      %dma_wait3A_766 = tpu.memref_squeeze %dma_wait3A_765 : memref<1x2x80xi32, #tpu.memory_space<vmem>> -> memref<2x80xi32, #tpu.memory_space<vmem>>
      %dma_wait3A_767 = arith.constant 0 : i32
      %dma_wait3A_768 = arith.constant 0 : i32
      %dma_wait3A_769 = tpu.memref_slice %arg3[%add3A, %add3A_753, %dma_wait3A_767, %dma_wait3A_768] : memref<32x125x2x80xi32, #tpu.memory_space<hbm>> -> memref<1x1x2x80xi32, #tpu.memory_space<hbm>>
      %dma_wait3A_770 = tpu.memref_squeeze %dma_wait3A_769 : memref<1x1x2x80xi32, #tpu.memory_space<hbm>> -> memref<2x80xi32, #tpu.memory_space<hbm>>
      tpu.wait_dma2 semaphore(%arg23 : memref<!tpu.dma_semaphore, #tpu.memory_space<semaphore_mem>>) src(%dma_wait3A_770 : memref<2x80xi32, #tpu.memory_space<hbm>>) dst(%dma_wait3A_766 : memref<2x80xi32, #tpu.memory_space<vmem>>)
      %dma_start3A_771 = arith.constant 6 : i32
      %dma_start3A_772 = arith.constant 0 : i32
      %dma_start3A_773 = arith.constant 2 : i32
      %dma_start3A_774 = arith.constant 0 : i32
      %dma_start3A_775 = arith.constant 0 : i32
      %dma_start3A_776 = tpu.memref_slice %arg7[%dma_start3A_773, %dma_start3A_774, %dma_start3A_775] : memref<4x80x128xf32, #tpu.memory_space<vmem>> -> memref<1x80x128xf32, #tpu.memory_space<vmem>>
      %dma_start3A_777 = tpu.memref_squeeze %dma_start3A_776 : memref<1x80x128xf32, #tpu.memory_space<vmem>> -> memref<80x128xf32, #tpu.memory_space<vmem>>
      %dma_start3A_778 = arith.constant 0 : i32
      %dma_start3A_779 = tpu.memref_slice %arg6[%dma_start3A_771, %dma_start3A_772, %dma_start3A_778] : memref<8x2x80xi32, #tpu.memory_space<vmem>> -> memref<1x1x80xi32, #tpu.memory_space<vmem>>
      %dma_start3A_780 = tpu.memref_squeeze %dma_start3A_779 : memref<1x1x80xi32, #tpu.memory_space<vmem>> -> memref<80xi32, #tpu.memory_space<vmem>>
      %dma_start3A_781 = arith.constant 0 : i32
      %dma_start3A_782 = arith.constant 0 : i32
      %dma_start3A_783 = tpu.memref_slice %arg2[%dma_start3A_781, %dma_start3A_782] : memref<10000x128xf32, #tpu.memory_space<hbm>> -> memref<10000x128xf32, #tpu.memory_space<hbm>>
      tpu.enqueue_indirect_dma source(%dma_start3A_783 : memref<10000x128xf32, #tpu.memory_space<hbm>>) target(%dma_start3A_777 : memref<80x128xf32, #tpu.memory_space<vmem>>) offsets(%dma_start3A_780 : memref<80xi32, #tpu.memory_space<vmem>>) semaphore(%arg11 : memref<!tpu.dma_semaphore, #tpu.memory_space<semaphore_mem>>)
      %add3A_784 = arith.constant 5 : i32
      %add3A_785 = arith.addi %add3A_720, %add3A_784 : i32
      %dma_start3A_786 = arith.constant 0 : i32
      %dma_start3A_787 = arith.constant 0 : i32
      %dma_start3A_788 = arith.constant 0 : i32
      %dma_start3A_789 = tpu.memref_slice %arg6[%dma_start3A_786, %dma_start3A_787, %dma_start3A_788] : memref<8x2x80xi32, #tpu.memory_space<vmem>> -> memref<1x2x80xi32, #tpu.memory_space<vmem>>
      %dma_start3A_790 = tpu.memref_squeeze %dma_start3A_789 : memref<1x2x80xi32, #tpu.memory_space<vmem>> -> memref<2x80xi32, #tpu.memory_space<vmem>>
      %dma_start3A_791 = arith.constant 0 : i32
      %dma_start3A_792 = arith.constant 0 : i32
      %dma_start3A_793 = tpu.memref_slice %arg3[%add3A, %add3A_785, %dma_start3A_791, %dma_start3A_792] : memref<32x125x2x80xi32, #tpu.memory_space<hbm>> -> memref<1x1x2x80xi32, #tpu.memory_space<hbm>>
      %dma_start3A_794 = tpu.memref_squeeze %dma_start3A_793 : memref<1x1x2x80xi32, #tpu.memory_space<hbm>> -> memref<2x80xi32, #tpu.memory_space<hbm>>
      %dma_start3A_795 = arith.constant 0 : i32
      %dma_start3A_796 = arith.constant 0 : i32
      %dma_start3A_797 = tpu.memref_slice %arg6[%dma_start3A_786, %dma_start3A_795, %dma_start3A_796] : memref<8x2x80xi32, #tpu.memory_space<vmem>> -> memref<1x2x80xi32, #tpu.memory_space<vmem>>
      %dma_start3A_798 = tpu.memref_squeeze %dma_start3A_797 : memref<1x2x80xi32, #tpu.memory_space<vmem>> -> memref<2x80xi32, #tpu.memory_space<vmem>>
      %dma_start3A_799 = arith.constant 0 : i32
      %dma_start3A_800 = arith.constant 0 : i32
      %dma_start3A_801 = tpu.memref_slice %arg3[%add3A, %add3A_785, %dma_start3A_799, %dma_start3A_800] : memref<32x125x2x80xi32, #tpu.memory_space<hbm>> -> memref<1x1x2x80xi32, #tpu.memory_space<hbm>>
      %dma_start3A_802 = tpu.memref_squeeze %dma_start3A_801 : memref<1x1x2x80xi32, #tpu.memory_space<hbm>> -> memref<2x80xi32, #tpu.memory_space<hbm>>
      tpu.enqueue_dma source(%dma_start3A_802 : memref<2x80xi32, #tpu.memory_space<hbm>>) target(%dma_start3A_798 : memref<2x80xi32, #tpu.memory_space<vmem>>) target_semaphore(%arg17 : memref<!tpu.dma_semaphore, #tpu.memory_space<semaphore_mem>>)
      %add3A_803 = arith.constant 4 : i32
      %add3A_804 = arith.addi %add3A_469, %add3A_803 : i32
      %dma_wait3A_805 = arith.constant 4 : i32
      %dma_wait3A_806 = arith.constant 0 : i32
      %dma_wait3A_807 = arith.constant 0 : i32
      %dma_wait3A_808 = arith.constant 0 : i32
      %dma_wait3A_809 = arith.constant 0 : i32
      %dma_wait3A_810 = tpu.memref_slice %arg7[%dma_wait3A_807, %dma_wait3A_808, %dma_wait3A_809] : memref<4x80x128xf32, #tpu.memory_space<vmem>> -> memref<1x80x128xf32, #tpu.memory_space<vmem>>
      %dma_wait3A_811 = tpu.memref_squeeze %dma_wait3A_810 : memref<1x80x128xf32, #tpu.memory_space<vmem>> -> memref<80x128xf32, #tpu.memory_space<vmem>>
      %dma_wait3A_812 = arith.constant 0 : i32
      %dma_wait3A_813 = tpu.memref_slice %arg6[%dma_wait3A_805, %dma_wait3A_806, %dma_wait3A_812] : memref<8x2x80xi32, #tpu.memory_space<vmem>> -> memref<1x1x80xi32, #tpu.memory_space<vmem>>
      %dma_wait3A_814 = tpu.memref_squeeze %dma_wait3A_813 : memref<1x1x80xi32, #tpu.memory_space<vmem>> -> memref<80xi32, #tpu.memory_space<vmem>>
      %dma_wait3A_815 = arith.constant 0 : i32
      %dma_wait3A_816 = arith.constant 0 : i32
      %dma_wait3A_817 = tpu.memref_slice %arg2[%dma_wait3A_815, %dma_wait3A_816] : memref<10000x128xf32, #tpu.memory_space<hbm>> -> memref<10000x128xf32, #tpu.memory_space<hbm>>
      tpu.wait_indirect_dma semaphore(%arg9 : memref<!tpu.dma_semaphore, #tpu.memory_space<semaphore_mem>>) src(%dma_wait3A_817 : memref<10000x128xf32, #tpu.memory_space<hbm>>) dst(%dma_wait3A_811 : memref<80x128xf32, #tpu.memory_space<vmem>>)
      %dma_start3A_818 = arith.constant 0 : i32
      %dma_start3A_819 = arith.constant 4 : i32
      %dma_start3A_820 = arith.constant 1 : i32
      %dma_start3A_821 = arith.constant 0 : i32
      %dma_start3A_822 = arith.constant 0 : i32
      %dma_start3A_823 = tpu.memref_slice %arg7[%dma_start3A_818, %dma_start3A_821, %dma_start3A_822] : memref<4x80x128xf32, #tpu.memory_space<vmem>> -> memref<1x80x128xf32, #tpu.memory_space<vmem>>
      %dma_start3A_824 = tpu.memref_squeeze %dma_start3A_823 : memref<1x80x128xf32, #tpu.memory_space<vmem>> -> memref<80x128xf32, #tpu.memory_space<vmem>>
      %dma_start3A_825 = arith.constant 0 : i32
      %dma_start3A_826 = tpu.memref_slice %arg6[%dma_start3A_819, %dma_start3A_820, %dma_start3A_825] : memref<8x2x80xi32, #tpu.memory_space<vmem>> -> memref<1x1x80xi32, #tpu.memory_space<vmem>>
      %dma_start3A_827 = tpu.memref_squeeze %dma_start3A_826 : memref<1x1x80xi32, #tpu.memory_space<vmem>> -> memref<80xi32, #tpu.memory_space<vmem>>
      %dma_start3A_828 = arith.constant 0 : i32
      %dma_start3A_829 = arith.constant 0 : i32
      %dma_start3A_830 = tpu.memref_slice %arg8[%dma_start3A_828, %dma_start3A_829] : memref<10112x128xf32, #tpu.memory_space<vmem_shared>> -> memref<10112x128xf32, #tpu.memory_space<vmem_shared>>
      tpu.enqueue_indirect_dma source(%dma_start3A_824 : memref<80x128xf32, #tpu.memory_space<vmem>>) target(%dma_start3A_830 : memref<10112x128xf32, #tpu.memory_space<vmem_shared>>) offsets(%dma_start3A_827 : memref<80xi32, #tpu.memory_space<vmem>>) semaphore(%arg13 : memref<!tpu.dma_semaphore, #tpu.memory_space<semaphore_mem>>) {add = true}
      %ge3A_831 = arith.constant 1 : i32
      %ge3A_832 = arith.cmpi sge, %add3A_804, %ge3A_831 : i32
      %convert_element_type3A_833 = arith.extui %ge3A_832 : i1 to i32
      %cond3A_834 = arith.constant 0 : i32
      %cond3A_835 = arith.cmpi ne, %convert_element_type3A_833, %cond3A_834 : i32
      scf.if %cond3A_835 {
        %dma_wait3A_1139 = arith.constant 3 : i32
        %dma_wait3A_1140 = arith.constant 4 : i32
        %dma_wait3A_1141 = arith.constant 1 : i32
        %dma_wait3A_1142 = arith.constant 0 : i32
        %dma_wait3A_1143 = arith.constant 0 : i32
        %dma_wait3A_1144 = tpu.memref_slice %arg7[%dma_wait3A_1139, %dma_wait3A_1142, %dma_wait3A_1143] : memref<4x80x128xf32, #tpu.memory_space<vmem>> -> memref<1x80x128xf32, #tpu.memory_space<vmem>>
        %dma_wait3A_1145 = tpu.memref_squeeze %dma_wait3A_1144 : memref<1x80x128xf32, #tpu.memory_space<vmem>> -> memref<80x128xf32, #tpu.memory_space<vmem>>
        %dma_wait3A_1146 = arith.constant 0 : i32
        %dma_wait3A_1147 = tpu.memref_slice %arg6[%dma_wait3A_1140, %dma_wait3A_1141, %dma_wait3A_1146] : memref<8x2x80xi32, #tpu.memory_space<vmem>> -> memref<1x1x80xi32, #tpu.memory_space<vmem>>
        %dma_wait3A_1148 = tpu.memref_squeeze %dma_wait3A_1147 : memref<1x1x80xi32, #tpu.memory_space<vmem>> -> memref<80xi32, #tpu.memory_space<vmem>>
        %dma_wait3A_1149 = arith.constant 0 : i32
        %dma_wait3A_1150 = arith.constant 0 : i32
        %dma_wait3A_1151 = tpu.memref_slice %arg8[%dma_wait3A_1149, %dma_wait3A_1150] : memref<10112x128xf32, #tpu.memory_space<vmem_shared>> -> memref<10112x128xf32, #tpu.memory_space<vmem_shared>>
        tpu.wait_indirect_dma semaphore(%arg16 : memref<!tpu.dma_semaphore, #tpu.memory_space<semaphore_mem>>) src(%dma_wait3A_1145 : memref<80x128xf32, #tpu.memory_space<vmem>>) dst(%dma_wait3A_1151 : memref<10112x128xf32, #tpu.memory_space<vmem_shared>>)
      } else {
      }
      %add3A_836 = arith.constant 3 : i32
      %add3A_837 = arith.addi %add3A_804, %add3A_836 : i32
      %dma_wait3A_838 = arith.constant 7 : i32
      %dma_wait3A_839 = arith.constant 0 : i32
      %dma_wait3A_840 = arith.constant 0 : i32
      %dma_wait3A_841 = tpu.memref_slice %arg6[%dma_wait3A_838, %dma_wait3A_839, %dma_wait3A_840] : memref<8x2x80xi32, #tpu.memory_space<vmem>> -> memref<1x2x80xi32, #tpu.memory_space<vmem>>
      %dma_wait3A_842 = tpu.memref_squeeze %dma_wait3A_841 : memref<1x2x80xi32, #tpu.memory_space<vmem>> -> memref<2x80xi32, #tpu.memory_space<vmem>>
      %dma_wait3A_843 = arith.constant 0 : i32
      %dma_wait3A_844 = arith.constant 0 : i32
      %dma_wait3A_845 = tpu.memref_slice %arg3[%add3A, %add3A_837, %dma_wait3A_843, %dma_wait3A_844] : memref<32x125x2x80xi32, #tpu.memory_space<hbm>> -> memref<1x1x2x80xi32, #tpu.memory_space<hbm>>
      %dma_wait3A_846 = tpu.memref_squeeze %dma_wait3A_845 : memref<1x1x2x80xi32, #tpu.memory_space<hbm>> -> memref<2x80xi32, #tpu.memory_space<hbm>>
      %dma_wait3A_847 = arith.constant 0 : i32
      %dma_wait3A_848 = arith.constant 0 : i32
      %dma_wait3A_849 = tpu.memref_slice %arg6[%dma_wait3A_838, %dma_wait3A_847, %dma_wait3A_848] : memref<8x2x80xi32, #tpu.memory_space<vmem>> -> memref<1x2x80xi32, #tpu.memory_space<vmem>>
      %dma_wait3A_850 = tpu.memref_squeeze %dma_wait3A_849 : memref<1x2x80xi32, #tpu.memory_space<vmem>> -> memref<2x80xi32, #tpu.memory_space<vmem>>
      %dma_wait3A_851 = arith.constant 0 : i32
      %dma_wait3A_852 = arith.constant 0 : i32
      %dma_wait3A_853 = tpu.memref_slice %arg3[%add3A, %add3A_837, %dma_wait3A_851, %dma_wait3A_852] : memref<32x125x2x80xi32, #tpu.memory_space<hbm>> -> memref<1x1x2x80xi32, #tpu.memory_space<hbm>>
      %dma_wait3A_854 = tpu.memref_squeeze %dma_wait3A_853 : memref<1x1x2x80xi32, #tpu.memory_space<hbm>> -> memref<2x80xi32, #tpu.memory_space<hbm>>
      tpu.wait_dma2 semaphore(%arg24 : memref<!tpu.dma_semaphore, #tpu.memory_space<semaphore_mem>>) src(%dma_wait3A_854 : memref<2x80xi32, #tpu.memory_space<hbm>>) dst(%dma_wait3A_850 : memref<2x80xi32, #tpu.memory_space<vmem>>)
      %dma_start3A_855 = arith.constant 7 : i32
      %dma_start3A_856 = arith.constant 0 : i32
      %dma_start3A_857 = arith.constant 3 : i32
      %dma_start3A_858 = arith.constant 0 : i32
      %dma_start3A_859 = arith.constant 0 : i32
      %dma_start3A_860 = tpu.memref_slice %arg7[%dma_start3A_857, %dma_start3A_858, %dma_start3A_859] : memref<4x80x128xf32, #tpu.memory_space<vmem>> -> memref<1x80x128xf32, #tpu.memory_space<vmem>>
      %dma_start3A_861 = tpu.memref_squeeze %dma_start3A_860 : memref<1x80x128xf32, #tpu.memory_space<vmem>> -> memref<80x128xf32, #tpu.memory_space<vmem>>
      %dma_start3A_862 = arith.constant 0 : i32
      %dma_start3A_863 = tpu.memref_slice %arg6[%dma_start3A_855, %dma_start3A_856, %dma_start3A_862] : memref<8x2x80xi32, #tpu.memory_space<vmem>> -> memref<1x1x80xi32, #tpu.memory_space<vmem>>
      %dma_start3A_864 = tpu.memref_squeeze %dma_start3A_863 : memref<1x1x80xi32, #tpu.memory_space<vmem>> -> memref<80xi32, #tpu.memory_space<vmem>>
      %dma_start3A_865 = arith.constant 0 : i32
      %dma_start3A_866 = arith.constant 0 : i32
      %dma_start3A_867 = tpu.memref_slice %arg2[%dma_start3A_865, %dma_start3A_866] : memref<10000x128xf32, #tpu.memory_space<hbm>> -> memref<10000x128xf32, #tpu.memory_space<hbm>>
      tpu.enqueue_indirect_dma source(%dma_start3A_867 : memref<10000x128xf32, #tpu.memory_space<hbm>>) target(%dma_start3A_861 : memref<80x128xf32, #tpu.memory_space<vmem>>) offsets(%dma_start3A_864 : memref<80xi32, #tpu.memory_space<vmem>>) semaphore(%arg12 : memref<!tpu.dma_semaphore, #tpu.memory_space<semaphore_mem>>)
      %add3A_868 = arith.constant 5 : i32
      %add3A_869 = arith.addi %add3A_804, %add3A_868 : i32
      %dma_start3A_870 = arith.constant 1 : i32
      %dma_start3A_871 = arith.constant 0 : i32
      %dma_start3A_872 = arith.constant 0 : i32
      %dma_start3A_873 = tpu.memref_slice %arg6[%dma_start3A_870, %dma_start3A_871, %dma_start3A_872] : memref<8x2x80xi32, #tpu.memory_space<vmem>> -> memref<1x2x80xi32, #tpu.memory_space<vmem>>
      %dma_start3A_874 = tpu.memref_squeeze %dma_start3A_873 : memref<1x2x80xi32, #tpu.memory_space<vmem>> -> memref<2x80xi32, #tpu.memory_space<vmem>>
      %dma_start3A_875 = arith.constant 0 : i32
      %dma_start3A_876 = arith.constant 0 : i32
      %dma_start3A_877 = tpu.memref_slice %arg3[%add3A, %add3A_869, %dma_start3A_875, %dma_start3A_876] : memref<32x125x2x80xi32, #tpu.memory_space<hbm>> -> memref<1x1x2x80xi32, #tpu.memory_space<hbm>>
      %dma_start3A_878 = tpu.memref_squeeze %dma_start3A_877 : memref<1x1x2x80xi32, #tpu.memory_space<hbm>> -> memref<2x80xi32, #tpu.memory_space<hbm>>
      %dma_start3A_879 = arith.constant 0 : i32
      %dma_start3A_880 = arith.constant 0 : i32
      %dma_start3A_881 = tpu.memref_slice %arg6[%dma_start3A_870, %dma_start3A_879, %dma_start3A_880] : memref<8x2x80xi32, #tpu.memory_space<vmem>> -> memref<1x2x80xi32, #tpu.memory_space<vmem>>
      %dma_start3A_882 = tpu.memref_squeeze %dma_start3A_881 : memref<1x2x80xi32, #tpu.memory_space<vmem>> -> memref<2x80xi32, #tpu.memory_space<vmem>>
      %dma_start3A_883 = arith.constant 0 : i32
      %dma_start3A_884 = arith.constant 0 : i32
      %dma_start3A_885 = tpu.memref_slice %arg3[%add3A, %add3A_869, %dma_start3A_883, %dma_start3A_884] : memref<32x125x2x80xi32, #tpu.memory_space<hbm>> -> memref<1x1x2x80xi32, #tpu.memory_space<hbm>>
      %dma_start3A_886 = tpu.memref_squeeze %dma_start3A_885 : memref<1x1x2x80xi32, #tpu.memory_space<hbm>> -> memref<2x80xi32, #tpu.memory_space<hbm>>
      tpu.enqueue_dma source(%dma_start3A_886 : memref<2x80xi32, #tpu.memory_space<hbm>>) target(%dma_start3A_882 : memref<2x80xi32, #tpu.memory_space<vmem>>) target_semaphore(%arg18 : memref<!tpu.dma_semaphore, #tpu.memory_space<semaphore_mem>>)
      %add3A_887 = arith.constant 5 : i32
      %add3A_888 = arith.addi %add3A_469, %add3A_887 : i32
      %dma_wait3A_889 = arith.constant 5 : i32
      %dma_wait3A_890 = arith.constant 0 : i32
      %dma_wait3A_891 = arith.constant 1 : i32
      %dma_wait3A_892 = arith.constant 0 : i32
      %dma_wait3A_893 = arith.constant 0 : i32
      %dma_wait3A_894 = tpu.memref_slice %arg7[%dma_wait3A_891, %dma_wait3A_892, %dma_wait3A_893] : memref<4x80x128xf32, #tpu.memory_space<vmem>> -> memref<1x80x128xf32, #tpu.memory_space<vmem>>
      %dma_wait3A_895 = tpu.memref_squeeze %dma_wait3A_894 : memref<1x80x128xf32, #tpu.memory_space<vmem>> -> memref<80x128xf32, #tpu.memory_space<vmem>>
      %dma_wait3A_896 = arith.constant 0 : i32
      %dma_wait3A_897 = tpu.memref_slice %arg6[%dma_wait3A_889, %dma_wait3A_890, %dma_wait3A_896] : memref<8x2x80xi32, #tpu.memory_space<vmem>> -> memref<1x1x80xi32, #tpu.memory_space<vmem>>
      %dma_wait3A_898 = tpu.memref_squeeze %dma_wait3A_897 : memref<1x1x80xi32, #tpu.memory_space<vmem>> -> memref<80xi32, #tpu.memory_space<vmem>>
      %dma_wait3A_899 = arith.constant 0 : i32
      %dma_wait3A_900 = arith.constant 0 : i32
      %dma_wait3A_901 = tpu.memref_slice %arg2[%dma_wait3A_899, %dma_wait3A_900] : memref<10000x128xf32, #tpu.memory_space<hbm>> -> memref<10000x128xf32, #tpu.memory_space<hbm>>
      tpu.wait_indirect_dma semaphore(%arg10 : memref<!tpu.dma_semaphore, #tpu.memory_space<semaphore_mem>>) src(%dma_wait3A_901 : memref<10000x128xf32, #tpu.memory_space<hbm>>) dst(%dma_wait3A_895 : memref<80x128xf32, #tpu.memory_space<vmem>>)
      %dma_start3A_902 = arith.constant 1 : i32
      %dma_start3A_903 = arith.constant 5 : i32
      %dma_start3A_904 = arith.constant 1 : i32
      %dma_start3A_905 = arith.constant 0 : i32
      %dma_start3A_906 = arith.constant 0 : i32
      %dma_start3A_907 = tpu.memref_slice %arg7[%dma_start3A_902, %dma_start3A_905, %dma_start3A_906] : memref<4x80x128xf32, #tpu.memory_space<vmem>> -> memref<1x80x128xf32, #tpu.memory_space<vmem>>
      %dma_start3A_908 = tpu.memref_squeeze %dma_start3A_907 : memref<1x80x128xf32, #tpu.memory_space<vmem>> -> memref<80x128xf32, #tpu.memory_space<vmem>>
      %dma_start3A_909 = arith.constant 0 : i32
      %dma_start3A_910 = tpu.memref_slice %arg6[%dma_start3A_903, %dma_start3A_904, %dma_start3A_909] : memref<8x2x80xi32, #tpu.memory_space<vmem>> -> memref<1x1x80xi32, #tpu.memory_space<vmem>>
      %dma_start3A_911 = tpu.memref_squeeze %dma_start3A_910 : memref<1x1x80xi32, #tpu.memory_space<vmem>> -> memref<80xi32, #tpu.memory_space<vmem>>
      %dma_start3A_912 = arith.constant 0 : i32
      %dma_start3A_913 = arith.constant 0 : i32
      %dma_start3A_914 = tpu.memref_slice %arg8[%dma_start3A_912, %dma_start3A_913] : memref<10112x128xf32, #tpu.memory_space<vmem_shared>> -> memref<10112x128xf32, #tpu.memory_space<vmem_shared>>
      tpu.enqueue_indirect_dma source(%dma_start3A_908 : memref<80x128xf32, #tpu.memory_space<vmem>>) target(%dma_start3A_914 : memref<10112x128xf32, #tpu.memory_space<vmem_shared>>) offsets(%dma_start3A_911 : memref<80xi32, #tpu.memory_space<vmem>>) semaphore(%arg14 : memref<!tpu.dma_semaphore, #tpu.memory_space<semaphore_mem>>) {add = true}
      %ge3A_915 = arith.constant 1 : i32
      %ge3A_916 = arith.cmpi sge, %add3A_888, %ge3A_915 : i32
      %convert_element_type3A_917 = arith.extui %ge3A_916 : i1 to i32
      %cond3A_918 = arith.constant 0 : i32
      %cond3A_919 = arith.cmpi ne, %convert_element_type3A_917, %cond3A_918 : i32
      scf.if %cond3A_919 {
        %dma_wait3A_1139 = arith.constant 0 : i32
        %dma_wait3A_1140 = arith.constant 5 : i32
        %dma_wait3A_1141 = arith.constant 1 : i32
        %dma_wait3A_1142 = arith.constant 0 : i32
        %dma_wait3A_1143 = arith.constant 0 : i32
        %dma_wait3A_1144 = tpu.memref_slice %arg7[%dma_wait3A_1139, %dma_wait3A_1142, %dma_wait3A_1143] : memref<4x80x128xf32, #tpu.memory_space<vmem>> -> memref<1x80x128xf32, #tpu.memory_space<vmem>>
        %dma_wait3A_1145 = tpu.memref_squeeze %dma_wait3A_1144 : memref<1x80x128xf32, #tpu.memory_space<vmem>> -> memref<80x128xf32, #tpu.memory_space<vmem>>
        %dma_wait3A_1146 = arith.constant 0 : i32
        %dma_wait3A_1147 = tpu.memref_slice %arg6[%dma_wait3A_1140, %dma_wait3A_1141, %dma_wait3A_1146] : memref<8x2x80xi32, #tpu.memory_space<vmem>> -> memref<1x1x80xi32, #tpu.memory_space<vmem>>
        %dma_wait3A_1148 = tpu.memref_squeeze %dma_wait3A_1147 : memref<1x1x80xi32, #tpu.memory_space<vmem>> -> memref<80xi32, #tpu.memory_space<vmem>>
        %dma_wait3A_1149 = arith.constant 0 : i32
        %dma_wait3A_1150 = arith.constant 0 : i32
        %dma_wait3A_1151 = tpu.memref_slice %arg8[%dma_wait3A_1149, %dma_wait3A_1150] : memref<10112x128xf32, #tpu.memory_space<vmem_shared>> -> memref<10112x128xf32, #tpu.memory_space<vmem_shared>>
        tpu.wait_indirect_dma semaphore(%arg13 : memref<!tpu.dma_semaphore, #tpu.memory_space<semaphore_mem>>) src(%dma_wait3A_1145 : memref<80x128xf32, #tpu.memory_space<vmem>>) dst(%dma_wait3A_1151 : memref<10112x128xf32, #tpu.memory_space<vmem_shared>>)
      } else {
      }
      %add3A_920 = arith.constant 3 : i32
      %add3A_921 = arith.addi %add3A_888, %add3A_920 : i32
      %dma_wait3A_922 = arith.constant 0 : i32
      %dma_wait3A_923 = arith.constant 0 : i32
      %dma_wait3A_924 = arith.constant 0 : i32
      %dma_wait3A_925 = tpu.memref_slice %arg6[%dma_wait3A_922, %dma_wait3A_923, %dma_wait3A_924] : memref<8x2x80xi32, #tpu.memory_space<vmem>> -> memref<1x2x80xi32, #tpu.memory_space<vmem>>
      %dma_wait3A_926 = tpu.memref_squeeze %dma_wait3A_925 : memref<1x2x80xi32, #tpu.memory_space<vmem>> -> memref<2x80xi32, #tpu.memory_space<vmem>>
      %dma_wait3A_927 = arith.constant 0 : i32
      %dma_wait3A_928 = arith.constant 0 : i32
      %dma_wait3A_929 = tpu.memref_slice %arg3[%add3A, %add3A_921, %dma_wait3A_927, %dma_wait3A_928] : memref<32x125x2x80xi32, #tpu.memory_space<hbm>> -> memref<1x1x2x80xi32, #tpu.memory_space<hbm>>
      %dma_wait3A_930 = tpu.memref_squeeze %dma_wait3A_929 : memref<1x1x2x80xi32, #tpu.memory_space<hbm>> -> memref<2x80xi32, #tpu.memory_space<hbm>>
      %dma_wait3A_931 = arith.constant 0 : i32
      %dma_wait3A_932 = arith.constant 0 : i32
      %dma_wait3A_933 = tpu.memref_slice %arg6[%dma_wait3A_922, %dma_wait3A_931, %dma_wait3A_932] : memref<8x2x80xi32, #tpu.memory_space<vmem>> -> memref<1x2x80xi32, #tpu.memory_space<vmem>>
      %dma_wait3A_934 = tpu.memref_squeeze %dma_wait3A_933 : memref<1x2x80xi32, #tpu.memory_space<vmem>> -> memref<2x80xi32, #tpu.memory_space<vmem>>
      %dma_wait3A_935 = arith.constant 0 : i32
      %dma_wait3A_936 = arith.constant 0 : i32
      %dma_wait3A_937 = tpu.memref_slice %arg3[%add3A, %add3A_921, %dma_wait3A_935, %dma_wait3A_936] : memref<32x125x2x80xi32, #tpu.memory_space<hbm>> -> memref<1x1x2x80xi32, #tpu.memory_space<hbm>>
      %dma_wait3A_938 = tpu.memref_squeeze %dma_wait3A_937 : memref<1x1x2x80xi32, #tpu.memory_space<hbm>> -> memref<2x80xi32, #tpu.memory_space<hbm>>
      tpu.wait_dma2 semaphore(%arg17 : memref<!tpu.dma_semaphore, #tpu.memory_space<semaphore_mem>>) src(%dma_wait3A_938 : memref<2x80xi32, #tpu.memory_space<hbm>>) dst(%dma_wait3A_934 : memref<2x80xi32, #tpu.memory_space<vmem>>)
      %dma_start3A_939 = arith.constant 0 : i32
      %dma_start3A_940 = arith.constant 0 : i32
      %dma_start3A_941 = arith.constant 0 : i32
      %dma_start3A_942 = arith.constant 0 : i32
      %dma_start3A_943 = arith.constant 0 : i32
      %dma_start3A_944 = tpu.memref_slice %arg7[%dma_start3A_941, %dma_start3A_942, %dma_start3A_943] : memref<4x80x128xf32, #tpu.memory_space<vmem>> -> memref<1x80x128xf32, #tpu.memory_space<vmem>>
      %dma_start3A_945 = tpu.memref_squeeze %dma_start3A_944 : memref<1x80x128xf32, #tpu.memory_space<vmem>> -> memref<80x128xf32, #tpu.memory_space<vmem>>
      %dma_start3A_946 = arith.constant 0 : i32
      %dma_start3A_947 = tpu.memref_slice %arg6[%dma_start3A_939, %dma_start3A_940, %dma_start3A_946] : memref<8x2x80xi32, #tpu.memory_space<vmem>> -> memref<1x1x80xi32, #tpu.memory_space<vmem>>
      %dma_start3A_948 = tpu.memref_squeeze %dma_start3A_947 : memref<1x1x80xi32, #tpu.memory_space<vmem>> -> memref<80xi32, #tpu.memory_space<vmem>>
      %dma_start3A_949 = arith.constant 0 : i32
      %dma_start3A_950 = arith.constant 0 : i32
      %dma_start3A_951 = tpu.memref_slice %arg2[%dma_start3A_949, %dma_start3A_950] : memref<10000x128xf32, #tpu.memory_space<hbm>> -> memref<10000x128xf32, #tpu.memory_space<hbm>>
      tpu.enqueue_indirect_dma source(%dma_start3A_951 : memref<10000x128xf32, #tpu.memory_space<hbm>>) target(%dma_start3A_945 : memref<80x128xf32, #tpu.memory_space<vmem>>) offsets(%dma_start3A_948 : memref<80xi32, #tpu.memory_space<vmem>>) semaphore(%arg9 : memref<!tpu.dma_semaphore, #tpu.memory_space<semaphore_mem>>)
      %add3A_952 = arith.constant 5 : i32
      %add3A_953 = arith.addi %add3A_888, %add3A_952 : i32
      %dma_start3A_954 = arith.constant 2 : i32
      %dma_start3A_955 = arith.constant 0 : i32
      %dma_start3A_956 = arith.constant 0 : i32
      %dma_start3A_957 = tpu.memref_slice %arg6[%dma_start3A_954, %dma_start3A_955, %dma_start3A_956] : memref<8x2x80xi32, #tpu.memory_space<vmem>> -> memref<1x2x80xi32, #tpu.memory_space<vmem>>
      %dma_start3A_958 = tpu.memref_squeeze %dma_start3A_957 : memref<1x2x80xi32, #tpu.memory_space<vmem>> -> memref<2x80xi32, #tpu.memory_space<vmem>>
      %dma_start3A_959 = arith.constant 0 : i32
      %dma_start3A_960 = arith.constant 0 : i32
      %dma_start3A_961 = tpu.memref_slice %arg3[%add3A, %add3A_953, %dma_start3A_959, %dma_start3A_960] : memref<32x125x2x80xi32, #tpu.memory_space<hbm>> -> memref<1x1x2x80xi32, #tpu.memory_space<hbm>>
      %dma_start3A_962 = tpu.memref_squeeze %dma_start3A_961 : memref<1x1x2x80xi32, #tpu.memory_space<hbm>> -> memref<2x80xi32, #tpu.memory_space<hbm>>
      %dma_start3A_963 = arith.constant 0 : i32
      %dma_start3A_964 = arith.constant 0 : i32
      %dma_start3A_965 = tpu.memref_slice %arg6[%dma_start3A_954, %dma_start3A_963, %dma_start3A_964] : memref<8x2x80xi32, #tpu.memory_space<vmem>> -> memref<1x2x80xi32, #tpu.memory_space<vmem>>
      %dma_start3A_966 = tpu.memref_squeeze %dma_start3A_965 : memref<1x2x80xi32, #tpu.memory_space<vmem>> -> memref<2x80xi32, #tpu.memory_space<vmem>>
      %dma_start3A_967 = arith.constant 0 : i32
      %dma_start3A_968 = arith.constant 0 : i32
      %dma_start3A_969 = tpu.memref_slice %arg3[%add3A, %add3A_953, %dma_start3A_967, %dma_start3A_968] : memref<32x125x2x80xi32, #tpu.memory_space<hbm>> -> memref<1x1x2x80xi32, #tpu.memory_space<hbm>>
      %dma_start3A_970 = tpu.memref_squeeze %dma_start3A_969 : memref<1x1x2x80xi32, #tpu.memory_space<hbm>> -> memref<2x80xi32, #tpu.memory_space<hbm>>
      tpu.enqueue_dma source(%dma_start3A_970 : memref<2x80xi32, #tpu.memory_space<hbm>>) target(%dma_start3A_966 : memref<2x80xi32, #tpu.memory_space<vmem>>) target_semaphore(%arg19 : memref<!tpu.dma_semaphore, #tpu.memory_space<semaphore_mem>>)
      %add3A_971 = arith.constant 6 : i32
      %add3A_972 = arith.addi %add3A_469, %add3A_971 : i32
      %dma_wait3A_973 = arith.constant 6 : i32
      %dma_wait3A_974 = arith.constant 0 : i32
      %dma_wait3A_975 = arith.constant 2 : i32
      %dma_wait3A_976 = arith.constant 0 : i32
      %dma_wait3A_977 = arith.constant 0 : i32
      %dma_wait3A_978 = tpu.memref_slice %arg7[%dma_wait3A_975, %dma_wait3A_976, %dma_wait3A_977] : memref<4x80x128xf32, #tpu.memory_space<vmem>> -> memref<1x80x128xf32, #tpu.memory_space<vmem>>
      %dma_wait3A_979 = tpu.memref_squeeze %dma_wait3A_978 : memref<1x80x128xf32, #tpu.memory_space<vmem>> -> memref<80x128xf32, #tpu.memory_space<vmem>>
      %dma_wait3A_980 = arith.constant 0 : i32
      %dma_wait3A_981 = tpu.memref_slice %arg6[%dma_wait3A_973, %dma_wait3A_974, %dma_wait3A_980] : memref<8x2x80xi32, #tpu.memory_space<vmem>> -> memref<1x1x80xi32, #tpu.memory_space<vmem>>
      %dma_wait3A_982 = tpu.memref_squeeze %dma_wait3A_981 : memref<1x1x80xi32, #tpu.memory_space<vmem>> -> memref<80xi32, #tpu.memory_space<vmem>>
      %dma_wait3A_983 = arith.constant 0 : i32
      %dma_wait3A_984 = arith.constant 0 : i32
      %dma_wait3A_985 = tpu.memref_slice %arg2[%dma_wait3A_983, %dma_wait3A_984] : memref<10000x128xf32, #tpu.memory_space<hbm>> -> memref<10000x128xf32, #tpu.memory_space<hbm>>
      tpu.wait_indirect_dma semaphore(%arg11 : memref<!tpu.dma_semaphore, #tpu.memory_space<semaphore_mem>>) src(%dma_wait3A_985 : memref<10000x128xf32, #tpu.memory_space<hbm>>) dst(%dma_wait3A_979 : memref<80x128xf32, #tpu.memory_space<vmem>>)
      %dma_start3A_986 = arith.constant 2 : i32
      %dma_start3A_987 = arith.constant 6 : i32
      %dma_start3A_988 = arith.constant 1 : i32
      %dma_start3A_989 = arith.constant 0 : i32
      %dma_start3A_990 = arith.constant 0 : i32
      %dma_start3A_991 = tpu.memref_slice %arg7[%dma_start3A_986, %dma_start3A_989, %dma_start3A_990] : memref<4x80x128xf32, #tpu.memory_space<vmem>> -> memref<1x80x128xf32, #tpu.memory_space<vmem>>
      %dma_start3A_992 = tpu.memref_squeeze %dma_start3A_991 : memref<1x80x128xf32, #tpu.memory_space<vmem>> -> memref<80x128xf32, #tpu.memory_space<vmem>>
      %dma_start3A_993 = arith.constant 0 : i32
      %dma_start3A_994 = tpu.memref_slice %arg6[%dma_start3A_987, %dma_start3A_988, %dma_start3A_993] : memref<8x2x80xi32, #tpu.memory_space<vmem>> -> memref<1x1x80xi32, #tpu.memory_space<vmem>>
      %dma_start3A_995 = tpu.memref_squeeze %dma_start3A_994 : memref<1x1x80xi32, #tpu.memory_space<vmem>> -> memref<80xi32, #tpu.memory_space<vmem>>
      %dma_start3A_996 = arith.constant 0 : i32
      %dma_start3A_997 = arith.constant 0 : i32
      %dma_start3A_998 = tpu.memref_slice %arg8[%dma_start3A_996, %dma_start3A_997] : memref<10112x128xf32, #tpu.memory_space<vmem_shared>> -> memref<10112x128xf32, #tpu.memory_space<vmem_shared>>
      tpu.enqueue_indirect_dma source(%dma_start3A_992 : memref<80x128xf32, #tpu.memory_space<vmem>>) target(%dma_start3A_998 : memref<10112x128xf32, #tpu.memory_space<vmem_shared>>) offsets(%dma_start3A_995 : memref<80xi32, #tpu.memory_space<vmem>>) semaphore(%arg15 : memref<!tpu.dma_semaphore, #tpu.memory_space<semaphore_mem>>) {add = true}
      %ge3A_999 = arith.constant 1 : i32
      %ge3A_1000 = arith.cmpi sge, %add3A_972, %ge3A_999 : i32
      %convert_element_type3A_1001 = arith.extui %ge3A_1000 : i1 to i32
      %cond3A_1002 = arith.constant 0 : i32
      %cond3A_1003 = arith.cmpi ne, %convert_element_type3A_1001, %cond3A_1002 : i32
      scf.if %cond3A_1003 {
        %dma_wait3A_1139 = arith.constant 1 : i32
        %dma_wait3A_1140 = arith.constant 6 : i32
        %dma_wait3A_1141 = arith.constant 1 : i32
        %dma_wait3A_1142 = arith.constant 0 : i32
        %dma_wait3A_1143 = arith.constant 0 : i32
        %dma_wait3A_1144 = tpu.memref_slice %arg7[%dma_wait3A_1139, %dma_wait3A_1142, %dma_wait3A_1143] : memref<4x80x128xf32, #tpu.memory_space<vmem>> -> memref<1x80x128xf32, #tpu.memory_space<vmem>>
        %dma_wait3A_1145 = tpu.memref_squeeze %dma_wait3A_1144 : memref<1x80x128xf32, #tpu.memory_space<vmem>> -> memref<80x128xf32, #tpu.memory_space<vmem>>
        %dma_wait3A_1146 = arith.constant 0 : i32
        %dma_wait3A_1147 = tpu.memref_slice %arg6[%dma_wait3A_1140, %dma_wait3A_1141, %dma_wait3A_1146] : memref<8x2x80xi32, #tpu.memory_space<vmem>> -> memref<1x1x80xi32, #tpu.memory_space<vmem>>
        %dma_wait3A_1148 = tpu.memref_squeeze %dma_wait3A_1147 : memref<1x1x80xi32, #tpu.memory_space<vmem>> -> memref<80xi32, #tpu.memory_space<vmem>>
        %dma_wait3A_1149 = arith.constant 0 : i32
        %dma_wait3A_1150 = arith.constant 0 : i32
        %dma_wait3A_1151 = tpu.memref_slice %arg8[%dma_wait3A_1149, %dma_wait3A_1150] : memref<10112x128xf32, #tpu.memory_space<vmem_shared>> -> memref<10112x128xf32, #tpu.memory_space<vmem_shared>>
        tpu.wait_indirect_dma semaphore(%arg14 : memref<!tpu.dma_semaphore, #tpu.memory_space<semaphore_mem>>) src(%dma_wait3A_1145 : memref<80x128xf32, #tpu.memory_space<vmem>>) dst(%dma_wait3A_1151 : memref<10112x128xf32, #tpu.memory_space<vmem_shared>>)
      } else {
      }
      %add3A_1004 = arith.constant 3 : i32
      %add3A_1005 = arith.addi %add3A_972, %add3A_1004 : i32
      %dma_wait3A_1006 = arith.constant 1 : i32
      %dma_wait3A_1007 = arith.constant 0 : i32
      %dma_wait3A_1008 = arith.constant 0 : i32
      %dma_wait3A_1009 = tpu.memref_slice %arg6[%dma_wait3A_1006, %dma_wait3A_1007, %dma_wait3A_1008] : memref<8x2x80xi32, #tpu.memory_space<vmem>> -> memref<1x2x80xi32, #tpu.memory_space<vmem>>
      %dma_wait3A_1010 = tpu.memref_squeeze %dma_wait3A_1009 : memref<1x2x80xi32, #tpu.memory_space<vmem>> -> memref<2x80xi32, #tpu.memory_space<vmem>>
      %dma_wait3A_1011 = arith.constant 0 : i32
      %dma_wait3A_1012 = arith.constant 0 : i32
      %dma_wait3A_1013 = tpu.memref_slice %arg3[%add3A, %add3A_1005, %dma_wait3A_1011, %dma_wait3A_1012] : memref<32x125x2x80xi32, #tpu.memory_space<hbm>> -> memref<1x1x2x80xi32, #tpu.memory_space<hbm>>
      %dma_wait3A_1014 = tpu.memref_squeeze %dma_wait3A_1013 : memref<1x1x2x80xi32, #tpu.memory_space<hbm>> -> memref<2x80xi32, #tpu.memory_space<hbm>>
      %dma_wait3A_1015 = arith.constant 0 : i32
      %dma_wait3A_1016 = arith.constant 0 : i32
      %dma_wait3A_1017 = tpu.memref_slice %arg6[%dma_wait3A_1006, %dma_wait3A_1015, %dma_wait3A_1016] : memref<8x2x80xi32, #tpu.memory_space<vmem>> -> memref<1x2x80xi32, #tpu.memory_space<vmem>>
      %dma_wait3A_1018 = tpu.memref_squeeze %dma_wait3A_1017 : memref<1x2x80xi32, #tpu.memory_space<vmem>> -> memref<2x80xi32, #tpu.memory_space<vmem>>
      %dma_wait3A_1019 = arith.constant 0 : i32
      %dma_wait3A_1020 = arith.constant 0 : i32
      %dma_wait3A_1021 = tpu.memref_slice %arg3[%add3A, %add3A_1005, %dma_wait3A_1019, %dma_wait3A_1020] : memref<32x125x2x80xi32, #tpu.memory_space<hbm>> -> memref<1x1x2x80xi32, #tpu.memory_space<hbm>>
      %dma_wait3A_1022 = tpu.memref_squeeze %dma_wait3A_1021 : memref<1x1x2x80xi32, #tpu.memory_space<hbm>> -> memref<2x80xi32, #tpu.memory_space<hbm>>
      tpu.wait_dma2 semaphore(%arg18 : memref<!tpu.dma_semaphore, #tpu.memory_space<semaphore_mem>>) src(%dma_wait3A_1022 : memref<2x80xi32, #tpu.memory_space<hbm>>) dst(%dma_wait3A_1018 : memref<2x80xi32, #tpu.memory_space<vmem>>)
      %dma_start3A_1023 = arith.constant 1 : i32
      %dma_start3A_1024 = arith.constant 0 : i32
      %dma_start3A_1025 = arith.constant 1 : i32
      %dma_start3A_1026 = arith.constant 0 : i32
      %dma_start3A_1027 = arith.constant 0 : i32
      %dma_start3A_1028 = tpu.memref_slice %arg7[%dma_start3A_1025, %dma_start3A_1026, %dma_start3A_1027] : memref<4x80x128xf32, #tpu.memory_space<vmem>> -> memref<1x80x128xf32, #tpu.memory_space<vmem>>
      %dma_start3A_1029 = tpu.memref_squeeze %dma_start3A_1028 : memref<1x80x128xf32, #tpu.memory_space<vmem>> -> memref<80x128xf32, #tpu.memory_space<vmem>>
      %dma_start3A_1030 = arith.constant 0 : i32
      %dma_start3A_1031 = tpu.memref_slice %arg6[%dma_start3A_1023, %dma_start3A_1024, %dma_start3A_1030] : memref<8x2x80xi32, #tpu.memory_space<vmem>> -> memref<1x1x80xi32, #tpu.memory_space<vmem>>
      %dma_start3A_1032 = tpu.memref_squeeze %dma_start3A_1031 : memref<1x1x80xi32, #tpu.memory_space<vmem>> -> memref<80xi32, #tpu.memory_space<vmem>>
      %dma_start3A_1033 = arith.constant 0 : i32
      %dma_start3A_1034 = arith.constant 0 : i32
      %dma_start3A_1035 = tpu.memref_slice %arg2[%dma_start3A_1033, %dma_start3A_1034] : memref<10000x128xf32, #tpu.memory_space<hbm>> -> memref<10000x128xf32, #tpu.memory_space<hbm>>
      tpu.enqueue_indirect_dma source(%dma_start3A_1035 : memref<10000x128xf32, #tpu.memory_space<hbm>>) target(%dma_start3A_1029 : memref<80x128xf32, #tpu.memory_space<vmem>>) offsets(%dma_start3A_1032 : memref<80xi32, #tpu.memory_space<vmem>>) semaphore(%arg10 : memref<!tpu.dma_semaphore, #tpu.memory_space<semaphore_mem>>)
      %add3A_1036 = arith.constant 5 : i32
      %add3A_1037 = arith.addi %add3A_972, %add3A_1036 : i32
      %dma_start3A_1038 = arith.constant 3 : i32
      %dma_start3A_1039 = arith.constant 0 : i32
      %dma_start3A_1040 = arith.constant 0 : i32
      %dma_start3A_1041 = tpu.memref_slice %arg6[%dma_start3A_1038, %dma_start3A_1039, %dma_start3A_1040] : memref<8x2x80xi32, #tpu.memory_space<vmem>> -> memref<1x2x80xi32, #tpu.memory_space<vmem>>
      %dma_start3A_1042 = tpu.memref_squeeze %dma_start3A_1041 : memref<1x2x80xi32, #tpu.memory_space<vmem>> -> memref<2x80xi32, #tpu.memory_space<vmem>>
      %dma_start3A_1043 = arith.constant 0 : i32
      %dma_start3A_1044 = arith.constant 0 : i32
      %dma_start3A_1045 = tpu.memref_slice %arg3[%add3A, %add3A_1037, %dma_start3A_1043, %dma_start3A_1044] : memref<32x125x2x80xi32, #tpu.memory_space<hbm>> -> memref<1x1x2x80xi32, #tpu.memory_space<hbm>>
      %dma_start3A_1046 = tpu.memref_squeeze %dma_start3A_1045 : memref<1x1x2x80xi32, #tpu.memory_space<hbm>> -> memref<2x80xi32, #tpu.memory_space<hbm>>
      %dma_start3A_1047 = arith.constant 0 : i32
      %dma_start3A_1048 = arith.constant 0 : i32
      %dma_start3A_1049 = tpu.memref_slice %arg6[%dma_start3A_1038, %dma_start3A_1047, %dma_start3A_1048] : memref<8x2x80xi32, #tpu.memory_space<vmem>> -> memref<1x2x80xi32, #tpu.memory_space<vmem>>
      %dma_start3A_1050 = tpu.memref_squeeze %dma_start3A_1049 : memref<1x2x80xi32, #tpu.memory_space<vmem>> -> memref<2x80xi32, #tpu.memory_space<vmem>>
      %dma_start3A_1051 = arith.constant 0 : i32
      %dma_start3A_1052 = arith.constant 0 : i32
      %dma_start3A_1053 = tpu.memref_slice %arg3[%add3A, %add3A_1037, %dma_start3A_1051, %dma_start3A_1052] : memref<32x125x2x80xi32, #tpu.memory_space<hbm>> -> memref<1x1x2x80xi32, #tpu.memory_space<hbm>>
      %dma_start3A_1054 = tpu.memref_squeeze %dma_start3A_1053 : memref<1x1x2x80xi32, #tpu.memory_space<hbm>> -> memref<2x80xi32, #tpu.memory_space<hbm>>
      tpu.enqueue_dma source(%dma_start3A_1054 : memref<2x80xi32, #tpu.memory_space<hbm>>) target(%dma_start3A_1050 : memref<2x80xi32, #tpu.memory_space<vmem>>) target_semaphore(%arg20 : memref<!tpu.dma_semaphore, #tpu.memory_space<semaphore_mem>>)
      %add3A_1055 = arith.constant 7 : i32
      %add3A_1056 = arith.addi %add3A_469, %add3A_1055 : i32
      %dma_wait3A_1057 = arith.constant 7 : i32
      %dma_wait3A_1058 = arith.constant 0 : i32
      %dma_wait3A_1059 = arith.constant 3 : i32
      %dma_wait3A_1060 = arith.constant 0 : i32
      %dma_wait3A_1061 = arith.constant 0 : i32
      %dma_wait3A_1062 = tpu.memref_slice %arg7[%dma_wait3A_1059, %dma_wait3A_1060, %dma_wait3A_1061] : memref<4x80x128xf32, #tpu.memory_space<vmem>> -> memref<1x80x128xf32, #tpu.memory_space<vmem>>
      %dma_wait3A_1063 = tpu.memref_squeeze %dma_wait3A_1062 : memref<1x80x128xf32, #tpu.memory_space<vmem>> -> memref<80x128xf32, #tpu.memory_space<vmem>>
      %dma_wait3A_1064 = arith.constant 0 : i32
      %dma_wait3A_1065 = tpu.memref_slice %arg6[%dma_wait3A_1057, %dma_wait3A_1058, %dma_wait3A_1064] : memref<8x2x80xi32, #tpu.memory_space<vmem>> -> memref<1x1x80xi32, #tpu.memory_space<vmem>>
      %dma_wait3A_1066 = tpu.memref_squeeze %dma_wait3A_1065 : memref<1x1x80xi32, #tpu.memory_space<vmem>> -> memref<80xi32, #tpu.memory_space<vmem>>
      %dma_wait3A_1067 = arith.constant 0 : i32
      %dma_wait3A_1068 = arith.constant 0 : i32
      %dma_wait3A_1069 = tpu.memref_slice %arg2[%dma_wait3A_1067, %dma_wait3A_1068] : memref<10000x128xf32, #tpu.memory_space<hbm>> -> memref<10000x128xf32, #tpu.memory_space<hbm>>
      tpu.wait_indirect_dma semaphore(%arg12 : memref<!tpu.dma_semaphore, #tpu.memory_space<semaphore_mem>>) src(%dma_wait3A_1069 : memref<10000x128xf32, #tpu.memory_space<hbm>>) dst(%dma_wait3A_1063 : memref<80x128xf32, #tpu.memory_space<vmem>>)
      %dma_start3A_1070 = arith.constant 3 : i32
      %dma_start3A_1071 = arith.constant 7 : i32
      %dma_start3A_1072 = arith.constant 1 : i32
      %dma_start3A_1073 = arith.constant 0 : i32
      %dma_start3A_1074 = arith.constant 0 : i32
      %dma_start3A_1075 = tpu.memref_slice %arg7[%dma_start3A_1070, %dma_start3A_1073, %dma_start3A_1074] : memref<4x80x128xf32, #tpu.memory_space<vmem>> -> memref<1x80x128xf32, #tpu.memory_space<vmem>>
      %dma_start3A_1076 = tpu.memref_squeeze %dma_start3A_1075 : memref<1x80x128xf32, #tpu.memory_space<vmem>> -> memref<80x128xf32, #tpu.memory_space<vmem>>
      %dma_start3A_1077 = arith.constant 0 : i32
      %dma_start3A_1078 = tpu.memref_slice %arg6[%dma_start3A_1071, %dma_start3A_1072, %dma_start3A_1077] : memref<8x2x80xi32, #tpu.memory_space<vmem>> -> memref<1x1x80xi32, #tpu.memory_space<vmem>>
      %dma_start3A_1079 = tpu.memref_squeeze %dma_start3A_1078 : memref<1x1x80xi32, #tpu.memory_space<vmem>> -> memref<80xi32, #tpu.memory_space<vmem>>
      %dma_start3A_1080 = arith.constant 0 : i32
      %dma_start3A_1081 = arith.constant 0 : i32
      %dma_start3A_1082 = tpu.memref_slice %arg8[%dma_start3A_1080, %dma_start3A_1081] : memref<10112x128xf32, #tpu.memory_space<vmem_shared>> -> memref<10112x128xf32, #tpu.memory_space<vmem_shared>>
      tpu.enqueue_indirect_dma source(%dma_start3A_1076 : memref<80x128xf32, #tpu.memory_space<vmem>>) target(%dma_start3A_1082 : memref<10112x128xf32, #tpu.memory_space<vmem_shared>>) offsets(%dma_start3A_1079 : memref<80xi32, #tpu.memory_space<vmem>>) semaphore(%arg16 : memref<!tpu.dma_semaphore, #tpu.memory_space<semaphore_mem>>) {add = true}
      %ge3A_1083 = arith.constant 1 : i32
      %ge3A_1084 = arith.cmpi sge, %add3A_1056, %ge3A_1083 : i32
      %convert_element_type3A_1085 = arith.extui %ge3A_1084 : i1 to i32
      %cond3A_1086 = arith.constant 0 : i32
      %cond3A_1087 = arith.cmpi ne, %convert_element_type3A_1085, %cond3A_1086 : i32
      scf.if %cond3A_1087 {
        %dma_wait3A_1139 = arith.constant 2 : i32
        %dma_wait3A_1140 = arith.constant 7 : i32
        %dma_wait3A_1141 = arith.constant 1 : i32
        %dma_wait3A_1142 = arith.constant 0 : i32
        %dma_wait3A_1143 = arith.constant 0 : i32
        %dma_wait3A_1144 = tpu.memref_slice %arg7[%dma_wait3A_1139, %dma_wait3A_1142, %dma_wait3A_1143] : memref<4x80x128xf32, #tpu.memory_space<vmem>> -> memref<1x80x128xf32, #tpu.memory_space<vmem>>
        %dma_wait3A_1145 = tpu.memref_squeeze %dma_wait3A_1144 : memref<1x80x128xf32, #tpu.memory_space<vmem>> -> memref<80x128xf32, #tpu.memory_space<vmem>>
        %dma_wait3A_1146 = arith.constant 0 : i32
        %dma_wait3A_1147 = tpu.memref_slice %arg6[%dma_wait3A_1140, %dma_wait3A_1141, %dma_wait3A_1146] : memref<8x2x80xi32, #tpu.memory_space<vmem>> -> memref<1x1x80xi32, #tpu.memory_space<vmem>>
        %dma_wait3A_1148 = tpu.memref_squeeze %dma_wait3A_1147 : memref<1x1x80xi32, #tpu.memory_space<vmem>> -> memref<80xi32, #tpu.memory_space<vmem>>
        %dma_wait3A_1149 = arith.constant 0 : i32
        %dma_wait3A_1150 = arith.constant 0 : i32
        %dma_wait3A_1151 = tpu.memref_slice %arg8[%dma_wait3A_1149, %dma_wait3A_1150] : memref<10112x128xf32, #tpu.memory_space<vmem_shared>> -> memref<10112x128xf32, #tpu.memory_space<vmem_shared>>
        tpu.wait_indirect_dma semaphore(%arg15 : memref<!tpu.dma_semaphore, #tpu.memory_space<semaphore_mem>>) src(%dma_wait3A_1145 : memref<80x128xf32, #tpu.memory_space<vmem>>) dst(%dma_wait3A_1151 : memref<10112x128xf32, #tpu.memory_space<vmem_shared>>)
      } else {
      }
      %add3A_1088 = arith.constant 3 : i32
      %add3A_1089 = arith.addi %add3A_1056, %add3A_1088 : i32
      %dma_wait3A_1090 = arith.constant 2 : i32
      %dma_wait3A_1091 = arith.constant 0 : i32
      %dma_wait3A_1092 = arith.constant 0 : i32
      %dma_wait3A_1093 = tpu.memref_slice %arg6[%dma_wait3A_1090, %dma_wait3A_1091, %dma_wait3A_1092] : memref<8x2x80xi32, #tpu.memory_space<vmem>> -> memref<1x2x80xi32, #tpu.memory_space<vmem>>
      %dma_wait3A_1094 = tpu.memref_squeeze %dma_wait3A_1093 : memref<1x2x80xi32, #tpu.memory_space<vmem>> -> memref<2x80xi32, #tpu.memory_space<vmem>>
      %dma_wait3A_1095 = arith.constant 0 : i32
      %dma_wait3A_1096 = arith.constant 0 : i32
      %dma_wait3A_1097 = tpu.memref_slice %arg3[%add3A, %add3A_1089, %dma_wait3A_1095, %dma_wait3A_1096] : memref<32x125x2x80xi32, #tpu.memory_space<hbm>> -> memref<1x1x2x80xi32, #tpu.memory_space<hbm>>
      %dma_wait3A_1098 = tpu.memref_squeeze %dma_wait3A_1097 : memref<1x1x2x80xi32, #tpu.memory_space<hbm>> -> memref<2x80xi32, #tpu.memory_space<hbm>>
      %dma_wait3A_1099 = arith.constant 0 : i32
      %dma_wait3A_1100 = arith.constant 0 : i32
      %dma_wait3A_1101 = tpu.memref_slice %arg6[%dma_wait3A_1090, %dma_wait3A_1099, %dma_wait3A_1100] : memref<8x2x80xi32, #tpu.memory_space<vmem>> -> memref<1x2x80xi32, #tpu.memory_space<vmem>>
      %dma_wait3A_1102 = tpu.memref_squeeze %dma_wait3A_1101 : memref<1x2x80xi32, #tpu.memory_space<vmem>> -> memref<2x80xi32, #tpu.memory_space<vmem>>
      %dma_wait3A_1103 = arith.constant 0 : i32
      %dma_wait3A_1104 = arith.constant 0 : i32
      %dma_wait3A_1105 = tpu.memref_slice %arg3[%add3A, %add3A_1089, %dma_wait3A_1103, %dma_wait3A_1104] : memref<32x125x2x80xi32, #tpu.memory_space<hbm>> -> memref<1x1x2x80xi32, #tpu.memory_space<hbm>>
      %dma_wait3A_1106 = tpu.memref_squeeze %dma_wait3A_1105 : memref<1x1x2x80xi32, #tpu.memory_space<hbm>> -> memref<2x80xi32, #tpu.memory_space<hbm>>
      tpu.wait_dma2 semaphore(%arg19 : memref<!tpu.dma_semaphore, #tpu.memory_space<semaphore_mem>>) src(%dma_wait3A_1106 : memref<2x80xi32, #tpu.memory_space<hbm>>) dst(%dma_wait3A_1102 : memref<2x80xi32, #tpu.memory_space<vmem>>)
      %dma_start3A_1107 = arith.constant 2 : i32
      %dma_start3A_1108 = arith.constant 0 : i32
      %dma_start3A_1109 = arith.constant 2 : i32
      %dma_start3A_1110 = arith.constant 0 : i32
      %dma_start3A_1111 = arith.constant 0 : i32
      %dma_start3A_1112 = tpu.memref_slice %arg7[%dma_start3A_1109, %dma_start3A_1110, %dma_start3A_1111] : memref<4x80x128xf32, #tpu.memory_space<vmem>> -> memref<1x80x128xf32, #tpu.memory_space<vmem>>
      %dma_start3A_1113 = tpu.memref_squeeze %dma_start3A_1112 : memref<1x80x128xf32, #tpu.memory_space<vmem>> -> memref<80x128xf32, #tpu.memory_space<vmem>>
      %dma_start3A_1114 = arith.constant 0 : i32
      %dma_start3A_1115 = tpu.memref_slice %arg6[%dma_start3A_1107, %dma_start3A_1108, %dma_start3A_1114] : memref<8x2x80xi32, #tpu.memory_space<vmem>> -> memref<1x1x80xi32, #tpu.memory_space<vmem>>
      %dma_start3A_1116 = tpu.memref_squeeze %dma_start3A_1115 : memref<1x1x80xi32, #tpu.memory_space<vmem>> -> memref<80xi32, #tpu.memory_space<vmem>>
      %dma_start3A_1117 = arith.constant 0 : i32
      %dma_start3A_1118 = arith.constant 0 : i32
      %dma_start3A_1119 = tpu.memref_slice %arg2[%dma_start3A_1117, %dma_start3A_1118] : memref<10000x128xf32, #tpu.memory_space<hbm>> -> memref<10000x128xf32, #tpu.memory_space<hbm>>
      tpu.enqueue_indirect_dma source(%dma_start3A_1119 : memref<10000x128xf32, #tpu.memory_space<hbm>>) target(%dma_start3A_1113 : memref<80x128xf32, #tpu.memory_space<vmem>>) offsets(%dma_start3A_1116 : memref<80xi32, #tpu.memory_space<vmem>>) semaphore(%arg11 : memref<!tpu.dma_semaphore, #tpu.memory_space<semaphore_mem>>)
      %add3A_1120 = arith.constant 5 : i32
      %add3A_1121 = arith.addi %add3A_1056, %add3A_1120 : i32
      %dma_start3A_1122 = arith.constant 4 : i32
      %dma_start3A_1123 = arith.constant 0 : i32
      %dma_start3A_1124 = arith.constant 0 : i32
      %dma_start3A_1125 = tpu.memref_slice %arg6[%dma_start3A_1122, %dma_start3A_1123, %dma_start3A_1124] : memref<8x2x80xi32, #tpu.memory_space<vmem>> -> memref<1x2x80xi32, #tpu.memory_space<vmem>>
      %dma_start3A_1126 = tpu.memref_squeeze %dma_start3A_1125 : memref<1x2x80xi32, #tpu.memory_space<vmem>> -> memref<2x80xi32, #tpu.memory_space<vmem>>
      %dma_start3A_1127 = arith.constant 0 : i32
      %dma_start3A_1128 = arith.constant 0 : i32
      %dma_start3A_1129 = tpu.memref_slice %arg3[%add3A, %add3A_1121, %dma_start3A_1127, %dma_start3A_1128] : memref<32x125x2x80xi32, #tpu.memory_space<hbm>> -> memref<1x1x2x80xi32, #tpu.memory_space<hbm>>
      %dma_start3A_1130 = tpu.memref_squeeze %dma_start3A_1129 : memref<1x1x2x80xi32, #tpu.memory_space<hbm>> -> memref<2x80xi32, #tpu.memory_space<hbm>>
      %dma_start3A_1131 = arith.constant 0 : i32
      %dma_start3A_1132 = arith.constant 0 : i32
      %dma_start3A_1133 = tpu.memref_slice %arg6[%dma_start3A_1122, %dma_start3A_1131, %dma_start3A_1132] : memref<8x2x80xi32, #tpu.memory_space<vmem>> -> memref<1x2x80xi32, #tpu.memory_space<vmem>>
      %dma_start3A_1134 = tpu.memref_squeeze %dma_start3A_1133 : memref<1x2x80xi32, #tpu.memory_space<vmem>> -> memref<2x80xi32, #tpu.memory_space<vmem>>
      %dma_start3A_1135 = arith.constant 0 : i32
      %dma_start3A_1136 = arith.constant 0 : i32
      %dma_start3A_1137 = tpu.memref_slice %arg3[%add3A, %add3A_1121, %dma_start3A_1135, %dma_start3A_1136] : memref<32x125x2x80xi32, #tpu.memory_space<hbm>> -> memref<1x1x2x80xi32, #tpu.memory_space<hbm>>
      %dma_start3A_1138 = tpu.memref_squeeze %dma_start3A_1137 : memref<1x1x2x80xi32, #tpu.memory_space<hbm>> -> memref<2x80xi32, #tpu.memory_space<hbm>>
      tpu.enqueue_dma source(%dma_start3A_1138 : memref<2x80xi32, #tpu.memory_space<hbm>>) target(%dma_start3A_1134 : memref<2x80xi32, #tpu.memory_space<vmem>>) target_semaphore(%arg21 : memref<!tpu.dma_semaphore, #tpu.memory_space<semaphore_mem>>)
    }
    %scan3A_189 = arith.constant 15 : i32
    %dma_wait3A_190 = arith.constant 0 : i32
    %dma_wait3A_191 = arith.constant 0 : i32
    %dma_wait3A_192 = arith.constant 0 : i32
    %dma_wait3A_193 = arith.constant 0 : i32
    %dma_wait3A_194 = arith.constant 0 : i32
    %dma_wait3A_195 = tpu.memref_slice %arg7[%dma_wait3A_192, %dma_wait3A_193, %dma_wait3A_194] : memref<4x80x128xf32, #tpu.memory_space<vmem>> -> memref<1x80x128xf32, #tpu.memory_space<vmem>>
    %dma_wait3A_196 = tpu.memref_squeeze %dma_wait3A_195 : memref<1x80x128xf32, #tpu.memory_space<vmem>> -> memref<80x128xf32, #tpu.memory_space<vmem>>
    %dma_wait3A_197 = arith.constant 0 : i32
    %dma_wait3A_198 = tpu.memref_slice %arg6[%dma_wait3A_190, %dma_wait3A_191, %dma_wait3A_197] : memref<8x2x80xi32, #tpu.memory_space<vmem>> -> memref<1x1x80xi32, #tpu.memory_space<vmem>>
    %dma_wait3A_199 = tpu.memref_squeeze %dma_wait3A_198 : memref<1x1x80xi32, #tpu.memory_space<vmem>> -> memref<80xi32, #tpu.memory_space<vmem>>
    %dma_wait3A_200 = arith.constant 0 : i32
    %dma_wait3A_201 = arith.constant 0 : i32
    %dma_wait3A_202 = tpu.memref_slice %arg2[%dma_wait3A_200, %dma_wait3A_201] : memref<10000x128xf32, #tpu.memory_space<hbm>> -> memref<10000x128xf32, #tpu.memory_space<hbm>>
    tpu.wait_indirect_dma semaphore(%arg9 : memref<!tpu.dma_semaphore, #tpu.memory_space<semaphore_mem>>) src(%dma_wait3A_202 : memref<10000x128xf32, #tpu.memory_space<hbm>>) dst(%dma_wait3A_196 : memref<80x128xf32, #tpu.memory_space<vmem>>)
    %dma_start3A_203 = arith.constant 0 : i32
    %dma_start3A_204 = arith.constant 0 : i32
    %dma_start3A_205 = arith.constant 1 : i32
    %dma_start3A_206 = arith.constant 0 : i32
    %dma_start3A_207 = arith.constant 0 : i32
    %dma_start3A_208 = tpu.memref_slice %arg7[%dma_start3A_203, %dma_start3A_206, %dma_start3A_207] : memref<4x80x128xf32, #tpu.memory_space<vmem>> -> memref<1x80x128xf32, #tpu.memory_space<vmem>>
    %dma_start3A_209 = tpu.memref_squeeze %dma_start3A_208 : memref<1x80x128xf32, #tpu.memory_space<vmem>> -> memref<80x128xf32, #tpu.memory_space<vmem>>
    %dma_start3A_210 = arith.constant 0 : i32
    %dma_start3A_211 = tpu.memref_slice %arg6[%dma_start3A_204, %dma_start3A_205, %dma_start3A_210] : memref<8x2x80xi32, #tpu.memory_space<vmem>> -> memref<1x1x80xi32, #tpu.memory_space<vmem>>
    %dma_start3A_212 = tpu.memref_squeeze %dma_start3A_211 : memref<1x1x80xi32, #tpu.memory_space<vmem>> -> memref<80xi32, #tpu.memory_space<vmem>>
    %dma_start3A_213 = arith.constant 0 : i32
    %dma_start3A_214 = arith.constant 0 : i32
    %dma_start3A_215 = tpu.memref_slice %arg8[%dma_start3A_213, %dma_start3A_214] : memref<10112x128xf32, #tpu.memory_space<vmem_shared>> -> memref<10112x128xf32, #tpu.memory_space<vmem_shared>>
    tpu.enqueue_indirect_dma source(%dma_start3A_209 : memref<80x128xf32, #tpu.memory_space<vmem>>) target(%dma_start3A_215 : memref<10112x128xf32, #tpu.memory_space<vmem_shared>>) offsets(%dma_start3A_212 : memref<80xi32, #tpu.memory_space<vmem>>) semaphore(%arg13 : memref<!tpu.dma_semaphore, #tpu.memory_space<semaphore_mem>>) {add = true}
    %dma_wait3A_216 = arith.constant 3 : i32
    %dma_wait3A_217 = arith.constant 0 : i32
    %dma_wait3A_218 = arith.constant 1 : i32
    %dma_wait3A_219 = arith.constant 0 : i32
    %dma_wait3A_220 = arith.constant 0 : i32
    %dma_wait3A_221 = tpu.memref_slice %arg7[%dma_wait3A_216, %dma_wait3A_219, %dma_wait3A_220] : memref<4x80x128xf32, #tpu.memory_space<vmem>> -> memref<1x80x128xf32, #tpu.memory_space<vmem>>
    %dma_wait3A_222 = tpu.memref_squeeze %dma_wait3A_221 : memref<1x80x128xf32, #tpu.memory_space<vmem>> -> memref<80x128xf32, #tpu.memory_space<vmem>>
    %dma_wait3A_223 = arith.constant 0 : i32
    %dma_wait3A_224 = tpu.memref_slice %arg6[%dma_wait3A_217, %dma_wait3A_218, %dma_wait3A_223] : memref<8x2x80xi32, #tpu.memory_space<vmem>> -> memref<1x1x80xi32, #tpu.memory_space<vmem>>
    %dma_wait3A_225 = tpu.memref_squeeze %dma_wait3A_224 : memref<1x1x80xi32, #tpu.memory_space<vmem>> -> memref<80xi32, #tpu.memory_space<vmem>>
    %dma_wait3A_226 = arith.constant 0 : i32
    %dma_wait3A_227 = arith.constant 0 : i32
    %dma_wait3A_228 = tpu.memref_slice %arg8[%dma_wait3A_226, %dma_wait3A_227] : memref<10112x128xf32, #tpu.memory_space<vmem_shared>> -> memref<10112x128xf32, #tpu.memory_space<vmem_shared>>
    tpu.wait_indirect_dma semaphore(%arg16 : memref<!tpu.dma_semaphore, #tpu.memory_space<semaphore_mem>>) src(%dma_wait3A_222 : memref<80x128xf32, #tpu.memory_space<vmem>>) dst(%dma_wait3A_228 : memref<10112x128xf32, #tpu.memory_space<vmem_shared>>)
    %dma_wait3A_229 = arith.constant 123 : i32
    %dma_wait3A_230 = arith.constant 3 : i32
    %dma_wait3A_231 = arith.constant 0 : i32
    %dma_wait3A_232 = arith.constant 0 : i32
    %dma_wait3A_233 = tpu.memref_slice %arg6[%dma_wait3A_230, %dma_wait3A_231, %dma_wait3A_232] : memref<8x2x80xi32, #tpu.memory_space<vmem>> -> memref<1x2x80xi32, #tpu.memory_space<vmem>>
    %dma_wait3A_234 = tpu.memref_squeeze %dma_wait3A_233 : memref<1x2x80xi32, #tpu.memory_space<vmem>> -> memref<2x80xi32, #tpu.memory_space<vmem>>
    %dma_wait3A_235 = arith.constant 0 : i32
    %dma_wait3A_236 = arith.constant 0 : i32
    %dma_wait3A_237 = tpu.memref_slice %arg3[%add3A, %dma_wait3A_229, %dma_wait3A_235, %dma_wait3A_236] : memref<32x125x2x80xi32, #tpu.memory_space<hbm>> -> memref<1x1x2x80xi32, #tpu.memory_space<hbm>>
    %dma_wait3A_238 = tpu.memref_squeeze %dma_wait3A_237 : memref<1x1x2x80xi32, #tpu.memory_space<hbm>> -> memref<2x80xi32, #tpu.memory_space<hbm>>
    %dma_wait3A_239 = arith.constant 0 : i32
    %dma_wait3A_240 = arith.constant 0 : i32
    %dma_wait3A_241 = tpu.memref_slice %arg6[%dma_wait3A_230, %dma_wait3A_239, %dma_wait3A_240] : memref<8x2x80xi32, #tpu.memory_space<vmem>> -> memref<1x2x80xi32, #tpu.memory_space<vmem>>
    %dma_wait3A_242 = tpu.memref_squeeze %dma_wait3A_241 : memref<1x2x80xi32, #tpu.memory_space<vmem>> -> memref<2x80xi32, #tpu.memory_space<vmem>>
    %dma_wait3A_243 = arith.constant 0 : i32
    %dma_wait3A_244 = arith.constant 0 : i32
    %dma_wait3A_245 = tpu.memref_slice %arg3[%add3A, %dma_wait3A_229, %dma_wait3A_243, %dma_wait3A_244] : memref<32x125x2x80xi32, #tpu.memory_space<hbm>> -> memref<1x1x2x80xi32, #tpu.memory_space<hbm>>
    %dma_wait3A_246 = tpu.memref_squeeze %dma_wait3A_245 : memref<1x1x2x80xi32, #tpu.memory_space<hbm>> -> memref<2x80xi32, #tpu.memory_space<hbm>>
    tpu.wait_dma2 semaphore(%arg20 : memref<!tpu.dma_semaphore, #tpu.memory_space<semaphore_mem>>) src(%dma_wait3A_246 : memref<2x80xi32, #tpu.memory_space<hbm>>) dst(%dma_wait3A_242 : memref<2x80xi32, #tpu.memory_space<vmem>>)
    %dma_start3A_247 = arith.constant 3 : i32
    %dma_start3A_248 = arith.constant 0 : i32
    %dma_start3A_249 = arith.constant 3 : i32
    %dma_start3A_250 = arith.constant 0 : i32
    %dma_start3A_251 = arith.constant 0 : i32
    %dma_start3A_252 = tpu.memref_slice %arg7[%dma_start3A_249, %dma_start3A_250, %dma_start3A_251] : memref<4x80x128xf32, #tpu.memory_space<vmem>> -> memref<1x80x128xf32, #tpu.memory_space<vmem>>
    %dma_start3A_253 = tpu.memref_squeeze %dma_start3A_252 : memref<1x80x128xf32, #tpu.memory_space<vmem>> -> memref<80x128xf32, #tpu.memory_space<vmem>>
    %dma_start3A_254 = arith.constant 0 : i32
    %dma_start3A_255 = tpu.memref_slice %arg6[%dma_start3A_247, %dma_start3A_248, %dma_start3A_254] : memref<8x2x80xi32, #tpu.memory_space<vmem>> -> memref<1x1x80xi32, #tpu.memory_space<vmem>>
    %dma_start3A_256 = tpu.memref_squeeze %dma_start3A_255 : memref<1x1x80xi32, #tpu.memory_space<vmem>> -> memref<80xi32, #tpu.memory_space<vmem>>
    %dma_start3A_257 = arith.constant 0 : i32
    %dma_start3A_258 = arith.constant 0 : i32
    %dma_start3A_259 = tpu.memref_slice %arg2[%dma_start3A_257, %dma_start3A_258] : memref<10000x128xf32, #tpu.memory_space<hbm>> -> memref<10000x128xf32, #tpu.memory_space<hbm>>
    tpu.enqueue_indirect_dma source(%dma_start3A_259 : memref<10000x128xf32, #tpu.memory_space<hbm>>) target(%dma_start3A_253 : memref<80x128xf32, #tpu.memory_space<vmem>>) offsets(%dma_start3A_256 : memref<80xi32, #tpu.memory_space<vmem>>) semaphore(%arg12 : memref<!tpu.dma_semaphore, #tpu.memory_space<semaphore_mem>>)
    %dma_wait3A_260 = arith.constant 1 : i32
    %dma_wait3A_261 = arith.constant 0 : i32
    %dma_wait3A_262 = arith.constant 1 : i32
    %dma_wait3A_263 = arith.constant 0 : i32
    %dma_wait3A_264 = arith.constant 0 : i32
    %dma_wait3A_265 = tpu.memref_slice %arg7[%dma_wait3A_262, %dma_wait3A_263, %dma_wait3A_264] : memref<4x80x128xf32, #tpu.memory_space<vmem>> -> memref<1x80x128xf32, #tpu.memory_space<vmem>>
    %dma_wait3A_266 = tpu.memref_squeeze %dma_wait3A_265 : memref<1x80x128xf32, #tpu.memory_space<vmem>> -> memref<80x128xf32, #tpu.memory_space<vmem>>
    %dma_wait3A_267 = arith.constant 0 : i32
    %dma_wait3A_268 = tpu.memref_slice %arg6[%dma_wait3A_260, %dma_wait3A_261, %dma_wait3A_267] : memref<8x2x80xi32, #tpu.memory_space<vmem>> -> memref<1x1x80xi32, #tpu.memory_space<vmem>>
    %dma_wait3A_269 = tpu.memref_squeeze %dma_wait3A_268 : memref<1x1x80xi32, #tpu.memory_space<vmem>> -> memref<80xi32, #tpu.memory_space<vmem>>
    %dma_wait3A_270 = arith.constant 0 : i32
    %dma_wait3A_271 = arith.constant 0 : i32
    %dma_wait3A_272 = tpu.memref_slice %arg2[%dma_wait3A_270, %dma_wait3A_271] : memref<10000x128xf32, #tpu.memory_space<hbm>> -> memref<10000x128xf32, #tpu.memory_space<hbm>>
    tpu.wait_indirect_dma semaphore(%arg10 : memref<!tpu.dma_semaphore, #tpu.memory_space<semaphore_mem>>) src(%dma_wait3A_272 : memref<10000x128xf32, #tpu.memory_space<hbm>>) dst(%dma_wait3A_266 : memref<80x128xf32, #tpu.memory_space<vmem>>)
    %dma_start3A_273 = arith.constant 1 : i32
    %dma_start3A_274 = arith.constant 1 : i32
    %dma_start3A_275 = arith.constant 1 : i32
    %dma_start3A_276 = arith.constant 0 : i32
    %dma_start3A_277 = arith.constant 0 : i32
    %dma_start3A_278 = tpu.memref_slice %arg7[%dma_start3A_273, %dma_start3A_276, %dma_start3A_277] : memref<4x80x128xf32, #tpu.memory_space<vmem>> -> memref<1x80x128xf32, #tpu.memory_space<vmem>>
    %dma_start3A_279 = tpu.memref_squeeze %dma_start3A_278 : memref<1x80x128xf32, #tpu.memory_space<vmem>> -> memref<80x128xf32, #tpu.memory_space<vmem>>
    %dma_start3A_280 = arith.constant 0 : i32
    %dma_start3A_281 = tpu.memref_slice %arg6[%dma_start3A_274, %dma_start3A_275, %dma_start3A_280] : memref<8x2x80xi32, #tpu.memory_space<vmem>> -> memref<1x1x80xi32, #tpu.memory_space<vmem>>
    %dma_start3A_282 = tpu.memref_squeeze %dma_start3A_281 : memref<1x1x80xi32, #tpu.memory_space<vmem>> -> memref<80xi32, #tpu.memory_space<vmem>>
    %dma_start3A_283 = arith.constant 0 : i32
    %dma_start3A_284 = arith.constant 0 : i32
    %dma_start3A_285 = tpu.memref_slice %arg8[%dma_start3A_283, %dma_start3A_284] : memref<10112x128xf32, #tpu.memory_space<vmem_shared>> -> memref<10112x128xf32, #tpu.memory_space<vmem_shared>>
    tpu.enqueue_indirect_dma source(%dma_start3A_279 : memref<80x128xf32, #tpu.memory_space<vmem>>) target(%dma_start3A_285 : memref<10112x128xf32, #tpu.memory_space<vmem_shared>>) offsets(%dma_start3A_282 : memref<80xi32, #tpu.memory_space<vmem>>) semaphore(%arg14 : memref<!tpu.dma_semaphore, #tpu.memory_space<semaphore_mem>>) {add = true}
    %dma_wait3A_286 = arith.constant 0 : i32
    %dma_wait3A_287 = arith.constant 1 : i32
    %dma_wait3A_288 = arith.constant 1 : i32
    %dma_wait3A_289 = arith.constant 0 : i32
    %dma_wait3A_290 = arith.constant 0 : i32
    %dma_wait3A_291 = tpu.memref_slice %arg7[%dma_wait3A_286, %dma_wait3A_289, %dma_wait3A_290] : memref<4x80x128xf32, #tpu.memory_space<vmem>> -> memref<1x80x128xf32, #tpu.memory_space<vmem>>
    %dma_wait3A_292 = tpu.memref_squeeze %dma_wait3A_291 : memref<1x80x128xf32, #tpu.memory_space<vmem>> -> memref<80x128xf32, #tpu.memory_space<vmem>>
    %dma_wait3A_293 = arith.constant 0 : i32
    %dma_wait3A_294 = tpu.memref_slice %arg6[%dma_wait3A_287, %dma_wait3A_288, %dma_wait3A_293] : memref<8x2x80xi32, #tpu.memory_space<vmem>> -> memref<1x1x80xi32, #tpu.memory_space<vmem>>
    %dma_wait3A_295 = tpu.memref_squeeze %dma_wait3A_294 : memref<1x1x80xi32, #tpu.memory_space<vmem>> -> memref<80xi32, #tpu.memory_space<vmem>>
    %dma_wait3A_296 = arith.constant 0 : i32
    %dma_wait3A_297 = arith.constant 0 : i32
    %dma_wait3A_298 = tpu.memref_slice %arg8[%dma_wait3A_296, %dma_wait3A_297] : memref<10112x128xf32, #tpu.memory_space<vmem_shared>> -> memref<10112x128xf32, #tpu.memory_space<vmem_shared>>
    tpu.wait_indirect_dma semaphore(%arg13 : memref<!tpu.dma_semaphore, #tpu.memory_space<semaphore_mem>>) src(%dma_wait3A_292 : memref<80x128xf32, #tpu.memory_space<vmem>>) dst(%dma_wait3A_298 : memref<10112x128xf32, #tpu.memory_space<vmem_shared>>)
    %dma_wait3A_299 = arith.constant 124 : i32
    %dma_wait3A_300 = arith.constant 4 : i32
    %dma_wait3A_301 = arith.constant 0 : i32
    %dma_wait3A_302 = arith.constant 0 : i32
    %dma_wait3A_303 = tpu.memref_slice %arg6[%dma_wait3A_300, %dma_wait3A_301, %dma_wait3A_302] : memref<8x2x80xi32, #tpu.memory_space<vmem>> -> memref<1x2x80xi32, #tpu.memory_space<vmem>>
    %dma_wait3A_304 = tpu.memref_squeeze %dma_wait3A_303 : memref<1x2x80xi32, #tpu.memory_space<vmem>> -> memref<2x80xi32, #tpu.memory_space<vmem>>
    %dma_wait3A_305 = arith.constant 0 : i32
    %dma_wait3A_306 = arith.constant 0 : i32
    %dma_wait3A_307 = tpu.memref_slice %arg3[%add3A, %dma_wait3A_299, %dma_wait3A_305, %dma_wait3A_306] : memref<32x125x2x80xi32, #tpu.memory_space<hbm>> -> memref<1x1x2x80xi32, #tpu.memory_space<hbm>>
    %dma_wait3A_308 = tpu.memref_squeeze %dma_wait3A_307 : memref<1x1x2x80xi32, #tpu.memory_space<hbm>> -> memref<2x80xi32, #tpu.memory_space<hbm>>
    %dma_wait3A_309 = arith.constant 0 : i32
    %dma_wait3A_310 = arith.constant 0 : i32
    %dma_wait3A_311 = tpu.memref_slice %arg6[%dma_wait3A_300, %dma_wait3A_309, %dma_wait3A_310] : memref<8x2x80xi32, #tpu.memory_space<vmem>> -> memref<1x2x80xi32, #tpu.memory_space<vmem>>
    %dma_wait3A_312 = tpu.memref_squeeze %dma_wait3A_311 : memref<1x2x80xi32, #tpu.memory_space<vmem>> -> memref<2x80xi32, #tpu.memory_space<vmem>>
    %dma_wait3A_313 = arith.constant 0 : i32
    %dma_wait3A_314 = arith.constant 0 : i32
    %dma_wait3A_315 = tpu.memref_slice %arg3[%add3A, %dma_wait3A_299, %dma_wait3A_313, %dma_wait3A_314] : memref<32x125x2x80xi32, #tpu.memory_space<hbm>> -> memref<1x1x2x80xi32, #tpu.memory_space<hbm>>
    %dma_wait3A_316 = tpu.memref_squeeze %dma_wait3A_315 : memref<1x1x2x80xi32, #tpu.memory_space<hbm>> -> memref<2x80xi32, #tpu.memory_space<hbm>>
    tpu.wait_dma2 semaphore(%arg21 : memref<!tpu.dma_semaphore, #tpu.memory_space<semaphore_mem>>) src(%dma_wait3A_316 : memref<2x80xi32, #tpu.memory_space<hbm>>) dst(%dma_wait3A_312 : memref<2x80xi32, #tpu.memory_space<vmem>>)
    %dma_start3A_317 = arith.constant 4 : i32
    %dma_start3A_318 = arith.constant 0 : i32
    %dma_start3A_319 = arith.constant 0 : i32
    %dma_start3A_320 = arith.constant 0 : i32
    %dma_start3A_321 = arith.constant 0 : i32
    %dma_start3A_322 = tpu.memref_slice %arg7[%dma_start3A_319, %dma_start3A_320, %dma_start3A_321] : memref<4x80x128xf32, #tpu.memory_space<vmem>> -> memref<1x80x128xf32, #tpu.memory_space<vmem>>
    %dma_start3A_323 = tpu.memref_squeeze %dma_start3A_322 : memref<1x80x128xf32, #tpu.memory_space<vmem>> -> memref<80x128xf32, #tpu.memory_space<vmem>>
    %dma_start3A_324 = arith.constant 0 : i32
    %dma_start3A_325 = tpu.memref_slice %arg6[%dma_start3A_317, %dma_start3A_318, %dma_start3A_324] : memref<8x2x80xi32, #tpu.memory_space<vmem>> -> memref<1x1x80xi32, #tpu.memory_space<vmem>>
    %dma_start3A_326 = tpu.memref_squeeze %dma_start3A_325 : memref<1x1x80xi32, #tpu.memory_space<vmem>> -> memref<80xi32, #tpu.memory_space<vmem>>
    %dma_start3A_327 = arith.constant 0 : i32
    %dma_start3A_328 = arith.constant 0 : i32
    %dma_start3A_329 = tpu.memref_slice %arg2[%dma_start3A_327, %dma_start3A_328] : memref<10000x128xf32, #tpu.memory_space<hbm>> -> memref<10000x128xf32, #tpu.memory_space<hbm>>
    tpu.enqueue_indirect_dma source(%dma_start3A_329 : memref<10000x128xf32, #tpu.memory_space<hbm>>) target(%dma_start3A_323 : memref<80x128xf32, #tpu.memory_space<vmem>>) offsets(%dma_start3A_326 : memref<80xi32, #tpu.memory_space<vmem>>) semaphore(%arg9 : memref<!tpu.dma_semaphore, #tpu.memory_space<semaphore_mem>>)
    %dma_wait3A_330 = arith.constant 2 : i32
    %dma_wait3A_331 = arith.constant 0 : i32
    %dma_wait3A_332 = arith.constant 2 : i32
    %dma_wait3A_333 = arith.constant 0 : i32
    %dma_wait3A_334 = arith.constant 0 : i32
    %dma_wait3A_335 = tpu.memref_slice %arg7[%dma_wait3A_332, %dma_wait3A_333, %dma_wait3A_334] : memref<4x80x128xf32, #tpu.memory_space<vmem>> -> memref<1x80x128xf32, #tpu.memory_space<vmem>>
    %dma_wait3A_336 = tpu.memref_squeeze %dma_wait3A_335 : memref<1x80x128xf32, #tpu.memory_space<vmem>> -> memref<80x128xf32, #tpu.memory_space<vmem>>
    %dma_wait3A_337 = arith.constant 0 : i32
    %dma_wait3A_338 = tpu.memref_slice %arg6[%dma_wait3A_330, %dma_wait3A_331, %dma_wait3A_337] : memref<8x2x80xi32, #tpu.memory_space<vmem>> -> memref<1x1x80xi32, #tpu.memory_space<vmem>>
    %dma_wait3A_339 = tpu.memref_squeeze %dma_wait3A_338 : memref<1x1x80xi32, #tpu.memory_space<vmem>> -> memref<80xi32, #tpu.memory_space<vmem>>
    %dma_wait3A_340 = arith.constant 0 : i32
    %dma_wait3A_341 = arith.constant 0 : i32
    %dma_wait3A_342 = tpu.memref_slice %arg2[%dma_wait3A_340, %dma_wait3A_341] : memref<10000x128xf32, #tpu.memory_space<hbm>> -> memref<10000x128xf32, #tpu.memory_space<hbm>>
    tpu.wait_indirect_dma semaphore(%arg11 : memref<!tpu.dma_semaphore, #tpu.memory_space<semaphore_mem>>) src(%dma_wait3A_342 : memref<10000x128xf32, #tpu.memory_space<hbm>>) dst(%dma_wait3A_336 : memref<80x128xf32, #tpu.memory_space<vmem>>)
    %dma_start3A_343 = arith.constant 2 : i32
    %dma_start3A_344 = arith.constant 2 : i32
    %dma_start3A_345 = arith.constant 1 : i32
    %dma_start3A_346 = arith.constant 0 : i32
    %dma_start3A_347 = arith.constant 0 : i32
    %dma_start3A_348 = tpu.memref_slice %arg7[%dma_start3A_343, %dma_start3A_346, %dma_start3A_347] : memref<4x80x128xf32, #tpu.memory_space<vmem>> -> memref<1x80x128xf32, #tpu.memory_space<vmem>>
    %dma_start3A_349 = tpu.memref_squeeze %dma_start3A_348 : memref<1x80x128xf32, #tpu.memory_space<vmem>> -> memref<80x128xf32, #tpu.memory_space<vmem>>
    %dma_start3A_350 = arith.constant 0 : i32
    %dma_start3A_351 = tpu.memref_slice %arg6[%dma_start3A_344, %dma_start3A_345, %dma_start3A_350] : memref<8x2x80xi32, #tpu.memory_space<vmem>> -> memref<1x1x80xi32, #tpu.memory_space<vmem>>
    %dma_start3A_352 = tpu.memref_squeeze %dma_start3A_351 : memref<1x1x80xi32, #tpu.memory_space<vmem>> -> memref<80xi32, #tpu.memory_space<vmem>>
    %dma_start3A_353 = arith.constant 0 : i32
    %dma_start3A_354 = arith.constant 0 : i32
    %dma_start3A_355 = tpu.memref_slice %arg8[%dma_start3A_353, %dma_start3A_354] : memref<10112x128xf32, #tpu.memory_space<vmem_shared>> -> memref<10112x128xf32, #tpu.memory_space<vmem_shared>>
    tpu.enqueue_indirect_dma source(%dma_start3A_349 : memref<80x128xf32, #tpu.memory_space<vmem>>) target(%dma_start3A_355 : memref<10112x128xf32, #tpu.memory_space<vmem_shared>>) offsets(%dma_start3A_352 : memref<80xi32, #tpu.memory_space<vmem>>) semaphore(%arg15 : memref<!tpu.dma_semaphore, #tpu.memory_space<semaphore_mem>>) {add = true}
    %dma_wait3A_356 = arith.constant 1 : i32
    %dma_wait3A_357 = arith.constant 2 : i32
    %dma_wait3A_358 = arith.constant 1 : i32
    %dma_wait3A_359 = arith.constant 0 : i32
    %dma_wait3A_360 = arith.constant 0 : i32
    %dma_wait3A_361 = tpu.memref_slice %arg7[%dma_wait3A_356, %dma_wait3A_359, %dma_wait3A_360] : memref<4x80x128xf32, #tpu.memory_space<vmem>> -> memref<1x80x128xf32, #tpu.memory_space<vmem>>
    %dma_wait3A_362 = tpu.memref_squeeze %dma_wait3A_361 : memref<1x80x128xf32, #tpu.memory_space<vmem>> -> memref<80x128xf32, #tpu.memory_space<vmem>>
    %dma_wait3A_363 = arith.constant 0 : i32
    %dma_wait3A_364 = tpu.memref_slice %arg6[%dma_wait3A_357, %dma_wait3A_358, %dma_wait3A_363] : memref<8x2x80xi32, #tpu.memory_space<vmem>> -> memref<1x1x80xi32, #tpu.memory_space<vmem>>
    %dma_wait3A_365 = tpu.memref_squeeze %dma_wait3A_364 : memref<1x1x80xi32, #tpu.memory_space<vmem>> -> memref<80xi32, #tpu.memory_space<vmem>>
    %dma_wait3A_366 = arith.constant 0 : i32
    %dma_wait3A_367 = arith.constant 0 : i32
    %dma_wait3A_368 = tpu.memref_slice %arg8[%dma_wait3A_366, %dma_wait3A_367] : memref<10112x128xf32, #tpu.memory_space<vmem_shared>> -> memref<10112x128xf32, #tpu.memory_space<vmem_shared>>
    tpu.wait_indirect_dma semaphore(%arg14 : memref<!tpu.dma_semaphore, #tpu.memory_space<semaphore_mem>>) src(%dma_wait3A_362 : memref<80x128xf32, #tpu.memory_space<vmem>>) dst(%dma_wait3A_368 : memref<10112x128xf32, #tpu.memory_space<vmem_shared>>)
    %dma_wait3A_369 = arith.constant 3 : i32
    %dma_wait3A_370 = arith.constant 0 : i32
    %dma_wait3A_371 = arith.constant 3 : i32
    %dma_wait3A_372 = arith.constant 0 : i32
    %dma_wait3A_373 = arith.constant 0 : i32
    %dma_wait3A_374 = tpu.memref_slice %arg7[%dma_wait3A_371, %dma_wait3A_372, %dma_wait3A_373] : memref<4x80x128xf32, #tpu.memory_space<vmem>> -> memref<1x80x128xf32, #tpu.memory_space<vmem>>
    %dma_wait3A_375 = tpu.memref_squeeze %dma_wait3A_374 : memref<1x80x128xf32, #tpu.memory_space<vmem>> -> memref<80x128xf32, #tpu.memory_space<vmem>>
    %dma_wait3A_376 = arith.constant 0 : i32
    %dma_wait3A_377 = tpu.memref_slice %arg6[%dma_wait3A_369, %dma_wait3A_370, %dma_wait3A_376] : memref<8x2x80xi32, #tpu.memory_space<vmem>> -> memref<1x1x80xi32, #tpu.memory_space<vmem>>
    %dma_wait3A_378 = tpu.memref_squeeze %dma_wait3A_377 : memref<1x1x80xi32, #tpu.memory_space<vmem>> -> memref<80xi32, #tpu.memory_space<vmem>>
    %dma_wait3A_379 = arith.constant 0 : i32
    %dma_wait3A_380 = arith.constant 0 : i32
    %dma_wait3A_381 = tpu.memref_slice %arg2[%dma_wait3A_379, %dma_wait3A_380] : memref<10000x128xf32, #tpu.memory_space<hbm>> -> memref<10000x128xf32, #tpu.memory_space<hbm>>
    tpu.wait_indirect_dma semaphore(%arg12 : memref<!tpu.dma_semaphore, #tpu.memory_space<semaphore_mem>>) src(%dma_wait3A_381 : memref<10000x128xf32, #tpu.memory_space<hbm>>) dst(%dma_wait3A_375 : memref<80x128xf32, #tpu.memory_space<vmem>>)
    %dma_start3A_382 = arith.constant 3 : i32
    %dma_start3A_383 = arith.constant 3 : i32
    %dma_start3A_384 = arith.constant 1 : i32
    %dma_start3A_385 = arith.constant 0 : i32
    %dma_start3A_386 = arith.constant 0 : i32
    %dma_start3A_387 = tpu.memref_slice %arg7[%dma_start3A_382, %dma_start3A_385, %dma_start3A_386] : memref<4x80x128xf32, #tpu.memory_space<vmem>> -> memref<1x80x128xf32, #tpu.memory_space<vmem>>
    %dma_start3A_388 = tpu.memref_squeeze %dma_start3A_387 : memref<1x80x128xf32, #tpu.memory_space<vmem>> -> memref<80x128xf32, #tpu.memory_space<vmem>>
    %dma_start3A_389 = arith.constant 0 : i32
    %dma_start3A_390 = tpu.memref_slice %arg6[%dma_start3A_383, %dma_start3A_384, %dma_start3A_389] : memref<8x2x80xi32, #tpu.memory_space<vmem>> -> memref<1x1x80xi32, #tpu.memory_space<vmem>>
    %dma_start3A_391 = tpu.memref_squeeze %dma_start3A_390 : memref<1x1x80xi32, #tpu.memory_space<vmem>> -> memref<80xi32, #tpu.memory_space<vmem>>
    %dma_start3A_392 = arith.constant 0 : i32
    %dma_start3A_393 = arith.constant 0 : i32
    %dma_start3A_394 = tpu.memref_slice %arg8[%dma_start3A_392, %dma_start3A_393] : memref<10112x128xf32, #tpu.memory_space<vmem_shared>> -> memref<10112x128xf32, #tpu.memory_space<vmem_shared>>
    tpu.enqueue_indirect_dma source(%dma_start3A_388 : memref<80x128xf32, #tpu.memory_space<vmem>>) target(%dma_start3A_394 : memref<10112x128xf32, #tpu.memory_space<vmem_shared>>) offsets(%dma_start3A_391 : memref<80xi32, #tpu.memory_space<vmem>>) semaphore(%arg16 : memref<!tpu.dma_semaphore, #tpu.memory_space<semaphore_mem>>) {add = true}
    %dma_wait3A_395 = arith.constant 2 : i32
    %dma_wait3A_396 = arith.constant 3 : i32
    %dma_wait3A_397 = arith.constant 1 : i32
    %dma_wait3A_398 = arith.constant 0 : i32
    %dma_wait3A_399 = arith.constant 0 : i32
    %dma_wait3A_400 = tpu.memref_slice %arg7[%dma_wait3A_395, %dma_wait3A_398, %dma_wait3A_399] : memref<4x80x128xf32, #tpu.memory_space<vmem>> -> memref<1x80x128xf32, #tpu.memory_space<vmem>>
    %dma_wait3A_401 = tpu.memref_squeeze %dma_wait3A_400 : memref<1x80x128xf32, #tpu.memory_space<vmem>> -> memref<80x128xf32, #tpu.memory_space<vmem>>
    %dma_wait3A_402 = arith.constant 0 : i32
    %dma_wait3A_403 = tpu.memref_slice %arg6[%dma_wait3A_396, %dma_wait3A_397, %dma_wait3A_402] : memref<8x2x80xi32, #tpu.memory_space<vmem>> -> memref<1x1x80xi32, #tpu.memory_space<vmem>>
    %dma_wait3A_404 = tpu.memref_squeeze %dma_wait3A_403 : memref<1x1x80xi32, #tpu.memory_space<vmem>> -> memref<80xi32, #tpu.memory_space<vmem>>
    %dma_wait3A_405 = arith.constant 0 : i32
    %dma_wait3A_406 = arith.constant 0 : i32
    %dma_wait3A_407 = tpu.memref_slice %arg8[%dma_wait3A_405, %dma_wait3A_406] : memref<10112x128xf32, #tpu.memory_space<vmem_shared>> -> memref<10112x128xf32, #tpu.memory_space<vmem_shared>>
    tpu.wait_indirect_dma semaphore(%arg15 : memref<!tpu.dma_semaphore, #tpu.memory_space<semaphore_mem>>) src(%dma_wait3A_401 : memref<80x128xf32, #tpu.memory_space<vmem>>) dst(%dma_wait3A_407 : memref<10112x128xf32, #tpu.memory_space<vmem_shared>>)
    %dma_wait3A_408 = arith.constant 4 : i32
    %dma_wait3A_409 = arith.constant 0 : i32
    %dma_wait3A_410 = arith.constant 0 : i32
    %dma_wait3A_411 = arith.constant 0 : i32
    %dma_wait3A_412 = arith.constant 0 : i32
    %dma_wait3A_413 = tpu.memref_slice %arg7[%dma_wait3A_410, %dma_wait3A_411, %dma_wait3A_412] : memref<4x80x128xf32, #tpu.memory_space<vmem>> -> memref<1x80x128xf32, #tpu.memory_space<vmem>>
    %dma_wait3A_414 = tpu.memref_squeeze %dma_wait3A_413 : memref<1x80x128xf32, #tpu.memory_space<vmem>> -> memref<80x128xf32, #tpu.memory_space<vmem>>
    %dma_wait3A_415 = arith.constant 0 : i32
    %dma_wait3A_416 = tpu.memref_slice %arg6[%dma_wait3A_408, %dma_wait3A_409, %dma_wait3A_415] : memref<8x2x80xi32, #tpu.memory_space<vmem>> -> memref<1x1x80xi32, #tpu.memory_space<vmem>>
    %dma_wait3A_417 = tpu.memref_squeeze %dma_wait3A_416 : memref<1x1x80xi32, #tpu.memory_space<vmem>> -> memref<80xi32, #tpu.memory_space<vmem>>
    %dma_wait3A_418 = arith.constant 0 : i32
    %dma_wait3A_419 = arith.constant 0 : i32
    %dma_wait3A_420 = tpu.memref_slice %arg2[%dma_wait3A_418, %dma_wait3A_419] : memref<10000x128xf32, #tpu.memory_space<hbm>> -> memref<10000x128xf32, #tpu.memory_space<hbm>>
    tpu.wait_indirect_dma semaphore(%arg9 : memref<!tpu.dma_semaphore, #tpu.memory_space<semaphore_mem>>) src(%dma_wait3A_420 : memref<10000x128xf32, #tpu.memory_space<hbm>>) dst(%dma_wait3A_414 : memref<80x128xf32, #tpu.memory_space<vmem>>)
    %dma_start3A_421 = arith.constant 0 : i32
    %dma_start3A_422 = arith.constant 4 : i32
    %dma_start3A_423 = arith.constant 1 : i32
    %dma_start3A_424 = arith.constant 0 : i32
    %dma_start3A_425 = arith.constant 0 : i32
    %dma_start3A_426 = tpu.memref_slice %arg7[%dma_start3A_421, %dma_start3A_424, %dma_start3A_425] : memref<4x80x128xf32, #tpu.memory_space<vmem>> -> memref<1x80x128xf32, #tpu.memory_space<vmem>>
    %dma_start3A_427 = tpu.memref_squeeze %dma_start3A_426 : memref<1x80x128xf32, #tpu.memory_space<vmem>> -> memref<80x128xf32, #tpu.memory_space<vmem>>
    %dma_start3A_428 = arith.constant 0 : i32
    %dma_start3A_429 = tpu.memref_slice %arg6[%dma_start3A_422, %dma_start3A_423, %dma_start3A_428] : memref<8x2x80xi32, #tpu.memory_space<vmem>> -> memref<1x1x80xi32, #tpu.memory_space<vmem>>
    %dma_start3A_430 = tpu.memref_squeeze %dma_start3A_429 : memref<1x1x80xi32, #tpu.memory_space<vmem>> -> memref<80xi32, #tpu.memory_space<vmem>>
    %dma_start3A_431 = arith.constant 0 : i32
    %dma_start3A_432 = arith.constant 0 : i32
    %dma_start3A_433 = tpu.memref_slice %arg8[%dma_start3A_431, %dma_start3A_432] : memref<10112x128xf32, #tpu.memory_space<vmem_shared>> -> memref<10112x128xf32, #tpu.memory_space<vmem_shared>>
    tpu.enqueue_indirect_dma source(%dma_start3A_427 : memref<80x128xf32, #tpu.memory_space<vmem>>) target(%dma_start3A_433 : memref<10112x128xf32, #tpu.memory_space<vmem_shared>>) offsets(%dma_start3A_430 : memref<80xi32, #tpu.memory_space<vmem>>) semaphore(%arg13 : memref<!tpu.dma_semaphore, #tpu.memory_space<semaphore_mem>>) {add = true}
    %dma_wait3A_434 = arith.constant 3 : i32
    %dma_wait3A_435 = arith.constant 4 : i32
    %dma_wait3A_436 = arith.constant 1 : i32
    %dma_wait3A_437 = arith.constant 0 : i32
    %dma_wait3A_438 = arith.constant 0 : i32
    %dma_wait3A_439 = tpu.memref_slice %arg7[%dma_wait3A_434, %dma_wait3A_437, %dma_wait3A_438] : memref<4x80x128xf32, #tpu.memory_space<vmem>> -> memref<1x80x128xf32, #tpu.memory_space<vmem>>
    %dma_wait3A_440 = tpu.memref_squeeze %dma_wait3A_439 : memref<1x80x128xf32, #tpu.memory_space<vmem>> -> memref<80x128xf32, #tpu.memory_space<vmem>>
    %dma_wait3A_441 = arith.constant 0 : i32
    %dma_wait3A_442 = tpu.memref_slice %arg6[%dma_wait3A_435, %dma_wait3A_436, %dma_wait3A_441] : memref<8x2x80xi32, #tpu.memory_space<vmem>> -> memref<1x1x80xi32, #tpu.memory_space<vmem>>
    %dma_wait3A_443 = tpu.memref_squeeze %dma_wait3A_442 : memref<1x1x80xi32, #tpu.memory_space<vmem>> -> memref<80xi32, #tpu.memory_space<vmem>>
    %dma_wait3A_444 = arith.constant 0 : i32
    %dma_wait3A_445 = arith.constant 0 : i32
    %dma_wait3A_446 = tpu.memref_slice %arg8[%dma_wait3A_444, %dma_wait3A_445] : memref<10112x128xf32, #tpu.memory_space<vmem_shared>> -> memref<10112x128xf32, #tpu.memory_space<vmem_shared>>
    tpu.wait_indirect_dma semaphore(%arg16 : memref<!tpu.dma_semaphore, #tpu.memory_space<semaphore_mem>>) src(%dma_wait3A_440 : memref<80x128xf32, #tpu.memory_space<vmem>>) dst(%dma_wait3A_446 : memref<10112x128xf32, #tpu.memory_space<vmem_shared>>)
    %dma_wait3A_447 = arith.constant 0 : i32
    %dma_wait3A_448 = arith.constant 4 : i32
    %dma_wait3A_449 = arith.constant 1 : i32
    %dma_wait3A_450 = arith.constant 0 : i32
    %dma_wait3A_451 = arith.constant 0 : i32
    %dma_wait3A_452 = tpu.memref_slice %arg7[%dma_wait3A_447, %dma_wait3A_450, %dma_wait3A_451] : memref<4x80x128xf32, #tpu.memory_space<vmem>> -> memref<1x80x128xf32, #tpu.memory_space<vmem>>
    %dma_wait3A_453 = tpu.memref_squeeze %dma_wait3A_452 : memref<1x80x128xf32, #tpu.memory_space<vmem>> -> memref<80x128xf32, #tpu.memory_space<vmem>>
    %dma_wait3A_454 = arith.constant 0 : i32
    %dma_wait3A_455 = tpu.memref_slice %arg6[%dma_wait3A_448, %dma_wait3A_449, %dma_wait3A_454] : memref<8x2x80xi32, #tpu.memory_space<vmem>> -> memref<1x1x80xi32, #tpu.memory_space<vmem>>
    %dma_wait3A_456 = tpu.memref_squeeze %dma_wait3A_455 : memref<1x1x80xi32, #tpu.memory_space<vmem>> -> memref<80xi32, #tpu.memory_space<vmem>>
    %dma_wait3A_457 = arith.constant 0 : i32
    %dma_wait3A_458 = arith.constant 0 : i32
    %dma_wait3A_459 = tpu.memref_slice %arg8[%dma_wait3A_457, %dma_wait3A_458] : memref<10112x128xf32, #tpu.memory_space<vmem_shared>> -> memref<10112x128xf32, #tpu.memory_space<vmem_shared>>
    tpu.wait_indirect_dma semaphore(%arg13 : memref<!tpu.dma_semaphore, #tpu.memory_space<semaphore_mem>>) src(%dma_wait3A_453 : memref<80x128xf32, #tpu.memory_space<vmem>>) dst(%dma_wait3A_459 : memref<10112x128xf32, #tpu.memory_space<vmem_shared>>)
    %barrier3A_460 = arith.constant 0 : index
    tpu.barrier barrier_id(%barrier3A_460)
    %mul3A_461 = arith.constant 632 : i32
    %mul3A_462 = arith.muli %arg1, %mul3A_461 : i32
    %mul3A_463 = arith.constant 632 : i32
    %mul3A_464 = arith.muli %arg1, %mul3A_463 : i32
    "tpu.region"() ({
      %run_scoped3A = tpu.sem_alloc : memref<!tpu.dma_semaphore, #tpu.memory_space<semaphore_mem>>
      %dma_start3A_465 = arith.constant 0 : i32
      %dma_start3A_466 = tpu.memref_slice %arg5[%arg0, %mul3A_464, %dma_start3A_465] : memref<2x10112x128xf32, #tpu.memory_space<hbm>> -> memref<1x632x128xf32, #tpu.memory_space<hbm>>
      %dma_start3A_467 = tpu.memref_squeeze %dma_start3A_466 : memref<1x632x128xf32, #tpu.memory_space<hbm>> -> memref<632x128xf32, #tpu.memory_space<hbm>>
      %dma_start3A_468 = arith.constant 0 : i32
      %dma_start3A_469 = tpu.memref_slice %arg8[%mul3A_462, %dma_start3A_468] : memref<10112x128xf32, #tpu.memory_space<vmem_shared>> -> memref<632x128xf32, #tpu.memory_space<vmem_shared>>
      tpu.enqueue_dma source(%dma_start3A_469 : memref<632x128xf32, #tpu.memory_space<vmem_shared>>) target(%dma_start3A_467 : memref<632x128xf32, #tpu.memory_space<hbm>>) target_semaphore(%run_scoped3A : memref<!tpu.dma_semaphore, #tpu.memory_space<semaphore_mem>>)
      %dma_wait3A_470 = arith.constant 0 : i32
      %dma_wait3A_471 = tpu.memref_slice %arg5[%arg0, %mul3A_464, %dma_wait3A_470] : memref<2x10112x128xf32, #tpu.memory_space<hbm>> -> memref<1x632x128xf32, #tpu.memory_space<hbm>>
      %dma_wait3A_472 = tpu.memref_squeeze %dma_wait3A_471 : memref<1x632x128xf32, #tpu.memory_space<hbm>> -> memref<632x128xf32, #tpu.memory_space<hbm>>
      %dma_wait3A_473 = arith.constant 0 : i32
      %dma_wait3A_474 = tpu.memref_slice %arg8[%mul3A_462, %dma_wait3A_473] : memref<10112x128xf32, #tpu.memory_space<vmem_shared>> -> memref<632x128xf32, #tpu.memory_space<vmem_shared>>
      tpu.wait_dma2 semaphore(%run_scoped3A : memref<!tpu.dma_semaphore, #tpu.memory_space<semaphore_mem>>) src(%dma_wait3A_474 : memref<632x128xf32, #tpu.memory_space<vmem_shared>>) dst(%dma_wait3A_472 : memref<632x128xf32, #tpu.memory_space<hbm>>)
      tpu.yield
    }) : () -> ()
    return
  }
}

#map = affine_map<(d0, d1) -> (0)>
#map1 = affine_map<(d0, d1) -> (0, 0)>
module attributes {stable_mosaic.version = 14 : i64} {
  func.func @_degree_kernel(%arg0: i32, %arg1: i32, %arg2: memref<320000xi32, #tpu.memory_space<hbm>>, %arg3: memref<10000xf32, #tpu.memory_space<hbm>>, %arg4: memref<32x10000xf32, #tpu.memory_space<hbm>>, %arg5: memref<10000xi32, #tpu.memory_space<vmem>>, %arg6: memref<10000xf32, #tpu.memory_space<vmem>>) attributes {dimension_semantics = [#tpu.dimension_semantics<core_parallel>, #tpu.dimension_semantics<subcore_parallel>], iteration_bounds = array<i64: 2, 16>, scalar_prefetch = 0 : i64, scratch_operands = 2 : i64, tpu.core_type = #tpu.core_type<sc_vector_subcore>, window_params = [{transform_indices = #map}, {transform_indices = #map}, {transform_indices = #map1}]} {
    %mul3A = arith.constant 16 : i32
    %mul3A_0 = arith.muli %arg0, %mul3A : i32
    %add3A = arith.addi %mul3A_0, %arg1 : i32
    %mul3A_1 = arith.constant 10000 : i32
    %mul3A_2 = arith.muli %add3A, %mul3A_1 : i32
    "tpu.region"() ({
      %run_scoped3A = tpu.sem_alloc : memref<!tpu.dma_semaphore, #tpu.memory_space<semaphore_mem>>
      %dma_start3A = tpu.memref_slice %arg2[%mul3A_2] : memref<320000xi32, #tpu.memory_space<hbm>> -> memref<10000xi32, #tpu.memory_space<hbm>>
      %dma_start3A_8 = tpu.memref_slice %arg2[%mul3A_2] : memref<320000xi32, #tpu.memory_space<hbm>> -> memref<10000xi32, #tpu.memory_space<hbm>>
      tpu.enqueue_dma source(%dma_start3A_8 : memref<10000xi32, #tpu.memory_space<hbm>>) target(%arg5 : memref<10000xi32, #tpu.memory_space<vmem>>) target_semaphore(%run_scoped3A : memref<!tpu.dma_semaphore, #tpu.memory_space<semaphore_mem>>)
      %dma_wait3A = tpu.memref_slice %arg2[%mul3A_2] : memref<320000xi32, #tpu.memory_space<hbm>> -> memref<10000xi32, #tpu.memory_space<hbm>>
      %dma_wait3A_9 = tpu.memref_slice %arg2[%mul3A_2] : memref<320000xi32, #tpu.memory_space<hbm>> -> memref<10000xi32, #tpu.memory_space<hbm>>
      tpu.wait_dma2 semaphore(%run_scoped3A : memref<!tpu.dma_semaphore, #tpu.memory_space<semaphore_mem>>) src(%dma_wait3A_9 : memref<10000xi32, #tpu.memory_space<hbm>>) dst(%arg5 : memref<10000xi32, #tpu.memory_space<vmem>>)
      tpu.yield
    }) : () -> ()
    "tpu.region"() ({
      %run_scoped3A = tpu.sem_alloc : memref<!tpu.dma_semaphore, #tpu.memory_space<semaphore_mem>>
      tpu.enqueue_dma source(%arg3 : memref<10000xf32, #tpu.memory_space<hbm>>) target(%arg6 : memref<10000xf32, #tpu.memory_space<vmem>>) target_semaphore(%run_scoped3A : memref<!tpu.dma_semaphore, #tpu.memory_space<semaphore_mem>>)
      tpu.wait_dma2 semaphore(%run_scoped3A : memref<!tpu.dma_semaphore, #tpu.memory_space<semaphore_mem>>) src(%arg3 : memref<10000xf32, #tpu.memory_space<hbm>>) dst(%arg6 : memref<10000xf32, #tpu.memory_space<vmem>>)
      tpu.yield
    }) : () -> ()
    %broadcast_in_dim3A = arith.constant 1.000000e+00 : f32
    %broadcast_in_dim3A_3 = vector.broadcast %broadcast_in_dim3A : f32 to vector<16xf32>
    %scan3A = arith.constant 0 : i32
    %scan3A_4 = arith.constant 625 : i32
    %scan3A_5 = arith.addi %scan3A, %scan3A_4 : i32
    %scan3A_6 = arith.constant 1 : i32
    scf.for %scan3A_8 = %scan3A to %scan3A_5 step %scan3A_6  : i32 {
      %mul3A_9 = arith.constant 1 : i32
      %mul3A_10 = arith.muli %scan3A_8, %mul3A_9 : i32
      %add3A_11 = arith.constant 0 : i32
      %add3A_12 = arith.addi %add3A_11, %mul3A_10 : i32
      %mul3A_13 = arith.constant 16 : i32
      %mul3A_14 = arith.muli %add3A_12, %mul3A_13 : i32
      %get3A = arith.index_cast %mul3A_14 : i32 to index
      %get3A_15 = tpu.vector_load %arg5[%get3A] {strides = array<i32>} : memref<10000xi32, #tpu.memory_space<vmem>>, vector<16xi32>,
      tpu.vector_store_idx %arg6[%get3A_15], %broadcast_in_dim3A_3 {add = true} : memref<10000xf32, #tpu.memory_space<vmem>>[vector<16xi32>], vector<16xf32>,
    }
    %scan3A_7 = arith.constant 625 : i32
    "tpu.region"() ({
      %run_scoped3A = tpu.sem_alloc : memref<!tpu.dma_semaphore, #tpu.memory_space<semaphore_mem>>
      %dma_start3A = arith.constant 0 : i32
      %dma_start3A_8 = tpu.memref_slice %arg4[%add3A, %dma_start3A] : memref<32x10000xf32, #tpu.memory_space<hbm>> -> memref<1x10000xf32, #tpu.memory_space<hbm>>
      %dma_start3A_9 = tpu.memref_squeeze %dma_start3A_8 : memref<1x10000xf32, #tpu.memory_space<hbm>> -> memref<10000xf32, #tpu.memory_space<hbm>>
      %dma_start3A_10 = arith.constant 0 : i32
      %dma_start3A_11 = tpu.memref_slice %arg4[%add3A, %dma_start3A_10] : memref<32x10000xf32, #tpu.memory_space<hbm>> -> memref<1x10000xf32, #tpu.memory_space<hbm>>
      %dma_start3A_12 = tpu.memref_squeeze %dma_start3A_11 : memref<1x10000xf32, #tpu.memory_space<hbm>> -> memref<10000xf32, #tpu.memory_space<hbm>>
      tpu.enqueue_dma source(%arg6 : memref<10000xf32, #tpu.memory_space<vmem>>) target(%dma_start3A_12 : memref<10000xf32, #tpu.memory_space<hbm>>) target_semaphore(%run_scoped3A : memref<!tpu.dma_semaphore, #tpu.memory_space<semaphore_mem>>)
      %dma_wait3A = arith.constant 0 : i32
      %dma_wait3A_13 = tpu.memref_slice %arg4[%add3A, %dma_wait3A] : memref<32x10000xf32, #tpu.memory_space<hbm>> -> memref<1x10000xf32, #tpu.memory_space<hbm>>
      %dma_wait3A_14 = tpu.memref_squeeze %dma_wait3A_13 : memref<1x10000xf32, #tpu.memory_space<hbm>> -> memref<10000xf32, #tpu.memory_space<hbm>>
      %dma_wait3A_15 = arith.constant 0 : i32
      %dma_wait3A_16 = tpu.memref_slice %arg4[%add3A, %dma_wait3A_15] : memref<32x10000xf32, #tpu.memory_space<hbm>> -> memref<1x10000xf32, #tpu.memory_space<hbm>>
      %dma_wait3A_17 = tpu.memref_squeeze %dma_wait3A_16 : memref<1x10000xf32, #tpu.memory_space<hbm>> -> memref<10000xf32, #tpu.memory_space<hbm>>
      tpu.wait_dma2 semaphore(%run_scoped3A : memref<!tpu.dma_semaphore, #tpu.memory_space<semaphore_mem>>) src(%arg6 : memref<10000xf32, #tpu.memory_space<vmem>>) dst(%dma_wait3A_17 : memref<10000xf32, #tpu.memory_space<hbm>>)
      tpu.yield
    }) : () -> ()
    return
  }
}

#map = affine_map<(d0, d1) -> (0, 0)>
#map1 = affine_map<(d0, d1) -> (0, 0, 0, 0)>
#map2 = affine_map<(d0, d1) -> (0, 0, 0)>
module attributes {stable_mosaic.version = 14 : i64} {
  func.func @_aggregate_kernel(%arg0: i32, %arg1: i32, %arg2: memref<10000x128xf32, #tpu.memory_space<hbm>>, %arg3: memref<32x125x2x80xi32, #tpu.memory_space<hbm>>, %arg4: memref<10112x128xf32, #tpu.memory_space<hbm>>, %arg5: memref<2x10112x128xf32, #tpu.memory_space<hbm>>, %arg6: memref<8x2x80xi32, #tpu.memory_space<vmem>>, %arg7: memref<4x80x128xf32, #tpu.memory_space<vmem>>, %arg8: memref<10112x128xf32, #tpu.memory_space<vmem_shared>>, %arg9: memref<!tpu.dma_semaphore, #tpu.memory_space<semaphore_mem>>, %arg10: memref<!tpu.dma_semaphore, #tpu.memory_space<semaphore_mem>>, %arg11: memref<!tpu.dma_semaphore, #tpu.memory_space<semaphore_mem>>, %arg12: memref<!tpu.dma_semaphore, #tpu.memory_space<semaphore_mem>>, %arg13: memref<!tpu.dma_semaphore, #tpu.memory_space<semaphore_mem>>, %arg14: memref<!tpu.dma_semaphore, #tpu.memory_space<semaphore_mem>>, %arg15: memref<!tpu.dma_semaphore, #tpu.memory_space<semaphore_mem>>, %arg16: memref<!tpu.dma_semaphore, #tpu.memory_space<semaphore_mem>>, %arg17: memref<!tpu.dma_semaphore, #tpu.memory_space<semaphore_mem>>, %arg18: memref<!tpu.dma_semaphore, #tpu.memory_space<semaphore_mem>>, %arg19: memref<!tpu.dma_semaphore, #tpu.memory_space<semaphore_mem>>, %arg20: memref<!tpu.dma_semaphore, #tpu.memory_space<semaphore_mem>>, %arg21: memref<!tpu.dma_semaphore, #tpu.memory_space<semaphore_mem>>, %arg22: memref<!tpu.dma_semaphore, #tpu.memory_space<semaphore_mem>>, %arg23: memref<!tpu.dma_semaphore, #tpu.memory_space<semaphore_mem>>, %arg24: memref<!tpu.dma_semaphore, #tpu.memory_space<semaphore_mem>>) attributes {dimension_semantics = [#tpu.dimension_semantics<core_parallel>, #tpu.dimension_semantics<subcore_parallel>], iteration_bounds = array<i64: 2, 16>, scalar_prefetch = 0 : i64, scratch_operands = 19 : i64, tpu.core_type = #tpu.core_type<sc_vector_subcore>, window_params = [{transform_indices = #map}, {transform_indices = #map1}, {transform_indices = #map}, {transform_indices = #map2}]} {
    %mul3A = arith.constant 16 : i32
    %mul3A_0 = arith.muli %arg0, %mul3A : i32
    %add3A = arith.addi %mul3A_0, %arg1 : i32
    %mul3A_1 = arith.constant 632 : i32
    %mul3A_2 = arith.muli %arg1, %mul3A_1 : i32
    %mul3A_3 = arith.constant 632 : i32
    %mul3A_4 = arith.muli %arg1, %mul3A_3 : i32
    "tpu.region"() ({
      %run_scoped3A = tpu.sem_alloc : memref<!tpu.dma_semaphore, #tpu.memory_space<semaphore_mem>>
      %dma_start3A_465 = arith.constant 0 : i32
      %dma_start3A_466 = tpu.memref_slice %arg8[%mul3A_4, %dma_start3A_465] : memref<10112x128xf32, #tpu.memory_space<vmem_shared>> -> memref<632x128xf32, #tpu.memory_space<vmem_shared>>
      %dma_start3A_467 = arith.constant 0 : i32
      %dma_start3A_468 = tpu.memref_slice %arg4[%mul3A_2, %dma_start3A_467] : memref<10112x128xf32, #tpu.memory_space<hbm>> -> memref<632x128xf32, #tpu.memory_space<hbm>>
      tpu.enqueue_dma source(%dma_start3A_468 : memref<632x128xf32, #tpu.memory_space<hbm>>) target(%dma_start3A_466 : memref<632x128xf32, #tpu.memory_space<vmem_shared>>) target_semaphore(%run_scoped3A : memref<!tpu.dma_semaphore, #tpu.memory_space<semaphore_mem>>)
      %dma_wait3A_469 = arith.constant 0 : i32
      %dma_wait3A_470 = tpu.memref_slice %arg8[%mul3A_4, %dma_wait3A_469] : memref<10112x128xf32, #tpu.memory_space<vmem_shared>> -> memref<632x128xf32, #tpu.memory_space<vmem_shared>>
      %dma_wait3A_471 = arith.constant 0 : i32
      %dma_wait3A_472 = tpu.memref_slice %arg4[%mul3A_2, %dma_wait3A_471] : memref<10112x128xf32, #tpu.memory_space<hbm>> -> memref<632x128xf32, #tpu.memory_space<hbm>>
      tpu.wait_dma2 semaphore(%run_scoped3A : memref<!tpu.dma_semaphore, #tpu.memory_space<semaphore_mem>>) src(%dma_wait3A_472 : memref<632x128xf32, #tpu.memory_space<hbm>>) dst(%dma_wait3A_470 : memref<632x128xf32, #tpu.memory_space<vmem_shared>>)
      tpu.yield
    }) : () -> ()
    %dma_start3A = arith.constant 0 : i32
    %dma_start3A_5 = arith.constant 0 : i32
    %dma_start3A_6 = arith.constant 0 : i32
    %dma_start3A_7 = arith.constant 0 : i32
    %dma_start3A_8 = tpu.memref_slice %arg6[%dma_start3A_5, %dma_start3A_6, %dma_start3A_7] : memref<8x2x80xi32, #tpu.memory_space<vmem>> -> memref<1x2x80xi32, #tpu.memory_space<vmem>>
    %dma_start3A_9 = tpu.memref_squeeze %dma_start3A_8 : memref<1x2x80xi32, #tpu.memory_space<vmem>> -> memref<2x80xi32, #tpu.memory_space<vmem>>
    %dma_start3A_10 = arith.constant 0 : i32
    %dma_start3A_11 = arith.constant 0 : i32
    %dma_start3A_12 = tpu.memref_slice %arg3[%add3A, %dma_start3A, %dma_start3A_10, %dma_start3A_11] : memref<32x125x2x80xi32, #tpu.memory_space<hbm>> -> memref<1x1x2x80xi32, #tpu.memory_space<hbm>>
    %dma_start3A_13 = tpu.memref_squeeze %dma_start3A_12 : memref<1x1x2x80xi32, #tpu.memory_space<hbm>> -> memref<2x80xi32, #tpu.memory_space<hbm>>
    %dma_start3A_14 = arith.constant 0 : i32
    %dma_start3A_15 = arith.constant 0 : i32
    %dma_start3A_16 = tpu.memref_slice %arg6[%dma_start3A_5, %dma_start3A_14, %dma_start3A_15] : memref<8x2x80xi32, #tpu.memory_space<vmem>> -> memref<1x2x80xi32, #tpu.memory_space<vmem>>
    %dma_start3A_17 = tpu.memref_squeeze %dma_start3A_16 : memref<1x2x80xi32, #tpu.memory_space<vmem>> -> memref<2x80xi32, #tpu.memory_space<vmem>>
    %dma_start3A_18 = arith.constant 0 : i32
    %dma_start3A_19 = arith.constant 0 : i32
    %dma_start3A_20 = tpu.memref_slice %arg3[%add3A, %dma_start3A, %dma_start3A_18, %dma_start3A_19] : memref<32x125x2x80xi32, #tpu.memory_space<hbm>> -> memref<1x1x2x80xi32, #tpu.memory_space<hbm>>
    %dma_start3A_21 = tpu.memref_squeeze %dma_start3A_20 : memref<1x1x2x80xi32, #tpu.memory_space<hbm>> -> memref<2x80xi32, #tpu.memory_space<hbm>>
    tpu.enqueue_dma source(%dma_start3A_21 : memref<2x80xi32, #tpu.memory_space<hbm>>) target(%dma_start3A_17 : memref<2x80xi32, #tpu.memory_space<vmem>>) target_semaphore(%arg17 : memref<!tpu.dma_semaphore, #tpu.memory_space<semaphore_mem>>)
    %dma_start3A_22 = arith.constant 1 : i32
    %dma_start3A_23 = arith.constant 1 : i32
    %dma_start3A_24 = arith.constant 0 : i32
    %dma_start3A_25 = arith.constant 0 : i32
    %dma_start3A_26 = tpu.memref_slice %arg6[%dma_start3A_23, %dma_start3A_24, %dma_start3A_25] : memref<8x2x80xi32, #tpu.memory_space<vmem>> -> memref<1x2x80xi32, #tpu.memory_space<vmem>>
    %dma_start3A_27 = tpu.memref_squeeze %dma_start3A_26 : memref<1x2x80xi32, #tpu.memory_space<vmem>> -> memref<2x80xi32, #tpu.memory_space<vmem>>
    %dma_start3A_28 = arith.constant 0 : i32
    %dma_start3A_29 = arith.constant 0 : i32
    %dma_start3A_30 = tpu.memref_slice %arg3[%add3A, %dma_start3A_22, %dma_start3A_28, %dma_start3A_29] : memref<32x125x2x80xi32, #tpu.memory_space<hbm>> -> memref<1x1x2x80xi32, #tpu.memory_space<hbm>>
    %dma_start3A_31 = tpu.memref_squeeze %dma_start3A_30 : memref<1x1x2x80xi32, #tpu.memory_space<hbm>> -> memref<2x80xi32, #tpu.memory_space<hbm>>
    %dma_start3A_32 = arith.constant 0 : i32
    %dma_start3A_33 = arith.constant 0 : i32
    %dma_start3A_34 = tpu.memref_slice %arg6[%dma_start3A_23, %dma_start3A_32, %dma_start3A_33] : memref<8x2x80xi32, #tpu.memory_space<vmem>> -> memref<1x2x80xi32, #tpu.memory_space<vmem>>
    %dma_start3A_35 = tpu.memref_squeeze %dma_start3A_34 : memref<1x2x80xi32, #tpu.memory_space<vmem>> -> memref<2x80xi32, #tpu.memory_space<vmem>>
    %dma_start3A_36 = arith.constant 0 : i32
    %dma_start3A_37 = arith.constant 0 : i32
    %dma_start3A_38 = tpu.memref_slice %arg3[%add3A, %dma_start3A_22, %dma_start3A_36, %dma_start3A_37] : memref<32x125x2x80xi32, #tpu.memory_space<hbm>> -> memref<1x1x2x80xi32, #tpu.memory_space<hbm>>
    %dma_start3A_39 = tpu.memref_squeeze %dma_start3A_38 : memref<1x1x2x80xi32, #tpu.memory_space<hbm>> -> memref<2x80xi32, #tpu.memory_space<hbm>>
    tpu.enqueue_dma source(%dma_start3A_39 : memref<2x80xi32, #tpu.memory_space<hbm>>) target(%dma_start3A_35 : memref<2x80xi32, #tpu.memory_space<vmem>>) target_semaphore(%arg18 : memref<!tpu.dma_semaphore, #tpu.memory_space<semaphore_mem>>)
    %dma_start3A_40 = arith.constant 2 : i32
    %dma_start3A_41 = arith.constant 2 : i32
    %dma_start3A_42 = arith.constant 0 : i32
    %dma_start3A_43 = arith.constant 0 : i32
    %dma_start3A_44 = tpu.memref_slice %arg6[%dma_start3A_41, %dma_start3A_42, %dma_start3A_43] : memref<8x2x80xi32, #tpu.memory_space<vmem>> -> memref<1x2x80xi32, #tpu.memory_space<vmem>>
    %dma_start3A_45 = tpu.memref_squeeze %dma_start3A_44 : memref<1x2x80xi32, #tpu.memory_space<vmem>> -> memref<2x80xi32, #tpu.memory_space<vmem>>
    %dma_start3A_46 = arith.constant 0 : i32
    %dma_start3A_47 = arith.constant 0 : i32
    %dma_start3A_48 = tpu.memref_slice %arg3[%add3A, %dma_start3A_40, %dma_start3A_46, %dma_start3A_47] : memref<32x125x2x80xi32, #tpu.memory_space<hbm>> -> memref<1x1x2x80xi32, #tpu.memory_space<hbm>>
    %dma_start3A_49 = tpu.memref_squeeze %dma_start3A_48 : memref<1x1x2x80xi32, #tpu.memory_space<hbm>> -> memref<2x80xi32, #tpu.memory_space<hbm>>
    %dma_start3A_50 = arith.constant 0 : i32
    %dma_start3A_51 = arith.constant 0 : i32
    %dma_start3A_52 = tpu.memref_slice %arg6[%dma_start3A_41, %dma_start3A_50, %dma_start3A_51] : memref<8x2x80xi32, #tpu.memory_space<vmem>> -> memref<1x2x80xi32, #tpu.memory_space<vmem>>
    %dma_start3A_53 = tpu.memref_squeeze %dma_start3A_52 : memref<1x2x80xi32, #tpu.memory_space<vmem>> -> memref<2x80xi32, #tpu.memory_space<vmem>>
    %dma_start3A_54 = arith.constant 0 : i32
    %dma_start3A_55 = arith.constant 0 : i32
    %dma_start3A_56 = tpu.memref_slice %arg3[%add3A, %dma_start3A_40, %dma_start3A_54, %dma_start3A_55] : memref<32x125x2x80xi32, #tpu.memory_space<hbm>> -> memref<1x1x2x80xi32, #tpu.memory_space<hbm>>
    %dma_start3A_57 = tpu.memref_squeeze %dma_start3A_56 : memref<1x1x2x80xi32, #tpu.memory_space<hbm>> -> memref<2x80xi32, #tpu.memory_space<hbm>>
    tpu.enqueue_dma source(%dma_start3A_57 : memref<2x80xi32, #tpu.memory_space<hbm>>) target(%dma_start3A_53 : memref<2x80xi32, #tpu.memory_space<vmem>>) target_semaphore(%arg19 : memref<!tpu.dma_semaphore, #tpu.memory_space<semaphore_mem>>)
    %dma_start3A_58 = arith.constant 3 : i32
    %dma_start3A_59 = arith.constant 3 : i32
    %dma_start3A_60 = arith.constant 0 : i32
    %dma_start3A_61 = arith.constant 0 : i32
    %dma_start3A_62 = tpu.memref_slice %arg6[%dma_start3A_59, %dma_start3A_60, %dma_start3A_61] : memref<8x2x80xi32, #tpu.memory_space<vmem>> -> memref<1x2x80xi32, #tpu.memory_space<vmem>>
    %dma_start3A_63 = tpu.memref_squeeze %dma_start3A_62 : memref<1x2x80xi32, #tpu.memory_space<vmem>> -> memref<2x80xi32, #tpu.memory_space<vmem>>
    %dma_start3A_64 = arith.constant 0 : i32
    %dma_start3A_65 = arith.constant 0 : i32
    %dma_start3A_66 = tpu.memref_slice %arg3[%add3A, %dma_start3A_58, %dma_start3A_64, %dma_start3A_65] : memref<32x125x2x80xi32, #tpu.memory_space<hbm>> -> memref<1x1x2x80xi32, #tpu.memory_space<hbm>>
    %dma_start3A_67 = tpu.memref_squeeze %dma_start3A_66 : memref<1x1x2x80xi32, #tpu.memory_space<hbm>> -> memref<2x80xi32, #tpu.memory_space<hbm>>
    %dma_start3A_68 = arith.constant 0 : i32
    %dma_start3A_69 = arith.constant 0 : i32
    %dma_start3A_70 = tpu.memref_slice %arg6[%dma_start3A_59, %dma_start3A_68, %dma_start3A_69] : memref<8x2x80xi32, #tpu.memory_space<vmem>> -> memref<1x2x80xi32, #tpu.memory_space<vmem>>
    %dma_start3A_71 = tpu.memref_squeeze %dma_start3A_70 : memref<1x2x80xi32, #tpu.memory_space<vmem>> -> memref<2x80xi32, #tpu.memory_space<vmem>>
    %dma_start3A_72 = arith.constant 0 : i32
    %dma_start3A_73 = arith.constant 0 : i32
    %dma_start3A_74 = tpu.memref_slice %arg3[%add3A, %dma_start3A_58, %dma_start3A_72, %dma_start3A_73] : memref<32x125x2x80xi32, #tpu.memory_space<hbm>> -> memref<1x1x2x80xi32, #tpu.memory_space<hbm>>
    %dma_start3A_75 = tpu.memref_squeeze %dma_start3A_74 : memref<1x1x2x80xi32, #tpu.memory_space<hbm>> -> memref<2x80xi32, #tpu.memory_space<hbm>>
    tpu.enqueue_dma source(%dma_start3A_75 : memref<2x80xi32, #tpu.memory_space<hbm>>) target(%dma_start3A_71 : memref<2x80xi32, #tpu.memory_space<vmem>>) target_semaphore(%arg20 : memref<!tpu.dma_semaphore, #tpu.memory_space<semaphore_mem>>)
    %dma_start3A_76 = arith.constant 4 : i32
    %dma_start3A_77 = arith.constant 4 : i32
    %dma_start3A_78 = arith.constant 0 : i32
    %dma_start3A_79 = arith.constant 0 : i32
    %dma_start3A_80 = tpu.memref_slice %arg6[%dma_start3A_77, %dma_start3A_78, %dma_start3A_79] : memref<8x2x80xi32, #tpu.memory_space<vmem>> -> memref<1x2x80xi32, #tpu.memory_space<vmem>>
    %dma_start3A_81 = tpu.memref_squeeze %dma_start3A_80 : memref<1x2x80xi32, #tpu.memory_space<vmem>> -> memref<2x80xi32, #tpu.memory_space<vmem>>
    %dma_start3A_82 = arith.constant 0 : i32
    %dma_start3A_83 = arith.constant 0 : i32
    %dma_start3A_84 = tpu.memref_slice %arg3[%add3A, %dma_start3A_76, %dma_start3A_82, %dma_start3A_83] : memref<32x125x2x80xi32, #tpu.memory_space<hbm>> -> memref<1x1x2x80xi32, #tpu.memory_space<hbm>>
    %dma_start3A_85 = tpu.memref_squeeze %dma_start3A_84 : memref<1x1x2x80xi32, #tpu.memory_space<hbm>> -> memref<2x80xi32, #tpu.memory_space<hbm>>
    %dma_start3A_86 = arith.constant 0 : i32
    %dma_start3A_87 = arith.constant 0 : i32
    %dma_start3A_88 = tpu.memref_slice %arg6[%dma_start3A_77, %dma_start3A_86, %dma_start3A_87] : memref<8x2x80xi32, #tpu.memory_space<vmem>> -> memref<1x2x80xi32, #tpu.memory_space<vmem>>
    %dma_start3A_89 = tpu.memref_squeeze %dma_start3A_88 : memref<1x2x80xi32, #tpu.memory_space<vmem>> -> memref<2x80xi32, #tpu.memory_space<vmem>>
    %dma_start3A_90 = arith.constant 0 : i32
    %dma_start3A_91 = arith.constant 0 : i32
    %dma_start3A_92 = tpu.memref_slice %arg3[%add3A, %dma_start3A_76, %dma_start3A_90, %dma_start3A_91] : memref<32x125x2x80xi32, #tpu.memory_space<hbm>> -> memref<1x1x2x80xi32, #tpu.memory_space<hbm>>
    %dma_start3A_93 = tpu.memref_squeeze %dma_start3A_92 : memref<1x1x2x80xi32, #tpu.memory_space<hbm>> -> memref<2x80xi32, #tpu.memory_space<hbm>>
    tpu.enqueue_dma source(%dma_start3A_93 : memref<2x80xi32, #tpu.memory_space<hbm>>) target(%dma_start3A_89 : memref<2x80xi32, #tpu.memory_space<vmem>>) target_semaphore(%arg21 : memref<!tpu.dma_semaphore, #tpu.memory_space<semaphore_mem>>)
    %dma_wait3A = arith.constant 0 : i32
    %dma_wait3A_94 = arith.constant 0 : i32
    %dma_wait3A_95 = arith.constant 0 : i32
    %dma_wait3A_96 = arith.constant 0 : i32
    %dma_wait3A_97 = tpu.memref_slice %arg6[%dma_wait3A_94, %dma_wait3A_95, %dma_wait3A_96] : memref<8x2x80xi32, #tpu.memory_space<vmem>> -> memref<1x2x80xi32, #tpu.memory_space<vmem>>
    %dma_wait3A_98 = tpu.memref_squeeze %dma_wait3A_97 : memref<1x2x80xi32, #tpu.memory_space<vmem>> -> memref<2x80xi32, #tpu.memory_space<vmem>>
    %dma_wait3A_99 = arith.constant 0 : i32
    %dma_wait3A_100 = arith.constant 0 : i32
    %dma_wait3A_101 = tpu.memref_slice %arg3[%add3A, %dma_wait3A, %dma_wait3A_99, %dma_wait3A_100] : memref<32x125x2x80xi32, #tpu.memory_space<hbm>> -> memref<1x1x2x80xi32, #tpu.memory_space<hbm>>
    %dma_wait3A_102 = tpu.memref_squeeze %dma_wait3A_101 : memref<1x1x2x80xi32, #tpu.memory_space<hbm>> -> memref<2x80xi32, #tpu.memory_space<hbm>>
    %dma_wait3A_103 = arith.constant 0 : i32
    %dma_wait3A_104 = arith.constant 0 : i32
    %dma_wait3A_105 = tpu.memref_slice %arg6[%dma_wait3A_94, %dma_wait3A_103, %dma_wait3A_104] : memref<8x2x80xi32, #tpu.memory_space<vmem>> -> memref<1x2x80xi32, #tpu.memory_space<vmem>>
    %dma_wait3A_106 = tpu.memref_squeeze %dma_wait3A_105 : memref<1x2x80xi32, #tpu.memory_space<vmem>> -> memref<2x80xi32, #tpu.memory_space<vmem>>
    %dma_wait3A_107 = arith.constant 0 : i32
    %dma_wait3A_108 = arith.constant 0 : i32
    %dma_wait3A_109 = tpu.memref_slice %arg3[%add3A, %dma_wait3A, %dma_wait3A_107, %dma_wait3A_108] : memref<32x125x2x80xi32, #tpu.memory_space<hbm>> -> memref<1x1x2x80xi32, #tpu.memory_space<hbm>>
    %dma_wait3A_110 = tpu.memref_squeeze %dma_wait3A_109 : memref<1x1x2x80xi32, #tpu.memory_space<hbm>> -> memref<2x80xi32, #tpu.memory_space<hbm>>
    tpu.wait_dma2 semaphore(%arg17 : memref<!tpu.dma_semaphore, #tpu.memory_space<semaphore_mem>>) src(%dma_wait3A_110 : memref<2x80xi32, #tpu.memory_space<hbm>>) dst(%dma_wait3A_106 : memref<2x80xi32, #tpu.memory_space<vmem>>)
    %dma_start3A_111 = arith.constant 0 : i32
    %dma_start3A_112 = arith.constant 0 : i32
    %dma_start3A_113 = arith.constant 0 : i32
    %dma_start3A_114 = arith.constant 0 : i32
    %dma_start3A_115 = arith.constant 0 : i32
    %dma_start3A_116 = tpu.memref_slice %arg7[%dma_start3A_113, %dma_start3A_114, %dma_start3A_115] : memref<4x80x128xf32, #tpu.memory_space<vmem>> -> memref<1x80x128xf32, #tpu.memory_space<vmem>>
    %dma_start3A_117 = tpu.memref_squeeze %dma_start3A_116 : memref<1x80x128xf32, #tpu.memory_space<vmem>> -> memref<80x128xf32, #tpu.memory_space<vmem>>
    %dma_start3A_118 = arith.constant 0 : i32
    %dma_start3A_119 = tpu.memref_slice %arg6[%dma_start3A_111, %dma_start3A_112, %dma_start3A_118] : memref<8x2x80xi32, #tpu.memory_space<vmem>> -> memref<1x1x80xi32, #tpu.memory_space<vmem>>
    %dma_start3A_120 = tpu.memref_squeeze %dma_start3A_119 : memref<1x1x80xi32, #tpu.memory_space<vmem>> -> memref<80xi32, #tpu.memory_space<vmem>>
    %dma_start3A_121 = arith.constant 0 : i32
    %dma_start3A_122 = arith.constant 0 : i32
    %dma_start3A_123 = tpu.memref_slice %arg2[%dma_start3A_121, %dma_start3A_122] : memref<10000x128xf32, #tpu.memory_space<hbm>> -> memref<10000x128xf32, #tpu.memory_space<hbm>>
    tpu.enqueue_indirect_dma source(%dma_start3A_123 : memref<10000x128xf32, #tpu.memory_space<hbm>>) target(%dma_start3A_117 : memref<80x128xf32, #tpu.memory_space<vmem>>) offsets(%dma_start3A_120 : memref<80xi32, #tpu.memory_space<vmem>>) semaphore(%arg9 : memref<!tpu.dma_semaphore, #tpu.memory_space<semaphore_mem>>)
    %dma_wait3A_124 = arith.constant 1 : i32
    %dma_wait3A_125 = arith.constant 1 : i32
    %dma_wait3A_126 = arith.constant 0 : i32
    %dma_wait3A_127 = arith.constant 0 : i32
    %dma_wait3A_128 = tpu.memref_slice %arg6[%dma_wait3A_125, %dma_wait3A_126, %dma_wait3A_127] : memref<8x2x80xi32, #tpu.memory_space<vmem>> -> memref<1x2x80xi32, #tpu.memory_space<vmem>>
    %dma_wait3A_129 = tpu.memref_squeeze %dma_wait3A_128 : memref<1x2x80xi32, #tpu.memory_space<vmem>> -> memref<2x80xi32, #tpu.memory_space<vmem>>
    %dma_wait3A_130 = arith.constant 0 : i32
    %dma_wait3A_131 = arith.constant 0 : i32
    %dma_wait3A_132 = tpu.memref_slice %arg3[%add3A, %dma_wait3A_124, %dma_wait3A_130, %dma_wait3A_131] : memref<32x125x2x80xi32, #tpu.memory_space<hbm>> -> memref<1x1x2x80xi32, #tpu.memory_space<hbm>>
    %dma_wait3A_133 = tpu.memref_squeeze %dma_wait3A_132 : memref<1x1x2x80xi32, #tpu.memory_space<hbm>> -> memref<2x80xi32, #tpu.memory_space<hbm>>
    %dma_wait3A_134 = arith.constant 0 : i32
    %dma_wait3A_135 = arith.constant 0 : i32
    %dma_wait3A_136 = tpu.memref_slice %arg6[%dma_wait3A_125, %dma_wait3A_134, %dma_wait3A_135] : memref<8x2x80xi32, #tpu.memory_space<vmem>> -> memref<1x2x80xi32, #tpu.memory_space<vmem>>
    %dma_wait3A_137 = tpu.memref_squeeze %dma_wait3A_136 : memref<1x2x80xi32, #tpu.memory_space<vmem>> -> memref<2x80xi32, #tpu.memory_space<vmem>>
    %dma_wait3A_138 = arith.constant 0 : i32
    %dma_wait3A_139 = arith.constant 0 : i32
    %dma_wait3A_140 = tpu.memref_slice %arg3[%add3A, %dma_wait3A_124, %dma_wait3A_138, %dma_wait3A_139] : memref<32x125x2x80xi32, #tpu.memory_space<hbm>> -> memref<1x1x2x80xi32, #tpu.memory_space<hbm>>
    %dma_wait3A_141 = tpu.memref_squeeze %dma_wait3A_140 : memref<1x1x2x80xi32, #tpu.memory_space<hbm>> -> memref<2x80xi32, #tpu.memory_space<hbm>>
    tpu.wait_dma2 semaphore(%arg18 : memref<!tpu.dma_semaphore, #tpu.memory_space<semaphore_mem>>) src(%dma_wait3A_141 : memref<2x80xi32, #tpu.memory_space<hbm>>) dst(%dma_wait3A_137 : memref<2x80xi32, #tpu.memory_space<vmem>>)
    %dma_start3A_142 = arith.constant 1 : i32
    %dma_start3A_143 = arith.constant 0 : i32
    %dma_start3A_144 = arith.constant 1 : i32
    %dma_start3A_145 = arith.constant 0 : i32
    %dma_start3A_146 = arith.constant 0 : i32
    %dma_start3A_147 = tpu.memref_slice %arg7[%dma_start3A_144, %dma_start3A_145, %dma_start3A_146] : memref<4x80x128xf32, #tpu.memory_space<vmem>> -> memref<1x80x128xf32, #tpu.memory_space<vmem>>
    %dma_start3A_148 = tpu.memref_squeeze %dma_start3A_147 : memref<1x80x128xf32, #tpu.memory_space<vmem>> -> memref<80x128xf32, #tpu.memory_space<vmem>>
    %dma_start3A_149 = arith.constant 0 : i32
    %dma_start3A_150 = tpu.memref_slice %arg6[%dma_start3A_142, %dma_start3A_143, %dma_start3A_149] : memref<8x2x80xi32, #tpu.memory_space<vmem>> -> memref<1x1x80xi32, #tpu.memory_space<vmem>>
    %dma_start3A_151 = tpu.memref_squeeze %dma_start3A_150 : memref<1x1x80xi32, #tpu.memory_space<vmem>> -> memref<80xi32, #tpu.memory_space<vmem>>
    %dma_start3A_152 = arith.constant 0 : i32
    %dma_start3A_153 = arith.constant 0 : i32
    %dma_start3A_154 = tpu.memref_slice %arg2[%dma_start3A_152, %dma_start3A_153] : memref<10000x128xf32, #tpu.memory_space<hbm>> -> memref<10000x128xf32, #tpu.memory_space<hbm>>
    tpu.enqueue_indirect_dma source(%dma_start3A_154 : memref<10000x128xf32, #tpu.memory_space<hbm>>) target(%dma_start3A_148 : memref<80x128xf32, #tpu.memory_space<vmem>>) offsets(%dma_start3A_151 : memref<80xi32, #tpu.memory_space<vmem>>) semaphore(%arg10 : memref<!tpu.dma_semaphore, #tpu.memory_space<semaphore_mem>>)
    %dma_wait3A_155 = arith.constant 2 : i32
    %dma_wait3A_156 = arith.constant 2 : i32
    %dma_wait3A_157 = arith.constant 0 : i32
    %dma_wait3A_158 = arith.constant 0 : i32
    %dma_wait3A_159 = tpu.memref_slice %arg6[%dma_wait3A_156, %dma_wait3A_157, %dma_wait3A_158] : memref<8x2x80xi32, #tpu.memory_space<vmem>> -> memref<1x2x80xi32, #tpu.memory_space<vmem>>
    %dma_wait3A_160 = tpu.memref_squeeze %dma_wait3A_159 : memref<1x2x80xi32, #tpu.memory_space<vmem>> -> memref<2x80xi32, #tpu.memory_space<vmem>>
    %dma_wait3A_161 = arith.constant 0 : i32
    %dma_wait3A_162 = arith.constant 0 : i32
    %dma_wait3A_163 = tpu.memref_slice %arg3[%add3A, %dma_wait3A_155, %dma_wait3A_161, %dma_wait3A_162] : memref<32x125x2x80xi32, #tpu.memory_space<hbm>> -> memref<1x1x2x80xi32, #tpu.memory_space<hbm>>
    %dma_wait3A_164 = tpu.memref_squeeze %dma_wait3A_163 : memref<1x1x2x80xi32, #tpu.memory_space<hbm>> -> memref<2x80xi32, #tpu.memory_space<hbm>>
    %dma_wait3A_165 = arith.constant 0 : i32
    %dma_wait3A_166 = arith.constant 0 : i32
    %dma_wait3A_167 = tpu.memref_slice %arg6[%dma_wait3A_156, %dma_wait3A_165, %dma_wait3A_166] : memref<8x2x80xi32, #tpu.memory_space<vmem>> -> memref<1x2x80xi32, #tpu.memory_space<vmem>>
    %dma_wait3A_168 = tpu.memref_squeeze %dma_wait3A_167 : memref<1x2x80xi32, #tpu.memory_space<vmem>> -> memref<2x80xi32, #tpu.memory_space<vmem>>
    %dma_wait3A_169 = arith.constant 0 : i32
    %dma_wait3A_170 = arith.constant 0 : i32
    %dma_wait3A_171 = tpu.memref_slice %arg3[%add3A, %dma_wait3A_155, %dma_wait3A_169, %dma_wait3A_170] : memref<32x125x2x80xi32, #tpu.memory_space<hbm>> -> memref<1x1x2x80xi32, #tpu.memory_space<hbm>>
    %dma_wait3A_172 = tpu.memref_squeeze %dma_wait3A_171 : memref<1x1x2x80xi32, #tpu.memory_space<hbm>> -> memref<2x80xi32, #tpu.memory_space<hbm>>
    tpu.wait_dma2 semaphore(%arg19 : memref<!tpu.dma_semaphore, #tpu.memory_space<semaphore_mem>>) src(%dma_wait3A_172 : memref<2x80xi32, #tpu.memory_space<hbm>>) dst(%dma_wait3A_168 : memref<2x80xi32, #tpu.memory_space<vmem>>)
    %dma_start3A_173 = arith.constant 2 : i32
    %dma_start3A_174 = arith.constant 0 : i32
    %dma_start3A_175 = arith.constant 2 : i32
    %dma_start3A_176 = arith.constant 0 : i32
    %dma_start3A_177 = arith.constant 0 : i32
    %dma_start3A_178 = tpu.memref_slice %arg7[%dma_start3A_175, %dma_start3A_176, %dma_start3A_177] : memref<4x80x128xf32, #tpu.memory_space<vmem>> -> memref<1x80x128xf32, #tpu.memory_space<vmem>>
    %dma_start3A_179 = tpu.memref_squeeze %dma_start3A_178 : memref<1x80x128xf32, #tpu.memory_space<vmem>> -> memref<80x128xf32, #tpu.memory_space<vmem>>
    %dma_start3A_180 = arith.constant 0 : i32
    %dma_start3A_181 = tpu.memref_slice %arg6[%dma_start3A_173, %dma_start3A_174, %dma_start3A_180] : memref<8x2x80xi32, #tpu.memory_space<vmem>> -> memref<1x1x80xi32, #tpu.memory_space<vmem>>
    %dma_start3A_182 = tpu.memref_squeeze %dma_start3A_181 : memref<1x1x80xi32, #tpu.memory_space<vmem>> -> memref<80xi32, #tpu.memory_space<vmem>>
    %dma_start3A_183 = arith.constant 0 : i32
    %dma_start3A_184 = arith.constant 0 : i32
    %dma_start3A_185 = tpu.memref_slice %arg2[%dma_start3A_183, %dma_start3A_184] : memref<10000x128xf32, #tpu.memory_space<hbm>> -> memref<10000x128xf32, #tpu.memory_space<hbm>>
    tpu.enqueue_indirect_dma source(%dma_start3A_185 : memref<10000x128xf32, #tpu.memory_space<hbm>>) target(%dma_start3A_179 : memref<80x128xf32, #tpu.memory_space<vmem>>) offsets(%dma_start3A_182 : memref<80xi32, #tpu.memory_space<vmem>>) semaphore(%arg11 : memref<!tpu.dma_semaphore, #tpu.memory_space<semaphore_mem>>)
    %barrier3A = arith.constant 0 : index
    tpu.barrier barrier_id(%barrier3A)
    %scan3A = arith.constant 0 : i32
    %scan3A_186 = arith.constant 15 : i32
    %scan3A_187 = arith.addi %scan3A, %scan3A_186 : i32
    %scan3A_188 = arith.constant 1 : i32
    scf.for %scan3A_465 = %scan3A to %scan3A_187 step %scan3A_188  : i32 {
      %mul3A_466 = arith.constant 8 : i32
      %mul3A_467 = arith.muli %scan3A_465, %mul3A_466 : i32
      %add3A_468 = arith.constant 0 : i32
      %add3A_469 = arith.addi %add3A_468, %mul3A_467 : i32
      %add3A_470 = arith.constant 0 : i32
      %add3A_471 = arith.addi %add3A_469, %add3A_470 : i32
      %dma_wait3A_472 = arith.constant 0 : i32
      %dma_wait3A_473 = arith.constant 0 : i32
      %dma_wait3A_474 = arith.constant 0 : i32
      %dma_wait3A_475 = arith.constant 0 : i32
      %dma_wait3A_476 = arith.constant 0 : i32
      %dma_wait3A_477 = tpu.memref_slice %arg7[%dma_wait3A_474, %dma_wait3A_475, %dma_wait3A_476] : memref<4x80x128xf32, #tpu.memory_space<vmem>> -> memref<1x80x128xf32, #tpu.memory_space<vmem>>
      %dma_wait3A_478 = tpu.memref_squeeze %dma_wait3A_477 : memref<1x80x128xf32, #tpu.memory_space<vmem>> -> memref<80x128xf32, #tpu.memory_space<vmem>>
      %dma_wait3A_479 = arith.constant 0 : i32
      %dma_wait3A_480 = tpu.memref_slice %arg6[%dma_wait3A_472, %dma_wait3A_473, %dma_wait3A_479] : memref<8x2x80xi32, #tpu.memory_space<vmem>> -> memref<1x1x80xi32, #tpu.memory_space<vmem>>
      %dma_wait3A_481 = tpu.memref_squeeze %dma_wait3A_480 : memref<1x1x80xi32, #tpu.memory_space<vmem>> -> memref<80xi32, #tpu.memory_space<vmem>>
      %dma_wait3A_482 = arith.constant 0 : i32
      %dma_wait3A_483 = arith.constant 0 : i32
      %dma_wait3A_484 = tpu.memref_slice %arg2[%dma_wait3A_482, %dma_wait3A_483] : memref<10000x128xf32, #tpu.memory_space<hbm>> -> memref<10000x128xf32, #tpu.memory_space<hbm>>
      tpu.wait_indirect_dma semaphore(%arg9 : memref<!tpu.dma_semaphore, #tpu.memory_space<semaphore_mem>>) src(%dma_wait3A_484 : memref<10000x128xf32, #tpu.memory_space<hbm>>) dst(%dma_wait3A_478 : memref<80x128xf32, #tpu.memory_space<vmem>>)
      %dma_start3A_485 = arith.constant 0 : i32
      %dma_start3A_486 = arith.constant 0 : i32
      %dma_start3A_487 = arith.constant 1 : i32
      %dma_start3A_488 = arith.constant 0 : i32
      %dma_start3A_489 = arith.constant 0 : i32
      %dma_start3A_490 = tpu.memref_slice %arg7[%dma_start3A_485, %dma_start3A_488, %dma_start3A_489] : memref<4x80x128xf32, #tpu.memory_space<vmem>> -> memref<1x80x128xf32, #tpu.memory_space<vmem>>
      %dma_start3A_491 = tpu.memref_squeeze %dma_start3A_490 : memref<1x80x128xf32, #tpu.memory_space<vmem>> -> memref<80x128xf32, #tpu.memory_space<vmem>>
      %dma_start3A_492 = arith.constant 0 : i32
      %dma_start3A_493 = tpu.memref_slice %arg6[%dma_start3A_486, %dma_start3A_487, %dma_start3A_492] : memref<8x2x80xi32, #tpu.memory_space<vmem>> -> memref<1x1x80xi32, #tpu.memory_space<vmem>>
      %dma_start3A_494 = tpu.memref_squeeze %dma_start3A_493 : memref<1x1x80xi32, #tpu.memory_space<vmem>> -> memref<80xi32, #tpu.memory_space<vmem>>
      %dma_start3A_495 = arith.constant 0 : i32
      %dma_start3A_496 = arith.constant 0 : i32
      %dma_start3A_497 = tpu.memref_slice %arg8[%dma_start3A_495, %dma_start3A_496] : memref<10112x128xf32, #tpu.memory_space<vmem_shared>> -> memref<10112x128xf32, #tpu.memory_space<vmem_shared>>
      tpu.enqueue_indirect_dma source(%dma_start3A_491 : memref<80x128xf32, #tpu.memory_space<vmem>>) target(%dma_start3A_497 : memref<10112x128xf32, #tpu.memory_space<vmem_shared>>) offsets(%dma_start3A_494 : memref<80xi32, #tpu.memory_space<vmem>>) semaphore(%arg13 : memref<!tpu.dma_semaphore, #tpu.memory_space<semaphore_mem>>) {add = true}
      %ge3A = arith.constant 1 : i32
      %ge3A_498 = arith.cmpi sge, %add3A_471, %ge3A : i32
      %convert_element_type3A = arith.extui %ge3A_498 : i1 to i32
      %cond3A = arith.constant 0 : i32
      %cond3A_499 = arith.cmpi ne, %convert_element_type3A, %cond3A : i32
      scf.if %cond3A_499 {
        %dma_wait3A_1139 = arith.constant 3 : i32
        %dma_wait3A_1140 = arith.constant 0 : i32
        %dma_wait3A_1141 = arith.constant 1 : i32
        %dma_wait3A_1142 = arith.constant 0 : i32
        %dma_wait3A_1143 = arith.constant 0 : i32
        %dma_wait3A_1144 = tpu.memref_slice %arg7[%dma_wait3A_1139, %dma_wait3A_1142, %dma_wait3A_1143] : memref<4x80x128xf32, #tpu.memory_space<vmem>> -> memref<1x80x128xf32, #tpu.memory_space<vmem>>
        %dma_wait3A_1145 = tpu.memref_squeeze %dma_wait3A_1144 : memref<1x80x128xf32, #tpu.memory_space<vmem>> -> memref<80x128xf32, #tpu.memory_space<vmem>>
        %dma_wait3A_1146 = arith.constant 0 : i32
        %dma_wait3A_1147 = tpu.memref_slice %arg6[%dma_wait3A_1140, %dma_wait3A_1141, %dma_wait3A_1146] : memref<8x2x80xi32, #tpu.memory_space<vmem>> -> memref<1x1x80xi32, #tpu.memory_space<vmem>>
        %dma_wait3A_1148 = tpu.memref_squeeze %dma_wait3A_1147 : memref<1x1x80xi32, #tpu.memory_space<vmem>> -> memref<80xi32, #tpu.memory_space<vmem>>
        %dma_wait3A_1149 = arith.constant 0 : i32
        %dma_wait3A_1150 = arith.constant 0 : i32
        %dma_wait3A_1151 = tpu.memref_slice %arg8[%dma_wait3A_1149, %dma_wait3A_1150] : memref<10112x128xf32, #tpu.memory_space<vmem_shared>> -> memref<10112x128xf32, #tpu.memory_space<vmem_shared>>
        tpu.wait_indirect_dma semaphore(%arg16 : memref<!tpu.dma_semaphore, #tpu.memory_space<semaphore_mem>>) src(%dma_wait3A_1145 : memref<80x128xf32, #tpu.memory_space<vmem>>) dst(%dma_wait3A_1151 : memref<10112x128xf32, #tpu.memory_space<vmem_shared>>)
      } else {
      }
      %add3A_500 = arith.constant 3 : i32
      %add3A_501 = arith.addi %add3A_471, %add3A_500 : i32
      %dma_wait3A_502 = arith.constant 3 : i32
      %dma_wait3A_503 = arith.constant 0 : i32
      %dma_wait3A_504 = arith.constant 0 : i32
      %dma_wait3A_505 = tpu.memref_slice %arg6[%dma_wait3A_502, %dma_wait3A_503, %dma_wait3A_504] : memref<8x2x80xi32, #tpu.memory_space<vmem>> -> memref<1x2x80xi32, #tpu.memory_space<vmem>>
      %dma_wait3A_506 = tpu.memref_squeeze %dma_wait3A_505 : memref<1x2x80xi32, #tpu.memory_space<vmem>> -> memref<2x80xi32, #tpu.memory_space<vmem>>
      %dma_wait3A_507 = arith.constant 0 : i32
      %dma_wait3A_508 = arith.constant 0 : i32
      %dma_wait3A_509 = tpu.memref_slice %arg3[%add3A, %add3A_501, %dma_wait3A_507, %dma_wait3A_508] : memref<32x125x2x80xi32, #tpu.memory_space<hbm>> -> memref<1x1x2x80xi32, #tpu.memory_space<hbm>>
      %dma_wait3A_510 = tpu.memref_squeeze %dma_wait3A_509 : memref<1x1x2x80xi32, #tpu.memory_space<hbm>> -> memref<2x80xi32, #tpu.memory_space<hbm>>
      %dma_wait3A_511 = arith.constant 0 : i32
      %dma_wait3A_512 = arith.constant 0 : i32
      %dma_wait3A_513 = tpu.memref_slice %arg6[%dma_wait3A_502, %dma_wait3A_511, %dma_wait3A_512] : memref<8x2x80xi32, #tpu.memory_space<vmem>> -> memref<1x2x80xi32, #tpu.memory_space<vmem>>
      %dma_wait3A_514 = tpu.memref_squeeze %dma_wait3A_513 : memref<1x2x80xi32, #tpu.memory_space<vmem>> -> memref<2x80xi32, #tpu.memory_space<vmem>>
      %dma_wait3A_515 = arith.constant 0 : i32
      %dma_wait3A_516 = arith.constant 0 : i32
      %dma_wait3A_517 = tpu.memref_slice %arg3[%add3A, %add3A_501, %dma_wait3A_515, %dma_wait3A_516] : memref<32x125x2x80xi32, #tpu.memory_space<hbm>> -> memref<1x1x2x80xi32, #tpu.memory_space<hbm>>
      %dma_wait3A_518 = tpu.memref_squeeze %dma_wait3A_517 : memref<1x1x2x80xi32, #tpu.memory_space<hbm>> -> memref<2x80xi32, #tpu.memory_space<hbm>>
      tpu.wait_dma2 semaphore(%arg20 : memref<!tpu.dma_semaphore, #tpu.memory_space<semaphore_mem>>) src(%dma_wait3A_518 : memref<2x80xi32, #tpu.memory_space<hbm>>) dst(%dma_wait3A_514 : memref<2x80xi32, #tpu.memory_space<vmem>>)
      %dma_start3A_519 = arith.constant 3 : i32
      %dma_start3A_520 = arith.constant 0 : i32
      %dma_start3A_521 = arith.constant 3 : i32
      %dma_start3A_522 = arith.constant 0 : i32
      %dma_start3A_523 = arith.constant 0 : i32
      %dma_start3A_524 = tpu.memref_slice %arg7[%dma_start3A_521, %dma_start3A_522, %dma_start3A_523] : memref<4x80x128xf32, #tpu.memory_space<vmem>> -> memref<1x80x128xf32, #tpu.memory_space<vmem>>
      %dma_start3A_525 = tpu.memref_squeeze %dma_start3A_524 : memref<1x80x128xf32, #tpu.memory_space<vmem>> -> memref<80x128xf32, #tpu.memory_space<vmem>>
      %dma_start3A_526 = arith.constant 0 : i32
      %dma_start3A_527 = tpu.memref_slice %arg6[%dma_start3A_519, %dma_start3A_520, %dma_start3A_526] : memref<8x2x80xi32, #tpu.memory_space<vmem>> -> memref<1x1x80xi32, #tpu.memory_space<vmem>>
      %dma_start3A_528 = tpu.memref_squeeze %dma_start3A_527 : memref<1x1x80xi32, #tpu.memory_space<vmem>> -> memref<80xi32, #tpu.memory_space<vmem>>
      %dma_start3A_529 = arith.constant 0 : i32
      %dma_start3A_530 = arith.constant 0 : i32
      %dma_start3A_531 = tpu.memref_slice %arg2[%dma_start3A_529, %dma_start3A_530] : memref<10000x128xf32, #tpu.memory_space<hbm>> -> memref<10000x128xf32, #tpu.memory_space<hbm>>
      tpu.enqueue_indirect_dma source(%dma_start3A_531 : memref<10000x128xf32, #tpu.memory_space<hbm>>) target(%dma_start3A_525 : memref<80x128xf32, #tpu.memory_space<vmem>>) offsets(%dma_start3A_528 : memref<80xi32, #tpu.memory_space<vmem>>) semaphore(%arg12 : memref<!tpu.dma_semaphore, #tpu.memory_space<semaphore_mem>>)
      %add3A_532 = arith.constant 5 : i32
      %add3A_533 = arith.addi %add3A_471, %add3A_532 : i32
      %dma_start3A_534 = arith.constant 5 : i32
      %dma_start3A_535 = arith.constant 0 : i32
      %dma_start3A_536 = arith.constant 0 : i32
      %dma_start3A_537 = tpu.memref_slice %arg6[%dma_start3A_534, %dma_start3A_535, %dma_start3A_536] : memref<8x2x80xi32, #tpu.memory_space<vmem>> -> memref<1x2x80xi32, #tpu.memory_space<vmem>>
      %dma_start3A_538 = tpu.memref_squeeze %dma_start3A_537 : memref<1x2x80xi32, #tpu.memory_space<vmem>> -> memref<2x80xi32, #tpu.memory_space<vmem>>
      %dma_start3A_539 = arith.constant 0 : i32
      %dma_start3A_540 = arith.constant 0 : i32
      %dma_start3A_541 = tpu.memref_slice %arg3[%add3A, %add3A_533, %dma_start3A_539, %dma_start3A_540] : memref<32x125x2x80xi32, #tpu.memory_space<hbm>> -> memref<1x1x2x80xi32, #tpu.memory_space<hbm>>
      %dma_start3A_542 = tpu.memref_squeeze %dma_start3A_541 : memref<1x1x2x80xi32, #tpu.memory_space<hbm>> -> memref<2x80xi32, #tpu.memory_space<hbm>>
      %dma_start3A_543 = arith.constant 0 : i32
      %dma_start3A_544 = arith.constant 0 : i32
      %dma_start3A_545 = tpu.memref_slice %arg6[%dma_start3A_534, %dma_start3A_543, %dma_start3A_544] : memref<8x2x80xi32, #tpu.memory_space<vmem>> -> memref<1x2x80xi32, #tpu.memory_space<vmem>>
      %dma_start3A_546 = tpu.memref_squeeze %dma_start3A_545 : memref<1x2x80xi32, #tpu.memory_space<vmem>> -> memref<2x80xi32, #tpu.memory_space<vmem>>
      %dma_start3A_547 = arith.constant 0 : i32
      %dma_start3A_548 = arith.constant 0 : i32
      %dma_start3A_549 = tpu.memref_slice %arg3[%add3A, %add3A_533, %dma_start3A_547, %dma_start3A_548] : memref<32x125x2x80xi32, #tpu.memory_space<hbm>> -> memref<1x1x2x80xi32, #tpu.memory_space<hbm>>
      %dma_start3A_550 = tpu.memref_squeeze %dma_start3A_549 : memref<1x1x2x80xi32, #tpu.memory_space<hbm>> -> memref<2x80xi32, #tpu.memory_space<hbm>>
      tpu.enqueue_dma source(%dma_start3A_550 : memref<2x80xi32, #tpu.memory_space<hbm>>) target(%dma_start3A_546 : memref<2x80xi32, #tpu.memory_space<vmem>>) target_semaphore(%arg22 : memref<!tpu.dma_semaphore, #tpu.memory_space<semaphore_mem>>)
      %add3A_551 = arith.constant 1 : i32
      %add3A_552 = arith.addi %add3A_469, %add3A_551 : i32
      %dma_wait3A_553 = arith.constant 1 : i32
      %dma_wait3A_554 = arith.constant 0 : i32
      %dma_wait3A_555 = arith.constant 1 : i32
      %dma_wait3A_556 = arith.constant 0 : i32
      %dma_wait3A_557 = arith.constant 0 : i32
      %dma_wait3A_558 = tpu.memref_slice %arg7[%dma_wait3A_555, %dma_wait3A_556, %dma_wait3A_557] : memref<4x80x128xf32, #tpu.memory_space<vmem>> -> memref<1x80x128xf32, #tpu.memory_space<vmem>>
      %dma_wait3A_559 = tpu.memref_squeeze %dma_wait3A_558 : memref<1x80x128xf32, #tpu.memory_space<vmem>> -> memref<80x128xf32, #tpu.memory_space<vmem>>
      %dma_wait3A_560 = arith.constant 0 : i32
      %dma_wait3A_561 = tpu.memref_slice %arg6[%dma_wait3A_553, %dma_wait3A_554, %dma_wait3A_560] : memref<8x2x80xi32, #tpu.memory_space<vmem>> -> memref<1x1x80xi32, #tpu.memory_space<vmem>>
      %dma_wait3A_562 = tpu.memref_squeeze %dma_wait3A_561 : memref<1x1x80xi32, #tpu.memory_space<vmem>> -> memref<80xi32, #tpu.memory_space<vmem>>
      %dma_wait3A_563 = arith.constant 0 : i32
      %dma_wait3A_564 = arith.constant 0 : i32
      %dma_wait3A_565 = tpu.memref_slice %arg2[%dma_wait3A_563, %dma_wait3A_564] : memref<10000x128xf32, #tpu.memory_space<hbm>> -> memref<10000x128xf32, #tpu.memory_space<hbm>>
      tpu.wait_indirect_dma semaphore(%arg10 : memref<!tpu.dma_semaphore, #tpu.memory_space<semaphore_mem>>) src(%dma_wait3A_565 : memref<10000x128xf32, #tpu.memory_space<hbm>>) dst(%dma_wait3A_559 : memref<80x128xf32, #tpu.memory_space<vmem>>)
      %dma_start3A_566 = arith.constant 1 : i32
      %dma_start3A_567 = arith.constant 1 : i32
      %dma_start3A_568 = arith.constant 1 : i32
      %dma_start3A_569 = arith.constant 0 : i32
      %dma_start3A_570 = arith.constant 0 : i32
      %dma_start3A_571 = tpu.memref_slice %arg7[%dma_start3A_566, %dma_start3A_569, %dma_start3A_570] : memref<4x80x128xf32, #tpu.memory_space<vmem>> -> memref<1x80x128xf32, #tpu.memory_space<vmem>>
      %dma_start3A_572 = tpu.memref_squeeze %dma_start3A_571 : memref<1x80x128xf32, #tpu.memory_space<vmem>> -> memref<80x128xf32, #tpu.memory_space<vmem>>
      %dma_start3A_573 = arith.constant 0 : i32
      %dma_start3A_574 = tpu.memref_slice %arg6[%dma_start3A_567, %dma_start3A_568, %dma_start3A_573] : memref<8x2x80xi32, #tpu.memory_space<vmem>> -> memref<1x1x80xi32, #tpu.memory_space<vmem>>
      %dma_start3A_575 = tpu.memref_squeeze %dma_start3A_574 : memref<1x1x80xi32, #tpu.memory_space<vmem>> -> memref<80xi32, #tpu.memory_space<vmem>>
      %dma_start3A_576 = arith.constant 0 : i32
      %dma_start3A_577 = arith.constant 0 : i32
      %dma_start3A_578 = tpu.memref_slice %arg8[%dma_start3A_576, %dma_start3A_577] : memref<10112x128xf32, #tpu.memory_space<vmem_shared>> -> memref<10112x128xf32, #tpu.memory_space<vmem_shared>>
      tpu.enqueue_indirect_dma source(%dma_start3A_572 : memref<80x128xf32, #tpu.memory_space<vmem>>) target(%dma_start3A_578 : memref<10112x128xf32, #tpu.memory_space<vmem_shared>>) offsets(%dma_start3A_575 : memref<80xi32, #tpu.memory_space<vmem>>) semaphore(%arg14 : memref<!tpu.dma_semaphore, #tpu.memory_space<semaphore_mem>>) {add = true}
      %ge3A_579 = arith.constant 1 : i32
      %ge3A_580 = arith.cmpi sge, %add3A_552, %ge3A_579 : i32
      %convert_element_type3A_581 = arith.extui %ge3A_580 : i1 to i32
      %cond3A_582 = arith.constant 0 : i32
      %cond3A_583 = arith.cmpi ne, %convert_element_type3A_581, %cond3A_582 : i32
      scf.if %cond3A_583 {
        %dma_wait3A_1139 = arith.constant 0 : i32
        %dma_wait3A_1140 = arith.constant 1 : i32
        %dma_wait3A_1141 = arith.constant 1 : i32
        %dma_wait3A_1142 = arith.constant 0 : i32
        %dma_wait3A_1143 = arith.constant 0 : i32
        %dma_wait3A_1144 = tpu.memref_slice %arg7[%dma_wait3A_1139, %dma_wait3A_1142, %dma_wait3A_1143] : memref<4x80x128xf32, #tpu.memory_space<vmem>> -> memref<1x80x128xf32, #tpu.memory_space<vmem>>
        %dma_wait3A_1145 = tpu.memref_squeeze %dma_wait3A_1144 : memref<1x80x128xf32, #tpu.memory_space<vmem>> -> memref<80x128xf32, #tpu.memory_space<vmem>>
        %dma_wait3A_1146 = arith.constant 0 : i32
        %dma_wait3A_1147 = tpu.memref_slice %arg6[%dma_wait3A_1140, %dma_wait3A_1141, %dma_wait3A_1146] : memref<8x2x80xi32, #tpu.memory_space<vmem>> -> memref<1x1x80xi32, #tpu.memory_space<vmem>>
        %dma_wait3A_1148 = tpu.memref_squeeze %dma_wait3A_1147 : memref<1x1x80xi32, #tpu.memory_space<vmem>> -> memref<80xi32, #tpu.memory_space<vmem>>
        %dma_wait3A_1149 = arith.constant 0 : i32
        %dma_wait3A_1150 = arith.constant 0 : i32
        %dma_wait3A_1151 = tpu.memref_slice %arg8[%dma_wait3A_1149, %dma_wait3A_1150] : memref<10112x128xf32, #tpu.memory_space<vmem_shared>> -> memref<10112x128xf32, #tpu.memory_space<vmem_shared>>
        tpu.wait_indirect_dma semaphore(%arg13 : memref<!tpu.dma_semaphore, #tpu.memory_space<semaphore_mem>>) src(%dma_wait3A_1145 : memref<80x128xf32, #tpu.memory_space<vmem>>) dst(%dma_wait3A_1151 : memref<10112x128xf32, #tpu.memory_space<vmem_shared>>)
      } else {
      }
      %add3A_584 = arith.constant 3 : i32
      %add3A_585 = arith.addi %add3A_552, %add3A_584 : i32
      %dma_wait3A_586 = arith.constant 4 : i32
      %dma_wait3A_587 = arith.constant 0 : i32
      %dma_wait3A_588 = arith.constant 0 : i32
      %dma_wait3A_589 = tpu.memref_slice %arg6[%dma_wait3A_586, %dma_wait3A_587, %dma_wait3A_588] : memref<8x2x80xi32, #tpu.memory_space<vmem>> -> memref<1x2x80xi32, #tpu.memory_space<vmem>>
      %dma_wait3A_590 = tpu.memref_squeeze %dma_wait3A_589 : memref<1x2x80xi32, #tpu.memory_space<vmem>> -> memref<2x80xi32, #tpu.memory_space<vmem>>
      %dma_wait3A_591 = arith.constant 0 : i32
      %dma_wait3A_592 = arith.constant 0 : i32
      %dma_wait3A_593 = tpu.memref_slice %arg3[%add3A, %add3A_585, %dma_wait3A_591, %dma_wait3A_592] : memref<32x125x2x80xi32, #tpu.memory_space<hbm>> -> memref<1x1x2x80xi32, #tpu.memory_space<hbm>>
      %dma_wait3A_594 = tpu.memref_squeeze %dma_wait3A_593 : memref<1x1x2x80xi32, #tpu.memory_space<hbm>> -> memref<2x80xi32, #tpu.memory_space<hbm>>
      %dma_wait3A_595 = arith.constant 0 : i32
      %dma_wait3A_596 = arith.constant 0 : i32
      %dma_wait3A_597 = tpu.memref_slice %arg6[%dma_wait3A_586, %dma_wait3A_595, %dma_wait3A_596] : memref<8x2x80xi32, #tpu.memory_space<vmem>> -> memref<1x2x80xi32, #tpu.memory_space<vmem>>
      %dma_wait3A_598 = tpu.memref_squeeze %dma_wait3A_597 : memref<1x2x80xi32, #tpu.memory_space<vmem>> -> memref<2x80xi32, #tpu.memory_space<vmem>>
      %dma_wait3A_599 = arith.constant 0 : i32
      %dma_wait3A_600 = arith.constant 0 : i32
      %dma_wait3A_601 = tpu.memref_slice %arg3[%add3A, %add3A_585, %dma_wait3A_599, %dma_wait3A_600] : memref<32x125x2x80xi32, #tpu.memory_space<hbm>> -> memref<1x1x2x80xi32, #tpu.memory_space<hbm>>
      %dma_wait3A_602 = tpu.memref_squeeze %dma_wait3A_601 : memref<1x1x2x80xi32, #tpu.memory_space<hbm>> -> memref<2x80xi32, #tpu.memory_space<hbm>>
      tpu.wait_dma2 semaphore(%arg21 : memref<!tpu.dma_semaphore, #tpu.memory_space<semaphore_mem>>) src(%dma_wait3A_602 : memref<2x80xi32, #tpu.memory_space<hbm>>) dst(%dma_wait3A_598 : memref<2x80xi32, #tpu.memory_space<vmem>>)
      %dma_start3A_603 = arith.constant 4 : i32
      %dma_start3A_604 = arith.constant 0 : i32
      %dma_start3A_605 = arith.constant 0 : i32
      %dma_start3A_606 = arith.constant 0 : i32
      %dma_start3A_607 = arith.constant 0 : i32
      %dma_start3A_608 = tpu.memref_slice %arg7[%dma_start3A_605, %dma_start3A_606, %dma_start3A_607] : memref<4x80x128xf32, #tpu.memory_space<vmem>> -> memref<1x80x128xf32, #tpu.memory_space<vmem>>
      %dma_start3A_609 = tpu.memref_squeeze %dma_start3A_608 : memref<1x80x128xf32, #tpu.memory_space<vmem>> -> memref<80x128xf32, #tpu.memory_space<vmem>>
      %dma_start3A_610 = arith.constant 0 : i32
      %dma_start3A_611 = tpu.memref_slice %arg6[%dma_start3A_603, %dma_start3A_604, %dma_start3A_610] : memref<8x2x80xi32, #tpu.memory_space<vmem>> -> memref<1x1x80xi32, #tpu.memory_space<vmem>>
      %dma_start3A_612 = tpu.memref_squeeze %dma_start3A_611 : memref<1x1x80xi32, #tpu.memory_space<vmem>> -> memref<80xi32, #tpu.memory_space<vmem>>
      %dma_start3A_613 = arith.constant 0 : i32
      %dma_start3A_614 = arith.constant 0 : i32
      %dma_start3A_615 = tpu.memref_slice %arg2[%dma_start3A_613, %dma_start3A_614] : memref<10000x128xf32, #tpu.memory_space<hbm>> -> memref<10000x128xf32, #tpu.memory_space<hbm>>
      tpu.enqueue_indirect_dma source(%dma_start3A_615 : memref<10000x128xf32, #tpu.memory_space<hbm>>) target(%dma_start3A_609 : memref<80x128xf32, #tpu.memory_space<vmem>>) offsets(%dma_start3A_612 : memref<80xi32, #tpu.memory_space<vmem>>) semaphore(%arg9 : memref<!tpu.dma_semaphore, #tpu.memory_space<semaphore_mem>>)
      %add3A_616 = arith.constant 5 : i32
      %add3A_617 = arith.addi %add3A_552, %add3A_616 : i32
      %dma_start3A_618 = arith.constant 6 : i32
      %dma_start3A_619 = arith.constant 0 : i32
      %dma_start3A_620 = arith.constant 0 : i32
      %dma_start3A_621 = tpu.memref_slice %arg6[%dma_start3A_618, %dma_start3A_619, %dma_start3A_620] : memref<8x2x80xi32, #tpu.memory_space<vmem>> -> memref<1x2x80xi32, #tpu.memory_space<vmem>>
      %dma_start3A_622 = tpu.memref_squeeze %dma_start3A_621 : memref<1x2x80xi32, #tpu.memory_space<vmem>> -> memref<2x80xi32, #tpu.memory_space<vmem>>
      %dma_start3A_623 = arith.constant 0 : i32
      %dma_start3A_624 = arith.constant 0 : i32
      %dma_start3A_625 = tpu.memref_slice %arg3[%add3A, %add3A_617, %dma_start3A_623, %dma_start3A_624] : memref<32x125x2x80xi32, #tpu.memory_space<hbm>> -> memref<1x1x2x80xi32, #tpu.memory_space<hbm>>
      %dma_start3A_626 = tpu.memref_squeeze %dma_start3A_625 : memref<1x1x2x80xi32, #tpu.memory_space<hbm>> -> memref<2x80xi32, #tpu.memory_space<hbm>>
      %dma_start3A_627 = arith.constant 0 : i32
      %dma_start3A_628 = arith.constant 0 : i32
      %dma_start3A_629 = tpu.memref_slice %arg6[%dma_start3A_618, %dma_start3A_627, %dma_start3A_628] : memref<8x2x80xi32, #tpu.memory_space<vmem>> -> memref<1x2x80xi32, #tpu.memory_space<vmem>>
      %dma_start3A_630 = tpu.memref_squeeze %dma_start3A_629 : memref<1x2x80xi32, #tpu.memory_space<vmem>> -> memref<2x80xi32, #tpu.memory_space<vmem>>
      %dma_start3A_631 = arith.constant 0 : i32
      %dma_start3A_632 = arith.constant 0 : i32
      %dma_start3A_633 = tpu.memref_slice %arg3[%add3A, %add3A_617, %dma_start3A_631, %dma_start3A_632] : memref<32x125x2x80xi32, #tpu.memory_space<hbm>> -> memref<1x1x2x80xi32, #tpu.memory_space<hbm>>
      %dma_start3A_634 = tpu.memref_squeeze %dma_start3A_633 : memref<1x1x2x80xi32, #tpu.memory_space<hbm>> -> memref<2x80xi32, #tpu.memory_space<hbm>>
      tpu.enqueue_dma source(%dma_start3A_634 : memref<2x80xi32, #tpu.memory_space<hbm>>) target(%dma_start3A_630 : memref<2x80xi32, #tpu.memory_space<vmem>>) target_semaphore(%arg23 : memref<!tpu.dma_semaphore, #tpu.memory_space<semaphore_mem>>)
      %add3A_635 = arith.constant 2 : i32
      %add3A_636 = arith.addi %add3A_469, %add3A_635 : i32
      %dma_wait3A_637 = arith.constant 2 : i32
      %dma_wait3A_638 = arith.constant 0 : i32
      %dma_wait3A_639 = arith.constant 2 : i32
      %dma_wait3A_640 = arith.constant 0 : i32
      %dma_wait3A_641 = arith.constant 0 : i32
      %dma_wait3A_642 = tpu.memref_slice %arg7[%dma_wait3A_639, %dma_wait3A_640, %dma_wait3A_641] : memref<4x80x128xf32, #tpu.memory_space<vmem>> -> memref<1x80x128xf32, #tpu.memory_space<vmem>>
      %dma_wait3A_643 = tpu.memref_squeeze %dma_wait3A_642 : memref<1x80x128xf32, #tpu.memory_space<vmem>> -> memref<80x128xf32, #tpu.memory_space<vmem>>
      %dma_wait3A_644 = arith.constant 0 : i32
      %dma_wait3A_645 = tpu.memref_slice %arg6[%dma_wait3A_637, %dma_wait3A_638, %dma_wait3A_644] : memref<8x2x80xi32, #tpu.memory_space<vmem>> -> memref<1x1x80xi32, #tpu.memory_space<vmem>>
      %dma_wait3A_646 = tpu.memref_squeeze %dma_wait3A_645 : memref<1x1x80xi32, #tpu.memory_space<vmem>> -> memref<80xi32, #tpu.memory_space<vmem>>
      %dma_wait3A_647 = arith.constant 0 : i32
      %dma_wait3A_648 = arith.constant 0 : i32
      %dma_wait3A_649 = tpu.memref_slice %arg2[%dma_wait3A_647, %dma_wait3A_648] : memref<10000x128xf32, #tpu.memory_space<hbm>> -> memref<10000x128xf32, #tpu.memory_space<hbm>>
      tpu.wait_indirect_dma semaphore(%arg11 : memref<!tpu.dma_semaphore, #tpu.memory_space<semaphore_mem>>) src(%dma_wait3A_649 : memref<10000x128xf32, #tpu.memory_space<hbm>>) dst(%dma_wait3A_643 : memref<80x128xf32, #tpu.memory_space<vmem>>)
      %dma_start3A_650 = arith.constant 2 : i32
      %dma_start3A_651 = arith.constant 2 : i32
      %dma_start3A_652 = arith.constant 1 : i32
      %dma_start3A_653 = arith.constant 0 : i32
      %dma_start3A_654 = arith.constant 0 : i32
      %dma_start3A_655 = tpu.memref_slice %arg7[%dma_start3A_650, %dma_start3A_653, %dma_start3A_654] : memref<4x80x128xf32, #tpu.memory_space<vmem>> -> memref<1x80x128xf32, #tpu.memory_space<vmem>>
      %dma_start3A_656 = tpu.memref_squeeze %dma_start3A_655 : memref<1x80x128xf32, #tpu.memory_space<vmem>> -> memref<80x128xf32, #tpu.memory_space<vmem>>
      %dma_start3A_657 = arith.constant 0 : i32
      %dma_start3A_658 = tpu.memref_slice %arg6[%dma_start3A_651, %dma_start3A_652, %dma_start3A_657] : memref<8x2x80xi32, #tpu.memory_space<vmem>> -> memref<1x1x80xi32, #tpu.memory_space<vmem>>
      %dma_start3A_659 = tpu.memref_squeeze %dma_start3A_658 : memref<1x1x80xi32, #tpu.memory_space<vmem>> -> memref<80xi32, #tpu.memory_space<vmem>>
      %dma_start3A_660 = arith.constant 0 : i32
      %dma_start3A_661 = arith.constant 0 : i32
      %dma_start3A_662 = tpu.memref_slice %arg8[%dma_start3A_660, %dma_start3A_661] : memref<10112x128xf32, #tpu.memory_space<vmem_shared>> -> memref<10112x128xf32, #tpu.memory_space<vmem_shared>>
      tpu.enqueue_indirect_dma source(%dma_start3A_656 : memref<80x128xf32, #tpu.memory_space<vmem>>) target(%dma_start3A_662 : memref<10112x128xf32, #tpu.memory_space<vmem_shared>>) offsets(%dma_start3A_659 : memref<80xi32, #tpu.memory_space<vmem>>) semaphore(%arg15 : memref<!tpu.dma_semaphore, #tpu.memory_space<semaphore_mem>>) {add = true}
      %ge3A_663 = arith.constant 1 : i32
      %ge3A_664 = arith.cmpi sge, %add3A_636, %ge3A_663 : i32
      %convert_element_type3A_665 = arith.extui %ge3A_664 : i1 to i32
      %cond3A_666 = arith.constant 0 : i32
      %cond3A_667 = arith.cmpi ne, %convert_element_type3A_665, %cond3A_666 : i32
      scf.if %cond3A_667 {
        %dma_wait3A_1139 = arith.constant 1 : i32
        %dma_wait3A_1140 = arith.constant 2 : i32
        %dma_wait3A_1141 = arith.constant 1 : i32
        %dma_wait3A_1142 = arith.constant 0 : i32
        %dma_wait3A_1143 = arith.constant 0 : i32
        %dma_wait3A_1144 = tpu.memref_slice %arg7[%dma_wait3A_1139, %dma_wait3A_1142, %dma_wait3A_1143] : memref<4x80x128xf32, #tpu.memory_space<vmem>> -> memref<1x80x128xf32, #tpu.memory_space<vmem>>
        %dma_wait3A_1145 = tpu.memref_squeeze %dma_wait3A_1144 : memref<1x80x128xf32, #tpu.memory_space<vmem>> -> memref<80x128xf32, #tpu.memory_space<vmem>>
        %dma_wait3A_1146 = arith.constant 0 : i32
        %dma_wait3A_1147 = tpu.memref_slice %arg6[%dma_wait3A_1140, %dma_wait3A_1141, %dma_wait3A_1146] : memref<8x2x80xi32, #tpu.memory_space<vmem>> -> memref<1x1x80xi32, #tpu.memory_space<vmem>>
        %dma_wait3A_1148 = tpu.memref_squeeze %dma_wait3A_1147 : memref<1x1x80xi32, #tpu.memory_space<vmem>> -> memref<80xi32, #tpu.memory_space<vmem>>
        %dma_wait3A_1149 = arith.constant 0 : i32
        %dma_wait3A_1150 = arith.constant 0 : i32
        %dma_wait3A_1151 = tpu.memref_slice %arg8[%dma_wait3A_1149, %dma_wait3A_1150] : memref<10112x128xf32, #tpu.memory_space<vmem_shared>> -> memref<10112x128xf32, #tpu.memory_space<vmem_shared>>
        tpu.wait_indirect_dma semaphore(%arg14 : memref<!tpu.dma_semaphore, #tpu.memory_space<semaphore_mem>>) src(%dma_wait3A_1145 : memref<80x128xf32, #tpu.memory_space<vmem>>) dst(%dma_wait3A_1151 : memref<10112x128xf32, #tpu.memory_space<vmem_shared>>)
      } else {
      }
      %add3A_668 = arith.constant 3 : i32
      %add3A_669 = arith.addi %add3A_636, %add3A_668 : i32
      %dma_wait3A_670 = arith.constant 5 : i32
      %dma_wait3A_671 = arith.constant 0 : i32
      %dma_wait3A_672 = arith.constant 0 : i32
      %dma_wait3A_673 = tpu.memref_slice %arg6[%dma_wait3A_670, %dma_wait3A_671, %dma_wait3A_672] : memref<8x2x80xi32, #tpu.memory_space<vmem>> -> memref<1x2x80xi32, #tpu.memory_space<vmem>>
      %dma_wait3A_674 = tpu.memref_squeeze %dma_wait3A_673 : memref<1x2x80xi32, #tpu.memory_space<vmem>> -> memref<2x80xi32, #tpu.memory_space<vmem>>
      %dma_wait3A_675 = arith.constant 0 : i32
      %dma_wait3A_676 = arith.constant 0 : i32
      %dma_wait3A_677 = tpu.memref_slice %arg3[%add3A, %add3A_669, %dma_wait3A_675, %dma_wait3A_676] : memref<32x125x2x80xi32, #tpu.memory_space<hbm>> -> memref<1x1x2x80xi32, #tpu.memory_space<hbm>>
      %dma_wait3A_678 = tpu.memref_squeeze %dma_wait3A_677 : memref<1x1x2x80xi32, #tpu.memory_space<hbm>> -> memref<2x80xi32, #tpu.memory_space<hbm>>
      %dma_wait3A_679 = arith.constant 0 : i32
      %dma_wait3A_680 = arith.constant 0 : i32
      %dma_wait3A_681 = tpu.memref_slice %arg6[%dma_wait3A_670, %dma_wait3A_679, %dma_wait3A_680] : memref<8x2x80xi32, #tpu.memory_space<vmem>> -> memref<1x2x80xi32, #tpu.memory_space<vmem>>
      %dma_wait3A_682 = tpu.memref_squeeze %dma_wait3A_681 : memref<1x2x80xi32, #tpu.memory_space<vmem>> -> memref<2x80xi32, #tpu.memory_space<vmem>>
      %dma_wait3A_683 = arith.constant 0 : i32
      %dma_wait3A_684 = arith.constant 0 : i32
      %dma_wait3A_685 = tpu.memref_slice %arg3[%add3A, %add3A_669, %dma_wait3A_683, %dma_wait3A_684] : memref<32x125x2x80xi32, #tpu.memory_space<hbm>> -> memref<1x1x2x80xi32, #tpu.memory_space<hbm>>
      %dma_wait3A_686 = tpu.memref_squeeze %dma_wait3A_685 : memref<1x1x2x80xi32, #tpu.memory_space<hbm>> -> memref<2x80xi32, #tpu.memory_space<hbm>>
      tpu.wait_dma2 semaphore(%arg22 : memref<!tpu.dma_semaphore, #tpu.memory_space<semaphore_mem>>) src(%dma_wait3A_686 : memref<2x80xi32, #tpu.memory_space<hbm>>) dst(%dma_wait3A_682 : memref<2x80xi32, #tpu.memory_space<vmem>>)
      %dma_start3A_687 = arith.constant 5 : i32
      %dma_start3A_688 = arith.constant 0 : i32
      %dma_start3A_689 = arith.constant 1 : i32
      %dma_start3A_690 = arith.constant 0 : i32
      %dma_start3A_691 = arith.constant 0 : i32
      %dma_start3A_692 = tpu.memref_slice %arg7[%dma_start3A_689, %dma_start3A_690, %dma_start3A_691] : memref<4x80x128xf32, #tpu.memory_space<vmem>> -> memref<1x80x128xf32, #tpu.memory_space<vmem>>
      %dma_start3A_693 = tpu.memref_squeeze %dma_start3A_692 : memref<1x80x128xf32, #tpu.memory_space<vmem>> -> memref<80x128xf32, #tpu.memory_space<vmem>>
      %dma_start3A_694 = arith.constant 0 : i32
      %dma_start3A_695 = tpu.memref_slice %arg6[%dma_start3A_687, %dma_start3A_688, %dma_start3A_694] : memref<8x2x80xi32, #tpu.memory_space<vmem>> -> memref<1x1x80xi32, #tpu.memory_space<vmem>>
      %dma_start3A_696 = tpu.memref_squeeze %dma_start3A_695 : memref<1x1x80xi32, #tpu.memory_space<vmem>> -> memref<80xi32, #tpu.memory_space<vmem>>
      %dma_start3A_697 = arith.constant 0 : i32
      %dma_start3A_698 = arith.constant 0 : i32
      %dma_start3A_699 = tpu.memref_slice %arg2[%dma_start3A_697, %dma_start3A_698] : memref<10000x128xf32, #tpu.memory_space<hbm>> -> memref<10000x128xf32, #tpu.memory_space<hbm>>
      tpu.enqueue_indirect_dma source(%dma_start3A_699 : memref<10000x128xf32, #tpu.memory_space<hbm>>) target(%dma_start3A_693 : memref<80x128xf32, #tpu.memory_space<vmem>>) offsets(%dma_start3A_696 : memref<80xi32, #tpu.memory_space<vmem>>) semaphore(%arg10 : memref<!tpu.dma_semaphore, #tpu.memory_space<semaphore_mem>>)
      %add3A_700 = arith.constant 5 : i32
      %add3A_701 = arith.addi %add3A_636, %add3A_700 : i32
      %dma_start3A_702 = arith.constant 7 : i32
      %dma_start3A_703 = arith.constant 0 : i32
      %dma_start3A_704 = arith.constant 0 : i32
      %dma_start3A_705 = tpu.memref_slice %arg6[%dma_start3A_702, %dma_start3A_703, %dma_start3A_704] : memref<8x2x80xi32, #tpu.memory_space<vmem>> -> memref<1x2x80xi32, #tpu.memory_space<vmem>>
      %dma_start3A_706 = tpu.memref_squeeze %dma_start3A_705 : memref<1x2x80xi32, #tpu.memory_space<vmem>> -> memref<2x80xi32, #tpu.memory_space<vmem>>
      %dma_start3A_707 = arith.constant 0 : i32
      %dma_start3A_708 = arith.constant 0 : i32
      %dma_start3A_709 = tpu.memref_slice %arg3[%add3A, %add3A_701, %dma_start3A_707, %dma_start3A_708] : memref<32x125x2x80xi32, #tpu.memory_space<hbm>> -> memref<1x1x2x80xi32, #tpu.memory_space<hbm>>
      %dma_start3A_710 = tpu.memref_squeeze %dma_start3A_709 : memref<1x1x2x80xi32, #tpu.memory_space<hbm>> -> memref<2x80xi32, #tpu.memory_space<hbm>>
      %dma_start3A_711 = arith.constant 0 : i32
      %dma_start3A_712 = arith.constant 0 : i32
      %dma_start3A_713 = tpu.memref_slice %arg6[%dma_start3A_702, %dma_start3A_711, %dma_start3A_712] : memref<8x2x80xi32, #tpu.memory_space<vmem>> -> memref<1x2x80xi32, #tpu.memory_space<vmem>>
      %dma_start3A_714 = tpu.memref_squeeze %dma_start3A_713 : memref<1x2x80xi32, #tpu.memory_space<vmem>> -> memref<2x80xi32, #tpu.memory_space<vmem>>
      %dma_start3A_715 = arith.constant 0 : i32
      %dma_start3A_716 = arith.constant 0 : i32
      %dma_start3A_717 = tpu.memref_slice %arg3[%add3A, %add3A_701, %dma_start3A_715, %dma_start3A_716] : memref<32x125x2x80xi32, #tpu.memory_space<hbm>> -> memref<1x1x2x80xi32, #tpu.memory_space<hbm>>
      %dma_start3A_718 = tpu.memref_squeeze %dma_start3A_717 : memref<1x1x2x80xi32, #tpu.memory_space<hbm>> -> memref<2x80xi32, #tpu.memory_space<hbm>>
      tpu.enqueue_dma source(%dma_start3A_718 : memref<2x80xi32, #tpu.memory_space<hbm>>) target(%dma_start3A_714 : memref<2x80xi32, #tpu.memory_space<vmem>>) target_semaphore(%arg24 : memref<!tpu.dma_semaphore, #tpu.memory_space<semaphore_mem>>)
      %add3A_719 = arith.constant 3 : i32
      %add3A_720 = arith.addi %add3A_469, %add3A_719 : i32
      %dma_wait3A_721 = arith.constant 3 : i32
      %dma_wait3A_722 = arith.constant 0 : i32
      %dma_wait3A_723 = arith.constant 3 : i32
      %dma_wait3A_724 = arith.constant 0 : i32
      %dma_wait3A_725 = arith.constant 0 : i32
      %dma_wait3A_726 = tpu.memref_slice %arg7[%dma_wait3A_723, %dma_wait3A_724, %dma_wait3A_725] : memref<4x80x128xf32, #tpu.memory_space<vmem>> -> memref<1x80x128xf32, #tpu.memory_space<vmem>>
      %dma_wait3A_727 = tpu.memref_squeeze %dma_wait3A_726 : memref<1x80x128xf32, #tpu.memory_space<vmem>> -> memref<80x128xf32, #tpu.memory_space<vmem>>
      %dma_wait3A_728 = arith.constant 0 : i32
      %dma_wait3A_729 = tpu.memref_slice %arg6[%dma_wait3A_721, %dma_wait3A_722, %dma_wait3A_728] : memref<8x2x80xi32, #tpu.memory_space<vmem>> -> memref<1x1x80xi32, #tpu.memory_space<vmem>>
      %dma_wait3A_730 = tpu.memref_squeeze %dma_wait3A_729 : memref<1x1x80xi32, #tpu.memory_space<vmem>> -> memref<80xi32, #tpu.memory_space<vmem>>
      %dma_wait3A_731 = arith.constant 0 : i32
      %dma_wait3A_732 = arith.constant 0 : i32
      %dma_wait3A_733 = tpu.memref_slice %arg2[%dma_wait3A_731, %dma_wait3A_732] : memref<10000x128xf32, #tpu.memory_space<hbm>> -> memref<10000x128xf32, #tpu.memory_space<hbm>>
      tpu.wait_indirect_dma semaphore(%arg12 : memref<!tpu.dma_semaphore, #tpu.memory_space<semaphore_mem>>) src(%dma_wait3A_733 : memref<10000x128xf32, #tpu.memory_space<hbm>>) dst(%dma_wait3A_727 : memref<80x128xf32, #tpu.memory_space<vmem>>)
      %dma_start3A_734 = arith.constant 3 : i32
      %dma_start3A_735 = arith.constant 3 : i32
      %dma_start3A_736 = arith.constant 1 : i32
      %dma_start3A_737 = arith.constant 0 : i32
      %dma_start3A_738 = arith.constant 0 : i32
      %dma_start3A_739 = tpu.memref_slice %arg7[%dma_start3A_734, %dma_start3A_737, %dma_start3A_738] : memref<4x80x128xf32, #tpu.memory_space<vmem>> -> memref<1x80x128xf32, #tpu.memory_space<vmem>>
      %dma_start3A_740 = tpu.memref_squeeze %dma_start3A_739 : memref<1x80x128xf32, #tpu.memory_space<vmem>> -> memref<80x128xf32, #tpu.memory_space<vmem>>
      %dma_start3A_741 = arith.constant 0 : i32
      %dma_start3A_742 = tpu.memref_slice %arg6[%dma_start3A_735, %dma_start3A_736, %dma_start3A_741] : memref<8x2x80xi32, #tpu.memory_space<vmem>> -> memref<1x1x80xi32, #tpu.memory_space<vmem>>
      %dma_start3A_743 = tpu.memref_squeeze %dma_start3A_742 : memref<1x1x80xi32, #tpu.memory_space<vmem>> -> memref<80xi32, #tpu.memory_space<vmem>>
      %dma_start3A_744 = arith.constant 0 : i32
      %dma_start3A_745 = arith.constant 0 : i32
      %dma_start3A_746 = tpu.memref_slice %arg8[%dma_start3A_744, %dma_start3A_745] : memref<10112x128xf32, #tpu.memory_space<vmem_shared>> -> memref<10112x128xf32, #tpu.memory_space<vmem_shared>>
      tpu.enqueue_indirect_dma source(%dma_start3A_740 : memref<80x128xf32, #tpu.memory_space<vmem>>) target(%dma_start3A_746 : memref<10112x128xf32, #tpu.memory_space<vmem_shared>>) offsets(%dma_start3A_743 : memref<80xi32, #tpu.memory_space<vmem>>) semaphore(%arg16 : memref<!tpu.dma_semaphore, #tpu.memory_space<semaphore_mem>>) {add = true}
      %ge3A_747 = arith.constant 1 : i32
      %ge3A_748 = arith.cmpi sge, %add3A_720, %ge3A_747 : i32
      %convert_element_type3A_749 = arith.extui %ge3A_748 : i1 to i32
      %cond3A_750 = arith.constant 0 : i32
      %cond3A_751 = arith.cmpi ne, %convert_element_type3A_749, %cond3A_750 : i32
      scf.if %cond3A_751 {
        %dma_wait3A_1139 = arith.constant 2 : i32
        %dma_wait3A_1140 = arith.constant 3 : i32
        %dma_wait3A_1141 = arith.constant 1 : i32
        %dma_wait3A_1142 = arith.constant 0 : i32
        %dma_wait3A_1143 = arith.constant 0 : i32
        %dma_wait3A_1144 = tpu.memref_slice %arg7[%dma_wait3A_1139, %dma_wait3A_1142, %dma_wait3A_1143] : memref<4x80x128xf32, #tpu.memory_space<vmem>> -> memref<1x80x128xf32, #tpu.memory_space<vmem>>
        %dma_wait3A_1145 = tpu.memref_squeeze %dma_wait3A_1144 : memref<1x80x128xf32, #tpu.memory_space<vmem>> -> memref<80x128xf32, #tpu.memory_space<vmem>>
        %dma_wait3A_1146 = arith.constant 0 : i32
        %dma_wait3A_1147 = tpu.memref_slice %arg6[%dma_wait3A_1140, %dma_wait3A_1141, %dma_wait3A_1146] : memref<8x2x80xi32, #tpu.memory_space<vmem>> -> memref<1x1x80xi32, #tpu.memory_space<vmem>>
        %dma_wait3A_1148 = tpu.memref_squeeze %dma_wait3A_1147 : memref<1x1x80xi32, #tpu.memory_space<vmem>> -> memref<80xi32, #tpu.memory_space<vmem>>
        %dma_wait3A_1149 = arith.constant 0 : i32
        %dma_wait3A_1150 = arith.constant 0 : i32
        %dma_wait3A_1151 = tpu.memref_slice %arg8[%dma_wait3A_1149, %dma_wait3A_1150] : memref<10112x128xf32, #tpu.memory_space<vmem_shared>> -> memref<10112x128xf32, #tpu.memory_space<vmem_shared>>
        tpu.wait_indirect_dma semaphore(%arg15 : memref<!tpu.dma_semaphore, #tpu.memory_space<semaphore_mem>>) src(%dma_wait3A_1145 : memref<80x128xf32, #tpu.memory_space<vmem>>) dst(%dma_wait3A_1151 : memref<10112x128xf32, #tpu.memory_space<vmem_shared>>)
      } else {
      }
      %add3A_752 = arith.constant 3 : i32
      %add3A_753 = arith.addi %add3A_720, %add3A_752 : i32
      %dma_wait3A_754 = arith.constant 6 : i32
      %dma_wait3A_755 = arith.constant 0 : i32
      %dma_wait3A_756 = arith.constant 0 : i32
      %dma_wait3A_757 = tpu.memref_slice %arg6[%dma_wait3A_754, %dma_wait3A_755, %dma_wait3A_756] : memref<8x2x80xi32, #tpu.memory_space<vmem>> -> memref<1x2x80xi32, #tpu.memory_space<vmem>>
      %dma_wait3A_758 = tpu.memref_squeeze %dma_wait3A_757 : memref<1x2x80xi32, #tpu.memory_space<vmem>> -> memref<2x80xi32, #tpu.memory_space<vmem>>
      %dma_wait3A_759 = arith.constant 0 : i32
      %dma_wait3A_760 = arith.constant 0 : i32
      %dma_wait3A_761 = tpu.memref_slice %arg3[%add3A, %add3A_753, %dma_wait3A_759, %dma_wait3A_760] : memref<32x125x2x80xi32, #tpu.memory_space<hbm>> -> memref<1x1x2x80xi32, #tpu.memory_space<hbm>>
      %dma_wait3A_762 = tpu.memref_squeeze %dma_wait3A_761 : memref<1x1x2x80xi32, #tpu.memory_space<hbm>> -> memref<2x80xi32, #tpu.memory_space<hbm>>
      %dma_wait3A_763 = arith.constant 0 : i32
      %dma_wait3A_764 = arith.constant 0 : i32
      %dma_wait3A_765 = tpu.memref_slice %arg6[%dma_wait3A_754, %dma_wait3A_763, %dma_wait3A_764] : memref<8x2x80xi32, #tpu.memory_space<vmem>> -> memref<1x2x80xi32, #tpu.memory_space<vmem>>
      %dma_wait3A_766 = tpu.memref_squeeze %dma_wait3A_765 : memref<1x2x80xi32, #tpu.memory_space<vmem>> -> memref<2x80xi32, #tpu.memory_space<vmem>>
      %dma_wait3A_767 = arith.constant 0 : i32
      %dma_wait3A_768 = arith.constant 0 : i32
      %dma_wait3A_769 = tpu.memref_slice %arg3[%add3A, %add3A_753, %dma_wait3A_767, %dma_wait3A_768] : memref<32x125x2x80xi32, #tpu.memory_space<hbm>> -> memref<1x1x2x80xi32, #tpu.memory_space<hbm>>
      %dma_wait3A_770 = tpu.memref_squeeze %dma_wait3A_769 : memref<1x1x2x80xi32, #tpu.memory_space<hbm>> -> memref<2x80xi32, #tpu.memory_space<hbm>>
      tpu.wait_dma2 semaphore(%arg23 : memref<!tpu.dma_semaphore, #tpu.memory_space<semaphore_mem>>) src(%dma_wait3A_770 : memref<2x80xi32, #tpu.memory_space<hbm>>) dst(%dma_wait3A_766 : memref<2x80xi32, #tpu.memory_space<vmem>>)
      %dma_start3A_771 = arith.constant 6 : i32
      %dma_start3A_772 = arith.constant 0 : i32
      %dma_start3A_773 = arith.constant 2 : i32
      %dma_start3A_774 = arith.constant 0 : i32
      %dma_start3A_775 = arith.constant 0 : i32
      %dma_start3A_776 = tpu.memref_slice %arg7[%dma_start3A_773, %dma_start3A_774, %dma_start3A_775] : memref<4x80x128xf32, #tpu.memory_space<vmem>> -> memref<1x80x128xf32, #tpu.memory_space<vmem>>
      %dma_start3A_777 = tpu.memref_squeeze %dma_start3A_776 : memref<1x80x128xf32, #tpu.memory_space<vmem>> -> memref<80x128xf32, #tpu.memory_space<vmem>>
      %dma_start3A_778 = arith.constant 0 : i32
      %dma_start3A_779 = tpu.memref_slice %arg6[%dma_start3A_771, %dma_start3A_772, %dma_start3A_778] : memref<8x2x80xi32, #tpu.memory_space<vmem>> -> memref<1x1x80xi32, #tpu.memory_space<vmem>>
      %dma_start3A_780 = tpu.memref_squeeze %dma_start3A_779 : memref<1x1x80xi32, #tpu.memory_space<vmem>> -> memref<80xi32, #tpu.memory_space<vmem>>
      %dma_start3A_781 = arith.constant 0 : i32
      %dma_start3A_782 = arith.constant 0 : i32
      %dma_start3A_783 = tpu.memref_slice %arg2[%dma_start3A_781, %dma_start3A_782] : memref<10000x128xf32, #tpu.memory_space<hbm>> -> memref<10000x128xf32, #tpu.memory_space<hbm>>
      tpu.enqueue_indirect_dma source(%dma_start3A_783 : memref<10000x128xf32, #tpu.memory_space<hbm>>) target(%dma_start3A_777 : memref<80x128xf32, #tpu.memory_space<vmem>>) offsets(%dma_start3A_780 : memref<80xi32, #tpu.memory_space<vmem>>) semaphore(%arg11 : memref<!tpu.dma_semaphore, #tpu.memory_space<semaphore_mem>>)
      %add3A_784 = arith.constant 5 : i32
      %add3A_785 = arith.addi %add3A_720, %add3A_784 : i32
      %dma_start3A_786 = arith.constant 0 : i32
      %dma_start3A_787 = arith.constant 0 : i32
      %dma_start3A_788 = arith.constant 0 : i32
      %dma_start3A_789 = tpu.memref_slice %arg6[%dma_start3A_786, %dma_start3A_787, %dma_start3A_788] : memref<8x2x80xi32, #tpu.memory_space<vmem>> -> memref<1x2x80xi32, #tpu.memory_space<vmem>>
      %dma_start3A_790 = tpu.memref_squeeze %dma_start3A_789 : memref<1x2x80xi32, #tpu.memory_space<vmem>> -> memref<2x80xi32, #tpu.memory_space<vmem>>
      %dma_start3A_791 = arith.constant 0 : i32
      %dma_start3A_792 = arith.constant 0 : i32
      %dma_start3A_793 = tpu.memref_slice %arg3[%add3A, %add3A_785, %dma_start3A_791, %dma_start3A_792] : memref<32x125x2x80xi32, #tpu.memory_space<hbm>> -> memref<1x1x2x80xi32, #tpu.memory_space<hbm>>
      %dma_start3A_794 = tpu.memref_squeeze %dma_start3A_793 : memref<1x1x2x80xi32, #tpu.memory_space<hbm>> -> memref<2x80xi32, #tpu.memory_space<hbm>>
      %dma_start3A_795 = arith.constant 0 : i32
      %dma_start3A_796 = arith.constant 0 : i32
      %dma_start3A_797 = tpu.memref_slice %arg6[%dma_start3A_786, %dma_start3A_795, %dma_start3A_796] : memref<8x2x80xi32, #tpu.memory_space<vmem>> -> memref<1x2x80xi32, #tpu.memory_space<vmem>>
      %dma_start3A_798 = tpu.memref_squeeze %dma_start3A_797 : memref<1x2x80xi32, #tpu.memory_space<vmem>> -> memref<2x80xi32, #tpu.memory_space<vmem>>
      %dma_start3A_799 = arith.constant 0 : i32
      %dma_start3A_800 = arith.constant 0 : i32
      %dma_start3A_801 = tpu.memref_slice %arg3[%add3A, %add3A_785, %dma_start3A_799, %dma_start3A_800] : memref<32x125x2x80xi32, #tpu.memory_space<hbm>> -> memref<1x1x2x80xi32, #tpu.memory_space<hbm>>
      %dma_start3A_802 = tpu.memref_squeeze %dma_start3A_801 : memref<1x1x2x80xi32, #tpu.memory_space<hbm>> -> memref<2x80xi32, #tpu.memory_space<hbm>>
      tpu.enqueue_dma source(%dma_start3A_802 : memref<2x80xi32, #tpu.memory_space<hbm>>) target(%dma_start3A_798 : memref<2x80xi32, #tpu.memory_space<vmem>>) target_semaphore(%arg17 : memref<!tpu.dma_semaphore, #tpu.memory_space<semaphore_mem>>)
      %add3A_803 = arith.constant 4 : i32
      %add3A_804 = arith.addi %add3A_469, %add3A_803 : i32
      %dma_wait3A_805 = arith.constant 4 : i32
      %dma_wait3A_806 = arith.constant 0 : i32
      %dma_wait3A_807 = arith.constant 0 : i32
      %dma_wait3A_808 = arith.constant 0 : i32
      %dma_wait3A_809 = arith.constant 0 : i32
      %dma_wait3A_810 = tpu.memref_slice %arg7[%dma_wait3A_807, %dma_wait3A_808, %dma_wait3A_809] : memref<4x80x128xf32, #tpu.memory_space<vmem>> -> memref<1x80x128xf32, #tpu.memory_space<vmem>>
      %dma_wait3A_811 = tpu.memref_squeeze %dma_wait3A_810 : memref<1x80x128xf32, #tpu.memory_space<vmem>> -> memref<80x128xf32, #tpu.memory_space<vmem>>
      %dma_wait3A_812 = arith.constant 0 : i32
      %dma_wait3A_813 = tpu.memref_slice %arg6[%dma_wait3A_805, %dma_wait3A_806, %dma_wait3A_812] : memref<8x2x80xi32, #tpu.memory_space<vmem>> -> memref<1x1x80xi32, #tpu.memory_space<vmem>>
      %dma_wait3A_814 = tpu.memref_squeeze %dma_wait3A_813 : memref<1x1x80xi32, #tpu.memory_space<vmem>> -> memref<80xi32, #tpu.memory_space<vmem>>
      %dma_wait3A_815 = arith.constant 0 : i32
      %dma_wait3A_816 = arith.constant 0 : i32
      %dma_wait3A_817 = tpu.memref_slice %arg2[%dma_wait3A_815, %dma_wait3A_816] : memref<10000x128xf32, #tpu.memory_space<hbm>> -> memref<10000x128xf32, #tpu.memory_space<hbm>>
      tpu.wait_indirect_dma semaphore(%arg9 : memref<!tpu.dma_semaphore, #tpu.memory_space<semaphore_mem>>) src(%dma_wait3A_817 : memref<10000x128xf32, #tpu.memory_space<hbm>>) dst(%dma_wait3A_811 : memref<80x128xf32, #tpu.memory_space<vmem>>)
      %dma_start3A_818 = arith.constant 0 : i32
      %dma_start3A_819 = arith.constant 4 : i32
      %dma_start3A_820 = arith.constant 1 : i32
      %dma_start3A_821 = arith.constant 0 : i32
      %dma_start3A_822 = arith.constant 0 : i32
      %dma_start3A_823 = tpu.memref_slice %arg7[%dma_start3A_818, %dma_start3A_821, %dma_start3A_822] : memref<4x80x128xf32, #tpu.memory_space<vmem>> -> memref<1x80x128xf32, #tpu.memory_space<vmem>>
      %dma_start3A_824 = tpu.memref_squeeze %dma_start3A_823 : memref<1x80x128xf32, #tpu.memory_space<vmem>> -> memref<80x128xf32, #tpu.memory_space<vmem>>
      %dma_start3A_825 = arith.constant 0 : i32
      %dma_start3A_826 = tpu.memref_slice %arg6[%dma_start3A_819, %dma_start3A_820, %dma_start3A_825] : memref<8x2x80xi32, #tpu.memory_space<vmem>> -> memref<1x1x80xi32, #tpu.memory_space<vmem>>
      %dma_start3A_827 = tpu.memref_squeeze %dma_start3A_826 : memref<1x1x80xi32, #tpu.memory_space<vmem>> -> memref<80xi32, #tpu.memory_space<vmem>>
      %dma_start3A_828 = arith.constant 0 : i32
      %dma_start3A_829 = arith.constant 0 : i32
      %dma_start3A_830 = tpu.memref_slice %arg8[%dma_start3A_828, %dma_start3A_829] : memref<10112x128xf32, #tpu.memory_space<vmem_shared>> -> memref<10112x128xf32, #tpu.memory_space<vmem_shared>>
      tpu.enqueue_indirect_dma source(%dma_start3A_824 : memref<80x128xf32, #tpu.memory_space<vmem>>) target(%dma_start3A_830 : memref<10112x128xf32, #tpu.memory_space<vmem_shared>>) offsets(%dma_start3A_827 : memref<80xi32, #tpu.memory_space<vmem>>) semaphore(%arg13 : memref<!tpu.dma_semaphore, #tpu.memory_space<semaphore_mem>>) {add = true}
      %ge3A_831 = arith.constant 1 : i32
      %ge3A_832 = arith.cmpi sge, %add3A_804, %ge3A_831 : i32
      %convert_element_type3A_833 = arith.extui %ge3A_832 : i1 to i32
      %cond3A_834 = arith.constant 0 : i32
      %cond3A_835 = arith.cmpi ne, %convert_element_type3A_833, %cond3A_834 : i32
      scf.if %cond3A_835 {
        %dma_wait3A_1139 = arith.constant 3 : i32
        %dma_wait3A_1140 = arith.constant 4 : i32
        %dma_wait3A_1141 = arith.constant 1 : i32
        %dma_wait3A_1142 = arith.constant 0 : i32
        %dma_wait3A_1143 = arith.constant 0 : i32
        %dma_wait3A_1144 = tpu.memref_slice %arg7[%dma_wait3A_1139, %dma_wait3A_1142, %dma_wait3A_1143] : memref<4x80x128xf32, #tpu.memory_space<vmem>> -> memref<1x80x128xf32, #tpu.memory_space<vmem>>
        %dma_wait3A_1145 = tpu.memref_squeeze %dma_wait3A_1144 : memref<1x80x128xf32, #tpu.memory_space<vmem>> -> memref<80x128xf32, #tpu.memory_space<vmem>>
        %dma_wait3A_1146 = arith.constant 0 : i32
        %dma_wait3A_1147 = tpu.memref_slice %arg6[%dma_wait3A_1140, %dma_wait3A_1141, %dma_wait3A_1146] : memref<8x2x80xi32, #tpu.memory_space<vmem>> -> memref<1x1x80xi32, #tpu.memory_space<vmem>>
        %dma_wait3A_1148 = tpu.memref_squeeze %dma_wait3A_1147 : memref<1x1x80xi32, #tpu.memory_space<vmem>> -> memref<80xi32, #tpu.memory_space<vmem>>
        %dma_wait3A_1149 = arith.constant 0 : i32
        %dma_wait3A_1150 = arith.constant 0 : i32
        %dma_wait3A_1151 = tpu.memref_slice %arg8[%dma_wait3A_1149, %dma_wait3A_1150] : memref<10112x128xf32, #tpu.memory_space<vmem_shared>> -> memref<10112x128xf32, #tpu.memory_space<vmem_shared>>
        tpu.wait_indirect_dma semaphore(%arg16 : memref<!tpu.dma_semaphore, #tpu.memory_space<semaphore_mem>>) src(%dma_wait3A_1145 : memref<80x128xf32, #tpu.memory_space<vmem>>) dst(%dma_wait3A_1151 : memref<10112x128xf32, #tpu.memory_space<vmem_shared>>)
      } else {
      }
      %add3A_836 = arith.constant 3 : i32
      %add3A_837 = arith.addi %add3A_804, %add3A_836 : i32
      %dma_wait3A_838 = arith.constant 7 : i32
      %dma_wait3A_839 = arith.constant 0 : i32
      %dma_wait3A_840 = arith.constant 0 : i32
      %dma_wait3A_841 = tpu.memref_slice %arg6[%dma_wait3A_838, %dma_wait3A_839, %dma_wait3A_840] : memref<8x2x80xi32, #tpu.memory_space<vmem>> -> memref<1x2x80xi32, #tpu.memory_space<vmem>>
      %dma_wait3A_842 = tpu.memref_squeeze %dma_wait3A_841 : memref<1x2x80xi32, #tpu.memory_space<vmem>> -> memref<2x80xi32, #tpu.memory_space<vmem>>
      %dma_wait3A_843 = arith.constant 0 : i32
      %dma_wait3A_844 = arith.constant 0 : i32
      %dma_wait3A_845 = tpu.memref_slice %arg3[%add3A, %add3A_837, %dma_wait3A_843, %dma_wait3A_844] : memref<32x125x2x80xi32, #tpu.memory_space<hbm>> -> memref<1x1x2x80xi32, #tpu.memory_space<hbm>>
      %dma_wait3A_846 = tpu.memref_squeeze %dma_wait3A_845 : memref<1x1x2x80xi32, #tpu.memory_space<hbm>> -> memref<2x80xi32, #tpu.memory_space<hbm>>
      %dma_wait3A_847 = arith.constant 0 : i32
      %dma_wait3A_848 = arith.constant 0 : i32
      %dma_wait3A_849 = tpu.memref_slice %arg6[%dma_wait3A_838, %dma_wait3A_847, %dma_wait3A_848] : memref<8x2x80xi32, #tpu.memory_space<vmem>> -> memref<1x2x80xi32, #tpu.memory_space<vmem>>
      %dma_wait3A_850 = tpu.memref_squeeze %dma_wait3A_849 : memref<1x2x80xi32, #tpu.memory_space<vmem>> -> memref<2x80xi32, #tpu.memory_space<vmem>>
      %dma_wait3A_851 = arith.constant 0 : i32
      %dma_wait3A_852 = arith.constant 0 : i32
      %dma_wait3A_853 = tpu.memref_slice %arg3[%add3A, %add3A_837, %dma_wait3A_851, %dma_wait3A_852] : memref<32x125x2x80xi32, #tpu.memory_space<hbm>> -> memref<1x1x2x80xi32, #tpu.memory_space<hbm>>
      %dma_wait3A_854 = tpu.memref_squeeze %dma_wait3A_853 : memref<1x1x2x80xi32, #tpu.memory_space<hbm>> -> memref<2x80xi32, #tpu.memory_space<hbm>>
      tpu.wait_dma2 semaphore(%arg24 : memref<!tpu.dma_semaphore, #tpu.memory_space<semaphore_mem>>) src(%dma_wait3A_854 : memref<2x80xi32, #tpu.memory_space<hbm>>) dst(%dma_wait3A_850 : memref<2x80xi32, #tpu.memory_space<vmem>>)
      %dma_start3A_855 = arith.constant 7 : i32
      %dma_start3A_856 = arith.constant 0 : i32
      %dma_start3A_857 = arith.constant 3 : i32
      %dma_start3A_858 = arith.constant 0 : i32
      %dma_start3A_859 = arith.constant 0 : i32
      %dma_start3A_860 = tpu.memref_slice %arg7[%dma_start3A_857, %dma_start3A_858, %dma_start3A_859] : memref<4x80x128xf32, #tpu.memory_space<vmem>> -> memref<1x80x128xf32, #tpu.memory_space<vmem>>
      %dma_start3A_861 = tpu.memref_squeeze %dma_start3A_860 : memref<1x80x128xf32, #tpu.memory_space<vmem>> -> memref<80x128xf32, #tpu.memory_space<vmem>>
      %dma_start3A_862 = arith.constant 0 : i32
      %dma_start3A_863 = tpu.memref_slice %arg6[%dma_start3A_855, %dma_start3A_856, %dma_start3A_862] : memref<8x2x80xi32, #tpu.memory_space<vmem>> -> memref<1x1x80xi32, #tpu.memory_space<vmem>>
      %dma_start3A_864 = tpu.memref_squeeze %dma_start3A_863 : memref<1x1x80xi32, #tpu.memory_space<vmem>> -> memref<80xi32, #tpu.memory_space<vmem>>
      %dma_start3A_865 = arith.constant 0 : i32
      %dma_start3A_866 = arith.constant 0 : i32
      %dma_start3A_867 = tpu.memref_slice %arg2[%dma_start3A_865, %dma_start3A_866] : memref<10000x128xf32, #tpu.memory_space<hbm>> -> memref<10000x128xf32, #tpu.memory_space<hbm>>
      tpu.enqueue_indirect_dma source(%dma_start3A_867 : memref<10000x128xf32, #tpu.memory_space<hbm>>) target(%dma_start3A_861 : memref<80x128xf32, #tpu.memory_space<vmem>>) offsets(%dma_start3A_864 : memref<80xi32, #tpu.memory_space<vmem>>) semaphore(%arg12 : memref<!tpu.dma_semaphore, #tpu.memory_space<semaphore_mem>>)
      %add3A_868 = arith.constant 5 : i32
      %add3A_869 = arith.addi %add3A_804, %add3A_868 : i32
      %dma_start3A_870 = arith.constant 1 : i32
      %dma_start3A_871 = arith.constant 0 : i32
      %dma_start3A_872 = arith.constant 0 : i32
      %dma_start3A_873 = tpu.memref_slice %arg6[%dma_start3A_870, %dma_start3A_871, %dma_start3A_872] : memref<8x2x80xi32, #tpu.memory_space<vmem>> -> memref<1x2x80xi32, #tpu.memory_space<vmem>>
      %dma_start3A_874 = tpu.memref_squeeze %dma_start3A_873 : memref<1x2x80xi32, #tpu.memory_space<vmem>> -> memref<2x80xi32, #tpu.memory_space<vmem>>
      %dma_start3A_875 = arith.constant 0 : i32
      %dma_start3A_876 = arith.constant 0 : i32
      %dma_start3A_877 = tpu.memref_slice %arg3[%add3A, %add3A_869, %dma_start3A_875, %dma_start3A_876] : memref<32x125x2x80xi32, #tpu.memory_space<hbm>> -> memref<1x1x2x80xi32, #tpu.memory_space<hbm>>
      %dma_start3A_878 = tpu.memref_squeeze %dma_start3A_877 : memref<1x1x2x80xi32, #tpu.memory_space<hbm>> -> memref<2x80xi32, #tpu.memory_space<hbm>>
      %dma_start3A_879 = arith.constant 0 : i32
      %dma_start3A_880 = arith.constant 0 : i32
      %dma_start3A_881 = tpu.memref_slice %arg6[%dma_start3A_870, %dma_start3A_879, %dma_start3A_880] : memref<8x2x80xi32, #tpu.memory_space<vmem>> -> memref<1x2x80xi32, #tpu.memory_space<vmem>>
      %dma_start3A_882 = tpu.memref_squeeze %dma_start3A_881 : memref<1x2x80xi32, #tpu.memory_space<vmem>> -> memref<2x80xi32, #tpu.memory_space<vmem>>
      %dma_start3A_883 = arith.constant 0 : i32
      %dma_start3A_884 = arith.constant 0 : i32
      %dma_start3A_885 = tpu.memref_slice %arg3[%add3A, %add3A_869, %dma_start3A_883, %dma_start3A_884] : memref<32x125x2x80xi32, #tpu.memory_space<hbm>> -> memref<1x1x2x80xi32, #tpu.memory_space<hbm>>
      %dma_start3A_886 = tpu.memref_squeeze %dma_start3A_885 : memref<1x1x2x80xi32, #tpu.memory_space<hbm>> -> memref<2x80xi32, #tpu.memory_space<hbm>>
      tpu.enqueue_dma source(%dma_start3A_886 : memref<2x80xi32, #tpu.memory_space<hbm>>) target(%dma_start3A_882 : memref<2x80xi32, #tpu.memory_space<vmem>>) target_semaphore(%arg18 : memref<!tpu.dma_semaphore, #tpu.memory_space<semaphore_mem>>)
      %add3A_887 = arith.constant 5 : i32
      %add3A_888 = arith.addi %add3A_469, %add3A_887 : i32
      %dma_wait3A_889 = arith.constant 5 : i32
      %dma_wait3A_890 = arith.constant 0 : i32
      %dma_wait3A_891 = arith.constant 1 : i32
      %dma_wait3A_892 = arith.constant 0 : i32
      %dma_wait3A_893 = arith.constant 0 : i32
      %dma_wait3A_894 = tpu.memref_slice %arg7[%dma_wait3A_891, %dma_wait3A_892, %dma_wait3A_893] : memref<4x80x128xf32, #tpu.memory_space<vmem>> -> memref<1x80x128xf32, #tpu.memory_space<vmem>>
      %dma_wait3A_895 = tpu.memref_squeeze %dma_wait3A_894 : memref<1x80x128xf32, #tpu.memory_space<vmem>> -> memref<80x128xf32, #tpu.memory_space<vmem>>
      %dma_wait3A_896 = arith.constant 0 : i32
      %dma_wait3A_897 = tpu.memref_slice %arg6[%dma_wait3A_889, %dma_wait3A_890, %dma_wait3A_896] : memref<8x2x80xi32, #tpu.memory_space<vmem>> -> memref<1x1x80xi32, #tpu.memory_space<vmem>>
      %dma_wait3A_898 = tpu.memref_squeeze %dma_wait3A_897 : memref<1x1x80xi32, #tpu.memory_space<vmem>> -> memref<80xi32, #tpu.memory_space<vmem>>
      %dma_wait3A_899 = arith.constant 0 : i32
      %dma_wait3A_900 = arith.constant 0 : i32
      %dma_wait3A_901 = tpu.memref_slice %arg2[%dma_wait3A_899, %dma_wait3A_900] : memref<10000x128xf32, #tpu.memory_space<hbm>> -> memref<10000x128xf32, #tpu.memory_space<hbm>>
      tpu.wait_indirect_dma semaphore(%arg10 : memref<!tpu.dma_semaphore, #tpu.memory_space<semaphore_mem>>) src(%dma_wait3A_901 : memref<10000x128xf32, #tpu.memory_space<hbm>>) dst(%dma_wait3A_895 : memref<80x128xf32, #tpu.memory_space<vmem>>)
      %dma_start3A_902 = arith.constant 1 : i32
      %dma_start3A_903 = arith.constant 5 : i32
      %dma_start3A_904 = arith.constant 1 : i32
      %dma_start3A_905 = arith.constant 0 : i32
      %dma_start3A_906 = arith.constant 0 : i32
      %dma_start3A_907 = tpu.memref_slice %arg7[%dma_start3A_902, %dma_start3A_905, %dma_start3A_906] : memref<4x80x128xf32, #tpu.memory_space<vmem>> -> memref<1x80x128xf32, #tpu.memory_space<vmem>>
      %dma_start3A_908 = tpu.memref_squeeze %dma_start3A_907 : memref<1x80x128xf32, #tpu.memory_space<vmem>> -> memref<80x128xf32, #tpu.memory_space<vmem>>
      %dma_start3A_909 = arith.constant 0 : i32
      %dma_start3A_910 = tpu.memref_slice %arg6[%dma_start3A_903, %dma_start3A_904, %dma_start3A_909] : memref<8x2x80xi32, #tpu.memory_space<vmem>> -> memref<1x1x80xi32, #tpu.memory_space<vmem>>
      %dma_start3A_911 = tpu.memref_squeeze %dma_start3A_910 : memref<1x1x80xi32, #tpu.memory_space<vmem>> -> memref<80xi32, #tpu.memory_space<vmem>>
      %dma_start3A_912 = arith.constant 0 : i32
      %dma_start3A_913 = arith.constant 0 : i32
      %dma_start3A_914 = tpu.memref_slice %arg8[%dma_start3A_912, %dma_start3A_913] : memref<10112x128xf32, #tpu.memory_space<vmem_shared>> -> memref<10112x128xf32, #tpu.memory_space<vmem_shared>>
      tpu.enqueue_indirect_dma source(%dma_start3A_908 : memref<80x128xf32, #tpu.memory_space<vmem>>) target(%dma_start3A_914 : memref<10112x128xf32, #tpu.memory_space<vmem_shared>>) offsets(%dma_start3A_911 : memref<80xi32, #tpu.memory_space<vmem>>) semaphore(%arg14 : memref<!tpu.dma_semaphore, #tpu.memory_space<semaphore_mem>>) {add = true}
      %ge3A_915 = arith.constant 1 : i32
      %ge3A_916 = arith.cmpi sge, %add3A_888, %ge3A_915 : i32
      %convert_element_type3A_917 = arith.extui %ge3A_916 : i1 to i32
      %cond3A_918 = arith.constant 0 : i32
      %cond3A_919 = arith.cmpi ne, %convert_element_type3A_917, %cond3A_918 : i32
      scf.if %cond3A_919 {
        %dma_wait3A_1139 = arith.constant 0 : i32
        %dma_wait3A_1140 = arith.constant 5 : i32
        %dma_wait3A_1141 = arith.constant 1 : i32
        %dma_wait3A_1142 = arith.constant 0 : i32
        %dma_wait3A_1143 = arith.constant 0 : i32
        %dma_wait3A_1144 = tpu.memref_slice %arg7[%dma_wait3A_1139, %dma_wait3A_1142, %dma_wait3A_1143] : memref<4x80x128xf32, #tpu.memory_space<vmem>> -> memref<1x80x128xf32, #tpu.memory_space<vmem>>
        %dma_wait3A_1145 = tpu.memref_squeeze %dma_wait3A_1144 : memref<1x80x128xf32, #tpu.memory_space<vmem>> -> memref<80x128xf32, #tpu.memory_space<vmem>>
        %dma_wait3A_1146 = arith.constant 0 : i32
        %dma_wait3A_1147 = tpu.memref_slice %arg6[%dma_wait3A_1140, %dma_wait3A_1141, %dma_wait3A_1146] : memref<8x2x80xi32, #tpu.memory_space<vmem>> -> memref<1x1x80xi32, #tpu.memory_space<vmem>>
        %dma_wait3A_1148 = tpu.memref_squeeze %dma_wait3A_1147 : memref<1x1x80xi32, #tpu.memory_space<vmem>> -> memref<80xi32, #tpu.memory_space<vmem>>
        %dma_wait3A_1149 = arith.constant 0 : i32
        %dma_wait3A_1150 = arith.constant 0 : i32
        %dma_wait3A_1151 = tpu.memref_slice %arg8[%dma_wait3A_1149, %dma_wait3A_1150] : memref<10112x128xf32, #tpu.memory_space<vmem_shared>> -> memref<10112x128xf32, #tpu.memory_space<vmem_shared>>
        tpu.wait_indirect_dma semaphore(%arg13 : memref<!tpu.dma_semaphore, #tpu.memory_space<semaphore_mem>>) src(%dma_wait3A_1145 : memref<80x128xf32, #tpu.memory_space<vmem>>) dst(%dma_wait3A_1151 : memref<10112x128xf32, #tpu.memory_space<vmem_shared>>)
      } else {
      }
      %add3A_920 = arith.constant 3 : i32
      %add3A_921 = arith.addi %add3A_888, %add3A_920 : i32
      %dma_wait3A_922 = arith.constant 0 : i32
      %dma_wait3A_923 = arith.constant 0 : i32
      %dma_wait3A_924 = arith.constant 0 : i32
      %dma_wait3A_925 = tpu.memref_slice %arg6[%dma_wait3A_922, %dma_wait3A_923, %dma_wait3A_924] : memref<8x2x80xi32, #tpu.memory_space<vmem>> -> memref<1x2x80xi32, #tpu.memory_space<vmem>>
      %dma_wait3A_926 = tpu.memref_squeeze %dma_wait3A_925 : memref<1x2x80xi32, #tpu.memory_space<vmem>> -> memref<2x80xi32, #tpu.memory_space<vmem>>
      %dma_wait3A_927 = arith.constant 0 : i32
      %dma_wait3A_928 = arith.constant 0 : i32
      %dma_wait3A_929 = tpu.memref_slice %arg3[%add3A, %add3A_921, %dma_wait3A_927, %dma_wait3A_928] : memref<32x125x2x80xi32, #tpu.memory_space<hbm>> -> memref<1x1x2x80xi32, #tpu.memory_space<hbm>>
      %dma_wait3A_930 = tpu.memref_squeeze %dma_wait3A_929 : memref<1x1x2x80xi32, #tpu.memory_space<hbm>> -> memref<2x80xi32, #tpu.memory_space<hbm>>
      %dma_wait3A_931 = arith.constant 0 : i32
      %dma_wait3A_932 = arith.constant 0 : i32
      %dma_wait3A_933 = tpu.memref_slice %arg6[%dma_wait3A_922, %dma_wait3A_931, %dma_wait3A_932] : memref<8x2x80xi32, #tpu.memory_space<vmem>> -> memref<1x2x80xi32, #tpu.memory_space<vmem>>
      %dma_wait3A_934 = tpu.memref_squeeze %dma_wait3A_933 : memref<1x2x80xi32, #tpu.memory_space<vmem>> -> memref<2x80xi32, #tpu.memory_space<vmem>>
      %dma_wait3A_935 = arith.constant 0 : i32
      %dma_wait3A_936 = arith.constant 0 : i32
      %dma_wait3A_937 = tpu.memref_slice %arg3[%add3A, %add3A_921, %dma_wait3A_935, %dma_wait3A_936] : memref<32x125x2x80xi32, #tpu.memory_space<hbm>> -> memref<1x1x2x80xi32, #tpu.memory_space<hbm>>
      %dma_wait3A_938 = tpu.memref_squeeze %dma_wait3A_937 : memref<1x1x2x80xi32, #tpu.memory_space<hbm>> -> memref<2x80xi32, #tpu.memory_space<hbm>>
      tpu.wait_dma2 semaphore(%arg17 : memref<!tpu.dma_semaphore, #tpu.memory_space<semaphore_mem>>) src(%dma_wait3A_938 : memref<2x80xi32, #tpu.memory_space<hbm>>) dst(%dma_wait3A_934 : memref<2x80xi32, #tpu.memory_space<vmem>>)
      %dma_start3A_939 = arith.constant 0 : i32
      %dma_start3A_940 = arith.constant 0 : i32
      %dma_start3A_941 = arith.constant 0 : i32
      %dma_start3A_942 = arith.constant 0 : i32
      %dma_start3A_943 = arith.constant 0 : i32
      %dma_start3A_944 = tpu.memref_slice %arg7[%dma_start3A_941, %dma_start3A_942, %dma_start3A_943] : memref<4x80x128xf32, #tpu.memory_space<vmem>> -> memref<1x80x128xf32, #tpu.memory_space<vmem>>
      %dma_start3A_945 = tpu.memref_squeeze %dma_start3A_944 : memref<1x80x128xf32, #tpu.memory_space<vmem>> -> memref<80x128xf32, #tpu.memory_space<vmem>>
      %dma_start3A_946 = arith.constant 0 : i32
      %dma_start3A_947 = tpu.memref_slice %arg6[%dma_start3A_939, %dma_start3A_940, %dma_start3A_946] : memref<8x2x80xi32, #tpu.memory_space<vmem>> -> memref<1x1x80xi32, #tpu.memory_space<vmem>>
      %dma_start3A_948 = tpu.memref_squeeze %dma_start3A_947 : memref<1x1x80xi32, #tpu.memory_space<vmem>> -> memref<80xi32, #tpu.memory_space<vmem>>
      %dma_start3A_949 = arith.constant 0 : i32
      %dma_start3A_950 = arith.constant 0 : i32
      %dma_start3A_951 = tpu.memref_slice %arg2[%dma_start3A_949, %dma_start3A_950] : memref<10000x128xf32, #tpu.memory_space<hbm>> -> memref<10000x128xf32, #tpu.memory_space<hbm>>
      tpu.enqueue_indirect_dma source(%dma_start3A_951 : memref<10000x128xf32, #tpu.memory_space<hbm>>) target(%dma_start3A_945 : memref<80x128xf32, #tpu.memory_space<vmem>>) offsets(%dma_start3A_948 : memref<80xi32, #tpu.memory_space<vmem>>) semaphore(%arg9 : memref<!tpu.dma_semaphore, #tpu.memory_space<semaphore_mem>>)
      %add3A_952 = arith.constant 5 : i32
      %add3A_953 = arith.addi %add3A_888, %add3A_952 : i32
      %dma_start3A_954 = arith.constant 2 : i32
      %dma_start3A_955 = arith.constant 0 : i32
      %dma_start3A_956 = arith.constant 0 : i32
      %dma_start3A_957 = tpu.memref_slice %arg6[%dma_start3A_954, %dma_start3A_955, %dma_start3A_956] : memref<8x2x80xi32, #tpu.memory_space<vmem>> -> memref<1x2x80xi32, #tpu.memory_space<vmem>>
      %dma_start3A_958 = tpu.memref_squeeze %dma_start3A_957 : memref<1x2x80xi32, #tpu.memory_space<vmem>> -> memref<2x80xi32, #tpu.memory_space<vmem>>
      %dma_start3A_959 = arith.constant 0 : i32
      %dma_start3A_960 = arith.constant 0 : i32
      %dma_start3A_961 = tpu.memref_slice %arg3[%add3A, %add3A_953, %dma_start3A_959, %dma_start3A_960] : memref<32x125x2x80xi32, #tpu.memory_space<hbm>> -> memref<1x1x2x80xi32, #tpu.memory_space<hbm>>
      %dma_start3A_962 = tpu.memref_squeeze %dma_start3A_961 : memref<1x1x2x80xi32, #tpu.memory_space<hbm>> -> memref<2x80xi32, #tpu.memory_space<hbm>>
      %dma_start3A_963 = arith.constant 0 : i32
      %dma_start3A_964 = arith.constant 0 : i32
      %dma_start3A_965 = tpu.memref_slice %arg6[%dma_start3A_954, %dma_start3A_963, %dma_start3A_964] : memref<8x2x80xi32, #tpu.memory_space<vmem>> -> memref<1x2x80xi32, #tpu.memory_space<vmem>>
      %dma_start3A_966 = tpu.memref_squeeze %dma_start3A_965 : memref<1x2x80xi32, #tpu.memory_space<vmem>> -> memref<2x80xi32, #tpu.memory_space<vmem>>
      %dma_start3A_967 = arith.constant 0 : i32
      %dma_start3A_968 = arith.constant 0 : i32
      %dma_start3A_969 = tpu.memref_slice %arg3[%add3A, %add3A_953, %dma_start3A_967, %dma_start3A_968] : memref<32x125x2x80xi32, #tpu.memory_space<hbm>> -> memref<1x1x2x80xi32, #tpu.memory_space<hbm>>
      %dma_start3A_970 = tpu.memref_squeeze %dma_start3A_969 : memref<1x1x2x80xi32, #tpu.memory_space<hbm>> -> memref<2x80xi32, #tpu.memory_space<hbm>>
      tpu.enqueue_dma source(%dma_start3A_970 : memref<2x80xi32, #tpu.memory_space<hbm>>) target(%dma_start3A_966 : memref<2x80xi32, #tpu.memory_space<vmem>>) target_semaphore(%arg19 : memref<!tpu.dma_semaphore, #tpu.memory_space<semaphore_mem>>)
      %add3A_971 = arith.constant 6 : i32
      %add3A_972 = arith.addi %add3A_469, %add3A_971 : i32
      %dma_wait3A_973 = arith.constant 6 : i32
      %dma_wait3A_974 = arith.constant 0 : i32
      %dma_wait3A_975 = arith.constant 2 : i32
      %dma_wait3A_976 = arith.constant 0 : i32
      %dma_wait3A_977 = arith.constant 0 : i32
      %dma_wait3A_978 = tpu.memref_slice %arg7[%dma_wait3A_975, %dma_wait3A_976, %dma_wait3A_977] : memref<4x80x128xf32, #tpu.memory_space<vmem>> -> memref<1x80x128xf32, #tpu.memory_space<vmem>>
      %dma_wait3A_979 = tpu.memref_squeeze %dma_wait3A_978 : memref<1x80x128xf32, #tpu.memory_space<vmem>> -> memref<80x128xf32, #tpu.memory_space<vmem>>
      %dma_wait3A_980 = arith.constant 0 : i32
      %dma_wait3A_981 = tpu.memref_slice %arg6[%dma_wait3A_973, %dma_wait3A_974, %dma_wait3A_980] : memref<8x2x80xi32, #tpu.memory_space<vmem>> -> memref<1x1x80xi32, #tpu.memory_space<vmem>>
      %dma_wait3A_982 = tpu.memref_squeeze %dma_wait3A_981 : memref<1x1x80xi32, #tpu.memory_space<vmem>> -> memref<80xi32, #tpu.memory_space<vmem>>
      %dma_wait3A_983 = arith.constant 0 : i32
      %dma_wait3A_984 = arith.constant 0 : i32
      %dma_wait3A_985 = tpu.memref_slice %arg2[%dma_wait3A_983, %dma_wait3A_984] : memref<10000x128xf32, #tpu.memory_space<hbm>> -> memref<10000x128xf32, #tpu.memory_space<hbm>>
      tpu.wait_indirect_dma semaphore(%arg11 : memref<!tpu.dma_semaphore, #tpu.memory_space<semaphore_mem>>) src(%dma_wait3A_985 : memref<10000x128xf32, #tpu.memory_space<hbm>>) dst(%dma_wait3A_979 : memref<80x128xf32, #tpu.memory_space<vmem>>)
      %dma_start3A_986 = arith.constant 2 : i32
      %dma_start3A_987 = arith.constant 6 : i32
      %dma_start3A_988 = arith.constant 1 : i32
      %dma_start3A_989 = arith.constant 0 : i32
      %dma_start3A_990 = arith.constant 0 : i32
      %dma_start3A_991 = tpu.memref_slice %arg7[%dma_start3A_986, %dma_start3A_989, %dma_start3A_990] : memref<4x80x128xf32, #tpu.memory_space<vmem>> -> memref<1x80x128xf32, #tpu.memory_space<vmem>>
      %dma_start3A_992 = tpu.memref_squeeze %dma_start3A_991 : memref<1x80x128xf32, #tpu.memory_space<vmem>> -> memref<80x128xf32, #tpu.memory_space<vmem>>
      %dma_start3A_993 = arith.constant 0 : i32
      %dma_start3A_994 = tpu.memref_slice %arg6[%dma_start3A_987, %dma_start3A_988, %dma_start3A_993] : memref<8x2x80xi32, #tpu.memory_space<vmem>> -> memref<1x1x80xi32, #tpu.memory_space<vmem>>
      %dma_start3A_995 = tpu.memref_squeeze %dma_start3A_994 : memref<1x1x80xi32, #tpu.memory_space<vmem>> -> memref<80xi32, #tpu.memory_space<vmem>>
      %dma_start3A_996 = arith.constant 0 : i32
      %dma_start3A_997 = arith.constant 0 : i32
      %dma_start3A_998 = tpu.memref_slice %arg8[%dma_start3A_996, %dma_start3A_997] : memref<10112x128xf32, #tpu.memory_space<vmem_shared>> -> memref<10112x128xf32, #tpu.memory_space<vmem_shared>>
      tpu.enqueue_indirect_dma source(%dma_start3A_992 : memref<80x128xf32, #tpu.memory_space<vmem>>) target(%dma_start3A_998 : memref<10112x128xf32, #tpu.memory_space<vmem_shared>>) offsets(%dma_start3A_995 : memref<80xi32, #tpu.memory_space<vmem>>) semaphore(%arg15 : memref<!tpu.dma_semaphore, #tpu.memory_space<semaphore_mem>>) {add = true}
      %ge3A_999 = arith.constant 1 : i32
      %ge3A_1000 = arith.cmpi sge, %add3A_972, %ge3A_999 : i32
      %convert_element_type3A_1001 = arith.extui %ge3A_1000 : i1 to i32
      %cond3A_1002 = arith.constant 0 : i32
      %cond3A_1003 = arith.cmpi ne, %convert_element_type3A_1001, %cond3A_1002 : i32
      scf.if %cond3A_1003 {
        %dma_wait3A_1139 = arith.constant 1 : i32
        %dma_wait3A_1140 = arith.constant 6 : i32
        %dma_wait3A_1141 = arith.constant 1 : i32
        %dma_wait3A_1142 = arith.constant 0 : i32
        %dma_wait3A_1143 = arith.constant 0 : i32
        %dma_wait3A_1144 = tpu.memref_slice %arg7[%dma_wait3A_1139, %dma_wait3A_1142, %dma_wait3A_1143] : memref<4x80x128xf32, #tpu.memory_space<vmem>> -> memref<1x80x128xf32, #tpu.memory_space<vmem>>
        %dma_wait3A_1145 = tpu.memref_squeeze %dma_wait3A_1144 : memref<1x80x128xf32, #tpu.memory_space<vmem>> -> memref<80x128xf32, #tpu.memory_space<vmem>>
        %dma_wait3A_1146 = arith.constant 0 : i32
        %dma_wait3A_1147 = tpu.memref_slice %arg6[%dma_wait3A_1140, %dma_wait3A_1141, %dma_wait3A_1146] : memref<8x2x80xi32, #tpu.memory_space<vmem>> -> memref<1x1x80xi32, #tpu.memory_space<vmem>>
        %dma_wait3A_1148 = tpu.memref_squeeze %dma_wait3A_1147 : memref<1x1x80xi32, #tpu.memory_space<vmem>> -> memref<80xi32, #tpu.memory_space<vmem>>
        %dma_wait3A_1149 = arith.constant 0 : i32
        %dma_wait3A_1150 = arith.constant 0 : i32
        %dma_wait3A_1151 = tpu.memref_slice %arg8[%dma_wait3A_1149, %dma_wait3A_1150] : memref<10112x128xf32, #tpu.memory_space<vmem_shared>> -> memref<10112x128xf32, #tpu.memory_space<vmem_shared>>
        tpu.wait_indirect_dma semaphore(%arg14 : memref<!tpu.dma_semaphore, #tpu.memory_space<semaphore_mem>>) src(%dma_wait3A_1145 : memref<80x128xf32, #tpu.memory_space<vmem>>) dst(%dma_wait3A_1151 : memref<10112x128xf32, #tpu.memory_space<vmem_shared>>)
      } else {
      }
      %add3A_1004 = arith.constant 3 : i32
      %add3A_1005 = arith.addi %add3A_972, %add3A_1004 : i32
      %dma_wait3A_1006 = arith.constant 1 : i32
      %dma_wait3A_1007 = arith.constant 0 : i32
      %dma_wait3A_1008 = arith.constant 0 : i32
      %dma_wait3A_1009 = tpu.memref_slice %arg6[%dma_wait3A_1006, %dma_wait3A_1007, %dma_wait3A_1008] : memref<8x2x80xi32, #tpu.memory_space<vmem>> -> memref<1x2x80xi32, #tpu.memory_space<vmem>>
      %dma_wait3A_1010 = tpu.memref_squeeze %dma_wait3A_1009 : memref<1x2x80xi32, #tpu.memory_space<vmem>> -> memref<2x80xi32, #tpu.memory_space<vmem>>
      %dma_wait3A_1011 = arith.constant 0 : i32
      %dma_wait3A_1012 = arith.constant 0 : i32
      %dma_wait3A_1013 = tpu.memref_slice %arg3[%add3A, %add3A_1005, %dma_wait3A_1011, %dma_wait3A_1012] : memref<32x125x2x80xi32, #tpu.memory_space<hbm>> -> memref<1x1x2x80xi32, #tpu.memory_space<hbm>>
      %dma_wait3A_1014 = tpu.memref_squeeze %dma_wait3A_1013 : memref<1x1x2x80xi32, #tpu.memory_space<hbm>> -> memref<2x80xi32, #tpu.memory_space<hbm>>
      %dma_wait3A_1015 = arith.constant 0 : i32
      %dma_wait3A_1016 = arith.constant 0 : i32
      %dma_wait3A_1017 = tpu.memref_slice %arg6[%dma_wait3A_1006, %dma_wait3A_1015, %dma_wait3A_1016] : memref<8x2x80xi32, #tpu.memory_space<vmem>> -> memref<1x2x80xi32, #tpu.memory_space<vmem>>
      %dma_wait3A_1018 = tpu.memref_squeeze %dma_wait3A_1017 : memref<1x2x80xi32, #tpu.memory_space<vmem>> -> memref<2x80xi32, #tpu.memory_space<vmem>>
      %dma_wait3A_1019 = arith.constant 0 : i32
      %dma_wait3A_1020 = arith.constant 0 : i32
      %dma_wait3A_1021 = tpu.memref_slice %arg3[%add3A, %add3A_1005, %dma_wait3A_1019, %dma_wait3A_1020] : memref<32x125x2x80xi32, #tpu.memory_space<hbm>> -> memref<1x1x2x80xi32, #tpu.memory_space<hbm>>
      %dma_wait3A_1022 = tpu.memref_squeeze %dma_wait3A_1021 : memref<1x1x2x80xi32, #tpu.memory_space<hbm>> -> memref<2x80xi32, #tpu.memory_space<hbm>>
      tpu.wait_dma2 semaphore(%arg18 : memref<!tpu.dma_semaphore, #tpu.memory_space<semaphore_mem>>) src(%dma_wait3A_1022 : memref<2x80xi32, #tpu.memory_space<hbm>>) dst(%dma_wait3A_1018 : memref<2x80xi32, #tpu.memory_space<vmem>>)
      %dma_start3A_1023 = arith.constant 1 : i32
      %dma_start3A_1024 = arith.constant 0 : i32
      %dma_start3A_1025 = arith.constant 1 : i32
      %dma_start3A_1026 = arith.constant 0 : i32
      %dma_start3A_1027 = arith.constant 0 : i32
      %dma_start3A_1028 = tpu.memref_slice %arg7[%dma_start3A_1025, %dma_start3A_1026, %dma_start3A_1027] : memref<4x80x128xf32, #tpu.memory_space<vmem>> -> memref<1x80x128xf32, #tpu.memory_space<vmem>>
      %dma_start3A_1029 = tpu.memref_squeeze %dma_start3A_1028 : memref<1x80x128xf32, #tpu.memory_space<vmem>> -> memref<80x128xf32, #tpu.memory_space<vmem>>
      %dma_start3A_1030 = arith.constant 0 : i32
      %dma_start3A_1031 = tpu.memref_slice %arg6[%dma_start3A_1023, %dma_start3A_1024, %dma_start3A_1030] : memref<8x2x80xi32, #tpu.memory_space<vmem>> -> memref<1x1x80xi32, #tpu.memory_space<vmem>>
      %dma_start3A_1032 = tpu.memref_squeeze %dma_start3A_1031 : memref<1x1x80xi32, #tpu.memory_space<vmem>> -> memref<80xi32, #tpu.memory_space<vmem>>
      %dma_start3A_1033 = arith.constant 0 : i32
      %dma_start3A_1034 = arith.constant 0 : i32
      %dma_start3A_1035 = tpu.memref_slice %arg2[%dma_start3A_1033, %dma_start3A_1034] : memref<10000x128xf32, #tpu.memory_space<hbm>> -> memref<10000x128xf32, #tpu.memory_space<hbm>>
      tpu.enqueue_indirect_dma source(%dma_start3A_1035 : memref<10000x128xf32, #tpu.memory_space<hbm>>) target(%dma_start3A_1029 : memref<80x128xf32, #tpu.memory_space<vmem>>) offsets(%dma_start3A_1032 : memref<80xi32, #tpu.memory_space<vmem>>) semaphore(%arg10 : memref<!tpu.dma_semaphore, #tpu.memory_space<semaphore_mem>>)
      %add3A_1036 = arith.constant 5 : i32
      %add3A_1037 = arith.addi %add3A_972, %add3A_1036 : i32
      %dma_start3A_1038 = arith.constant 3 : i32
      %dma_start3A_1039 = arith.constant 0 : i32
      %dma_start3A_1040 = arith.constant 0 : i32
      %dma_start3A_1041 = tpu.memref_slice %arg6[%dma_start3A_1038, %dma_start3A_1039, %dma_start3A_1040] : memref<8x2x80xi32, #tpu.memory_space<vmem>> -> memref<1x2x80xi32, #tpu.memory_space<vmem>>
      %dma_start3A_1042 = tpu.memref_squeeze %dma_start3A_1041 : memref<1x2x80xi32, #tpu.memory_space<vmem>> -> memref<2x80xi32, #tpu.memory_space<vmem>>
      %dma_start3A_1043 = arith.constant 0 : i32
      %dma_start3A_1044 = arith.constant 0 : i32
      %dma_start3A_1045 = tpu.memref_slice %arg3[%add3A, %add3A_1037, %dma_start3A_1043, %dma_start3A_1044] : memref<32x125x2x80xi32, #tpu.memory_space<hbm>> -> memref<1x1x2x80xi32, #tpu.memory_space<hbm>>
      %dma_start3A_1046 = tpu.memref_squeeze %dma_start3A_1045 : memref<1x1x2x80xi32, #tpu.memory_space<hbm>> -> memref<2x80xi32, #tpu.memory_space<hbm>>
      %dma_start3A_1047 = arith.constant 0 : i32
      %dma_start3A_1048 = arith.constant 0 : i32
      %dma_start3A_1049 = tpu.memref_slice %arg6[%dma_start3A_1038, %dma_start3A_1047, %dma_start3A_1048] : memref<8x2x80xi32, #tpu.memory_space<vmem>> -> memref<1x2x80xi32, #tpu.memory_space<vmem>>
      %dma_start3A_1050 = tpu.memref_squeeze %dma_start3A_1049 : memref<1x2x80xi32, #tpu.memory_space<vmem>> -> memref<2x80xi32, #tpu.memory_space<vmem>>
      %dma_start3A_1051 = arith.constant 0 : i32
      %dma_start3A_1052 = arith.constant 0 : i32
      %dma_start3A_1053 = tpu.memref_slice %arg3[%add3A, %add3A_1037, %dma_start3A_1051, %dma_start3A_1052] : memref<32x125x2x80xi32, #tpu.memory_space<hbm>> -> memref<1x1x2x80xi32, #tpu.memory_space<hbm>>
      %dma_start3A_1054 = tpu.memref_squeeze %dma_start3A_1053 : memref<1x1x2x80xi32, #tpu.memory_space<hbm>> -> memref<2x80xi32, #tpu.memory_space<hbm>>
      tpu.enqueue_dma source(%dma_start3A_1054 : memref<2x80xi32, #tpu.memory_space<hbm>>) target(%dma_start3A_1050 : memref<2x80xi32, #tpu.memory_space<vmem>>) target_semaphore(%arg20 : memref<!tpu.dma_semaphore, #tpu.memory_space<semaphore_mem>>)
      %add3A_1055 = arith.constant 7 : i32
      %add3A_1056 = arith.addi %add3A_469, %add3A_1055 : i32
      %dma_wait3A_1057 = arith.constant 7 : i32
      %dma_wait3A_1058 = arith.constant 0 : i32
      %dma_wait3A_1059 = arith.constant 3 : i32
      %dma_wait3A_1060 = arith.constant 0 : i32
      %dma_wait3A_1061 = arith.constant 0 : i32
      %dma_wait3A_1062 = tpu.memref_slice %arg7[%dma_wait3A_1059, %dma_wait3A_1060, %dma_wait3A_1061] : memref<4x80x128xf32, #tpu.memory_space<vmem>> -> memref<1x80x128xf32, #tpu.memory_space<vmem>>
      %dma_wait3A_1063 = tpu.memref_squeeze %dma_wait3A_1062 : memref<1x80x128xf32, #tpu.memory_space<vmem>> -> memref<80x128xf32, #tpu.memory_space<vmem>>
      %dma_wait3A_1064 = arith.constant 0 : i32
      %dma_wait3A_1065 = tpu.memref_slice %arg6[%dma_wait3A_1057, %dma_wait3A_1058, %dma_wait3A_1064] : memref<8x2x80xi32, #tpu.memory_space<vmem>> -> memref<1x1x80xi32, #tpu.memory_space<vmem>>
      %dma_wait3A_1066 = tpu.memref_squeeze %dma_wait3A_1065 : memref<1x1x80xi32, #tpu.memory_space<vmem>> -> memref<80xi32, #tpu.memory_space<vmem>>
      %dma_wait3A_1067 = arith.constant 0 : i32
      %dma_wait3A_1068 = arith.constant 0 : i32
      %dma_wait3A_1069 = tpu.memref_slice %arg2[%dma_wait3A_1067, %dma_wait3A_1068] : memref<10000x128xf32, #tpu.memory_space<hbm>> -> memref<10000x128xf32, #tpu.memory_space<hbm>>
      tpu.wait_indirect_dma semaphore(%arg12 : memref<!tpu.dma_semaphore, #tpu.memory_space<semaphore_mem>>) src(%dma_wait3A_1069 : memref<10000x128xf32, #tpu.memory_space<hbm>>) dst(%dma_wait3A_1063 : memref<80x128xf32, #tpu.memory_space<vmem>>)
      %dma_start3A_1070 = arith.constant 3 : i32
      %dma_start3A_1071 = arith.constant 7 : i32
      %dma_start3A_1072 = arith.constant 1 : i32
      %dma_start3A_1073 = arith.constant 0 : i32
      %dma_start3A_1074 = arith.constant 0 : i32
      %dma_start3A_1075 = tpu.memref_slice %arg7[%dma_start3A_1070, %dma_start3A_1073, %dma_start3A_1074] : memref<4x80x128xf32, #tpu.memory_space<vmem>> -> memref<1x80x128xf32, #tpu.memory_space<vmem>>
      %dma_start3A_1076 = tpu.memref_squeeze %dma_start3A_1075 : memref<1x80x128xf32, #tpu.memory_space<vmem>> -> memref<80x128xf32, #tpu.memory_space<vmem>>
      %dma_start3A_1077 = arith.constant 0 : i32
      %dma_start3A_1078 = tpu.memref_slice %arg6[%dma_start3A_1071, %dma_start3A_1072, %dma_start3A_1077] : memref<8x2x80xi32, #tpu.memory_space<vmem>> -> memref<1x1x80xi32, #tpu.memory_space<vmem>>
      %dma_start3A_1079 = tpu.memref_squeeze %dma_start3A_1078 : memref<1x1x80xi32, #tpu.memory_space<vmem>> -> memref<80xi32, #tpu.memory_space<vmem>>
      %dma_start3A_1080 = arith.constant 0 : i32
      %dma_start3A_1081 = arith.constant 0 : i32
      %dma_start3A_1082 = tpu.memref_slice %arg8[%dma_start3A_1080, %dma_start3A_1081] : memref<10112x128xf32, #tpu.memory_space<vmem_shared>> -> memref<10112x128xf32, #tpu.memory_space<vmem_shared>>
      tpu.enqueue_indirect_dma source(%dma_start3A_1076 : memref<80x128xf32, #tpu.memory_space<vmem>>) target(%dma_start3A_1082 : memref<10112x128xf32, #tpu.memory_space<vmem_shared>>) offsets(%dma_start3A_1079 : memref<80xi32, #tpu.memory_space<vmem>>) semaphore(%arg16 : memref<!tpu.dma_semaphore, #tpu.memory_space<semaphore_mem>>) {add = true}
      %ge3A_1083 = arith.constant 1 : i32
      %ge3A_1084 = arith.cmpi sge, %add3A_1056, %ge3A_1083 : i32
      %convert_element_type3A_1085 = arith.extui %ge3A_1084 : i1 to i32
      %cond3A_1086 = arith.constant 0 : i32
      %cond3A_1087 = arith.cmpi ne, %convert_element_type3A_1085, %cond3A_1086 : i32
      scf.if %cond3A_1087 {
        %dma_wait3A_1139 = arith.constant 2 : i32
        %dma_wait3A_1140 = arith.constant 7 : i32
        %dma_wait3A_1141 = arith.constant 1 : i32
        %dma_wait3A_1142 = arith.constant 0 : i32
        %dma_wait3A_1143 = arith.constant 0 : i32
        %dma_wait3A_1144 = tpu.memref_slice %arg7[%dma_wait3A_1139, %dma_wait3A_1142, %dma_wait3A_1143] : memref<4x80x128xf32, #tpu.memory_space<vmem>> -> memref<1x80x128xf32, #tpu.memory_space<vmem>>
        %dma_wait3A_1145 = tpu.memref_squeeze %dma_wait3A_1144 : memref<1x80x128xf32, #tpu.memory_space<vmem>> -> memref<80x128xf32, #tpu.memory_space<vmem>>
        %dma_wait3A_1146 = arith.constant 0 : i32
        %dma_wait3A_1147 = tpu.memref_slice %arg6[%dma_wait3A_1140, %dma_wait3A_1141, %dma_wait3A_1146] : memref<8x2x80xi32, #tpu.memory_space<vmem>> -> memref<1x1x80xi32, #tpu.memory_space<vmem>>
        %dma_wait3A_1148 = tpu.memref_squeeze %dma_wait3A_1147 : memref<1x1x80xi32, #tpu.memory_space<vmem>> -> memref<80xi32, #tpu.memory_space<vmem>>
        %dma_wait3A_1149 = arith.constant 0 : i32
        %dma_wait3A_1150 = arith.constant 0 : i32
        %dma_wait3A_1151 = tpu.memref_slice %arg8[%dma_wait3A_1149, %dma_wait3A_1150] : memref<10112x128xf32, #tpu.memory_space<vmem_shared>> -> memref<10112x128xf32, #tpu.memory_space<vmem_shared>>
        tpu.wait_indirect_dma semaphore(%arg15 : memref<!tpu.dma_semaphore, #tpu.memory_space<semaphore_mem>>) src(%dma_wait3A_1145 : memref<80x128xf32, #tpu.memory_space<vmem>>) dst(%dma_wait3A_1151 : memref<10112x128xf32, #tpu.memory_space<vmem_shared>>)
      } else {
      }
      %add3A_1088 = arith.constant 3 : i32
      %add3A_1089 = arith.addi %add3A_1056, %add3A_1088 : i32
      %dma_wait3A_1090 = arith.constant 2 : i32
      %dma_wait3A_1091 = arith.constant 0 : i32
      %dma_wait3A_1092 = arith.constant 0 : i32
      %dma_wait3A_1093 = tpu.memref_slice %arg6[%dma_wait3A_1090, %dma_wait3A_1091, %dma_wait3A_1092] : memref<8x2x80xi32, #tpu.memory_space<vmem>> -> memref<1x2x80xi32, #tpu.memory_space<vmem>>
      %dma_wait3A_1094 = tpu.memref_squeeze %dma_wait3A_1093 : memref<1x2x80xi32, #tpu.memory_space<vmem>> -> memref<2x80xi32, #tpu.memory_space<vmem>>
      %dma_wait3A_1095 = arith.constant 0 : i32
      %dma_wait3A_1096 = arith.constant 0 : i32
      %dma_wait3A_1097 = tpu.memref_slice %arg3[%add3A, %add3A_1089, %dma_wait3A_1095, %dma_wait3A_1096] : memref<32x125x2x80xi32, #tpu.memory_space<hbm>> -> memref<1x1x2x80xi32, #tpu.memory_space<hbm>>
      %dma_wait3A_1098 = tpu.memref_squeeze %dma_wait3A_1097 : memref<1x1x2x80xi32, #tpu.memory_space<hbm>> -> memref<2x80xi32, #tpu.memory_space<hbm>>
      %dma_wait3A_1099 = arith.constant 0 : i32
      %dma_wait3A_1100 = arith.constant 0 : i32
      %dma_wait3A_1101 = tpu.memref_slice %arg6[%dma_wait3A_1090, %dma_wait3A_1099, %dma_wait3A_1100] : memref<8x2x80xi32, #tpu.memory_space<vmem>> -> memref<1x2x80xi32, #tpu.memory_space<vmem>>
      %dma_wait3A_1102 = tpu.memref_squeeze %dma_wait3A_1101 : memref<1x2x80xi32, #tpu.memory_space<vmem>> -> memref<2x80xi32, #tpu.memory_space<vmem>>
      %dma_wait3A_1103 = arith.constant 0 : i32
      %dma_wait3A_1104 = arith.constant 0 : i32
      %dma_wait3A_1105 = tpu.memref_slice %arg3[%add3A, %add3A_1089, %dma_wait3A_1103, %dma_wait3A_1104] : memref<32x125x2x80xi32, #tpu.memory_space<hbm>> -> memref<1x1x2x80xi32, #tpu.memory_space<hbm>>
      %dma_wait3A_1106 = tpu.memref_squeeze %dma_wait3A_1105 : memref<1x1x2x80xi32, #tpu.memory_space<hbm>> -> memref<2x80xi32, #tpu.memory_space<hbm>>
      tpu.wait_dma2 semaphore(%arg19 : memref<!tpu.dma_semaphore, #tpu.memory_space<semaphore_mem>>) src(%dma_wait3A_1106 : memref<2x80xi32, #tpu.memory_space<hbm>>) dst(%dma_wait3A_1102 : memref<2x80xi32, #tpu.memory_space<vmem>>)
      %dma_start3A_1107 = arith.constant 2 : i32
      %dma_start3A_1108 = arith.constant 0 : i32
      %dma_start3A_1109 = arith.constant 2 : i32
      %dma_start3A_1110 = arith.constant 0 : i32
      %dma_start3A_1111 = arith.constant 0 : i32
      %dma_start3A_1112 = tpu.memref_slice %arg7[%dma_start3A_1109, %dma_start3A_1110, %dma_start3A_1111] : memref<4x80x128xf32, #tpu.memory_space<vmem>> -> memref<1x80x128xf32, #tpu.memory_space<vmem>>
      %dma_start3A_1113 = tpu.memref_squeeze %dma_start3A_1112 : memref<1x80x128xf32, #tpu.memory_space<vmem>> -> memref<80x128xf32, #tpu.memory_space<vmem>>
      %dma_start3A_1114 = arith.constant 0 : i32
      %dma_start3A_1115 = tpu.memref_slice %arg6[%dma_start3A_1107, %dma_start3A_1108, %dma_start3A_1114] : memref<8x2x80xi32, #tpu.memory_space<vmem>> -> memref<1x1x80xi32, #tpu.memory_space<vmem>>
      %dma_start3A_1116 = tpu.memref_squeeze %dma_start3A_1115 : memref<1x1x80xi32, #tpu.memory_space<vmem>> -> memref<80xi32, #tpu.memory_space<vmem>>
      %dma_start3A_1117 = arith.constant 0 : i32
      %dma_start3A_1118 = arith.constant 0 : i32
      %dma_start3A_1119 = tpu.memref_slice %arg2[%dma_start3A_1117, %dma_start3A_1118] : memref<10000x128xf32, #tpu.memory_space<hbm>> -> memref<10000x128xf32, #tpu.memory_space<hbm>>
      tpu.enqueue_indirect_dma source(%dma_start3A_1119 : memref<10000x128xf32, #tpu.memory_space<hbm>>) target(%dma_start3A_1113 : memref<80x128xf32, #tpu.memory_space<vmem>>) offsets(%dma_start3A_1116 : memref<80xi32, #tpu.memory_space<vmem>>) semaphore(%arg11 : memref<!tpu.dma_semaphore, #tpu.memory_space<semaphore_mem>>)
      %add3A_1120 = arith.constant 5 : i32
      %add3A_1121 = arith.addi %add3A_1056, %add3A_1120 : i32
      %dma_start3A_1122 = arith.constant 4 : i32
      %dma_start3A_1123 = arith.constant 0 : i32
      %dma_start3A_1124 = arith.constant 0 : i32
      %dma_start3A_1125 = tpu.memref_slice %arg6[%dma_start3A_1122, %dma_start3A_1123, %dma_start3A_1124] : memref<8x2x80xi32, #tpu.memory_space<vmem>> -> memref<1x2x80xi32, #tpu.memory_space<vmem>>
      %dma_start3A_1126 = tpu.memref_squeeze %dma_start3A_1125 : memref<1x2x80xi32, #tpu.memory_space<vmem>> -> memref<2x80xi32, #tpu.memory_space<vmem>>
      %dma_start3A_1127 = arith.constant 0 : i32
      %dma_start3A_1128 = arith.constant 0 : i32
      %dma_start3A_1129 = tpu.memref_slice %arg3[%add3A, %add3A_1121, %dma_start3A_1127, %dma_start3A_1128] : memref<32x125x2x80xi32, #tpu.memory_space<hbm>> -> memref<1x1x2x80xi32, #tpu.memory_space<hbm>>
      %dma_start3A_1130 = tpu.memref_squeeze %dma_start3A_1129 : memref<1x1x2x80xi32, #tpu.memory_space<hbm>> -> memref<2x80xi32, #tpu.memory_space<hbm>>
      %dma_start3A_1131 = arith.constant 0 : i32
      %dma_start3A_1132 = arith.constant 0 : i32
      %dma_start3A_1133 = tpu.memref_slice %arg6[%dma_start3A_1122, %dma_start3A_1131, %dma_start3A_1132] : memref<8x2x80xi32, #tpu.memory_space<vmem>> -> memref<1x2x80xi32, #tpu.memory_space<vmem>>
      %dma_start3A_1134 = tpu.memref_squeeze %dma_start3A_1133 : memref<1x2x80xi32, #tpu.memory_space<vmem>> -> memref<2x80xi32, #tpu.memory_space<vmem>>
      %dma_start3A_1135 = arith.constant 0 : i32
      %dma_start3A_1136 = arith.constant 0 : i32
      %dma_start3A_1137 = tpu.memref_slice %arg3[%add3A, %add3A_1121, %dma_start3A_1135, %dma_start3A_1136] : memref<32x125x2x80xi32, #tpu.memory_space<hbm>> -> memref<1x1x2x80xi32, #tpu.memory_space<hbm>>
      %dma_start3A_1138 = tpu.memref_squeeze %dma_start3A_1137 : memref<1x1x2x80xi32, #tpu.memory_space<hbm>> -> memref<2x80xi32, #tpu.memory_space<hbm>>
      tpu.enqueue_dma source(%dma_start3A_1138 : memref<2x80xi32, #tpu.memory_space<hbm>>) target(%dma_start3A_1134 : memref<2x80xi32, #tpu.memory_space<vmem>>) target_semaphore(%arg21 : memref<!tpu.dma_semaphore, #tpu.memory_space<semaphore_mem>>)
    }
    %scan3A_189 = arith.constant 15 : i32
    %dma_wait3A_190 = arith.constant 0 : i32
    %dma_wait3A_191 = arith.constant 0 : i32
    %dma_wait3A_192 = arith.constant 0 : i32
    %dma_wait3A_193 = arith.constant 0 : i32
    %dma_wait3A_194 = arith.constant 0 : i32
    %dma_wait3A_195 = tpu.memref_slice %arg7[%dma_wait3A_192, %dma_wait3A_193, %dma_wait3A_194] : memref<4x80x128xf32, #tpu.memory_space<vmem>> -> memref<1x80x128xf32, #tpu.memory_space<vmem>>
    %dma_wait3A_196 = tpu.memref_squeeze %dma_wait3A_195 : memref<1x80x128xf32, #tpu.memory_space<vmem>> -> memref<80x128xf32, #tpu.memory_space<vmem>>
    %dma_wait3A_197 = arith.constant 0 : i32
    %dma_wait3A_198 = tpu.memref_slice %arg6[%dma_wait3A_190, %dma_wait3A_191, %dma_wait3A_197] : memref<8x2x80xi32, #tpu.memory_space<vmem>> -> memref<1x1x80xi32, #tpu.memory_space<vmem>>
    %dma_wait3A_199 = tpu.memref_squeeze %dma_wait3A_198 : memref<1x1x80xi32, #tpu.memory_space<vmem>> -> memref<80xi32, #tpu.memory_space<vmem>>
    %dma_wait3A_200 = arith.constant 0 : i32
    %dma_wait3A_201 = arith.constant 0 : i32
    %dma_wait3A_202 = tpu.memref_slice %arg2[%dma_wait3A_200, %dma_wait3A_201] : memref<10000x128xf32, #tpu.memory_space<hbm>> -> memref<10000x128xf32, #tpu.memory_space<hbm>>
    tpu.wait_indirect_dma semaphore(%arg9 : memref<!tpu.dma_semaphore, #tpu.memory_space<semaphore_mem>>) src(%dma_wait3A_202 : memref<10000x128xf32, #tpu.memory_space<hbm>>) dst(%dma_wait3A_196 : memref<80x128xf32, #tpu.memory_space<vmem>>)
    %dma_start3A_203 = arith.constant 0 : i32
    %dma_start3A_204 = arith.constant 0 : i32
    %dma_start3A_205 = arith.constant 1 : i32
    %dma_start3A_206 = arith.constant 0 : i32
    %dma_start3A_207 = arith.constant 0 : i32
    %dma_start3A_208 = tpu.memref_slice %arg7[%dma_start3A_203, %dma_start3A_206, %dma_start3A_207] : memref<4x80x128xf32, #tpu.memory_space<vmem>> -> memref<1x80x128xf32, #tpu.memory_space<vmem>>
    %dma_start3A_209 = tpu.memref_squeeze %dma_start3A_208 : memref<1x80x128xf32, #tpu.memory_space<vmem>> -> memref<80x128xf32, #tpu.memory_space<vmem>>
    %dma_start3A_210 = arith.constant 0 : i32
    %dma_start3A_211 = tpu.memref_slice %arg6[%dma_start3A_204, %dma_start3A_205, %dma_start3A_210] : memref<8x2x80xi32, #tpu.memory_space<vmem>> -> memref<1x1x80xi32, #tpu.memory_space<vmem>>
    %dma_start3A_212 = tpu.memref_squeeze %dma_start3A_211 : memref<1x1x80xi32, #tpu.memory_space<vmem>> -> memref<80xi32, #tpu.memory_space<vmem>>
    %dma_start3A_213 = arith.constant 0 : i32
    %dma_start3A_214 = arith.constant 0 : i32
    %dma_start3A_215 = tpu.memref_slice %arg8[%dma_start3A_213, %dma_start3A_214] : memref<10112x128xf32, #tpu.memory_space<vmem_shared>> -> memref<10112x128xf32, #tpu.memory_space<vmem_shared>>
    tpu.enqueue_indirect_dma source(%dma_start3A_209 : memref<80x128xf32, #tpu.memory_space<vmem>>) target(%dma_start3A_215 : memref<10112x128xf32, #tpu.memory_space<vmem_shared>>) offsets(%dma_start3A_212 : memref<80xi32, #tpu.memory_space<vmem>>) semaphore(%arg13 : memref<!tpu.dma_semaphore, #tpu.memory_space<semaphore_mem>>) {add = true}
    %dma_wait3A_216 = arith.constant 3 : i32
    %dma_wait3A_217 = arith.constant 0 : i32
    %dma_wait3A_218 = arith.constant 1 : i32
    %dma_wait3A_219 = arith.constant 0 : i32
    %dma_wait3A_220 = arith.constant 0 : i32
    %dma_wait3A_221 = tpu.memref_slice %arg7[%dma_wait3A_216, %dma_wait3A_219, %dma_wait3A_220] : memref<4x80x128xf32, #tpu.memory_space<vmem>> -> memref<1x80x128xf32, #tpu.memory_space<vmem>>
    %dma_wait3A_222 = tpu.memref_squeeze %dma_wait3A_221 : memref<1x80x128xf32, #tpu.memory_space<vmem>> -> memref<80x128xf32, #tpu.memory_space<vmem>>
    %dma_wait3A_223 = arith.constant 0 : i32
    %dma_wait3A_224 = tpu.memref_slice %arg6[%dma_wait3A_217, %dma_wait3A_218, %dma_wait3A_223] : memref<8x2x80xi32, #tpu.memory_space<vmem>> -> memref<1x1x80xi32, #tpu.memory_space<vmem>>
    %dma_wait3A_225 = tpu.memref_squeeze %dma_wait3A_224 : memref<1x1x80xi32, #tpu.memory_space<vmem>> -> memref<80xi32, #tpu.memory_space<vmem>>
    %dma_wait3A_226 = arith.constant 0 : i32
    %dma_wait3A_227 = arith.constant 0 : i32
    %dma_wait3A_228 = tpu.memref_slice %arg8[%dma_wait3A_226, %dma_wait3A_227] : memref<10112x128xf32, #tpu.memory_space<vmem_shared>> -> memref<10112x128xf32, #tpu.memory_space<vmem_shared>>
    tpu.wait_indirect_dma semaphore(%arg16 : memref<!tpu.dma_semaphore, #tpu.memory_space<semaphore_mem>>) src(%dma_wait3A_222 : memref<80x128xf32, #tpu.memory_space<vmem>>) dst(%dma_wait3A_228 : memref<10112x128xf32, #tpu.memory_space<vmem_shared>>)
    %dma_wait3A_229 = arith.constant 123 : i32
    %dma_wait3A_230 = arith.constant 3 : i32
    %dma_wait3A_231 = arith.constant 0 : i32
    %dma_wait3A_232 = arith.constant 0 : i32
    %dma_wait3A_233 = tpu.memref_slice %arg6[%dma_wait3A_230, %dma_wait3A_231, %dma_wait3A_232] : memref<8x2x80xi32, #tpu.memory_space<vmem>> -> memref<1x2x80xi32, #tpu.memory_space<vmem>>
    %dma_wait3A_234 = tpu.memref_squeeze %dma_wait3A_233 : memref<1x2x80xi32, #tpu.memory_space<vmem>> -> memref<2x80xi32, #tpu.memory_space<vmem>>
    %dma_wait3A_235 = arith.constant 0 : i32
    %dma_wait3A_236 = arith.constant 0 : i32
    %dma_wait3A_237 = tpu.memref_slice %arg3[%add3A, %dma_wait3A_229, %dma_wait3A_235, %dma_wait3A_236] : memref<32x125x2x80xi32, #tpu.memory_space<hbm>> -> memref<1x1x2x80xi32, #tpu.memory_space<hbm>>
    %dma_wait3A_238 = tpu.memref_squeeze %dma_wait3A_237 : memref<1x1x2x80xi32, #tpu.memory_space<hbm>> -> memref<2x80xi32, #tpu.memory_space<hbm>>
    %dma_wait3A_239 = arith.constant 0 : i32
    %dma_wait3A_240 = arith.constant 0 : i32
    %dma_wait3A_241 = tpu.memref_slice %arg6[%dma_wait3A_230, %dma_wait3A_239, %dma_wait3A_240] : memref<8x2x80xi32, #tpu.memory_space<vmem>> -> memref<1x2x80xi32, #tpu.memory_space<vmem>>
    %dma_wait3A_242 = tpu.memref_squeeze %dma_wait3A_241 : memref<1x2x80xi32, #tpu.memory_space<vmem>> -> memref<2x80xi32, #tpu.memory_space<vmem>>
    %dma_wait3A_243 = arith.constant 0 : i32
    %dma_wait3A_244 = arith.constant 0 : i32
    %dma_wait3A_245 = tpu.memref_slice %arg3[%add3A, %dma_wait3A_229, %dma_wait3A_243, %dma_wait3A_244] : memref<32x125x2x80xi32, #tpu.memory_space<hbm>> -> memref<1x1x2x80xi32, #tpu.memory_space<hbm>>
    %dma_wait3A_246 = tpu.memref_squeeze %dma_wait3A_245 : memref<1x1x2x80xi32, #tpu.memory_space<hbm>> -> memref<2x80xi32, #tpu.memory_space<hbm>>
    tpu.wait_dma2 semaphore(%arg20 : memref<!tpu.dma_semaphore, #tpu.memory_space<semaphore_mem>>) src(%dma_wait3A_246 : memref<2x80xi32, #tpu.memory_space<hbm>>) dst(%dma_wait3A_242 : memref<2x80xi32, #tpu.memory_space<vmem>>)
    %dma_start3A_247 = arith.constant 3 : i32
    %dma_start3A_248 = arith.constant 0 : i32
    %dma_start3A_249 = arith.constant 3 : i32
    %dma_start3A_250 = arith.constant 0 : i32
    %dma_start3A_251 = arith.constant 0 : i32
    %dma_start3A_252 = tpu.memref_slice %arg7[%dma_start3A_249, %dma_start3A_250, %dma_start3A_251] : memref<4x80x128xf32, #tpu.memory_space<vmem>> -> memref<1x80x128xf32, #tpu.memory_space<vmem>>
    %dma_start3A_253 = tpu.memref_squeeze %dma_start3A_252 : memref<1x80x128xf32, #tpu.memory_space<vmem>> -> memref<80x128xf32, #tpu.memory_space<vmem>>
    %dma_start3A_254 = arith.constant 0 : i32
    %dma_start3A_255 = tpu.memref_slice %arg6[%dma_start3A_247, %dma_start3A_248, %dma_start3A_254] : memref<8x2x80xi32, #tpu.memory_space<vmem>> -> memref<1x1x80xi32, #tpu.memory_space<vmem>>
    %dma_start3A_256 = tpu.memref_squeeze %dma_start3A_255 : memref<1x1x80xi32, #tpu.memory_space<vmem>> -> memref<80xi32, #tpu.memory_space<vmem>>
    %dma_start3A_257 = arith.constant 0 : i32
    %dma_start3A_258 = arith.constant 0 : i32
    %dma_start3A_259 = tpu.memref_slice %arg2[%dma_start3A_257, %dma_start3A_258] : memref<10000x128xf32, #tpu.memory_space<hbm>> -> memref<10000x128xf32, #tpu.memory_space<hbm>>
    tpu.enqueue_indirect_dma source(%dma_start3A_259 : memref<10000x128xf32, #tpu.memory_space<hbm>>) target(%dma_start3A_253 : memref<80x128xf32, #tpu.memory_space<vmem>>) offsets(%dma_start3A_256 : memref<80xi32, #tpu.memory_space<vmem>>) semaphore(%arg12 : memref<!tpu.dma_semaphore, #tpu.memory_space<semaphore_mem>>)
    %dma_wait3A_260 = arith.constant 1 : i32
    %dma_wait3A_261 = arith.constant 0 : i32
    %dma_wait3A_262 = arith.constant 1 : i32
    %dma_wait3A_263 = arith.constant 0 : i32
    %dma_wait3A_264 = arith.constant 0 : i32
    %dma_wait3A_265 = tpu.memref_slice %arg7[%dma_wait3A_262, %dma_wait3A_263, %dma_wait3A_264] : memref<4x80x128xf32, #tpu.memory_space<vmem>> -> memref<1x80x128xf32, #tpu.memory_space<vmem>>
    %dma_wait3A_266 = tpu.memref_squeeze %dma_wait3A_265 : memref<1x80x128xf32, #tpu.memory_space<vmem>> -> memref<80x128xf32, #tpu.memory_space<vmem>>
    %dma_wait3A_267 = arith.constant 0 : i32
    %dma_wait3A_268 = tpu.memref_slice %arg6[%dma_wait3A_260, %dma_wait3A_261, %dma_wait3A_267] : memref<8x2x80xi32, #tpu.memory_space<vmem>> -> memref<1x1x80xi32, #tpu.memory_space<vmem>>
    %dma_wait3A_269 = tpu.memref_squeeze %dma_wait3A_268 : memref<1x1x80xi32, #tpu.memory_space<vmem>> -> memref<80xi32, #tpu.memory_space<vmem>>
    %dma_wait3A_270 = arith.constant 0 : i32
    %dma_wait3A_271 = arith.constant 0 : i32
    %dma_wait3A_272 = tpu.memref_slice %arg2[%dma_wait3A_270, %dma_wait3A_271] : memref<10000x128xf32, #tpu.memory_space<hbm>> -> memref<10000x128xf32, #tpu.memory_space<hbm>>
    tpu.wait_indirect_dma semaphore(%arg10 : memref<!tpu.dma_semaphore, #tpu.memory_space<semaphore_mem>>) src(%dma_wait3A_272 : memref<10000x128xf32, #tpu.memory_space<hbm>>) dst(%dma_wait3A_266 : memref<80x128xf32, #tpu.memory_space<vmem>>)
    %dma_start3A_273 = arith.constant 1 : i32
    %dma_start3A_274 = arith.constant 1 : i32
    %dma_start3A_275 = arith.constant 1 : i32
    %dma_start3A_276 = arith.constant 0 : i32
    %dma_start3A_277 = arith.constant 0 : i32
    %dma_start3A_278 = tpu.memref_slice %arg7[%dma_start3A_273, %dma_start3A_276, %dma_start3A_277] : memref<4x80x128xf32, #tpu.memory_space<vmem>> -> memref<1x80x128xf32, #tpu.memory_space<vmem>>
    %dma_start3A_279 = tpu.memref_squeeze %dma_start3A_278 : memref<1x80x128xf32, #tpu.memory_space<vmem>> -> memref<80x128xf32, #tpu.memory_space<vmem>>
    %dma_start3A_280 = arith.constant 0 : i32
    %dma_start3A_281 = tpu.memref_slice %arg6[%dma_start3A_274, %dma_start3A_275, %dma_start3A_280] : memref<8x2x80xi32, #tpu.memory_space<vmem>> -> memref<1x1x80xi32, #tpu.memory_space<vmem>>
    %dma_start3A_282 = tpu.memref_squeeze %dma_start3A_281 : memref<1x1x80xi32, #tpu.memory_space<vmem>> -> memref<80xi32, #tpu.memory_space<vmem>>
    %dma_start3A_283 = arith.constant 0 : i32
    %dma_start3A_284 = arith.constant 0 : i32
    %dma_start3A_285 = tpu.memref_slice %arg8[%dma_start3A_283, %dma_start3A_284] : memref<10112x128xf32, #tpu.memory_space<vmem_shared>> -> memref<10112x128xf32, #tpu.memory_space<vmem_shared>>
    tpu.enqueue_indirect_dma source(%dma_start3A_279 : memref<80x128xf32, #tpu.memory_space<vmem>>) target(%dma_start3A_285 : memref<10112x128xf32, #tpu.memory_space<vmem_shared>>) offsets(%dma_start3A_282 : memref<80xi32, #tpu.memory_space<vmem>>) semaphore(%arg14 : memref<!tpu.dma_semaphore, #tpu.memory_space<semaphore_mem>>) {add = true}
    %dma_wait3A_286 = arith.constant 0 : i32
    %dma_wait3A_287 = arith.constant 1 : i32
    %dma_wait3A_288 = arith.constant 1 : i32
    %dma_wait3A_289 = arith.constant 0 : i32
    %dma_wait3A_290 = arith.constant 0 : i32
    %dma_wait3A_291 = tpu.memref_slice %arg7[%dma_wait3A_286, %dma_wait3A_289, %dma_wait3A_290] : memref<4x80x128xf32, #tpu.memory_space<vmem>> -> memref<1x80x128xf32, #tpu.memory_space<vmem>>
    %dma_wait3A_292 = tpu.memref_squeeze %dma_wait3A_291 : memref<1x80x128xf32, #tpu.memory_space<vmem>> -> memref<80x128xf32, #tpu.memory_space<vmem>>
    %dma_wait3A_293 = arith.constant 0 : i32
    %dma_wait3A_294 = tpu.memref_slice %arg6[%dma_wait3A_287, %dma_wait3A_288, %dma_wait3A_293] : memref<8x2x80xi32, #tpu.memory_space<vmem>> -> memref<1x1x80xi32, #tpu.memory_space<vmem>>
    %dma_wait3A_295 = tpu.memref_squeeze %dma_wait3A_294 : memref<1x1x80xi32, #tpu.memory_space<vmem>> -> memref<80xi32, #tpu.memory_space<vmem>>
    %dma_wait3A_296 = arith.constant 0 : i32
    %dma_wait3A_297 = arith.constant 0 : i32
    %dma_wait3A_298 = tpu.memref_slice %arg8[%dma_wait3A_296, %dma_wait3A_297] : memref<10112x128xf32, #tpu.memory_space<vmem_shared>> -> memref<10112x128xf32, #tpu.memory_space<vmem_shared>>
    tpu.wait_indirect_dma semaphore(%arg13 : memref<!tpu.dma_semaphore, #tpu.memory_space<semaphore_mem>>) src(%dma_wait3A_292 : memref<80x128xf32, #tpu.memory_space<vmem>>) dst(%dma_wait3A_298 : memref<10112x128xf32, #tpu.memory_space<vmem_shared>>)
    %dma_wait3A_299 = arith.constant 124 : i32
    %dma_wait3A_300 = arith.constant 4 : i32
    %dma_wait3A_301 = arith.constant 0 : i32
    %dma_wait3A_302 = arith.constant 0 : i32
    %dma_wait3A_303 = tpu.memref_slice %arg6[%dma_wait3A_300, %dma_wait3A_301, %dma_wait3A_302] : memref<8x2x80xi32, #tpu.memory_space<vmem>> -> memref<1x2x80xi32, #tpu.memory_space<vmem>>
    %dma_wait3A_304 = tpu.memref_squeeze %dma_wait3A_303 : memref<1x2x80xi32, #tpu.memory_space<vmem>> -> memref<2x80xi32, #tpu.memory_space<vmem>>
    %dma_wait3A_305 = arith.constant 0 : i32
    %dma_wait3A_306 = arith.constant 0 : i32
    %dma_wait3A_307 = tpu.memref_slice %arg3[%add3A, %dma_wait3A_299, %dma_wait3A_305, %dma_wait3A_306] : memref<32x125x2x80xi32, #tpu.memory_space<hbm>> -> memref<1x1x2x80xi32, #tpu.memory_space<hbm>>
    %dma_wait3A_308 = tpu.memref_squeeze %dma_wait3A_307 : memref<1x1x2x80xi32, #tpu.memory_space<hbm>> -> memref<2x80xi32, #tpu.memory_space<hbm>>
    %dma_wait3A_309 = arith.constant 0 : i32
    %dma_wait3A_310 = arith.constant 0 : i32
    %dma_wait3A_311 = tpu.memref_slice %arg6[%dma_wait3A_300, %dma_wait3A_309, %dma_wait3A_310] : memref<8x2x80xi32, #tpu.memory_space<vmem>> -> memref<1x2x80xi32, #tpu.memory_space<vmem>>
    %dma_wait3A_312 = tpu.memref_squeeze %dma_wait3A_311 : memref<1x2x80xi32, #tpu.memory_space<vmem>> -> memref<2x80xi32, #tpu.memory_space<vmem>>
    %dma_wait3A_313 = arith.constant 0 : i32
    %dma_wait3A_314 = arith.constant 0 : i32
    %dma_wait3A_315 = tpu.memref_slice %arg3[%add3A, %dma_wait3A_299, %dma_wait3A_313, %dma_wait3A_314] : memref<32x125x2x80xi32, #tpu.memory_space<hbm>> -> memref<1x1x2x80xi32, #tpu.memory_space<hbm>>
    %dma_wait3A_316 = tpu.memref_squeeze %dma_wait3A_315 : memref<1x1x2x80xi32, #tpu.memory_space<hbm>> -> memref<2x80xi32, #tpu.memory_space<hbm>>
    tpu.wait_dma2 semaphore(%arg21 : memref<!tpu.dma_semaphore, #tpu.memory_space<semaphore_mem>>) src(%dma_wait3A_316 : memref<2x80xi32, #tpu.memory_space<hbm>>) dst(%dma_wait3A_312 : memref<2x80xi32, #tpu.memory_space<vmem>>)
    %dma_start3A_317 = arith.constant 4 : i32
    %dma_start3A_318 = arith.constant 0 : i32
    %dma_start3A_319 = arith.constant 0 : i32
    %dma_start3A_320 = arith.constant 0 : i32
    %dma_start3A_321 = arith.constant 0 : i32
    %dma_start3A_322 = tpu.memref_slice %arg7[%dma_start3A_319, %dma_start3A_320, %dma_start3A_321] : memref<4x80x128xf32, #tpu.memory_space<vmem>> -> memref<1x80x128xf32, #tpu.memory_space<vmem>>
    %dma_start3A_323 = tpu.memref_squeeze %dma_start3A_322 : memref<1x80x128xf32, #tpu.memory_space<vmem>> -> memref<80x128xf32, #tpu.memory_space<vmem>>
    %dma_start3A_324 = arith.constant 0 : i32
    %dma_start3A_325 = tpu.memref_slice %arg6[%dma_start3A_317, %dma_start3A_318, %dma_start3A_324] : memref<8x2x80xi32, #tpu.memory_space<vmem>> -> memref<1x1x80xi32, #tpu.memory_space<vmem>>
    %dma_start3A_326 = tpu.memref_squeeze %dma_start3A_325 : memref<1x1x80xi32, #tpu.memory_space<vmem>> -> memref<80xi32, #tpu.memory_space<vmem>>
    %dma_start3A_327 = arith.constant 0 : i32
    %dma_start3A_328 = arith.constant 0 : i32
    %dma_start3A_329 = tpu.memref_slice %arg2[%dma_start3A_327, %dma_start3A_328] : memref<10000x128xf32, #tpu.memory_space<hbm>> -> memref<10000x128xf32, #tpu.memory_space<hbm>>
    tpu.enqueue_indirect_dma source(%dma_start3A_329 : memref<10000x128xf32, #tpu.memory_space<hbm>>) target(%dma_start3A_323 : memref<80x128xf32, #tpu.memory_space<vmem>>) offsets(%dma_start3A_326 : memref<80xi32, #tpu.memory_space<vmem>>) semaphore(%arg9 : memref<!tpu.dma_semaphore, #tpu.memory_space<semaphore_mem>>)
    %dma_wait3A_330 = arith.constant 2 : i32
    %dma_wait3A_331 = arith.constant 0 : i32
    %dma_wait3A_332 = arith.constant 2 : i32
    %dma_wait3A_333 = arith.constant 0 : i32
    %dma_wait3A_334 = arith.constant 0 : i32
    %dma_wait3A_335 = tpu.memref_slice %arg7[%dma_wait3A_332, %dma_wait3A_333, %dma_wait3A_334] : memref<4x80x128xf32, #tpu.memory_space<vmem>> -> memref<1x80x128xf32, #tpu.memory_space<vmem>>
    %dma_wait3A_336 = tpu.memref_squeeze %dma_wait3A_335 : memref<1x80x128xf32, #tpu.memory_space<vmem>> -> memref<80x128xf32, #tpu.memory_space<vmem>>
    %dma_wait3A_337 = arith.constant 0 : i32
    %dma_wait3A_338 = tpu.memref_slice %arg6[%dma_wait3A_330, %dma_wait3A_331, %dma_wait3A_337] : memref<8x2x80xi32, #tpu.memory_space<vmem>> -> memref<1x1x80xi32, #tpu.memory_space<vmem>>
    %dma_wait3A_339 = tpu.memref_squeeze %dma_wait3A_338 : memref<1x1x80xi32, #tpu.memory_space<vmem>> -> memref<80xi32, #tpu.memory_space<vmem>>
    %dma_wait3A_340 = arith.constant 0 : i32
    %dma_wait3A_341 = arith.constant 0 : i32
    %dma_wait3A_342 = tpu.memref_slice %arg2[%dma_wait3A_340, %dma_wait3A_341] : memref<10000x128xf32, #tpu.memory_space<hbm>> -> memref<10000x128xf32, #tpu.memory_space<hbm>>
    tpu.wait_indirect_dma semaphore(%arg11 : memref<!tpu.dma_semaphore, #tpu.memory_space<semaphore_mem>>) src(%dma_wait3A_342 : memref<10000x128xf32, #tpu.memory_space<hbm>>) dst(%dma_wait3A_336 : memref<80x128xf32, #tpu.memory_space<vmem>>)
    %dma_start3A_343 = arith.constant 2 : i32
    %dma_start3A_344 = arith.constant 2 : i32
    %dma_start3A_345 = arith.constant 1 : i32
    %dma_start3A_346 = arith.constant 0 : i32
    %dma_start3A_347 = arith.constant 0 : i32
    %dma_start3A_348 = tpu.memref_slice %arg7[%dma_start3A_343, %dma_start3A_346, %dma_start3A_347] : memref<4x80x128xf32, #tpu.memory_space<vmem>> -> memref<1x80x128xf32, #tpu.memory_space<vmem>>
    %dma_start3A_349 = tpu.memref_squeeze %dma_start3A_348 : memref<1x80x128xf32, #tpu.memory_space<vmem>> -> memref<80x128xf32, #tpu.memory_space<vmem>>
    %dma_start3A_350 = arith.constant 0 : i32
    %dma_start3A_351 = tpu.memref_slice %arg6[%dma_start3A_344, %dma_start3A_345, %dma_start3A_350] : memref<8x2x80xi32, #tpu.memory_space<vmem>> -> memref<1x1x80xi32, #tpu.memory_space<vmem>>
    %dma_start3A_352 = tpu.memref_squeeze %dma_start3A_351 : memref<1x1x80xi32, #tpu.memory_space<vmem>> -> memref<80xi32, #tpu.memory_space<vmem>>
    %dma_start3A_353 = arith.constant 0 : i32
    %dma_start3A_354 = arith.constant 0 : i32
    %dma_start3A_355 = tpu.memref_slice %arg8[%dma_start3A_353, %dma_start3A_354] : memref<10112x128xf32, #tpu.memory_space<vmem_shared>> -> memref<10112x128xf32, #tpu.memory_space<vmem_shared>>
    tpu.enqueue_indirect_dma source(%dma_start3A_349 : memref<80x128xf32, #tpu.memory_space<vmem>>) target(%dma_start3A_355 : memref<10112x128xf32, #tpu.memory_space<vmem_shared>>) offsets(%dma_start3A_352 : memref<80xi32, #tpu.memory_space<vmem>>) semaphore(%arg15 : memref<!tpu.dma_semaphore, #tpu.memory_space<semaphore_mem>>) {add = true}
    %dma_wait3A_356 = arith.constant 1 : i32
    %dma_wait3A_357 = arith.constant 2 : i32
    %dma_wait3A_358 = arith.constant 1 : i32
    %dma_wait3A_359 = arith.constant 0 : i32
    %dma_wait3A_360 = arith.constant 0 : i32
    %dma_wait3A_361 = tpu.memref_slice %arg7[%dma_wait3A_356, %dma_wait3A_359, %dma_wait3A_360] : memref<4x80x128xf32, #tpu.memory_space<vmem>> -> memref<1x80x128xf32, #tpu.memory_space<vmem>>
    %dma_wait3A_362 = tpu.memref_squeeze %dma_wait3A_361 : memref<1x80x128xf32, #tpu.memory_space<vmem>> -> memref<80x128xf32, #tpu.memory_space<vmem>>
    %dma_wait3A_363 = arith.constant 0 : i32
    %dma_wait3A_364 = tpu.memref_slice %arg6[%dma_wait3A_357, %dma_wait3A_358, %dma_wait3A_363] : memref<8x2x80xi32, #tpu.memory_space<vmem>> -> memref<1x1x80xi32, #tpu.memory_space<vmem>>
    %dma_wait3A_365 = tpu.memref_squeeze %dma_wait3A_364 : memref<1x1x80xi32, #tpu.memory_space<vmem>> -> memref<80xi32, #tpu.memory_space<vmem>>
    %dma_wait3A_366 = arith.constant 0 : i32
    %dma_wait3A_367 = arith.constant 0 : i32
    %dma_wait3A_368 = tpu.memref_slice %arg8[%dma_wait3A_366, %dma_wait3A_367] : memref<10112x128xf32, #tpu.memory_space<vmem_shared>> -> memref<10112x128xf32, #tpu.memory_space<vmem_shared>>
    tpu.wait_indirect_dma semaphore(%arg14 : memref<!tpu.dma_semaphore, #tpu.memory_space<semaphore_mem>>) src(%dma_wait3A_362 : memref<80x128xf32, #tpu.memory_space<vmem>>) dst(%dma_wait3A_368 : memref<10112x128xf32, #tpu.memory_space<vmem_shared>>)
    %dma_wait3A_369 = arith.constant 3 : i32
    %dma_wait3A_370 = arith.constant 0 : i32
    %dma_wait3A_371 = arith.constant 3 : i32
    %dma_wait3A_372 = arith.constant 0 : i32
    %dma_wait3A_373 = arith.constant 0 : i32
    %dma_wait3A_374 = tpu.memref_slice %arg7[%dma_wait3A_371, %dma_wait3A_372, %dma_wait3A_373] : memref<4x80x128xf32, #tpu.memory_space<vmem>> -> memref<1x80x128xf32, #tpu.memory_space<vmem>>
    %dma_wait3A_375 = tpu.memref_squeeze %dma_wait3A_374 : memref<1x80x128xf32, #tpu.memory_space<vmem>> -> memref<80x128xf32, #tpu.memory_space<vmem>>
    %dma_wait3A_376 = arith.constant 0 : i32
    %dma_wait3A_377 = tpu.memref_slice %arg6[%dma_wait3A_369, %dma_wait3A_370, %dma_wait3A_376] : memref<8x2x80xi32, #tpu.memory_space<vmem>> -> memref<1x1x80xi32, #tpu.memory_space<vmem>>
    %dma_wait3A_378 = tpu.memref_squeeze %dma_wait3A_377 : memref<1x1x80xi32, #tpu.memory_space<vmem>> -> memref<80xi32, #tpu.memory_space<vmem>>
    %dma_wait3A_379 = arith.constant 0 : i32
    %dma_wait3A_380 = arith.constant 0 : i32
    %dma_wait3A_381 = tpu.memref_slice %arg2[%dma_wait3A_379, %dma_wait3A_380] : memref<10000x128xf32, #tpu.memory_space<hbm>> -> memref<10000x128xf32, #tpu.memory_space<hbm>>
    tpu.wait_indirect_dma semaphore(%arg12 : memref<!tpu.dma_semaphore, #tpu.memory_space<semaphore_mem>>) src(%dma_wait3A_381 : memref<10000x128xf32, #tpu.memory_space<hbm>>) dst(%dma_wait3A_375 : memref<80x128xf32, #tpu.memory_space<vmem>>)
    %dma_start3A_382 = arith.constant 3 : i32
    %dma_start3A_383 = arith.constant 3 : i32
    %dma_start3A_384 = arith.constant 1 : i32
    %dma_start3A_385 = arith.constant 0 : i32
    %dma_start3A_386 = arith.constant 0 : i32
    %dma_start3A_387 = tpu.memref_slice %arg7[%dma_start3A_382, %dma_start3A_385, %dma_start3A_386] : memref<4x80x128xf32, #tpu.memory_space<vmem>> -> memref<1x80x128xf32, #tpu.memory_space<vmem>>
    %dma_start3A_388 = tpu.memref_squeeze %dma_start3A_387 : memref<1x80x128xf32, #tpu.memory_space<vmem>> -> memref<80x128xf32, #tpu.memory_space<vmem>>
    %dma_start3A_389 = arith.constant 0 : i32
    %dma_start3A_390 = tpu.memref_slice %arg6[%dma_start3A_383, %dma_start3A_384, %dma_start3A_389] : memref<8x2x80xi32, #tpu.memory_space<vmem>> -> memref<1x1x80xi32, #tpu.memory_space<vmem>>
    %dma_start3A_391 = tpu.memref_squeeze %dma_start3A_390 : memref<1x1x80xi32, #tpu.memory_space<vmem>> -> memref<80xi32, #tpu.memory_space<vmem>>
    %dma_start3A_392 = arith.constant 0 : i32
    %dma_start3A_393 = arith.constant 0 : i32
    %dma_start3A_394 = tpu.memref_slice %arg8[%dma_start3A_392, %dma_start3A_393] : memref<10112x128xf32, #tpu.memory_space<vmem_shared>> -> memref<10112x128xf32, #tpu.memory_space<vmem_shared>>
    tpu.enqueue_indirect_dma source(%dma_start3A_388 : memref<80x128xf32, #tpu.memory_space<vmem>>) target(%dma_start3A_394 : memref<10112x128xf32, #tpu.memory_space<vmem_shared>>) offsets(%dma_start3A_391 : memref<80xi32, #tpu.memory_space<vmem>>) semaphore(%arg16 : memref<!tpu.dma_semaphore, #tpu.memory_space<semaphore_mem>>) {add = true}
    %dma_wait3A_395 = arith.constant 2 : i32
    %dma_wait3A_396 = arith.constant 3 : i32
    %dma_wait3A_397 = arith.constant 1 : i32
    %dma_wait3A_398 = arith.constant 0 : i32
    %dma_wait3A_399 = arith.constant 0 : i32
    %dma_wait3A_400 = tpu.memref_slice %arg7[%dma_wait3A_395, %dma_wait3A_398, %dma_wait3A_399] : memref<4x80x128xf32, #tpu.memory_space<vmem>> -> memref<1x80x128xf32, #tpu.memory_space<vmem>>
    %dma_wait3A_401 = tpu.memref_squeeze %dma_wait3A_400 : memref<1x80x128xf32, #tpu.memory_space<vmem>> -> memref<80x128xf32, #tpu.memory_space<vmem>>
    %dma_wait3A_402 = arith.constant 0 : i32
    %dma_wait3A_403 = tpu.memref_slice %arg6[%dma_wait3A_396, %dma_wait3A_397, %dma_wait3A_402] : memref<8x2x80xi32, #tpu.memory_space<vmem>> -> memref<1x1x80xi32, #tpu.memory_space<vmem>>
    %dma_wait3A_404 = tpu.memref_squeeze %dma_wait3A_403 : memref<1x1x80xi32, #tpu.memory_space<vmem>> -> memref<80xi32, #tpu.memory_space<vmem>>
    %dma_wait3A_405 = arith.constant 0 : i32
    %dma_wait3A_406 = arith.constant 0 : i32
    %dma_wait3A_407 = tpu.memref_slice %arg8[%dma_wait3A_405, %dma_wait3A_406] : memref<10112x128xf32, #tpu.memory_space<vmem_shared>> -> memref<10112x128xf32, #tpu.memory_space<vmem_shared>>
    tpu.wait_indirect_dma semaphore(%arg15 : memref<!tpu.dma_semaphore, #tpu.memory_space<semaphore_mem>>) src(%dma_wait3A_401 : memref<80x128xf32, #tpu.memory_space<vmem>>) dst(%dma_wait3A_407 : memref<10112x128xf32, #tpu.memory_space<vmem_shared>>)
    %dma_wait3A_408 = arith.constant 4 : i32
    %dma_wait3A_409 = arith.constant 0 : i32
    %dma_wait3A_410 = arith.constant 0 : i32
    %dma_wait3A_411 = arith.constant 0 : i32
    %dma_wait3A_412 = arith.constant 0 : i32
    %dma_wait3A_413 = tpu.memref_slice %arg7[%dma_wait3A_410, %dma_wait3A_411, %dma_wait3A_412] : memref<4x80x128xf32, #tpu.memory_space<vmem>> -> memref<1x80x128xf32, #tpu.memory_space<vmem>>
    %dma_wait3A_414 = tpu.memref_squeeze %dma_wait3A_413 : memref<1x80x128xf32, #tpu.memory_space<vmem>> -> memref<80x128xf32, #tpu.memory_space<vmem>>
    %dma_wait3A_415 = arith.constant 0 : i32
    %dma_wait3A_416 = tpu.memref_slice %arg6[%dma_wait3A_408, %dma_wait3A_409, %dma_wait3A_415] : memref<8x2x80xi32, #tpu.memory_space<vmem>> -> memref<1x1x80xi32, #tpu.memory_space<vmem>>
    %dma_wait3A_417 = tpu.memref_squeeze %dma_wait3A_416 : memref<1x1x80xi32, #tpu.memory_space<vmem>> -> memref<80xi32, #tpu.memory_space<vmem>>
    %dma_wait3A_418 = arith.constant 0 : i32
    %dma_wait3A_419 = arith.constant 0 : i32
    %dma_wait3A_420 = tpu.memref_slice %arg2[%dma_wait3A_418, %dma_wait3A_419] : memref<10000x128xf32, #tpu.memory_space<hbm>> -> memref<10000x128xf32, #tpu.memory_space<hbm>>
    tpu.wait_indirect_dma semaphore(%arg9 : memref<!tpu.dma_semaphore, #tpu.memory_space<semaphore_mem>>) src(%dma_wait3A_420 : memref<10000x128xf32, #tpu.memory_space<hbm>>) dst(%dma_wait3A_414 : memref<80x128xf32, #tpu.memory_space<vmem>>)
    %dma_start3A_421 = arith.constant 0 : i32
    %dma_start3A_422 = arith.constant 4 : i32
    %dma_start3A_423 = arith.constant 1 : i32
    %dma_start3A_424 = arith.constant 0 : i32
    %dma_start3A_425 = arith.constant 0 : i32
    %dma_start3A_426 = tpu.memref_slice %arg7[%dma_start3A_421, %dma_start3A_424, %dma_start3A_425] : memref<4x80x128xf32, #tpu.memory_space<vmem>> -> memref<1x80x128xf32, #tpu.memory_space<vmem>>
    %dma_start3A_427 = tpu.memref_squeeze %dma_start3A_426 : memref<1x80x128xf32, #tpu.memory_space<vmem>> -> memref<80x128xf32, #tpu.memory_space<vmem>>
    %dma_start3A_428 = arith.constant 0 : i32
    %dma_start3A_429 = tpu.memref_slice %arg6[%dma_start3A_422, %dma_start3A_423, %dma_start3A_428] : memref<8x2x80xi32, #tpu.memory_space<vmem>> -> memref<1x1x80xi32, #tpu.memory_space<vmem>>
    %dma_start3A_430 = tpu.memref_squeeze %dma_start3A_429 : memref<1x1x80xi32, #tpu.memory_space<vmem>> -> memref<80xi32, #tpu.memory_space<vmem>>
    %dma_start3A_431 = arith.constant 0 : i32
    %dma_start3A_432 = arith.constant 0 : i32
    %dma_start3A_433 = tpu.memref_slice %arg8[%dma_start3A_431, %dma_start3A_432] : memref<10112x128xf32, #tpu.memory_space<vmem_shared>> -> memref<10112x128xf32, #tpu.memory_space<vmem_shared>>
    tpu.enqueue_indirect_dma source(%dma_start3A_427 : memref<80x128xf32, #tpu.memory_space<vmem>>) target(%dma_start3A_433 : memref<10112x128xf32, #tpu.memory_space<vmem_shared>>) offsets(%dma_start3A_430 : memref<80xi32, #tpu.memory_space<vmem>>) semaphore(%arg13 : memref<!tpu.dma_semaphore, #tpu.memory_space<semaphore_mem>>) {add = true}
    %dma_wait3A_434 = arith.constant 3 : i32
    %dma_wait3A_435 = arith.constant 4 : i32
    %dma_wait3A_436 = arith.constant 1 : i32
    %dma_wait3A_437 = arith.constant 0 : i32
    %dma_wait3A_438 = arith.constant 0 : i32
    %dma_wait3A_439 = tpu.memref_slice %arg7[%dma_wait3A_434, %dma_wait3A_437, %dma_wait3A_438] : memref<4x80x128xf32, #tpu.memory_space<vmem>> -> memref<1x80x128xf32, #tpu.memory_space<vmem>>
    %dma_wait3A_440 = tpu.memref_squeeze %dma_wait3A_439 : memref<1x80x128xf32, #tpu.memory_space<vmem>> -> memref<80x128xf32, #tpu.memory_space<vmem>>
    %dma_wait3A_441 = arith.constant 0 : i32
    %dma_wait3A_442 = tpu.memref_slice %arg6[%dma_wait3A_435, %dma_wait3A_436, %dma_wait3A_441] : memref<8x2x80xi32, #tpu.memory_space<vmem>> -> memref<1x1x80xi32, #tpu.memory_space<vmem>>
    %dma_wait3A_443 = tpu.memref_squeeze %dma_wait3A_442 : memref<1x1x80xi32, #tpu.memory_space<vmem>> -> memref<80xi32, #tpu.memory_space<vmem>>
    %dma_wait3A_444 = arith.constant 0 : i32
    %dma_wait3A_445 = arith.constant 0 : i32
    %dma_wait3A_446 = tpu.memref_slice %arg8[%dma_wait3A_444, %dma_wait3A_445] : memref<10112x128xf32, #tpu.memory_space<vmem_shared>> -> memref<10112x128xf32, #tpu.memory_space<vmem_shared>>
    tpu.wait_indirect_dma semaphore(%arg16 : memref<!tpu.dma_semaphore, #tpu.memory_space<semaphore_mem>>) src(%dma_wait3A_440 : memref<80x128xf32, #tpu.memory_space<vmem>>) dst(%dma_wait3A_446 : memref<10112x128xf32, #tpu.memory_space<vmem_shared>>)
    %dma_wait3A_447 = arith.constant 0 : i32
    %dma_wait3A_448 = arith.constant 4 : i32
    %dma_wait3A_449 = arith.constant 1 : i32
    %dma_wait3A_450 = arith.constant 0 : i32
    %dma_wait3A_451 = arith.constant 0 : i32
    %dma_wait3A_452 = tpu.memref_slice %arg7[%dma_wait3A_447, %dma_wait3A_450, %dma_wait3A_451] : memref<4x80x128xf32, #tpu.memory_space<vmem>> -> memref<1x80x128xf32, #tpu.memory_space<vmem>>
    %dma_wait3A_453 = tpu.memref_squeeze %dma_wait3A_452 : memref<1x80x128xf32, #tpu.memory_space<vmem>> -> memref<80x128xf32, #tpu.memory_space<vmem>>
    %dma_wait3A_454 = arith.constant 0 : i32
    %dma_wait3A_455 = tpu.memref_slice %arg6[%dma_wait3A_448, %dma_wait3A_449, %dma_wait3A_454] : memref<8x2x80xi32, #tpu.memory_space<vmem>> -> memref<1x1x80xi32, #tpu.memory_space<vmem>>
    %dma_wait3A_456 = tpu.memref_squeeze %dma_wait3A_455 : memref<1x1x80xi32, #tpu.memory_space<vmem>> -> memref<80xi32, #tpu.memory_space<vmem>>
    %dma_wait3A_457 = arith.constant 0 : i32
    %dma_wait3A_458 = arith.constant 0 : i32
    %dma_wait3A_459 = tpu.memref_slice %arg8[%dma_wait3A_457, %dma_wait3A_458] : memref<10112x128xf32, #tpu.memory_space<vmem_shared>> -> memref<10112x128xf32, #tpu.memory_space<vmem_shared>>
    tpu.wait_indirect_dma semaphore(%arg13 : memref<!tpu.dma_semaphore, #tpu.memory_space<semaphore_mem>>) src(%dma_wait3A_453 : memref<80x128xf32, #tpu.memory_space<vmem>>) dst(%dma_wait3A_459 : memref<10112x128xf32, #tpu.memory_space<vmem_shared>>)
    %barrier3A_460 = arith.constant 0 : index
    tpu.barrier barrier_id(%barrier3A_460)
    %mul3A_461 = arith.constant 632 : i32
    %mul3A_462 = arith.muli %arg1, %mul3A_461 : i32
    %mul3A_463 = arith.constant 632 : i32
    %mul3A_464 = arith.muli %arg1, %mul3A_463 : i32
    "tpu.region"() ({
      %run_scoped3A = tpu.sem_alloc : memref<!tpu.dma_semaphore, #tpu.memory_space<semaphore_mem>>
      %dma_start3A_465 = arith.constant 0 : i32
      %dma_start3A_466 = tpu.memref_slice %arg5[%arg0, %mul3A_464, %dma_start3A_465] : memref<2x10112x128xf32, #tpu.memory_space<hbm>> -> memref<1x632x128xf32, #tpu.memory_space<hbm>>
      %dma_start3A_467 = tpu.memref_squeeze %dma_start3A_466 : memref<1x632x128xf32, #tpu.memory_space<hbm>> -> memref<632x128xf32, #tpu.memory_space<hbm>>
      %dma_start3A_468 = arith.constant 0 : i32
      %dma_start3A_469 = tpu.memref_slice %arg8[%mul3A_462, %dma_start3A_468] : memref<10112x128xf32, #tpu.memory_space<vmem_shared>> -> memref<632x128xf32, #tpu.memory_space<vmem_shared>>
      tpu.enqueue_dma source(%dma_start3A_469 : memref<632x128xf32, #tpu.memory_space<vmem_shared>>) target(%dma_start3A_467 : memref<632x128xf32, #tpu.memory_space<hbm>>) target_semaphore(%run_scoped3A : memref<!tpu.dma_semaphore, #tpu.memory_space<semaphore_mem>>)
      %dma_wait3A_470 = arith.constant 0 : i32
      %dma_wait3A_471 = tpu.memref_slice %arg5[%arg0, %mul3A_464, %dma_wait3A_470] : memref<2x10112x128xf32, #tpu.memory_space<hbm>> -> memref<1x632x128xf32, #tpu.memory_space<hbm>>
      %dma_wait3A_472 = tpu.memref_squeeze %dma_wait3A_471 : memref<1x632x128xf32, #tpu.memory_space<hbm>> -> memref<632x128xf32, #tpu.memory_space<hbm>>
      %dma_wait3A_473 = arith.constant 0 : i32
      %dma_wait3A_474 = tpu.memref_slice %arg8[%mul3A_462, %dma_wait3A_473] : memref<10112x128xf32, #tpu.memory_space<vmem_shared>> -> memref<632x128xf32, #tpu.memory_space<vmem_shared>>
      tpu.wait_dma2 semaphore(%run_scoped3A : memref<!tpu.dma_semaphore, #tpu.memory_space<semaphore_mem>>) src(%dma_wait3A_474 : memref<632x128xf32, #tpu.memory_space<vmem_shared>>) dst(%dma_wait3A_472 : memref<632x128xf32, #tpu.memory_space<hbm>>)
      tpu.yield
    }) : () -> ()
    return
  }
}

module attributes {stable_mosaic.version = 14 : i64} {
  func.func @_norm_body(%arg0: i32, %arg1: memref<32x1000x1xf32, #tpu.memory_space<vmem>>, %arg2: memref<1000x128xf32, #tpu.memory_space<vmem>>, %arg3: memref<128x128xf32, #tpu.memory_space<vmem>>, %arg4: memref<1000x128xf32, #tpu.memory_space<vmem>>, %arg5: memref<1000x1xf32, #tpu.memory_space<vmem>>) attributes {dimension_semantics = [#tpu.dimension_semantics<arbitrary>], iteration_bounds = array<i64: 10>, scalar_prefetch = 0 : i64, scratch_operands = 0 : i64, tpu.core_type = #tpu.core_type<tc>, window_params = [{transform_indices = @transform_0, window_bounds = array<i64: 32, 1000, 1>}, {transform_indices = @transform_1, window_bounds = array<i64: 1000, 128>}, {pipeline_mode = #tpu.pipeline_mode<synchronous>, transform_indices = @transform_2, window_bounds = array<i64: 128, 128>}, {transform_indices = @transform_3, window_bounds = array<i64: 1000, 128>}, {transform_indices = @transform_4, window_bounds = array<i64: 1000, 1>}]} {
    %get3A = arith.constant 0 : index
    %get3A_0 = arith.constant 0 : index
    %get3A_1 = arith.constant 0 : index
    %get3A_2 = vector.load %arg1[%get3A, %get3A_0, %get3A_1] : memref<32x1000x1xf32, #tpu.memory_space<vmem>>, vector<32x1000x1xf32>
    %reduce_sum3A = arith.constant dense<0.000000e+00> : vector<1000x1xf32>
    %reduce_sum3A_3 = vector.multi_reduction <add>, %get3A_2, %reduce_sum3A [0] : vector<32x1000x1xf32> to vector<1000x1xf32>
    %add3A = arith.constant 1.000000e+00 : f32
    %add3A_4 = vector.broadcast %add3A : f32 to vector<1000x1xf32>
    %add3A_5 = arith.addf %reduce_sum3A_3, %add3A_4 : vector<1000x1xf32>
    %rsqrt3A = math.rsqrt %add3A_5 : vector<1000x1xf32>
    %swap3A = arith.constant 0 : index
    %swap3A_6 = arith.constant 0 : index
    %swap3A_7 = vector.load %arg5[%swap3A, %swap3A_6] : memref<1000x1xf32, #tpu.memory_space<vmem>>, vector<1000x1xf32>
    tpu.vector_store %arg5[%swap3A, %swap3A_6], %rsqrt3A {strides = array<i32>} : memref<1000x1xf32, #tpu.memory_space<vmem>>, vector<1000x1xf32>,
    %get3A_8 = arith.constant 0 : index
    %get3A_9 = arith.constant 0 : index
    %get3A_10 = vector.load %arg2[%get3A_8, %get3A_9] : memref<1000x128xf32, #tpu.memory_space<vmem>>, vector<1000x128xf32>
    %mul3A = vector.broadcast %rsqrt3A : vector<1000x1xf32> to vector<1000x128xf32>
    %mul3A_11 = arith.mulf %get3A_10, %mul3A : vector<1000x128xf32>
    %get3A_12 = arith.constant 0 : index
    %get3A_13 = arith.constant 0 : index
    %get3A_14 = vector.load %arg3[%get3A_12, %get3A_13] : memref<128x128xf32, #tpu.memory_space<vmem>>, vector<128x128xf32>
    %dot_general3A = arith.constant dense<0.000000e+00> : vector<1000x128xf32>
    %dot_general3A_15 = tpu.matmul %mul3A_11, %get3A_14, %dot_general3A {dimension_numbers = #tpu.dot_dimension_numbers<[1], [1], [0], [0], [0, 0, 1, 0], [], []>, transpose_lhs_hint = false} : vector<1000x128xf32>, vector<128x128xf32>, vector<1000x128xf32> -> vector<1000x128xf32>
    %swap3A_16 = arith.constant 0 : index
    %swap3A_17 = arith.constant 0 : index
    %swap3A_18 = vector.load %arg4[%swap3A_16, %swap3A_17] : memref<1000x128xf32, #tpu.memory_space<vmem>>, vector<1000x128xf32>
    tpu.vector_store %arg4[%swap3A_16, %swap3A_17], %dot_general3A_15 {strides = array<i32>} : memref<1000x128xf32, #tpu.memory_space<vmem>>, vector<1000x128xf32>,
    return
  }
  func.func @transform_0(%arg0: i32) -> (i32, i32, i32) {
    %c0_i32 = arith.constant 0 : i32
    %c0_i32_0 = arith.constant 0 : i32
    %c0_i32_1 = arith.constant 0 : i32
    return %c0_i32, %arg0, %c0_i32_0 : i32, i32, i32
  }
  func.func @transform_1(%arg0: i32) -> (i32, i32) {
    %c0_i32 = arith.constant 0 : i32
    %c0_i32_0 = arith.constant 0 : i32
    return %arg0, %c0_i32 : i32, i32
  }
  func.func @transform_2(%arg0: i32) -> (i32, i32) {
    %c0_i32 = arith.constant 0 : i32
    %c0_i32_0 = arith.constant 0 : i32
    %c0_i32_1 = arith.constant 0 : i32
    return %c0_i32, %c0_i32_0 : i32, i32
  }
  func.func @transform_3(%arg0: i32) -> (i32, i32) {
    %c0_i32 = arith.constant 0 : i32
    %c0_i32_0 = arith.constant 0 : i32
    return %arg0, %c0_i32 : i32, i32
  }
  func.func @transform_4(%arg0: i32) -> (i32, i32) {
    %c0_i32 = arith.constant 0 : i32
    %c0_i32_0 = arith.constant 0 : i32
    return %arg0, %c0_i32 : i32, i32
  }
}

module attributes {stable_mosaic.version = 14 : i64} {
  func.func @_layer2_body(%arg0: i32, %arg1: memref<2x1000x128xf32, #tpu.memory_space<vmem>>, %arg2: memref<1000x128xf32, #tpu.memory_space<vmem>>, %arg3: memref<1000x1xf32, #tpu.memory_space<vmem>>, %arg4: memref<1x128xf32, #tpu.memory_space<vmem>>, %arg5: memref<128x128xf32, #tpu.memory_space<vmem>>, %arg6: memref<1000x128xf32, #tpu.memory_space<vmem>>) attributes {dimension_semantics = [#tpu.dimension_semantics<arbitrary>], iteration_bounds = array<i64: 10>, scalar_prefetch = 0 : i64, scratch_operands = 0 : i64, tpu.core_type = #tpu.core_type<tc>, window_params = [{transform_indices = @transform_0, window_bounds = array<i64: 2, 1000, 128>}, {transform_indices = @transform_1, window_bounds = array<i64: 1000, 128>}, {transform_indices = @transform_2, window_bounds = array<i64: 1000, 1>}, {pipeline_mode = #tpu.pipeline_mode<synchronous>, transform_indices = @transform_3, window_bounds = array<i64: 1, 128>}, {pipeline_mode = #tpu.pipeline_mode<synchronous>, transform_indices = @transform_4, window_bounds = array<i64: 128, 128>}, {transform_indices = @transform_5, window_bounds = array<i64: 1000, 128>}]} {
    %get3A = arith.constant 0 : index
    %get3A_0 = arith.constant 0 : index
    %get3A_1 = arith.constant 0 : index
    %get3A_2 = vector.load %arg1[%get3A, %get3A_0, %get3A_1] : memref<2x1000x128xf32, #tpu.memory_space<vmem>>, vector<1x1000x128xf32>
    %get3A_3 = vector.shape_cast %get3A_2 : vector<1x1000x128xf32> to vector<1000x128xf32>
    %get3A_4 = arith.constant 1 : index
    %get3A_5 = arith.constant 0 : index
    %get3A_6 = arith.constant 0 : index
    %get3A_7 = vector.load %arg1[%get3A_4, %get3A_5, %get3A_6] : memref<2x1000x128xf32, #tpu.memory_space<vmem>>, vector<1x1000x128xf32>
    %get3A_8 = vector.shape_cast %get3A_7 : vector<1x1000x128xf32> to vector<1000x128xf32>
    %add3A = arith.addf %get3A_3, %get3A_8 : vector<1000x128xf32>
    %get3A_9 = arith.constant 0 : index
    %get3A_10 = arith.constant 0 : index
    %get3A_11 = vector.load %arg2[%get3A_9, %get3A_10] : memref<1000x128xf32, #tpu.memory_space<vmem>>, vector<1000x128xf32>
    %add3A_12 = arith.addf %add3A, %get3A_11 : vector<1000x128xf32>
    %get3A_13 = arith.constant 0 : index
    %get3A_14 = arith.constant 0 : index
    %get3A_15 = vector.load %arg3[%get3A_13, %get3A_14] : memref<1000x1xf32, #tpu.memory_space<vmem>>, vector<1000x1xf32>
    %mul3A = vector.broadcast %get3A_15 : vector<1000x1xf32> to vector<1000x128xf32>
    %mul3A_16 = arith.mulf %add3A_12, %mul3A : vector<1000x128xf32>
    %get3A_17 = arith.constant 0 : index
    %get3A_18 = arith.constant 0 : index
    %get3A_19 = vector.load %arg4[%get3A_17, %get3A_18] : memref<1x128xf32, #tpu.memory_space<vmem>>, vector<1x128xf32>
    %add3A_20 = vector.broadcast %get3A_19 : vector<1x128xf32> to vector<1000x128xf32>
    %add3A_21 = arith.addf %mul3A_16, %add3A_20 : vector<1000x128xf32>
    %max3A = arith.constant 0.000000e+00 : f32
    %max3A_22 = vector.broadcast %max3A : f32 to vector<1000x128xf32>
    %max3A_23 = arith.maximumf %add3A_21, %max3A_22 : vector<1000x128xf32>
    %get3A_24 = arith.constant 0 : index
    %get3A_25 = arith.constant 0 : index
    %get3A_26 = vector.load %arg5[%get3A_24, %get3A_25] : memref<128x128xf32, #tpu.memory_space<vmem>>, vector<128x128xf32>
    %dot_general3A = arith.constant dense<0.000000e+00> : vector<1000x128xf32>
    %dot_general3A_27 = tpu.matmul %max3A_23, %get3A_26, %dot_general3A {dimension_numbers = #tpu.dot_dimension_numbers<[1], [1], [0], [0], [0, 0, 1, 0], [], []>, transpose_lhs_hint = false} : vector<1000x128xf32>, vector<128x128xf32>, vector<1000x128xf32> -> vector<1000x128xf32>
    %get3A_28 = arith.constant 0 : index
    %get3A_29 = arith.constant 0 : index
    %get3A_30 = vector.load %arg3[%get3A_28, %get3A_29] : memref<1000x1xf32, #tpu.memory_space<vmem>>, vector<1000x1xf32>
    %mul3A_31 = vector.broadcast %get3A_30 : vector<1000x1xf32> to vector<1000x128xf32>
    %mul3A_32 = arith.mulf %dot_general3A_27, %mul3A_31 : vector<1000x128xf32>
    %swap3A = arith.constant 0 : index
    %swap3A_33 = arith.constant 0 : index
    %swap3A_34 = vector.load %arg6[%swap3A, %swap3A_33] : memref<1000x128xf32, #tpu.memory_space<vmem>>, vector<1000x128xf32>
    tpu.vector_store %arg6[%swap3A, %swap3A_33], %mul3A_32 {strides = array<i32>} : memref<1000x128xf32, #tpu.memory_space<vmem>>, vector<1000x128xf32>,
    return
  }
  func.func @transform_0(%arg0: i32) -> (i32, i32, i32) {
    %c0_i32 = arith.constant 0 : i32
    %c0_i32_0 = arith.constant 0 : i32
    %c0_i32_1 = arith.constant 0 : i32
    return %c0_i32, %arg0, %c0_i32_0 : i32, i32, i32
  }
  func.func @transform_1(%arg0: i32) -> (i32, i32) {
    %c0_i32 = arith.constant 0 : i32
    %c0_i32_0 = arith.constant 0 : i32
    return %arg0, %c0_i32 : i32, i32
  }
  func.func @transform_2(%arg0: i32) -> (i32, i32) {
    %c0_i32 = arith.constant 0 : i32
    %c0_i32_0 = arith.constant 0 : i32
    return %arg0, %c0_i32 : i32, i32
  }
  func.func @transform_3(%arg0: i32) -> (i32, i32) {
    %c0_i32 = arith.constant 0 : i32
    %c0_i32_0 = arith.constant 0 : i32
    %c0_i32_1 = arith.constant 0 : i32
    return %c0_i32, %c0_i32_0 : i32, i32
  }
  func.func @transform_4(%arg0: i32) -> (i32, i32) {
    %c0_i32 = arith.constant 0 : i32
    %c0_i32_0 = arith.constant 0 : i32
    %c0_i32_1 = arith.constant 0 : i32
    return %c0_i32, %c0_i32_0 : i32, i32
  }
  func.func @transform_5(%arg0: i32) -> (i32, i32) {
    %c0_i32 = arith.constant 0 : i32
    %c0_i32_0 = arith.constant 0 : i32
    return %arg0, %c0_i32 : i32, i32
  }
}

module attributes {stable_mosaic.version = 14 : i64} {
  func.func @_combine_body(%arg0: i32, %arg1: memref<2x1000x128xf32, #tpu.memory_space<vmem>>, %arg2: memref<1000x128xf32, #tpu.memory_space<vmem>>, %arg3: memref<1000x1xf32, #tpu.memory_space<vmem>>, %arg4: memref<1x128xf32, #tpu.memory_space<vmem>>, %arg5: memref<1000x128xf32, #tpu.memory_space<vmem>>) attributes {dimension_semantics = [#tpu.dimension_semantics<arbitrary>], iteration_bounds = array<i64: 10>, scalar_prefetch = 0 : i64, scratch_operands = 0 : i64, tpu.core_type = #tpu.core_type<tc>, window_params = [{transform_indices = @transform_0, window_bounds = array<i64: 2, 1000, 128>}, {transform_indices = @transform_1, window_bounds = array<i64: 1000, 128>}, {transform_indices = @transform_2, window_bounds = array<i64: 1000, 1>}, {pipeline_mode = #tpu.pipeline_mode<synchronous>, transform_indices = @transform_3, window_bounds = array<i64: 1, 128>}, {transform_indices = @transform_4, window_bounds = array<i64: 1000, 128>}]} {
    %get3A = arith.constant 0 : index
    %get3A_0 = arith.constant 0 : index
    %get3A_1 = arith.constant 0 : index
    %get3A_2 = vector.load %arg1[%get3A, %get3A_0, %get3A_1] : memref<2x1000x128xf32, #tpu.memory_space<vmem>>, vector<1x1000x128xf32>
    %get3A_3 = vector.shape_cast %get3A_2 : vector<1x1000x128xf32> to vector<1000x128xf32>
    %get3A_4 = arith.constant 1 : index
    %get3A_5 = arith.constant 0 : index
    %get3A_6 = arith.constant 0 : index
    %get3A_7 = vector.load %arg1[%get3A_4, %get3A_5, %get3A_6] : memref<2x1000x128xf32, #tpu.memory_space<vmem>>, vector<1x1000x128xf32>
    %get3A_8 = vector.shape_cast %get3A_7 : vector<1x1000x128xf32> to vector<1000x128xf32>
    %add3A = arith.addf %get3A_3, %get3A_8 : vector<1000x128xf32>
    %get3A_9 = arith.constant 0 : index
    %get3A_10 = arith.constant 0 : index
    %get3A_11 = vector.load %arg2[%get3A_9, %get3A_10] : memref<1000x128xf32, #tpu.memory_space<vmem>>, vector<1000x128xf32>
    %add3A_12 = arith.addf %add3A, %get3A_11 : vector<1000x128xf32>
    %get3A_13 = arith.constant 0 : index
    %get3A_14 = arith.constant 0 : index
    %get3A_15 = vector.load %arg3[%get3A_13, %get3A_14] : memref<1000x1xf32, #tpu.memory_space<vmem>>, vector<1000x1xf32>
    %mul3A = vector.broadcast %get3A_15 : vector<1000x1xf32> to vector<1000x128xf32>
    %mul3A_16 = arith.mulf %add3A_12, %mul3A : vector<1000x128xf32>
    %get3A_17 = arith.constant 0 : index
    %get3A_18 = arith.constant 0 : index
    %get3A_19 = vector.load %arg4[%get3A_17, %get3A_18] : memref<1x128xf32, #tpu.memory_space<vmem>>, vector<1x128xf32>
    %add3A_20 = vector.broadcast %get3A_19 : vector<1x128xf32> to vector<1000x128xf32>
    %add3A_21 = arith.addf %mul3A_16, %add3A_20 : vector<1000x128xf32>
    %swap3A = arith.constant 0 : index
    %swap3A_22 = arith.constant 0 : index
    %swap3A_23 = vector.load %arg5[%swap3A, %swap3A_22] : memref<1000x128xf32, #tpu.memory_space<vmem>>, vector<1000x128xf32>
    tpu.vector_store %arg5[%swap3A, %swap3A_22], %add3A_21 {strides = array<i32>} : memref<1000x128xf32, #tpu.memory_space<vmem>>, vector<1000x128xf32>,
    return
  }
  func.func @transform_0(%arg0: i32) -> (i32, i32, i32) {
    %c0_i32 = arith.constant 0 : i32
    %c0_i32_0 = arith.constant 0 : i32
    %c0_i32_1 = arith.constant 0 : i32
    return %c0_i32, %arg0, %c0_i32_0 : i32, i32, i32
  }
  func.func @transform_1(%arg0: i32) -> (i32, i32) {
    %c0_i32 = arith.constant 0 : i32
    %c0_i32_0 = arith.constant 0 : i32
    return %arg0, %c0_i32 : i32, i32
  }
  func.func @transform_2(%arg0: i32) -> (i32, i32) {
    %c0_i32 = arith.constant 0 : i32
    %c0_i32_0 = arith.constant 0 : i32
    return %arg0, %c0_i32 : i32, i32
  }
  func.func @transform_3(%arg0: i32) -> (i32, i32) {
    %c0_i32 = arith.constant 0 : i32
    %c0_i32_0 = arith.constant 0 : i32
    %c0_i32_1 = arith.constant 0 : i32
    return %c0_i32, %c0_i32_0 : i32, i32
  }
  func.func @transform_4(%arg0: i32) -> (i32, i32) {
    %c0_i32 = arith.constant 0 : i32
    %c0_i32_0 = arith.constant 0 : i32
    return %arg0, %c0_i32 : i32, i32
  }
}

</mosaic_0001>

<sc_bundles>
// kernel: kernel.11.cloned.1.call-start
scs
__scs_entry_jumppad:
0x0: {  	(pc) =	sbr.rel $0x88, $3  }
0x1: {  	(tag) =	ssettag $0x0;
	lr =	simm.s32 $0x1  }
0x2: {  	[smem:$0x3F9B] =	sst lr;
	_ =	strace $0xD0000000  }
0x3: {  	_ = 	snop  }
0x4: {  	_ = 	snop  }
0x5: {  	_ = 	snop  }
0x6: {  	_ = 	snop  }
0x7: {  	_ = 	snop  }
__scs_overlays_trampoline_lowered:
0x8: {  	[smem:$0x3FAA] =	sst s0  }
0x9: {  	[smem:$0x3FAB] =	sst s1  }
0xa: {  	[smem:$0x3FAC] =	sst s2  }
0xb: {  	[smem:$0x3FAD] =	sst s3  }
0xc: {  	[smem:$0x3FAE] =	sst s4  }
0xd: {  	[smem:$0x3FAF] =	sst s5  }
0xe: {  	[smem:$0x3FB0] =	sst s6  }
0xf: {  	[smem:$0x3FB1] =	sst s7  }
0x10: {  	[smem:$0x3FB2] =	sst s8  }
0x11: {  	[smem:$0x3FB3] =	sst s9;
	s0 =	simm.s32 @!p0 $0x0  }
0x12: {  	s1 =	sld [smem:$0x3F99];
	s0 =	simm.s32 @p0 $0x1  }
0x13: {  	[smem:$0x3FB4] =	sst s0;
	s0 =	simm.s32 @!p1 $0x0  }
0x14: {  	s2 =	sld [smem:$0x3F98];
	s0 =	simm.s32 @p1 $0x1  }
0x15: {  	[smem:$0x3FB5] =	sst s0;
	s0 =	simm.s32 @!p2 $0x0  }
0x16: {  	s3 =	sld [smem:$0x3FDB];
	s0 =	simm.s32 @p2 $0x1  }
0x17: {  	s4 =	simm.s32 $0x1BF5;
	[smem:$0x3FB7] =	sst s0  }
0x18: {  	s0 =	sld [smem:$0x3F9A];
	_ =	swait.ge [sflag:s4], $0x0  }
0x19: {  	s7 =	sld [smem:$0x3F9B]  }
0x1a: {  	s8 =	sadd.s32 $0xFFFFE003, lr  }
0x1b: {  	s9 =	sadd.s32 $0xFFFFFEF7, lr;
	s5 =	simm.s32 $0xFFFFFFFF;
	p2 =	slt.u32 s8, $0xFFFFF086  }
0x1c: {  	p1 =	slt.u32 s9, $0xF7A;
	s5 =	simm.s32 @!p2 $0x0  }
0x1d: {  	s5 =	simm.s32 @p1 $0x1;
	p0 =	seq.s32 s7, s2  }
0x1e: {  	s7 =	smul.u32 @!p0 $0xF7A, s2;
	p2 =	seq.s32 @!p0 s5, $0x0  }
0x1f: {  	s9 =	smul.u32 $0xF7A, s1;
	s8 =	simm.s32 @!p0 $0x1BF5;
	p2 =	por !p2, p0  }
0x20: {  	[sflag:s8] =	ssyncset.s32 @!p0 $0xFFFFF086;
	s6 =	sadd.s32 @!p0 s3, s7;
	s7 =	simm.s32 @!p0 $0x108  }
0x21: {  	s3 =	sadd.s32 s3, s9;
	s6 =	sadd.s32 @!p0 $0x88, s6;
	s7 =	simm.s32 @p2 $0x1082  }
0x22: {  	[simem:s7], [sflag:s8] =	dma.local @!p0 [hbm:s6], $0xF7A  }
0x23: {  	s9 =	sor.u32 $0xD0000000, s2;
	s6 =	simm.s32 $0x108;
	_ =	swait.ge @!p0 [sflag:s8], $0x0  }
0x24: {  	s3 =	sadd.s32 $0x88, s3;
	s6 =	simm.s32 @!p1 $0x1082;
	[sflag:s4] =	ssyncset.s32 $0xFFFFF086  }
0x25: {  	[simem:s6], [sflag:s4] =	dma.local [hbm:s3], $0xF7A  }
0x26: {  	[smem:$0x3F9B] =	sst s1;
	(tag) =	ssettag s2;
	_ =	strace s9  }
0x27: {  	s1 =	sld [smem:$0x3FAB]  }
0x28: {  	s2 =	sld [smem:$0x3FAC]  }
0x29: {  	s4 =	sld [smem:$0x3FAE]  }
0x2a: {  	p0 =	seq.s32 s5, $0x0;
	s5 =	sld [smem:$0x3FAF]  }
0x2b: {  	s6 =	sld [smem:$0x3FB0]  }
0x2c: {  	s7 =	sld [smem:$0x3FB1]  }
0x2d: {  	s3 =	simm.s32 $0x108;
	s8 =	sld [smem:$0x3FB2]  }
0x2e: {  	s3 =	simm.s32 @!p0 $0x1082;
	s9 =	sld [smem:$0x3FB3]  }
0x2f: {  	lr =	sadd.s32 s0, s3;
	s0 =	sld [smem:$0x3FAA]  }
0x30: {  	s3 =	sld [smem:$0x3FAD]  }
0x31: {  	[smem:$0x3FB6] =	sst s10  }
0x32: {  	s10 =	sld [smem:$0x3FB4];
	_ =	sdelay $0x3  }
0x33: {  	p0 =	seq.s32 s10, $0x1;
	s10 =	sld [smem:$0x3FB6];
	_ =	sdelay $0x3  }
0x34: {  	[smem:$0x3FB6] =	sst s10  }
0x35: {  	s10 =	sld [smem:$0x3FB5];
	_ =	sdelay $0x3  }
0x36: {  	p1 =	seq.s32 s10, $0x1;
	s10 =	sld [smem:$0x3FB6];
	_ =	sdelay $0x3  }
0x37: {  	[smem:$0x3FB6] =	sst s10  }
0x38: {  	s10 =	sld [smem:$0x3FB7]  }
0x39: {  	_ = 	snop;
	(pc) =	sbr.ind lr, $3  }
0x3a: {  	_ = 	snop  }
0x3b: {  	_ = 	snop  }
0x3c: {  	p2 =	seq.s32 s10, $0x1;
	s10 =	sld [smem:$0x3FB6]  }
0x3d: {  	_ =	shalt  }
0x3e: {  	_ =	shalt  }
0x3f: {  	_ =	shalt  }
0x40: {  	_ =	shalt  }
0x41: {  	_ =	shalt  }
0x42: {  	_ =	shalt  }
0x43: {  	_ =	shalt  }
0x44: {  	_ =	shalt  }
0x45: {  	_ =	shalt  }
0x46: {  	_ =	shalt  }
0x47: {  	_ =	shalt  }
0x48: {  	_ =	shalt  }
0x49: {  	_ =	shalt  }
0x4a: {  	_ =	shalt  }
0x4b: {  	_ =	shalt  }
0x4c: {  	_ =	shalt  }
0x4d: {  	_ =	shalt  }
0x4e: {  	_ =	shalt  }
0x4f: {  	_ =	shalt  }
0x50: {  	_ =	shalt  }
0x51: {  	_ =	shalt  }
0x52: {  	_ =	shalt  }
0x53: {  	_ =	shalt  }
0x54: {  	_ =	shalt  }
0x55: {  	_ =	shalt  }
0x56: {  	_ =	shalt  }
0x57: {  	_ =	shalt  }
0x58: {  	_ =	shalt  }
0x59: {  	_ =	shalt  }
0x5a: {  	_ =	shalt  }
0x5b: {  	_ =	shalt  }
0x5c: {  	_ =	shalt  }
0x5d: {  	_ =	shalt  }
0x5e: {  	_ =	shalt  }
0x5f: {  	_ =	shalt  }
0x60: {  	_ =	shalt  }
0x61: {  	_ =	shalt  }
0x62: {  	_ =	shalt  }
0x63: {  	_ =	shalt  }
0x64: {  	_ =	shalt  }
0x65: {  	_ =	shalt  }
0x66: {  	_ =	shalt  }
0x67: {  	_ =	shalt  }
0x68: {  	_ =	shalt  }
0x69: {  	_ =	shalt  }
0x6a: {  	_ =	shalt  }
0x6b: {  	_ =	shalt  }
0x6c: {  	_ =	shalt  }
0x6d: {  	_ =	shalt  }
0x6e: {  	_ =	shalt  }
0x6f: {  	_ =	shalt  }
0x70: {  	_ =	shalt  }
0x71: {  	_ =	shalt  }
0x72: {  	_ =	shalt  }
0x73: {  	_ =	shalt  }
0x74: {  	_ =	shalt  }
0x75: {  	_ =	shalt  }
0x76: {  	_ =	shalt  }
0x77: {  	_ =	shalt  }
0x78: {  	_ =	shalt  }
0x79: {  	_ =	shalt  }
0x7a: {  	_ =	shalt  }
0x7b: {  	_ =	shalt  }
0x7c: {  	_ =	shalt  }
0x7d: {  	_ =	shalt  }
0x7e: {  	_ =	shalt  }
0x7f: {  	_ =	shalt  }
0x80: {  	_ =	shalt  }
0x81: {  	_ =	shalt  }
0x82: {  	_ =	shalt  }
0x83: {  	_ =	shalt  }
0x84: {  	_ =	shalt  }
0x85: {  	_ =	shalt  }
0x86: {  	_ =	shalt  }
0x87: {  	_ =	shalt  }
.Lfunc_end0:
.L_simem_size_0:
called_computation.1_lowered:
.L_overlay_start_0:
0x88: {  	s2 =	sld [smem:$0x3FD9]  }
0x89: {  	s3 =	sld [smem:$0x3FFE];
	_ =	sdelay $0x1  }
0x8a: {  	s1 =	srdreg.scid  }
0x8b: {  	s0 =	sand.u32 $0x1, s1  }
0x8c: {  	s17 =	sshll.u32 s0, $0xA;
	s2 =	sadd.s32 s3, s2  }
0x8d: {  	s2 =	sadd.s32 s2, s17  }
0x8e: {  	[smem:$0x3FC2] =	sst s2  }
0x8f: {  	_ = 	snop  }
0x90: {  	s2 =	sld [smem:$0x3FD0];
	(tm) =	ssettm $0x1  }
0x91: {  	s18 =	sld [smem:$0x3FFB];
	_ =	sdelay $0x3  }
0x92: {  	_ =	strace s18  }
0x93: {  	s3 =	sld [smem:$0x3FFC];
	_ =	sdelay $0x3  }
0x94: {  	_ =	strace s3  }
0x95: {  	s3 =	sld [smem:$0x3FFD];
	_ =	sdelay $0x3  }
0x96: {  	_ =	strace s3  }
0x97: {  	_ =	strace $0x8FFFFFFF  }
0x98: {  	s19 =	sld [smem:$0x3FDB];
	_ =	sdelay $0x1  }
0x99: {  	s4 =	simm.s32 $_scs_section_size  }
0x9a: {  	s5 =	simm.s32 $_size__tile_overlayer_lowered;
	s6 =	simm.s32 $_tile_overlayer_lowered  }
0x9b: {  	s22 =	simm.s32 $0x1BFF;
	s21 =	sshll.u32 s6, $0x1;
	s3 =	sadd.s32 s4, s19  }
0x9c: {  	s7 =	simm.s32 $0x0;
	s20 =	sshll.u32 s5, $0x1;
	s5 =	sadd.s32 s21, s3  }
0x9d: {  	[timem:s7], [sflag:s22] =	dma.local [hbm:s5], s20  }
0x9e: {  	_ =	swait.ge [sflag:s22], s20  }
0x9f: {  	s4 =	ssub.s32 $0x0, s20;
	[sflag:s22] =	ssyncset.done $0x0  }
0xa0: {  	[sflag:s22] =	ssyncadd.s32 s4;
	_ =	sdelay $0x1  }
0xa1: {  	s23 =	simm.s32 $0x1B8B  }
0xa2: {  	_ =	swait.ge [sflag:s23], $0x1  }
0xa3: {  	[sflag:s23] =	ssyncset.done $0x0  }
0xa4: {  	s25 =	simm.s32 $0x1B8E;
	s24 =	sld [smem:$0x3FFE];
	[sflag:s23] =	ssyncadd.s32 $0xFFFFFFFF  }
0xa5: {  	s26 =	simm.s32 $execute0_lowered;
	[smem:$0x3FD2] =	sst s25  }
0xa6: {  	s5 =	sshll.u32 s26, $0x1;
	_ =	strace $0x80000049;
	[dreg:$0x1] =	wrdreg $0xFFFFFFFF  }
0xa7: {  	s28 =	simm.s32 $_size_execute0_lowered;
	s3 =	sadd.s32 s3, s5;
	[dreg:$0x0] =	wrdreg $0x0  }
0xa8: {  	s5 =	sshll.u32 s28, $0x1;
	[dreg:$0x2] =	wrdreg s3  }
0xa9: {  	[dreg:$0x3] =	wrdreg s5  }
0xaa: {  	[dreg:$0x4] =	wrdreg $0xC0  }
0xab: {  	_ =	task [dreg:s7], $0x5FFFF  }
0xac: {  	[dreg:$0x1] =	wrdreg $0xFFFFFFFF  }
0xad: {  	[dreg:$0x0] =	wrdreg $0x60  }
0xae: {  	[dreg:$0x2] =	wrdreg s2  }
0xaf: {  	[dreg:$0x3] =	wrdreg s24  }
0xb0: {  	[dreg:$0x4] =	wrdreg $0xA8000  }
0xb1: {  	[dreg:$0x5] =	wrdreg $0x9  }
0xb2: {  	_ =	task.clear_ibuf [dreg:s7], $0x6FFFF;
	_ =	strace $0x90000049  }
0xb3: {  	s29 =	simm.s32 $0x9;
	_ =	strace $0x8000004B  }
0xb4: {  	_ =	swait.ge [sflag:s29], $0x1  }
0xb5: {  	[sflag:s29] =	ssyncadd.s32 $0xFFFFFFFF  }
0xb6: {  	_ =	strace $0x9000004B  }
0xb7: {  	_ =	sfence  }
0xb8: {  	s30 =	sld [smem:$0x0];
	_ =	sdelay $0x2  }
0xb9: {  	s31 =	sshll.u32 s1, $0xD;
	s1 =	sshrl.u32 s1, $0x2  }
0xba: {  	s3 =	sand.u32 $0x4000, s31;
	s1 =	sadd.s32 s1, s30  }
0xbb: {  	s0 =	sor.u32 s3, s0;
	s1 =	sshll.u32 s1, $0x11  }
0xbc: {  	s0 =	sor.u32 s1, s0  }
0xbd: {  	s0 =	sadd.s32 $0x8F2B, s0  }
0xbe: {  	[sflag:s0] =	ssyncadd.remote.s32 $0x1  }
0xbf: {  	_ =	sfence.sel $0xFFFF  }
0xc0: {  	[dreg:$0x0] =	wrdreg $0xFFFFFFFF;
	(pc) =	sbr.abs _section_cstart, $3  }
0xc1: {  	[dreg:$0x1] =	wrdreg $0xFFFFFFFF  }
0xc2: {  	_ =	task.clear_ibuf [dreg:s7], $0x2FFFF;
	_ =	strace $0x9FFFFFFF  }
0xc3: {  	(tm) =	ssettm $0x7FFFFFFF  }
tec
execute0_lowered:
.L_overlay_start_1:
0x0: {  	(tag) =	ssettag $0x1  }
0x1: {  	s2 =	rddreg [dreg:$0x0]  }
0x2: {  	s0 =	rddreg [dreg:$0x1]  }
0x3: {  	s3 =	rddreg [dreg:$0x2];
	s10 =	stileid.u32  }
0x4: {  	s4 =	simm.s32 $0x0;
	s5 =	srdreg.scid;
	s28 =	simm.s32 $0xB  }
0x5: {  	s29 =	simm.s32 $0x5800;
	s30 =	simm.s32 $0x1;
	s1 =	smul.u32 $0x13C00, s10  }
0x6: {  	s31 =	simm.s32 $0x8;
	[smem:$0x7FF] =	sst s4;
	s15 =	smul.u32 $0x4F000, s10  }
0x7: {  	s5 =	sand.u32 $0x1, s5;
	s19 =	sadd.s32 $0xC600, s0;
	s17 =	smul.u32 $0x7D00, s10  }
0x8: {  	s20 =	sshll.u32 s10, $0x6;
	_ =	strace $0x8000004A;
	s7 =	smul.u32 $0x13C000, s5  }
0x9: {  	s8 =	sshll.u32 s5, $0x4;
	s9 =	ssub.s32 $0x2, s5;
	s5 =	smul.u32 $0x7D000, s5  }
0xa: {  	s6 =	sshrl.u32 s1, $0x3;
	s8 =	sor.u32 s10, s8;
	s16 =	sshrl.u32 s9, $0x1  }
0xb: {  	s6 =	sadd.s32 s6, s0;
	s1 =	sadd.s32 s1, s7;
	s8 =	smul.u32 $0x7D00, s8  }
0xc: {  	s7 =	sshrl.u32 s15, $0x2;
	s5 =	sadd.s32 s17, s5;
	s1 =	sshrl.u32 s1, $0x3  }
0xd: {  	s7 =	sadd.s32 s7, s3;
	s6 =	sadd.s32 $0x2BA00, s6;
	s22 =	sadd.s32 $0xC00, s5  }
0xe: {  	s26 =	sadd.s32 $0xB00, s5;
	s10 =	sadd.s32 $0xA00, s5;
	s14 =	sadd.s32 $0x700, s5  }
0xf: {  	s17 =	sadd.s32 $0x500, s5;
	s0 =	sadd.s32 s1, s0;
	s1 =	ssub.s32 s9, s16  }
0x10: {  	[dreg:$0xe] =	wrdreg s6;
	s18 =	sshrl.u32 s8, $0x3;
	s9 =	sshrl.u32 s26, $0x3  }
0x11: {  	s8 =	sshrl.u32 s10, $0x3;
	s15 =	sshrl.u32 s14, $0x3;
	s26 =	simm.s32 $0x780  }
0x12: {  	s16 =	sadd.s32 $0x600, s5;
	s21 =	sadd.s32 s19, s18;
	[dreg:$0xd] =	wrdreg s26  }
0x13: {  	s14 =	simm.s32 $0x3;
	s11 =	sadd.s32 s8, s19;
	[dreg:$0xf] =	wrdreg s21  }
0x14: {  	s10 =	simm.s32 $0x7;
	s0 =	sadd.s32 $0x53200, s0;
	[dreg:$0x6] =	wrdreg s11  }
0x15: {  	s18 =	sor.u32 $0x1C11, s20;
	s1 =	smax.u32 s1, $0x1;
	[dreg:$0x15] =	wrdreg s0  }
0x16: {  	s8 =	sshrl.u32 s16, $0x3;
	s26 =	simm.s32 $0x3000;
	[dreg:$0x16] =	wrdreg s1  }
0x17: {  	s16 =	simm.s32 $0xE;
	s6 =	sadd.s32 $0x20, s21;
	[dreg:$0x10] =	wrdreg s18  }
0x18: {  	s23 =	sadd.s32 $0x40, s21;
	s24 =	sadd.s32 $0x60, s21;
	[dreg:$0x11] =	wrdreg s6  }
0x19: {  	s25 =	sadd.s32 $0x80, s21;
	s20 =	sadd.s32 s8, s19;
	[dreg:$0x12] =	wrdreg s23  }
0x1a: {  	s21 =	sshrl.u32 s17, $0x3;
	s1 =	simm.s32 $0x8000;
	[dreg:$0x13] =	wrdreg s24  }
0x1b: {  	s11 =	simm.s32 $0x5;
	s8 =	simm.s32 $0x6;
	[dreg:$0x14] =	wrdreg s25  }
0x1c: {  	s17 =	simm.s32 $0x4;
	[dreg:$0x9] =	wrdreg s20;
	s23 =	sadd.s32 $0x800, s5  }
0x1d: {  	s6 =	sshrl.u32 s22, $0x3;
	s22 =	sadd.s32 s21, s19;
	[dreg:$0x17] =	wrdreg s23  }
0x1e: {  	s20 =	sshrl.u32 s7, $0x3;
	s24 =	simm.s32 $0x580;
	[dreg:$0xa] =	wrdreg s22  }
0x1f: {  	s21 =	simm.s32 $0x11;
	s25 =	simm.s32 $0x680;
	[dreg:$0xb] =	wrdreg s24  }
0x20: {  	s7 =	simm.s32 $0xF;
	s6 =	sadd.s32 s6, s19;
	[dreg:$0xc] =	wrdreg s25  }
0x21: {  	s22 =	simm.s32 $0x9;
	s23 =	simm.s32 $0x50;
	[dreg:$0x18] =	wrdreg s20  }
0x22: {  	s24 =	simm.s32 $0x800;
	s25 =	simm.s32 $0xA;
	[dreg:$0x4] =	wrdreg s6  }
0x23: {  	s6 =	sadd.s32 s9, s19;
	s9 =	sadd.s32 $0x900, s5;
	s5 =	simm.s32 $0x10  }
0x24: {  	[dreg:$0x5] =	wrdreg s6;
	s12 =	sshrl.u32 s9, $0x3;
	s6 =	sadd.s32 s15, s19  }
0x25: {  	s9 =	simm.s32 $0x2;
	s13 =	sadd.s32 s12, s19;
	[dreg:$0x8] =	wrdreg s6  }
0x26: {  	s12 =	simm.s32 $0xD;
	[dreg:$0x7] =	wrdreg s13;
	s13 =	simm.s32 $0x0  }
.LBB2_1:
0x27: {  	[dreg:$0x19] =	wrdreg s13  }
0x28: {  	s6 =	rddreg [dreg:$0xe]  }
0x29: {  	[spmem:s20], [sflag:s18] =	dma.local [hbm:s6], $0x2780  }
0x2a: {  	_ =	swait.ge [sflag:s21], $0x2780  }
0x2b: {  	[sflag:s21] =	ssyncset.done $0x0  }
0x2c: {  	[sflag:s21] =	ssyncadd.s32 $0xFFFFD880;
	s21 =	rddreg [dreg:$0xf]  }
0x2d: {  	[tilespmem:s4], [sflag:$0x9] =	stream.linear.gather [hbm4b:s21+s4], $0x100, $0x38;
	[tilespmem:$0x1E400] =	vst v63  }
0x2e: {  	s0 =	rddreg [dreg:$0x11];
	s21 =	simm.s32 $0x100  }
0x2f: {  	[tilespmem:s21], [sflag:$0xA] =	stream.linear.gather [hbm4b:s0+s4], $0x100, $0x38;
	[tilespmem:$0x1E400] =	vst v63  }
0x30: {  	s13 =	rddreg [dreg:$0x12];
	s0 =	simm.s32 $0x200  }
0x31: {  	[tilespmem:s0], [sflag:$0xB] =	stream.linear.gather [hbm4b:s13+s4], $0x100, $0x38;
	[tilespmem:$0x1E400] =	vst v63  }
0x32: {  	s18 =	simm.s32 $0x300;
	s15 =	rddreg [dreg:$0x13]  }
0x33: {  	[tilespmem:s18], [sflag:$0xC] =	stream.linear.gather [hbm4b:s15+s4], $0x100, $0x38;
	[tilespmem:$0x1E400] =	vst v63  }
0x34: {  	s20 =	rddreg [dreg:$0x14];
	s15 =	simm.s32 $0x400  }
0x35: {  	[tilespmem:s15], [sflag:$0xD] =	stream.linear.gather [hbm4b:s20+s4], $0x100, $0x38;
	[tilespmem:$0x1E400] =	vst v63  }
0x36: {  	_ =	swait.ge [sflag:s22], $0x100  }
0x37: {  	[sflag:s22] =	ssyncset.done $0x0  }
0x38: {  	[sflag:s22] =	ssyncadd.s32 $0xFFFFFF00  }
0x39: {  	[tilespmem:s24], [sflag:$0x1] =	stream.indirect.gather [hbm4b:s2+s23], $0x80, s4, s23, $0xb8;
	[tilespmem:$0x1E400] =	vst v63  }
0x3a: {  	_ =	swait.ge [sflag:s25], $0x100  }
0x3b: {  	[sflag:s25] =	ssyncset.done $0x0  }
0x3c: {  	[sflag:s25] =	ssyncadd.s32 $0xFFFFFF00  }
0x3d: {  	[tilespmem:s26], [sflag:$0x2] =	stream.indirect.gather [hbm4b:s2+s23], $0x80, s21, s23, $0xb8;
	[tilespmem:$0x1E400] =	vst v63  }
0x3e: {  	_ =	swait.ge [sflag:s28], $0x100  }
0x3f: {  	[sflag:s28] =	ssyncset.done $0x0  }
0x40: {  	s0 =	simm.s32 $0x200;
	[sflag:s28] =	ssyncadd.s32 $0xFFFFFF00  }
0x41: {  	[tilespmem:s29], [sflag:$0x3] =	stream.indirect.gather [hbm4b:s2+s23], $0x80, s0, s23, $0xb8;
	[tilespmem:$0x1E400] =	vst v63  }
0x42: {  	[bflag:$0x0] =	sbarrier.arrive $0xFFFF  }
0x43: {  	_ =	swait.ge [sflag:s30], $0x2800  }
0x44: {  	p0 =	por $0x1, $0x1;
	[sflag:s30] =	ssyncset.done $0x0  }
0x45: {  	s18 =	simm.s32 @!p0 $0x8;
	s0 =	simm.s32 $0x80;
	[sflag:s30] =	ssyncadd.s32 $0xFFFFD800  }
0x46: {  	[spmem:s3] =	stream.indirect.scatter.add.f32 [tilespmem:s24], [sflag:$0x5], $0x80, s0, s23, $0xb8;
	[tilespmem:$0x1E400] =	vst v63  }
0x47: {  	_ =	swait.ge @!p0 [sflag:s18], $0x2800  }
0x48: {  	[sflag:s18] =	ssyncset.done @!p0 $0x0  }
0x49: {  	[sflag:s18] =	ssyncadd.s32 @!p0 $0xFFFFD800;
	s18 =	simm.s32 $0xC  }
0x4a: {  	_ =	swait.ge [sflag:s18], $0x100  }
0x4b: {  	[sflag:s18] =	ssyncset.done $0x0  }
0x4c: {  	s13 =	simm.s32 $0x300;
	s20 =	rddreg [dreg:$0xa];
	[sflag:s18] =	ssyncadd.s32 $0xFFFFFF00  }
0x4d: {  	[tilespmem:s1], [sflag:$0x4] =	stream.indirect.gather [hbm4b:s2+s23], $0x80, s13, s23, $0xb8;
	[tilespmem:$0x1E400] =	vst v63  }
0x4e: {  	s18 =	sadd.s32 $0x0, s20;
	s20 =	simm.s32 $0x500  }
0x4f: {  	[tilespmem:s20], [sflag:$0xE] =	stream.linear.gather [hbm4b:s18+s4], $0x100, $0x38;
	[tilespmem:$0x1E400] =	vst v63  }
0x50: {  	_ =	swait.ge [sflag:s9], $0x2800  }
0x51: {  	[sflag:s9] =	ssyncset.done $0x0  }
0x52: {  	s0 =	simm.s32 $0x180;
	[sflag:s9] =	ssyncadd.s32 $0xFFFFD800  }
0x53: {  	[spmem:s3] =	stream.indirect.scatter.add.f32 [tilespmem:s26], [sflag:$0x6], $0x80, s0, s23, $0xb8;
	[tilespmem:$0x1E400] =	vst v63  }
0x54: {  	_ =	swait.ge [sflag:s11], $0x2800  }
0x55: {  	[sflag:s11] =	ssyncset.done $0x0  }
0x56: {  	[sflag:s11] =	ssyncadd.s32 $0xFFFFD800  }
0x57: {  	_ =	swait.ge [sflag:s12], $0x100  }
0x58: {  	[sflag:s12] =	ssyncset.done $0x0  }
0x59: {  	s13 =	rddreg [dreg:$0x9];
	[sflag:s12] =	ssyncadd.s32 $0xFFFFFF00  }
0x5a: {  	[tilespmem:s24], [sflag:$0x1] =	stream.indirect.gather [hbm4b:s2+s23], $0x80, s15, s23, $0xb8;
	[tilespmem:$0x1E400] =	vst v63  }
0x5b: {  	s18 =	sadd.s32 $0x0, s13;
	s15 =	simm.s32 $0x600  }
0x5c: {  	[tilespmem:s15], [sflag:$0xF] =	stream.linear.gather [hbm4b:s18+s4], $0x100, $0x38;
	[tilespmem:$0x1E400] =	vst v63  }
0x5d: {  	_ =	swait.ge [sflag:s14], $0x2800  }
0x5e: {  	[sflag:s14] =	ssyncset.done $0x0  }
0x5f: {  	s0 =	simm.s32 $0x280;
	[sflag:s14] =	ssyncadd.s32 $0xFFFFD800  }
0x60: {  	[spmem:s3] =	stream.indirect.scatter.add.f32 [tilespmem:s29], [sflag:$0x7], $0x80, s0, s23, $0xb8;
	[tilespmem:$0x1E400] =	vst v63  }
0x61: {  	_ =	swait.ge [sflag:s8], $0x2800  }
0x62: {  	[sflag:s8] =	ssyncset.done $0x0  }
0x63: {  	[sflag:s8] =	ssyncadd.s32 $0xFFFFD800  }
0x64: {  	_ =	swait.ge [sflag:s16], $0x100  }
0x65: {  	[sflag:s16] =	ssyncset.done $0x0  }
0x66: {  	s13 =	rddreg [dreg:$0x8];
	[sflag:s16] =	ssyncadd.s32 $0xFFFFFF00  }
0x67: {  	[tilespmem:s26], [sflag:$0x2] =	stream.indirect.gather [hbm4b:s2+s23], $0x80, s20, s23, $0xb8;
	[tilespmem:$0x1E400] =	vst v63  }
0x68: {  	s18 =	sadd.s32 $0x0, s13;
	s13 =	simm.s32 $0x700  }
0x69: {  	[tilespmem:s13], [sflag:$0x10] =	stream.linear.gather [hbm4b:s18+s4], $0x100, $0x38;
	[tilespmem:$0x1E400] =	vst v63  }
0x6a: {  	_ =	swait.ge [sflag:s17], $0x2800  }
0x6b: {  	[sflag:s17] =	ssyncset.done $0x0  }
0x6c: {  	s0 =	simm.s32 $0x380;
	[sflag:s17] =	ssyncadd.s32 $0xFFFFD800  }
0x6d: {  	[spmem:s3] =	stream.indirect.scatter.add.f32 [tilespmem:s1], [sflag:$0x8], $0x80, s0, s23, $0xb8;
	[tilespmem:$0x1E400] =	vst v63  }
0x6e: {  	_ =	swait.ge [sflag:s10], $0x2800  }
0x6f: {  	[sflag:s10] =	ssyncset.done $0x0  }
0x70: {  	[sflag:s10] =	ssyncadd.s32 $0xFFFFD800  }
0x71: {  	_ =	swait.ge [sflag:s7], $0x100  }
0x72: {  	[sflag:s7] =	ssyncset.done $0x0;
	s20 =	rddreg [dreg:$0x17]  }
0x73: {  	[sflag:s7] =	ssyncadd.s32 $0xFFFFFF00;
	s6 =	sshrl.u32 s20, $0x3  }
0x74: {  	[tilespmem:s29], [sflag:$0x3] =	stream.indirect.gather [hbm4b:s2+s23], $0x80, s15, s23, $0xb8;
	[tilespmem:$0x1E400] =	vst v63  }
0x75: {  	s18 =	sadd.s32 s19, s6  }
0x76: {  	[tilespmem:s4], [sflag:$0x9] =	stream.linear.gather [hbm4b:s18+s4], $0x100, $0x38;
	[tilespmem:$0x1E400] =	vst v63  }
0x77: {  	_ =	swait.ge [sflag:s30], $0x2800  }
0x78: {  	[sflag:s30] =	ssyncset.done $0x0  }
0x79: {  	s0 =	simm.s32 $0x480;
	[sflag:s30] =	ssyncadd.s32 $0xFFFFD800  }
0x7a: {  	[spmem:s3] =	stream.indirect.scatter.add.f32 [tilespmem:s24], [sflag:$0x5], $0x80, s0, s23, $0xb8;
	[tilespmem:$0x1E400] =	vst v63  }
0x7b: {  	_ =	swait.ge [sflag:s31], $0x2800  }
0x7c: {  	[sflag:s31] =	ssyncset.done $0x0  }
0x7d: {  	[sflag:s31] =	ssyncadd.s32 $0xFFFFD800  }
0x7e: {  	_ =	swait.ge [sflag:s5], $0x100  }
0x7f: {  	[sflag:s5] =	ssyncset.done $0x0  }
0x80: {  	s15 =	rddreg [dreg:$0x7];
	[sflag:s5] =	ssyncadd.s32 $0xFFFFFF00  }
0x81: {  	[tilespmem:s1], [sflag:$0x4] =	stream.indirect.gather [hbm4b:s2+s23], $0x80, s13, s23, $0xb8;
	[tilespmem:$0x1E400] =	vst v63  }
0x82: {  	s18 =	sadd.s32 $0x0, s15  }
0x83: {  	[tilespmem:s21], [sflag:$0xA] =	stream.linear.gather [hbm4b:s18+s4], $0x100, $0x38;
	[tilespmem:$0x1E400] =	vst v63  }
0x84: {  	_ =	swait.ge [sflag:s9], $0x2800  }
0x85: {  	[sflag:s9] =	ssyncset.done $0x0  }
0x86: {  	s0 =	rddreg [dreg:$0xb];
	[sflag:s9] =	ssyncadd.s32 $0xFFFFD800  }
0x87: {  	[spmem:s3] =	stream.indirect.scatter.add.f32 [tilespmem:s26], [sflag:$0x6], $0x80, s0, s23, $0xb8;
	[tilespmem:$0x1E400] =	vst v63  }
0x88: {  	_ =	swait.ge [sflag:s11], $0x2800  }
0x89: {  	[sflag:s11] =	ssyncset.done $0x0  }
0x8a: {  	[sflag:s11] =	ssyncadd.s32 $0xFFFFD800  }
0x8b: {  	_ =	swait.ge [sflag:s22], $0x100  }
0x8c: {  	[sflag:s22] =	ssyncset.done $0x0  }
0x8d: {  	s6 =	rddreg [dreg:$0x6];
	[sflag:s22] =	ssyncadd.s32 $0xFFFFFF00  }
0x8e: {  	[tilespmem:s24], [sflag:$0x1] =	stream.indirect.gather [hbm4b:s2+s23], $0x80, s4, s23, $0xb8;
	[tilespmem:$0x1E400] =	vst v63  }
0x8f: {  	s0 =	simm.s32 $0x200;
	s18 =	sadd.s32 $0x0, s6  }
0x90: {  	[tilespmem:s0], [sflag:$0xB] =	stream.linear.gather [hbm4b:s18+s4], $0x100, $0x38;
	[tilespmem:$0x1E400] =	vst v63  }
0x91: {  	_ =	swait.ge [sflag:s14], $0x2800  }
0x92: {  	[sflag:s14] =	ssyncset.done $0x0  }
0x93: {  	s13 =	rddreg [dreg:$0xc];
	[sflag:s14] =	ssyncadd.s32 $0xFFFFD800  }
0x94: {  	[spmem:s3] =	stream.indirect.scatter.add.f32 [tilespmem:s29], [sflag:$0x7], $0x80, s13, s23, $0xb8;
	[tilespmem:$0x1E400] =	vst v63  }
0x95: {  	_ =	swait.ge [sflag:s8], $0x2800  }
0x96: {  	[sflag:s8] =	ssyncset.done $0x0  }
0x97: {  	[sflag:s8] =	ssyncadd.s32 $0xFFFFD800  }
0x98: {  	_ =	swait.ge [sflag:s25], $0x100  }
0x99: {  	[sflag:s25] =	ssyncset.done $0x0  }
0x9a: {  	s15 =	rddreg [dreg:$0x5];
	[sflag:s25] =	ssyncadd.s32 $0xFFFFFF00  }
0x9b: {  	[tilespmem:s26], [sflag:$0x2] =	stream.indirect.gather [hbm4b:s2+s23], $0x80, s21, s23, $0xb8;
	[tilespmem:$0x1E400] =	vst v63  }
0x9c: {  	s18 =	sadd.s32 $0x0, s15;
	s21 =	simm.s32 $0x300  }
0x9d: {  	[tilespmem:s21], [sflag:$0xC] =	stream.linear.gather [hbm4b:s18+s4], $0x100, $0x38;
	[tilespmem:$0x1E400] =	vst v63  }
0x9e: {  	_ =	swait.ge [sflag:s17], $0x2800  }
0x9f: {  	[sflag:s17] =	ssyncset.done $0x0  }
0xa0: {  	s25 =	rddreg [dreg:$0xd];
	[sflag:s17] =	ssyncadd.s32 $0xFFFFD800  }
0xa1: {  	[spmem:s3] =	stream.indirect.scatter.add.f32 [tilespmem:s1], [sflag:$0x8], $0x80, s25, s23, $0xb8;
	[tilespmem:$0x1E400] =	vst v63  }
0xa2: {  	_ =	swait.ge [sflag:s10], $0x2800  }
0xa3: {  	[sflag:s10] =	ssyncset.done $0x0  }
0xa4: {  	[sflag:s10] =	ssyncadd.s32 $0xFFFFD800  }
0xa5: {  	_ =	swait.ge [sflag:s28], $0x100  }
0xa6: {  	s6 =	smov.u32 s19;
	s19 =	simm.s32 $0x0;
	[sflag:s28] =	ssyncset.done $0x0  }
0xa7: {  	s18 =	simm.s32 $0x100;
	s21 =	rddreg [dreg:$0x4];
	[sflag:s28] =	ssyncadd.s32 $0xFFFFFF00  }
0xa8: {  	[tilespmem:s29], [sflag:$0x3] =	stream.indirect.gather [hbm4b:s2+s23], $0x80, s0, s23, $0xb8;
	[tilespmem:$0x1E400] =	vst v63  }
.LBB2_2:
0xa9: {  	s21 =	sadd.s32 s19, s21;
	s15 =	simm.s32 $0x400  }
0xaa: {  	[tilespmem:s15], [sflag:$0xD] =	stream.linear.gather [hbm4b:s21+s4], $0x100, $0x38;
	[tilespmem:$0x1E400] =	vst v63  }
0xab: {  	s19 =	smov.u32 s18;
	_ =	swait.ge [sflag:s30], $0x2800  }
0xac: {  	p1 =	seq.s32 s19, $0x0;
	[sflag:s30] =	ssyncset.done $0x0  }
0xad: {  	s13 =	simm.s32 $0x80;
	s21 =	simm.s32 @!p1 $0x8;
	[sflag:s30] =	ssyncadd.s32 $0xFFFFD800  }
0xae: {  	[spmem:s3] =	stream.indirect.scatter.add.f32 [tilespmem:s24], [sflag:$0x5], $0x80, s13, s23, $0xb8;
	[tilespmem:$0x1E400] =	vst v63  }
0xaf: {  	_ =	swait.ge @!p1 [sflag:s21], $0x2800  }
0xb0: {  	[sflag:s21] =	ssyncset.done @!p1 $0x0  }
0xb1: {  	s0 =	simm.s32 $0xC;
	[sflag:s21] =	ssyncadd.s32 @!p1 $0xFFFFD800  }
0xb2: {  	_ =	swait.ge [sflag:s0], $0x100  }
0xb3: {  	[sflag:s0] =	ssyncset.done $0x0  }
0xb4: {  	s13 =	simm.s32 $0x300;
	s25 =	rddreg [dreg:$0xa];
	[sflag:s0] =	ssyncadd.s32 $0xFFFFFF00  }
0xb5: {  	[tilespmem:s1], [sflag:$0x4] =	stream.indirect.gather [hbm4b:s2+s23], $0x80, s13, s23, $0xb8;
	[tilespmem:$0x1E400] =	vst v63  }
0xb6: {  	s21 =	sadd.s32 s19, s25;
	s25 =	simm.s32 $0x500  }
0xb7: {  	[tilespmem:s25], [sflag:$0xE] =	stream.linear.gather [hbm4b:s21+s4], $0x100, $0x38;
	[tilespmem:$0x1E400] =	vst v63  }
0xb8: {  	_ =	swait.ge [sflag:s9], $0x2800  }
0xb9: {  	[sflag:s9] =	ssyncset.done $0x0  }
0xba: {  	s0 =	simm.s32 $0x180;
	[sflag:s9] =	ssyncadd.s32 $0xFFFFD800  }
0xbb: {  	[spmem:s3] =	stream.indirect.scatter.add.f32 [tilespmem:s26], [sflag:$0x6], $0x80, s0, s23, $0xb8;
	[tilespmem:$0x1E400] =	vst v63  }
0xbc: {  	_ =	swait.ge [sflag:s11], $0x2800  }
0xbd: {  	[sflag:s11] =	ssyncset.done $0x0  }
0xbe: {  	[sflag:s11] =	ssyncadd.s32 $0xFFFFD800  }
0xbf: {  	_ =	swait.ge [sflag:s12], $0x100  }
0xc0: {  	[sflag:s12] =	ssyncset.done $0x0  }
0xc1: {  	s0 =	rddreg [dreg:$0x9];
	[sflag:s12] =	ssyncadd.s32 $0xFFFFFF00  }
0xc2: {  	[tilespmem:s24], [sflag:$0x1] =	stream.indirect.gather [hbm4b:s2+s23], $0x80, s15, s23, $0xb8;
	[tilespmem:$0x1E400] =	vst v63  }
0xc3: {  	s28 =	simm.s32 $0x600;
	s21 =	sadd.s32 s19, s0  }
0xc4: {  	[tilespmem:s28], [sflag:$0xF] =	stream.linear.gather [hbm4b:s21+s4], $0x100, $0x38;
	[tilespmem:$0x1E400] =	vst v63  }
0xc5: {  	_ =	swait.ge [sflag:s14], $0x2800  }
0xc6: {  	[sflag:s14] =	ssyncset.done $0x0  }
0xc7: {  	s0 =	simm.s32 $0x280;
	[sflag:s14] =	ssyncadd.s32 $0xFFFFD800  }
0xc8: {  	[spmem:s3] =	stream.indirect.scatter.add.f32 [tilespmem:s29], [sflag:$0x7], $0x80, s0, s23, $0xb8;
	[tilespmem:$0x1E400] =	vst v63  }
0xc9: {  	_ =	swait.ge [sflag:s8], $0x2800  }
0xca: {  	[sflag:s8] =	ssyncset.done $0x0  }
0xcb: {  	[sflag:s8] =	ssyncadd.s32 $0xFFFFD800  }
0xcc: {  	_ =	swait.ge [sflag:s16], $0x100  }
0xcd: {  	[sflag:s16] =	ssyncset.done $0x0  }
0xce: {  	s15 =	rddreg [dreg:$0x8];
	[sflag:s16] =	ssyncadd.s32 $0xFFFFFF00  }
0xcf: {  	[tilespmem:s26], [sflag:$0x2] =	stream.indirect.gather [hbm4b:s2+s23], $0x80, s25, s23, $0xb8;
	[tilespmem:$0x1E400] =	vst v63  }
0xd0: {  	s0 =	simm.s32 $0x700;
	s21 =	sadd.s32 s19, s15  }
0xd1: {  	[tilespmem:s0], [sflag:$0x10] =	stream.linear.gather [hbm4b:s21+s4], $0x100, $0x38;
	[tilespmem:$0x1E400] =	vst v63  }
0xd2: {  	_ =	swait.ge [sflag:s17], $0x2800  }
0xd3: {  	[sflag:s17] =	ssyncset.done $0x0  }
0xd4: {  	s21 =	simm.s32 $0x380;
	[sflag:s17] =	ssyncadd.s32 $0xFFFFD800  }
0xd5: {  	[spmem:s3] =	stream.indirect.scatter.add.f32 [tilespmem:s1], [sflag:$0x8], $0x80, s21, s23, $0xb8;
	[tilespmem:$0x1E400] =	vst v63  }
0xd6: {  	_ =	swait.ge [sflag:s10], $0x2800  }
0xd7: {  	[sflag:s10] =	ssyncset.done $0x0  }
0xd8: {  	[sflag:s10] =	ssyncadd.s32 $0xFFFFD800  }
0xd9: {  	_ =	swait.ge [sflag:s7], $0x100  }
0xda: {  	s20 =	sadd.s32 $0x800, s20;
	[sflag:s7] =	ssyncset.done $0x0  }
0xdb: {  	s15 =	sshrl.u32 s20, $0x3;
	[sflag:s7] =	ssyncadd.s32 $0xFFFFFF00  }
0xdc: {  	[tilespmem:s29], [sflag:$0x3] =	stream.indirect.gather [hbm4b:s2+s23], $0x80, s28, s23, $0xb8;
	[tilespmem:$0x1E400] =	vst v63  }
0xdd: {  	s21 =	sadd.s32 s6, s15  }
0xde: {  	[tilespmem:s4], [sflag:$0x9] =	stream.linear.gather [hbm4b:s21+s4], $0x100, $0x38;
	[tilespmem:$0x1E400] =	vst v63  }
0xdf: {  	_ =	swait.ge [sflag:s30], $0x2800  }
0xe0: {  	[sflag:s30] =	ssyncset.done $0x0  }
0xe1: {  	s21 =	simm.s32 $0x480;
	[sflag:s30] =	ssyncadd.s32 $0xFFFFD800  }
0xe2: {  	[spmem:s3] =	stream.indirect.scatter.add.f32 [tilespmem:s24], [sflag:$0x5], $0x80, s21, s23, $0xb8;
	[tilespmem:$0x1E400] =	vst v63  }
0xe3: {  	_ =	swait.ge [sflag:s31], $0x2800  }
0xe4: {  	[sflag:s31] =	ssyncset.done $0x0  }
0xe5: {  	[sflag:s31] =	ssyncadd.s32 $0xFFFFD800  }
0xe6: {  	_ =	swait.ge [sflag:s5], $0x100  }
0xe7: {  	[sflag:s5] =	ssyncset.done $0x0  }
0xe8: {  	s15 =	rddreg [dreg:$0x7];
	[sflag:s5] =	ssyncadd.s32 $0xFFFFFF00  }
0xe9: {  	[tilespmem:s1], [sflag:$0x4] =	stream.indirect.gather [hbm4b:s2+s23], $0x80, s0, s23, $0xb8;
	[tilespmem:$0x1E400] =	vst v63  }
0xea: {  	s21 =	sadd.s32 s19, s15;
	s15 =	simm.s32 $0x100  }
0xeb: {  	[tilespmem:s15], [sflag:$0xA] =	stream.linear.gather [hbm4b:s21+s4], $0x100, $0x38;
	[tilespmem:$0x1E400] =	vst v63  }
0xec: {  	_ =	swait.ge [sflag:s9], $0x2800  }
0xed: {  	[sflag:s9] =	ssyncset.done $0x0  }
0xee: {  	s0 =	rddreg [dreg:$0xb];
	[sflag:s9] =	ssyncadd.s32 $0xFFFFD800  }
0xef: {  	[spmem:s3] =	stream.indirect.scatter.add.f32 [tilespmem:s26], [sflag:$0x6], $0x80, s0, s23, $0xb8;
	[tilespmem:$0x1E400] =	vst v63  }
0xf0: {  	_ =	swait.ge [sflag:s11], $0x2800  }
0xf1: {  	[sflag:s11] =	ssyncset.done $0x0  }
0xf2: {  	[sflag:s11] =	ssyncadd.s32 $0xFFFFD800  }
0xf3: {  	_ =	swait.ge [sflag:s22], $0x100  }
0xf4: {  	[sflag:s22] =	ssyncset.done $0x0  }
0xf5: {  	s0 =	rddreg [dreg:$0x6];
	[sflag:s22] =	ssyncadd.s32 $0xFFFFFF00  }
0xf6: {  	[tilespmem:s24], [sflag:$0x1] =	stream.indirect.gather [hbm4b:s2+s23], $0x80, s4, s23, $0xb8;
	[tilespmem:$0x1E400] =	vst v63  }
0xf7: {  	s21 =	sadd.s32 s19, s0;
	s22 =	simm.s32 $0x200  }
0xf8: {  	[tilespmem:s22], [sflag:$0xB] =	stream.linear.gather [hbm4b:s21+s4], $0x100, $0x38;
	[tilespmem:$0x1E400] =	vst v63  }
0xf9: {  	_ =	swait.ge [sflag:s14], $0x2800  }
0xfa: {  	[sflag:s14] =	ssyncset.done $0x0  }
0xfb: {  	s0 =	rddreg [dreg:$0xc];
	[sflag:s14] =	ssyncadd.s32 $0xFFFFD800  }
0xfc: {  	[spmem:s3] =	stream.indirect.scatter.add.f32 [tilespmem:s29], [sflag:$0x7], $0x80, s0, s23, $0xb8;
	[tilespmem:$0x1E400] =	vst v63  }
0xfd: {  	_ =	swait.ge [sflag:s8], $0x2800  }
0xfe: {  	[sflag:s8] =	ssyncset.done $0x0  }
0xff: {  	s25 =	simm.s32 $0xA;
	[sflag:s8] =	ssyncadd.s32 $0xFFFFD800  }
0x100: {  	_ =	swait.ge [sflag:s25], $0x100  }
0x101: {  	[sflag:s25] =	ssyncset.done $0x0  }
0x102: {  	s0 =	rddreg [dreg:$0x5];
	[sflag:s25] =	ssyncadd.s32 $0xFFFFFF00  }
0x103: {  	[tilespmem:s26], [sflag:$0x2] =	stream.indirect.gather [hbm4b:s2+s23], $0x80, s15, s23, $0xb8;
	[tilespmem:$0x1E400] =	vst v63  }
0x104: {  	s21 =	sadd.s32 s19, s0  }
0x105: {  	[tilespmem:s13], [sflag:$0xC] =	stream.linear.gather [hbm4b:s21+s4], $0x100, $0x38;
	[tilespmem:$0x1E400] =	vst v63  }
0x106: {  	_ =	swait.ge [sflag:s17], $0x2800  }
0x107: {  	[sflag:s17] =	ssyncset.done $0x0  }
0x108: {  	s13 =	rddreg [dreg:$0xd];
	[sflag:s17] =	ssyncadd.s32 $0xFFFFD800  }
0x109: {  	[spmem:s3] =	stream.indirect.scatter.add.f32 [tilespmem:s1], [sflag:$0x8], $0x80, s13, s23, $0xb8;
	[tilespmem:$0x1E400] =	vst v63  }
0x10a: {  	_ =	swait.ge [sflag:s10], $0x2800  }
0x10b: {  	s18 =	sadd.s32 $0x100, s18;
	[sflag:s10] =	ssyncset.done $0x0  }
0x10c: {  	p0 =	sne.s32 s18, $0xF00;
	s28 =	simm.s32 $0xB;
	[sflag:s10] =	ssyncadd.s32 $0xFFFFD800  }
.Ltmp0:
0x10d: {  	_ =	swait.ge [sflag:s28], $0x100;
	(pc) =	sbr.rel @p0 .LBB2_2-.Ltmp0, $4  }
0x10e: {  	[sflag:s28] =	ssyncset.done $0x0  }
0x10f: {  	[sflag:s28] =	ssyncadd.s32 $0xFFFFFF00  }
0x110: {  	[tilespmem:s29], [sflag:$0x3] =	stream.indirect.gather [hbm4b:s2+s23], $0x80, s22, s23, $0xb8;
	[tilespmem:$0x1E400] =	vst v63  }
0x111: {  	s15 =	simm.s32 $0x300;
	s21 =	rddreg [dreg:$0x4];
	s22 =	simm.s32 $0x9  }
0x112: {  	s18 =	sadd.s32 s19, s21;
	s13 =	simm.s32 $0x400  }
0x113: {  	[tilespmem:s13], [sflag:$0xD] =	stream.linear.gather [hbm4b:s18+s4], $0x100, $0x38;
	[tilespmem:$0x1E400] =	vst v63  }
0x114: {  	_ =	swait.ge [sflag:s30], $0x2800  }
0x115: {  	[sflag:s30] =	ssyncset.done $0x0  }
0x116: {  	s21 =	simm.s32 $0x80;
	[sflag:s30] =	ssyncadd.s32 $0xFFFFD800  }
0x117: {  	[spmem:s3] =	stream.indirect.scatter.add.f32 [tilespmem:s24], [sflag:$0x5], $0x80, s21, s23, $0xb8;
	[tilespmem:$0x1E400] =	vst v63  }
0x118: {  	_ =	swait.ge [sflag:s31], $0x2800  }
0x119: {  	[sflag:s31] =	ssyncset.done $0x0  }
0x11a: {  	s0 =	simm.s32 $0xC;
	[sflag:s31] =	ssyncadd.s32 $0xFFFFD800  }
0x11b: {  	_ =	swait.ge [sflag:s0], $0x100  }
0x11c: {  	[sflag:s0] =	ssyncset.done $0x0  }
0x11d: {  	[sflag:s0] =	ssyncadd.s32 $0xFFFFFF00  }
0x11e: {  	[tilespmem:s1], [sflag:$0x4] =	stream.indirect.gather [hbm4b:s2+s23], $0x80, s15, s23, $0xb8;
	[tilespmem:$0x1E400] =	vst v63  }
0x11f: {  	_ =	swait.ge [sflag:s9], $0x2800  }
0x120: {  	[sflag:s9] =	ssyncset.done $0x0  }
0x121: {  	s0 =	simm.s32 $0x180;
	[sflag:s9] =	ssyncadd.s32 $0xFFFFD800  }
0x122: {  	[spmem:s3] =	stream.indirect.scatter.add.f32 [tilespmem:s26], [sflag:$0x6], $0x80, s0, s23, $0xb8;
	[tilespmem:$0x1E400] =	vst v63  }
0x123: {  	_ =	swait.ge [sflag:s11], $0x2800  }
0x124: {  	[sflag:s11] =	ssyncset.done $0x0  }
0x125: {  	[sflag:s11] =	ssyncadd.s32 $0xFFFFD800  }
0x126: {  	_ =	swait.ge [sflag:s12], $0x100  }
0x127: {  	[sflag:s12] =	ssyncset.done $0x0  }
0x128: {  	[sflag:s12] =	ssyncadd.s32 $0xFFFFFF00  }
0x129: {  	[tilespmem:s24], [sflag:$0x1] =	stream.indirect.gather [hbm4b:s2+s23], $0x80, s13, s23, $0xb8;
	[tilespmem:$0x1E400] =	vst v63  }
0x12a: {  	_ =	swait.ge [sflag:s14], $0x2800  }
0x12b: {  	[sflag:s14] =	ssyncset.done $0x0  }
0x12c: {  	s18 =	simm.s32 $0x280;
	[sflag:s14] =	ssyncadd.s32 $0xFFFFD800  }
0x12d: {  	[spmem:s3] =	stream.indirect.scatter.add.f32 [tilespmem:s29], [sflag:$0x7], $0x80, s18, s23, $0xb8;
	[tilespmem:$0x1E400] =	vst v63  }
0x12e: {  	_ =	swait.ge [sflag:s8], $0x2800  }
0x12f: {  	[sflag:s8] =	ssyncset.done $0x0  }
0x130: {  	[sflag:s8] =	ssyncadd.s32 $0xFFFFD800  }
0x131: {  	_ =	swait.ge [sflag:s17], $0x2800  }
0x132: {  	[sflag:s17] =	ssyncset.done $0x0  }
0x133: {  	s19 =	simm.s32 $0x380;
	[sflag:s17] =	ssyncadd.s32 $0xFFFFD800  }
0x134: {  	[spmem:s3] =	stream.indirect.scatter.add.f32 [tilespmem:s1], [sflag:$0x8], $0x80, s19, s23, $0xb8;
	[tilespmem:$0x1E400] =	vst v63  }
0x135: {  	_ =	swait.ge [sflag:s10], $0x2800  }
0x136: {  	[sflag:s10] =	ssyncset.done $0x0  }
0x137: {  	[sflag:s10] =	ssyncadd.s32 $0xFFFFD800  }
0x138: {  	_ =	swait.ge [sflag:s30], $0x2800  }
0x139: {  	[sflag:s30] =	ssyncset.done $0x0  }
0x13a: {  	s20 =	simm.s32 $0x480;
	[sflag:s30] =	ssyncadd.s32 $0xFFFFD800  }
0x13b: {  	[spmem:s3] =	stream.indirect.scatter.add.f32 [tilespmem:s24], [sflag:$0x5], $0x80, s20, s23, $0xb8;
	[tilespmem:$0x1E400] =	vst v63  }
0x13c: {  	_ =	swait.ge [sflag:s31], $0x2800  }
0x13d: {  	[sflag:s31] =	ssyncset.done $0x0  }
0x13e: {  	[sflag:s31] =	ssyncadd.s32 $0xFFFFD800  }
0x13f: {  	_ =	swait.ge [sflag:s11], $0x2800  }
0x140: {  	[sflag:s11] =	ssyncset.done $0x0  }
0x141: {  	[sflag:s11] =	ssyncadd.s32 $0xFFFFD800  }
0x142: {  	[bflag:$0x0] =	sbarrier.arrive $0xFFFF  }
0x143: {  	s18 =	rddreg [dreg:$0x10]  }
0x144: {  	s21 =	rddreg [dreg:$0x15]  }
0x145: {  	s20 =	rddreg [dreg:$0x18]  }
0x146: {  	[hbm:s21], [sflag:s18] =	dma.local [spmem:s20], $0x2780  }
0x147: {  	s21 =	simm.s32 $0x11  }
0x148: {  	_ =	swait.ge [sflag:s21], $0x2780  }
0x149: {  	s0 =	rddreg [dreg:$0x19]  }
0x14a: {  	s15 =	rddreg [dreg:$0x16];
	s13 =	sadd.s32 $0x1, s0  }
0x14b: {  	p0 =	sne.s32 s13, s15  }
.Ltmp1:
0x14c: {  	_ = 	snop;
	(pc) =	sbr.rel @p0 .LBB2_1-.Ltmp1, $3  }
0x14d: {  	_ =	sdelay $0x1  }
0x14e: {  	[sflag:s21] =	ssyncset.done $0x0  }
0x14f: {  	s19 =	smov.u32 s6;
	[sflag:s21] =	ssyncadd.s32 $0xFFFFD880  }
0x150: {  	_ =	sfence.sel $0x180000  }
0x151: {  	[bflag:$0x0] =	sbarrier.arrive $0xFFFF  }
0x152: {  	_ =	strace $0x9000004A  }
0x153: {  	s0 =	stileid.u32;
	[bflag:$0x2] =	sbarrier.arrive $0xFFFF  }
0x154: {  	p0 =	sne.s32 s0, $0x0;
	s0 =	rddreg [dreg:$0x3]  }
0x155: {  	s0 =	sadd.s32 @!p0 $0x100000, s0  }
0x156: {  	[sflag:s0] =	ssyncadd.tile.s32 @!p0 $0x1;
	_ =	shalt  }
.Lfunc_end2:
_tile_overlayer_lowered:
.L_overlay_start_2:
0x157: {  	(tag) =	ssettag $0x2  }
0x158: {  	s0 =	rddreg [dreg:$0x0];
	s2 =	stileid.u32  }
0x159: {  	s1 =	rddreg [dreg:$0x1];
	p0 =	sne.s32 s2, $0x0  }
0x15a: {  	s3 =	rddreg [dreg:$0x2];
	[bflag:$0x3] =	sbarrier.arrive $0xFFFF;
	s2 =	simm.s32 @!p0 $0x1C11  }
0x15b: {  	[timem:s3], [sflag:s2] =	dma.local @!p0 [hbm:s0], s1  }
0x15c: {  	s0 =	simm.s32 @!p0 $0x11  }
0x15d: {  	_ =	swait.ge @!p0 [sflag:s0], s1  }
0x15e: {  	s1 =	ssub.s32 @!p0 $0x0, s1;
	[sflag:s0] =	ssyncset.done @!p0 $0x0  }
0x15f: {  	[sflag:s0] =	ssyncadd.s32 @!p0 s1  }
0x160: {  	[bflag:$0x3] =	sbarrier.arrive $0xFFFF  }
0x161: {  	_ =	shalt  }

// kernel: kernel.14.cloned.1.call-start
scs
__scs_entry_jumppad:
0x0: {  	(pc) =	sbr.rel $0x88, $3  }
0x1: {  	(tag) =	ssettag $0x0;
	lr =	simm.s32 $0x1  }
0x2: {  	[smem:$0x3F9B] =	sst lr;
	_ =	strace $0xD0000000  }
0x3: {  	_ = 	snop  }
0x4: {  	_ = 	snop  }
0x5: {  	_ = 	snop  }
0x6: {  	_ = 	snop  }
0x7: {  	_ = 	snop  }
__scs_overlays_trampoline_lowered:
0x8: {  	[smem:$0x3FAA] =	sst s0  }
0x9: {  	[smem:$0x3FAB] =	sst s1  }
0xa: {  	[smem:$0x3FAC] =	sst s2  }
0xb: {  	[smem:$0x3FAD] =	sst s3  }
0xc: {  	[smem:$0x3FAE] =	sst s4  }
0xd: {  	[smem:$0x3FAF] =	sst s5  }
0xe: {  	[smem:$0x3FB0] =	sst s6  }
0xf: {  	[smem:$0x3FB1] =	sst s7  }
0x10: {  	[smem:$0x3FB2] =	sst s8  }
0x11: {  	[smem:$0x3FB3] =	sst s9;
	s0 =	simm.s32 @!p0 $0x0  }
0x12: {  	s1 =	sld [smem:$0x3F99];
	s0 =	simm.s32 @p0 $0x1  }
0x13: {  	[smem:$0x3FB4] =	sst s0;
	s0 =	simm.s32 @!p1 $0x0  }
0x14: {  	s2 =	sld [smem:$0x3F98];
	s0 =	simm.s32 @p1 $0x1  }
0x15: {  	[smem:$0x3FB5] =	sst s0;
	s0 =	simm.s32 @!p2 $0x0  }
0x16: {  	s3 =	sld [smem:$0x3FDB];
	s0 =	simm.s32 @p2 $0x1  }
0x17: {  	s4 =	simm.s32 $0x1BF5;
	[smem:$0x3FB7] =	sst s0  }
0x18: {  	s0 =	sld [smem:$0x3F9A];
	_ =	swait.ge [sflag:s4], $0x0  }
0x19: {  	s7 =	sld [smem:$0x3F9B]  }
0x1a: {  	s8 =	sadd.s32 $0xFFFFE003, lr  }
0x1b: {  	s9 =	sadd.s32 $0xFFFFFEF7, lr;
	s5 =	simm.s32 $0xFFFFFFFF;
	p2 =	slt.u32 s8, $0xFFFFF086  }
0x1c: {  	p1 =	slt.u32 s9, $0xF7A;
	s5 =	simm.s32 @!p2 $0x0  }
0x1d: {  	s5 =	simm.s32 @p1 $0x1;
	p0 =	seq.s32 s7, s2  }
0x1e: {  	s7 =	smul.u32 @!p0 $0xF7A, s2;
	p2 =	seq.s32 @!p0 s5, $0x0  }
0x1f: {  	s9 =	smul.u32 $0xF7A, s1;
	s8 =	simm.s32 @!p0 $0x1BF5;
	p2 =	por !p2, p0  }
0x20: {  	[sflag:s8] =	ssyncset.s32 @!p0 $0xFFFFF086;
	s6 =	sadd.s32 @!p0 s3, s7;
	s7 =	simm.s32 @!p0 $0x108  }
0x21: {  	s3 =	sadd.s32 s3, s9;
	s6 =	sadd.s32 @!p0 $0x88, s6;
	s7 =	simm.s32 @p2 $0x1082  }
0x22: {  	[simem:s7], [sflag:s8] =	dma.local @!p0 [hbm:s6], $0xF7A  }
0x23: {  	s9 =	sor.u32 $0xD0000000, s2;
	s6 =	simm.s32 $0x108;
	_ =	swait.ge @!p0 [sflag:s8], $0x0  }
0x24: {  	s3 =	sadd.s32 $0x88, s3;
	s6 =	simm.s32 @!p1 $0x1082;
	[sflag:s4] =	ssyncset.s32 $0xFFFFF086  }
0x25: {  	[simem:s6], [sflag:s4] =	dma.local [hbm:s3], $0xF7A  }
0x26: {  	[smem:$0x3F9B] =	sst s1;
	(tag) =	ssettag s2;
	_ =	strace s9  }
0x27: {  	s1 =	sld [smem:$0x3FAB]  }
0x28: {  	s2 =	sld [smem:$0x3FAC]  }
0x29: {  	s4 =	sld [smem:$0x3FAE]  }
0x2a: {  	p0 =	seq.s32 s5, $0x0;
	s5 =	sld [smem:$0x3FAF]  }
0x2b: {  	s6 =	sld [smem:$0x3FB0]  }
0x2c: {  	s7 =	sld [smem:$0x3FB1]  }
0x2d: {  	s3 =	simm.s32 $0x108;
	s8 =	sld [smem:$0x3FB2]  }
0x2e: {  	s3 =	simm.s32 @!p0 $0x1082;
	s9 =	sld [smem:$0x3FB3]  }
0x2f: {  	lr =	sadd.s32 s0, s3;
	s0 =	sld [smem:$0x3FAA]  }
0x30: {  	s3 =	sld [smem:$0x3FAD]  }
0x31: {  	[smem:$0x3FB6] =	sst s10  }
0x32: {  	s10 =	sld [smem:$0x3FB4];
	_ =	sdelay $0x3  }
0x33: {  	p0 =	seq.s32 s10, $0x1;
	s10 =	sld [smem:$0x3FB6];
	_ =	sdelay $0x3  }
0x34: {  	[smem:$0x3FB6] =	sst s10  }
0x35: {  	s10 =	sld [smem:$0x3FB5];
	_ =	sdelay $0x3  }
0x36: {  	p1 =	seq.s32 s10, $0x1;
	s10 =	sld [smem:$0x3FB6];
	_ =	sdelay $0x3  }
0x37: {  	[smem:$0x3FB6] =	sst s10  }
0x38: {  	s10 =	sld [smem:$0x3FB7]  }
0x39: {  	_ = 	snop;
	(pc) =	sbr.ind lr, $3  }
0x3a: {  	_ = 	snop  }
0x3b: {  	_ = 	snop  }
0x3c: {  	p2 =	seq.s32 s10, $0x1;
	s10 =	sld [smem:$0x3FB6]  }
0x3d: {  	_ =	shalt  }
0x3e: {  	_ =	shalt  }
0x3f: {  	_ =	shalt  }
0x40: {  	_ =	shalt  }
0x41: {  	_ =	shalt  }
0x42: {  	_ =	shalt  }
0x43: {  	_ =	shalt  }
0x44: {  	_ =	shalt  }
0x45: {  	_ =	shalt  }
0x46: {  	_ =	shalt  }
0x47: {  	_ =	shalt  }
0x48: {  	_ =	shalt  }
0x49: {  	_ =	shalt  }
0x4a: {  	_ =	shalt  }
0x4b: {  	_ =	shalt  }
0x4c: {  	_ =	shalt  }
0x4d: {  	_ =	shalt  }
0x4e: {  	_ =	shalt  }
0x4f: {  	_ =	shalt  }
0x50: {  	_ =	shalt  }
0x51: {  	_ =	shalt  }
0x52: {  	_ =	shalt  }
0x53: {  	_ =	shalt  }
0x54: {  	_ =	shalt  }
0x55: {  	_ =	shalt  }
0x56: {  	_ =	shalt  }
0x57: {  	_ =	shalt  }
0x58: {  	_ =	shalt  }
0x59: {  	_ =	shalt  }
0x5a: {  	_ =	shalt  }
0x5b: {  	_ =	shalt  }
0x5c: {  	_ =	shalt  }
0x5d: {  	_ =	shalt  }
0x5e: {  	_ =	shalt  }
0x5f: {  	_ =	shalt  }
0x60: {  	_ =	shalt  }
0x61: {  	_ =	shalt  }
0x62: {  	_ =	shalt  }
0x63: {  	_ =	shalt  }
0x64: {  	_ =	shalt  }
0x65: {  	_ =	shalt  }
0x66: {  	_ =	shalt  }
0x67: {  	_ =	shalt  }
0x68: {  	_ =	shalt  }
0x69: {  	_ =	shalt  }
0x6a: {  	_ =	shalt  }
0x6b: {  	_ =	shalt  }
0x6c: {  	_ =	shalt  }
0x6d: {  	_ =	shalt  }
0x6e: {  	_ =	shalt  }
0x6f: {  	_ =	shalt  }
0x70: {  	_ =	shalt  }
0x71: {  	_ =	shalt  }
0x72: {  	_ =	shalt  }
0x73: {  	_ =	shalt  }
0x74: {  	_ =	shalt  }
0x75: {  	_ =	shalt  }
0x76: {  	_ =	shalt  }
0x77: {  	_ =	shalt  }
0x78: {  	_ =	shalt  }
0x79: {  	_ =	shalt  }
0x7a: {  	_ =	shalt  }
0x7b: {  	_ =	shalt  }
0x7c: {  	_ =	shalt  }
0x7d: {  	_ =	shalt  }
0x7e: {  	_ =	shalt  }
0x7f: {  	_ =	shalt  }
0x80: {  	_ =	shalt  }
0x81: {  	_ =	shalt  }
0x82: {  	_ =	shalt  }
0x83: {  	_ =	shalt  }
0x84: {  	_ =	shalt  }
0x85: {  	_ =	shalt  }
0x86: {  	_ =	shalt  }
0x87: {  	_ =	shalt  }
.Lfunc_end0:
.L_simem_size_0:
called_computation.2_lowered:
.L_overlay_start_0:
0x88: {  	s2 =	sld [smem:$0x3FD9]  }
0x89: {  	s3 =	sld [smem:$0x3FFE];
	_ =	sdelay $0x1  }
0x8a: {  	s1 =	srdreg.scid  }
0x8b: {  	s0 =	sand.u32 $0x1, s1  }
0x8c: {  	s17 =	sshll.u32 s0, $0xA;
	s2 =	sadd.s32 s3, s2  }
0x8d: {  	s2 =	sadd.s32 s2, s17  }
0x8e: {  	[smem:$0x3FC2] =	sst s2  }
0x8f: {  	_ = 	snop  }
0x90: {  	s2 =	sld [smem:$0x3FD0];
	(tm) =	ssettm $0x1  }
0x91: {  	s18 =	sld [smem:$0x3FFB];
	_ =	sdelay $0x3  }
0x92: {  	_ =	strace s18  }
0x93: {  	s3 =	sld [smem:$0x3FFC];
	_ =	sdelay $0x3  }
0x94: {  	_ =	strace s3  }
0x95: {  	s3 =	sld [smem:$0x3FFD];
	_ =	sdelay $0x3  }
0x96: {  	_ =	strace s3  }
0x97: {  	_ =	strace $0x8FFFFFFF  }
0x98: {  	s19 =	sld [smem:$0x3FDB];
	_ =	sdelay $0x1  }
0x99: {  	s4 =	simm.s32 $_scs_section_size  }
0x9a: {  	s5 =	simm.s32 $_size__tile_overlayer_lowered;
	s6 =	simm.s32 $_tile_overlayer_lowered  }
0x9b: {  	s22 =	simm.s32 $0x1BFF;
	s21 =	sshll.u32 s6, $0x1;
	s3 =	sadd.s32 s4, s19  }
0x9c: {  	s7 =	simm.s32 $0x0;
	s20 =	sshll.u32 s5, $0x1;
	s5 =	sadd.s32 s21, s3  }
0x9d: {  	[timem:s7], [sflag:s22] =	dma.local [hbm:s5], s20  }
0x9e: {  	_ =	swait.ge [sflag:s22], s20  }
0x9f: {  	s4 =	ssub.s32 $0x0, s20;
	[sflag:s22] =	ssyncset.done $0x0  }
0xa0: {  	[sflag:s22] =	ssyncadd.s32 s4;
	_ =	sdelay $0x1  }
0xa1: {  	s23 =	simm.s32 $0x1B8B  }
0xa2: {  	_ =	swait.ge [sflag:s23], $0x1  }
0xa3: {  	[sflag:s23] =	ssyncset.done $0x0  }
0xa4: {  	s25 =	simm.s32 $0x1B8E;
	s24 =	sld [smem:$0x3FFE];
	[sflag:s23] =	ssyncadd.s32 $0xFFFFFFFF  }
0xa5: {  	s26 =	simm.s32 $execute0_lowered;
	[smem:$0x3FD2] =	sst s25  }
0xa6: {  	s5 =	sshll.u32 s26, $0x1;
	_ =	strace $0x8000004C;
	[dreg:$0x1] =	wrdreg $0xFFFFFFFF  }
0xa7: {  	s28 =	simm.s32 $_size_execute0_lowered;
	s3 =	sadd.s32 s3, s5;
	[dreg:$0x0] =	wrdreg $0x0  }
0xa8: {  	s5 =	sshll.u32 s28, $0x1;
	[dreg:$0x2] =	wrdreg s3  }
0xa9: {  	[dreg:$0x3] =	wrdreg s5  }
0xaa: {  	[dreg:$0x4] =	wrdreg $0xC0  }
0xab: {  	_ =	task [dreg:s7], $0x5FFFF  }
0xac: {  	[dreg:$0x1] =	wrdreg $0xFFFFFFFF  }
0xad: {  	[dreg:$0x0] =	wrdreg $0x60  }
0xae: {  	[dreg:$0x2] =	wrdreg s2  }
0xaf: {  	[dreg:$0x3] =	wrdreg s24  }
0xb0: {  	[dreg:$0x4] =	wrdreg $0xA8000  }
0xb1: {  	[dreg:$0x5] =	wrdreg $0x9  }
0xb2: {  	_ =	task.clear_ibuf [dreg:s7], $0x6FFFF;
	_ =	strace $0x9000004C  }
0xb3: {  	s29 =	simm.s32 $0x9;
	_ =	strace $0x8000004E  }
0xb4: {  	_ =	swait.ge [sflag:s29], $0x1  }
0xb5: {  	[sflag:s29] =	ssyncadd.s32 $0xFFFFFFFF  }
0xb6: {  	_ =	strace $0x9000004E  }
0xb7: {  	_ =	sfence  }
0xb8: {  	s30 =	sld [smem:$0x0];
	_ =	sdelay $0x2  }
0xb9: {  	s31 =	sshll.u32 s1, $0xD;
	s1 =	sshrl.u32 s1, $0x2  }
0xba: {  	s3 =	sand.u32 $0x4000, s31;
	s1 =	sadd.s32 s1, s30  }
0xbb: {  	s0 =	sor.u32 s3, s0;
	s1 =	sshll.u32 s1, $0x11  }
0xbc: {  	s0 =	sor.u32 s1, s0  }
0xbd: {  	s0 =	sadd.s32 $0x8F2B, s0  }
0xbe: {  	[sflag:s0] =	ssyncadd.remote.s32 $0x1  }
0xbf: {  	_ =	sfence.sel $0xFFFF  }
0xc0: {  	[dreg:$0x0] =	wrdreg $0xFFFFFFFF;
	(pc) =	sbr.abs _section_cstart, $3  }
0xc1: {  	[dreg:$0x1] =	wrdreg $0xFFFFFFFF  }
0xc2: {  	_ =	task.clear_ibuf [dreg:s7], $0x2FFFF;
	_ =	strace $0x9FFFFFFF  }
0xc3: {  	(tm) =	ssettm $0x7FFFFFFF  }
tec
execute0_lowered:
.L_overlay_start_1:
0x0: {  	(tag) =	ssettag $0x1  }
0x1: {  	s2 =	rddreg [dreg:$0x0]  }
0x2: {  	s0 =	rddreg [dreg:$0x1]  }
0x3: {  	s3 =	rddreg [dreg:$0x2];
	s10 =	stileid.u32  }
0x4: {  	s4 =	simm.s32 $0x0;
	s5 =	srdreg.scid;
	s28 =	simm.s32 $0xB  }
0x5: {  	s29 =	simm.s32 $0x5800;
	s30 =	simm.s32 $0x1;
	s1 =	smul.u32 $0x13C00, s10  }
0x6: {  	s31 =	simm.s32 $0x8;
	[smem:$0x7FF] =	sst s4;
	s15 =	smul.u32 $0x4F000, s10  }
0x7: {  	s5 =	sand.u32 $0x1, s5;
	s19 =	sadd.s32 $0xC600, s0;
	s17 =	smul.u32 $0x7D00, s10  }
0x8: {  	s20 =	sshll.u32 s10, $0x6;
	_ =	strace $0x8000004D;
	s7 =	smul.u32 $0x13C000, s5  }
0x9: {  	s8 =	sshll.u32 s5, $0x4;
	s9 =	ssub.s32 $0x2, s5;
	s5 =	smul.u32 $0x7D000, s5  }
0xa: {  	s6 =	sshrl.u32 s1, $0x3;
	s8 =	sor.u32 s10, s8;
	s16 =	sshrl.u32 s9, $0x1  }
0xb: {  	s6 =	sadd.s32 s6, s0;
	s1 =	sadd.s32 s1, s7;
	s8 =	smul.u32 $0x7D00, s8  }
0xc: {  	s7 =	sshrl.u32 s15, $0x2;
	s5 =	sadd.s32 s17, s5;
	s1 =	sshrl.u32 s1, $0x3  }
0xd: {  	s7 =	sadd.s32 s7, s3;
	s6 =	sadd.s32 $0x2BA00, s6;
	s22 =	sadd.s32 $0xC00, s5  }
0xe: {  	s26 =	sadd.s32 $0xB00, s5;
	s10 =	sadd.s32 $0xA00, s5;
	s14 =	sadd.s32 $0x700, s5  }
0xf: {  	s17 =	sadd.s32 $0x500, s5;
	s0 =	sadd.s32 s1, s0;
	s1 =	ssub.s32 s9, s16  }
0x10: {  	[dreg:$0xe] =	wrdreg s6;
	s18 =	sshrl.u32 s8, $0x3;
	s9 =	sshrl.u32 s26, $0x3  }
0x11: {  	s8 =	sshrl.u32 s10, $0x3;
	s15 =	sshrl.u32 s14, $0x3;
	s26 =	simm.s32 $0x780  }
0x12: {  	s16 =	sadd.s32 $0x600, s5;
	s21 =	sadd.s32 s19, s18;
	[dreg:$0xd] =	wrdreg s26  }
0x13: {  	s14 =	simm.s32 $0x3;
	s11 =	sadd.s32 s8, s19;
	[dreg:$0xf] =	wrdreg s21  }
0x14: {  	s10 =	simm.s32 $0x7;
	s0 =	sadd.s32 $0x53200, s0;
	[dreg:$0x6] =	wrdreg s11  }
0x15: {  	s18 =	sor.u32 $0x1C11, s20;
	s1 =	smax.u32 s1, $0x1;
	[dreg:$0x15] =	wrdreg s0  }
0x16: {  	s8 =	sshrl.u32 s16, $0x3;
	s26 =	simm.s32 $0x3000;
	[dreg:$0x16] =	wrdreg s1  }
0x17: {  	s16 =	simm.s32 $0xE;
	s6 =	sadd.s32 $0x20, s21;
	[dreg:$0x10] =	wrdreg s18  }
0x18: {  	s23 =	sadd.s32 $0x40, s21;
	s24 =	sadd.s32 $0x60, s21;
	[dreg:$0x11] =	wrdreg s6  }
0x19: {  	s25 =	sadd.s32 $0x80, s21;
	s20 =	sadd.s32 s8, s19;
	[dreg:$0x12] =	wrdreg s23  }
0x1a: {  	s21 =	sshrl.u32 s17, $0x3;
	s1 =	simm.s32 $0x8000;
	[dreg:$0x13] =	wrdreg s24  }
0x1b: {  	s11 =	simm.s32 $0x5;
	s8 =	simm.s32 $0x6;
	[dreg:$0x14] =	wrdreg s25  }
0x1c: {  	s17 =	simm.s32 $0x4;
	[dreg:$0x9] =	wrdreg s20;
	s23 =	sadd.s32 $0x800, s5  }
0x1d: {  	s6 =	sshrl.u32 s22, $0x3;
	s22 =	sadd.s32 s21, s19;
	[dreg:$0x17] =	wrdreg s23  }
0x1e: {  	s20 =	sshrl.u32 s7, $0x3;
	s24 =	simm.s32 $0x580;
	[dreg:$0xa] =	wrdreg s22  }
0x1f: {  	s21 =	simm.s32 $0x11;
	s25 =	simm.s32 $0x680;
	[dreg:$0xb] =	wrdreg s24  }
0x20: {  	s7 =	simm.s32 $0xF;
	s6 =	sadd.s32 s6, s19;
	[dreg:$0xc] =	wrdreg s25  }
0x21: {  	s22 =	simm.s32 $0x9;
	s23 =	simm.s32 $0x50;
	[dreg:$0x18] =	wrdreg s20  }
0x22: {  	s24 =	simm.s32 $0x800;
	s25 =	simm.s32 $0xA;
	[dreg:$0x4] =	wrdreg s6  }
0x23: {  	s6 =	sadd.s32 s9, s19;
	s9 =	sadd.s32 $0x900, s5;
	s5 =	simm.s32 $0x10  }
0x24: {  	[dreg:$0x5] =	wrdreg s6;
	s12 =	sshrl.u32 s9, $0x3;
	s6 =	sadd.s32 s15, s19  }
0x25: {  	s9 =	simm.s32 $0x2;
	s13 =	sadd.s32 s12, s19;
	[dreg:$0x8] =	wrdreg s6  }
0x26: {  	s12 =	simm.s32 $0xD;
	[dreg:$0x7] =	wrdreg s13;
	s13 =	simm.s32 $0x0  }
.LBB2_1:
0x27: {  	[dreg:$0x19] =	wrdreg s13  }
0x28: {  	s6 =	rddreg [dreg:$0xe]  }
0x29: {  	[spmem:s20], [sflag:s18] =	dma.local [hbm:s6], $0x2780  }
0x2a: {  	_ =	swait.ge [sflag:s21], $0x2780  }
0x2b: {  	[sflag:s21] =	ssyncset.done $0x0  }
0x2c: {  	[sflag:s21] =	ssyncadd.s32 $0xFFFFD880;
	s21 =	rddreg [dreg:$0xf]  }
0x2d: {  	[tilespmem:s4], [sflag:$0x9] =	stream.linear.gather [hbm4b:s21+s4], $0x100, $0x38;
	[tilespmem:$0x1E400] =	vst v63  }
0x2e: {  	s0 =	rddreg [dreg:$0x11];
	s21 =	simm.s32 $0x100  }
0x2f: {  	[tilespmem:s21], [sflag:$0xA] =	stream.linear.gather [hbm4b:s0+s4], $0x100, $0x38;
	[tilespmem:$0x1E400] =	vst v63  }
0x30: {  	s13 =	rddreg [dreg:$0x12];
	s0 =	simm.s32 $0x200  }
0x31: {  	[tilespmem:s0], [sflag:$0xB] =	stream.linear.gather [hbm4b:s13+s4], $0x100, $0x38;
	[tilespmem:$0x1E400] =	vst v63  }
0x32: {  	s18 =	simm.s32 $0x300;
	s15 =	rddreg [dreg:$0x13]  }
0x33: {  	[tilespmem:s18], [sflag:$0xC] =	stream.linear.gather [hbm4b:s15+s4], $0x100, $0x38;
	[tilespmem:$0x1E400] =	vst v63  }
0x34: {  	s20 =	rddreg [dreg:$0x14];
	s15 =	simm.s32 $0x400  }
0x35: {  	[tilespmem:s15], [sflag:$0xD] =	stream.linear.gather [hbm4b:s20+s4], $0x100, $0x38;
	[tilespmem:$0x1E400] =	vst v63  }
0x36: {  	_ =	swait.ge [sflag:s22], $0x100  }
0x37: {  	[sflag:s22] =	ssyncset.done $0x0  }
0x38: {  	[sflag:s22] =	ssyncadd.s32 $0xFFFFFF00  }
0x39: {  	[tilespmem:s24], [sflag:$0x1] =	stream.indirect.gather [hbm4b:s2+s23], $0x80, s4, s23, $0xb8;
	[tilespmem:$0x1E400] =	vst v63  }
0x3a: {  	_ =	swait.ge [sflag:s25], $0x100  }
0x3b: {  	[sflag:s25] =	ssyncset.done $0x0  }
0x3c: {  	[sflag:s25] =	ssyncadd.s32 $0xFFFFFF00  }
0x3d: {  	[tilespmem:s26], [sflag:$0x2] =	stream.indirect.gather [hbm4b:s2+s23], $0x80, s21, s23, $0xb8;
	[tilespmem:$0x1E400] =	vst v63  }
0x3e: {  	_ =	swait.ge [sflag:s28], $0x100  }
0x3f: {  	[sflag:s28] =	ssyncset.done $0x0  }
0x40: {  	s0 =	simm.s32 $0x200;
	[sflag:s28] =	ssyncadd.s32 $0xFFFFFF00  }
0x41: {  	[tilespmem:s29], [sflag:$0x3] =	stream.indirect.gather [hbm4b:s2+s23], $0x80, s0, s23, $0xb8;
	[tilespmem:$0x1E400] =	vst v63  }
0x42: {  	[bflag:$0x0] =	sbarrier.arrive $0xFFFF  }
0x43: {  	_ =	swait.ge [sflag:s30], $0x2800  }
0x44: {  	p0 =	por $0x1, $0x1;
	[sflag:s30] =	ssyncset.done $0x0  }
0x45: {  	s18 =	simm.s32 @!p0 $0x8;
	s0 =	simm.s32 $0x80;
	[sflag:s30] =	ssyncadd.s32 $0xFFFFD800  }
0x46: {  	[spmem:s3] =	stream.indirect.scatter.add.f32 [tilespmem:s24], [sflag:$0x5], $0x80, s0, s23, $0xb8;
	[tilespmem:$0x1E400] =	vst v63  }
0x47: {  	_ =	swait.ge @!p0 [sflag:s18], $0x2800  }
0x48: {  	[sflag:s18] =	ssyncset.done @!p0 $0x0  }
0x49: {  	[sflag:s18] =	ssyncadd.s32 @!p0 $0xFFFFD800;
	s18 =	simm.s32 $0xC  }
0x4a: {  	_ =	swait.ge [sflag:s18], $0x100  }
0x4b: {  	[sflag:s18] =	ssyncset.done $0x0  }
0x4c: {  	s13 =	simm.s32 $0x300;
	s20 =	rddreg [dreg:$0xa];
	[sflag:s18] =	ssyncadd.s32 $0xFFFFFF00  }
0x4d: {  	[tilespmem:s1], [sflag:$0x4] =	stream.indirect.gather [hbm4b:s2+s23], $0x80, s13, s23, $0xb8;
	[tilespmem:$0x1E400] =	vst v63  }
0x4e: {  	s18 =	sadd.s32 $0x0, s20;
	s20 =	simm.s32 $0x500  }
0x4f: {  	[tilespmem:s20], [sflag:$0xE] =	stream.linear.gather [hbm4b:s18+s4], $0x100, $0x38;
	[tilespmem:$0x1E400] =	vst v63  }
0x50: {  	_ =	swait.ge [sflag:s9], $0x2800  }
0x51: {  	[sflag:s9] =	ssyncset.done $0x0  }
0x52: {  	s0 =	simm.s32 $0x180;
	[sflag:s9] =	ssyncadd.s32 $0xFFFFD800  }
0x53: {  	[spmem:s3] =	stream.indirect.scatter.add.f32 [tilespmem:s26], [sflag:$0x6], $0x80, s0, s23, $0xb8;
	[tilespmem:$0x1E400] =	vst v63  }
0x54: {  	_ =	swait.ge [sflag:s11], $0x2800  }
0x55: {  	[sflag:s11] =	ssyncset.done $0x0  }
0x56: {  	[sflag:s11] =	ssyncadd.s32 $0xFFFFD800  }
0x57: {  	_ =	swait.ge [sflag:s12], $0x100  }
0x58: {  	[sflag:s12] =	ssyncset.done $0x0  }
0x59: {  	s13 =	rddreg [dreg:$0x9];
	[sflag:s12] =	ssyncadd.s32 $0xFFFFFF00  }
0x5a: {  	[tilespmem:s24], [sflag:$0x1] =	stream.indirect.gather [hbm4b:s2+s23], $0x80, s15, s23, $0xb8;
	[tilespmem:$0x1E400] =	vst v63  }
0x5b: {  	s18 =	sadd.s32 $0x0, s13;
	s15 =	simm.s32 $0x600  }
0x5c: {  	[tilespmem:s15], [sflag:$0xF] =	stream.linear.gather [hbm4b:s18+s4], $0x100, $0x38;
	[tilespmem:$0x1E400] =	vst v63  }
0x5d: {  	_ =	swait.ge [sflag:s14], $0x2800  }
0x5e: {  	[sflag:s14] =	ssyncset.done $0x0  }
0x5f: {  	s0 =	simm.s32 $0x280;
	[sflag:s14] =	ssyncadd.s32 $0xFFFFD800  }
0x60: {  	[spmem:s3] =	stream.indirect.scatter.add.f32 [tilespmem:s29], [sflag:$0x7], $0x80, s0, s23, $0xb8;
	[tilespmem:$0x1E400] =	vst v63  }
0x61: {  	_ =	swait.ge [sflag:s8], $0x2800  }
0x62: {  	[sflag:s8] =	ssyncset.done $0x0  }
0x63: {  	[sflag:s8] =	ssyncadd.s32 $0xFFFFD800  }
0x64: {  	_ =	swait.ge [sflag:s16], $0x100  }
0x65: {  	[sflag:s16] =	ssyncset.done $0x0  }
0x66: {  	s13 =	rddreg [dreg:$0x8];
	[sflag:s16] =	ssyncadd.s32 $0xFFFFFF00  }
0x67: {  	[tilespmem:s26], [sflag:$0x2] =	stream.indirect.gather [hbm4b:s2+s23], $0x80, s20, s23, $0xb8;
	[tilespmem:$0x1E400] =	vst v63  }
0x68: {  	s18 =	sadd.s32 $0x0, s13;
	s13 =	simm.s32 $0x700  }
0x69: {  	[tilespmem:s13], [sflag:$0x10] =	stream.linear.gather [hbm4b:s18+s4], $0x100, $0x38;
	[tilespmem:$0x1E400] =	vst v63  }
0x6a: {  	_ =	swait.ge [sflag:s17], $0x2800  }
0x6b: {  	[sflag:s17] =	ssyncset.done $0x0  }
0x6c: {  	s0 =	simm.s32 $0x380;
	[sflag:s17] =	ssyncadd.s32 $0xFFFFD800  }
0x6d: {  	[spmem:s3] =	stream.indirect.scatter.add.f32 [tilespmem:s1], [sflag:$0x8], $0x80, s0, s23, $0xb8;
	[tilespmem:$0x1E400] =	vst v63  }
0x6e: {  	_ =	swait.ge [sflag:s10], $0x2800  }
0x6f: {  	[sflag:s10] =	ssyncset.done $0x0  }
0x70: {  	[sflag:s10] =	ssyncadd.s32 $0xFFFFD800  }
0x71: {  	_ =	swait.ge [sflag:s7], $0x100  }
0x72: {  	[sflag:s7] =	ssyncset.done $0x0;
	s20 =	rddreg [dreg:$0x17]  }
0x73: {  	[sflag:s7] =	ssyncadd.s32 $0xFFFFFF00;
	s6 =	sshrl.u32 s20, $0x3  }
0x74: {  	[tilespmem:s29], [sflag:$0x3] =	stream.indirect.gather [hbm4b:s2+s23], $0x80, s15, s23, $0xb8;
	[tilespmem:$0x1E400] =	vst v63  }
0x75: {  	s18 =	sadd.s32 s19, s6  }
0x76: {  	[tilespmem:s4], [sflag:$0x9] =	stream.linear.gather [hbm4b:s18+s4], $0x100, $0x38;
	[tilespmem:$0x1E400] =	vst v63  }
0x77: {  	_ =	swait.ge [sflag:s30], $0x2800  }
0x78: {  	[sflag:s30] =	ssyncset.done $0x0  }
0x79: {  	s0 =	simm.s32 $0x480;
	[sflag:s30] =	ssyncadd.s32 $0xFFFFD800  }
0x7a: {  	[spmem:s3] =	stream.indirect.scatter.add.f32 [tilespmem:s24], [sflag:$0x5], $0x80, s0, s23, $0xb8;
	[tilespmem:$0x1E400] =	vst v63  }
0x7b: {  	_ =	swait.ge [sflag:s31], $0x2800  }
0x7c: {  	[sflag:s31] =	ssyncset.done $0x0  }
0x7d: {  	[sflag:s31] =	ssyncadd.s32 $0xFFFFD800  }
0x7e: {  	_ =	swait.ge [sflag:s5], $0x100  }
0x7f: {  	[sflag:s5] =	ssyncset.done $0x0  }
0x80: {  	s15 =	rddreg [dreg:$0x7];
	[sflag:s5] =	ssyncadd.s32 $0xFFFFFF00  }
0x81: {  	[tilespmem:s1], [sflag:$0x4] =	stream.indirect.gather [hbm4b:s2+s23], $0x80, s13, s23, $0xb8;
	[tilespmem:$0x1E400] =	vst v63  }
0x82: {  	s18 =	sadd.s32 $0x0, s15  }
0x83: {  	[tilespmem:s21], [sflag:$0xA] =	stream.linear.gather [hbm4b:s18+s4], $0x100, $0x38;
	[tilespmem:$0x1E400] =	vst v63  }
0x84: {  	_ =	swait.ge [sflag:s9], $0x2800  }
0x85: {  	[sflag:s9] =	ssyncset.done $0x0  }
0x86: {  	s0 =	rddreg [dreg:$0xb];
	[sflag:s9] =	ssyncadd.s32 $0xFFFFD800  }
0x87: {  	[spmem:s3] =	stream.indirect.scatter.add.f32 [tilespmem:s26], [sflag:$0x6], $0x80, s0, s23, $0xb8;
	[tilespmem:$0x1E400] =	vst v63  }
0x88: {  	_ =	swait.ge [sflag:s11], $0x2800  }
0x89: {  	[sflag:s11] =	ssyncset.done $0x0  }
0x8a: {  	[sflag:s11] =	ssyncadd.s32 $0xFFFFD800  }
0x8b: {  	_ =	swait.ge [sflag:s22], $0x100  }
0x8c: {  	[sflag:s22] =	ssyncset.done $0x0  }
0x8d: {  	s6 =	rddreg [dreg:$0x6];
	[sflag:s22] =	ssyncadd.s32 $0xFFFFFF00  }
0x8e: {  	[tilespmem:s24], [sflag:$0x1] =	stream.indirect.gather [hbm4b:s2+s23], $0x80, s4, s23, $0xb8;
	[tilespmem:$0x1E400] =	vst v63  }
0x8f: {  	s0 =	simm.s32 $0x200;
	s18 =	sadd.s32 $0x0, s6  }
0x90: {  	[tilespmem:s0], [sflag:$0xB] =	stream.linear.gather [hbm4b:s18+s4], $0x100, $0x38;
	[tilespmem:$0x1E400] =	vst v63  }
0x91: {  	_ =	swait.ge [sflag:s14], $0x2800  }
0x92: {  	[sflag:s14] =	ssyncset.done $0x0  }
0x93: {  	s13 =	rddreg [dreg:$0xc];
	[sflag:s14] =	ssyncadd.s32 $0xFFFFD800  }
0x94: {  	[spmem:s3] =	stream.indirect.scatter.add.f32 [tilespmem:s29], [sflag:$0x7], $0x80, s13, s23, $0xb8;
	[tilespmem:$0x1E400] =	vst v63  }
0x95: {  	_ =	swait.ge [sflag:s8], $0x2800  }
0x96: {  	[sflag:s8] =	ssyncset.done $0x0  }
0x97: {  	[sflag:s8] =	ssyncadd.s32 $0xFFFFD800  }
0x98: {  	_ =	swait.ge [sflag:s25], $0x100  }
0x99: {  	[sflag:s25] =	ssyncset.done $0x0  }
0x9a: {  	s15 =	rddreg [dreg:$0x5];
	[sflag:s25] =	ssyncadd.s32 $0xFFFFFF00  }
0x9b: {  	[tilespmem:s26], [sflag:$0x2] =	stream.indirect.gather [hbm4b:s2+s23], $0x80, s21, s23, $0xb8;
	[tilespmem:$0x1E400] =	vst v63  }
0x9c: {  	s18 =	sadd.s32 $0x0, s15;
	s21 =	simm.s32 $0x300  }
0x9d: {  	[tilespmem:s21], [sflag:$0xC] =	stream.linear.gather [hbm4b:s18+s4], $0x100, $0x38;
	[tilespmem:$0x1E400] =	vst v63  }
0x9e: {  	_ =	swait.ge [sflag:s17], $0x2800  }
0x9f: {  	[sflag:s17] =	ssyncset.done $0x0  }
0xa0: {  	s25 =	rddreg [dreg:$0xd];
	[sflag:s17] =	ssyncadd.s32 $0xFFFFD800  }
0xa1: {  	[spmem:s3] =	stream.indirect.scatter.add.f32 [tilespmem:s1], [sflag:$0x8], $0x80, s25, s23, $0xb8;
	[tilespmem:$0x1E400] =	vst v63  }
0xa2: {  	_ =	swait.ge [sflag:s10], $0x2800  }
0xa3: {  	[sflag:s10] =	ssyncset.done $0x0  }
0xa4: {  	[sflag:s10] =	ssyncadd.s32 $0xFFFFD800  }
0xa5: {  	_ =	swait.ge [sflag:s28], $0x100  }
0xa6: {  	s6 =	smov.u32 s19;
	s19 =	simm.s32 $0x0;
	[sflag:s28] =	ssyncset.done $0x0  }
0xa7: {  	s18 =	simm.s32 $0x100;
	s21 =	rddreg [dreg:$0x4];
	[sflag:s28] =	ssyncadd.s32 $0xFFFFFF00  }
0xa8: {  	[tilespmem:s29], [sflag:$0x3] =	stream.indirect.gather [hbm4b:s2+s23], $0x80, s0, s23, $0xb8;
	[tilespmem:$0x1E400] =	vst v63  }
.LBB2_2:
0xa9: {  	s21 =	sadd.s32 s19, s21;
	s15 =	simm.s32 $0x400  }
0xaa: {  	[tilespmem:s15], [sflag:$0xD] =	stream.linear.gather [hbm4b:s21+s4], $0x100, $0x38;
	[tilespmem:$0x1E400] =	vst v63  }
0xab: {  	s19 =	smov.u32 s18;
	_ =	swait.ge [sflag:s30], $0x2800  }
0xac: {  	p1 =	seq.s32 s19, $0x0;
	[sflag:s30] =	ssyncset.done $0x0  }
0xad: {  	s13 =	simm.s32 $0x80;
	s21 =	simm.s32 @!p1 $0x8;
	[sflag:s30] =	ssyncadd.s32 $0xFFFFD800  }
0xae: {  	[spmem:s3] =	stream.indirect.scatter.add.f32 [tilespmem:s24], [sflag:$0x5], $0x80, s13, s23, $0xb8;
	[tilespmem:$0x1E400] =	vst v63  }
0xaf: {  	_ =	swait.ge @!p1 [sflag:s21], $0x2800  }
0xb0: {  	[sflag:s21] =	ssyncset.done @!p1 $0x0  }
0xb1: {  	s0 =	simm.s32 $0xC;
	[sflag:s21] =	ssyncadd.s32 @!p1 $0xFFFFD800  }
0xb2: {  	_ =	swait.ge [sflag:s0], $0x100  }
0xb3: {  	[sflag:s0] =	ssyncset.done $0x0  }
0xb4: {  	s13 =	simm.s32 $0x300;
	s25 =	rddreg [dreg:$0xa];
	[sflag:s0] =	ssyncadd.s32 $0xFFFFFF00  }
0xb5: {  	[tilespmem:s1], [sflag:$0x4] =	stream.indirect.gather [hbm4b:s2+s23], $0x80, s13, s23, $0xb8;
	[tilespmem:$0x1E400] =	vst v63  }
0xb6: {  	s21 =	sadd.s32 s19, s25;
	s25 =	simm.s32 $0x500  }
0xb7: {  	[tilespmem:s25], [sflag:$0xE] =	stream.linear.gather [hbm4b:s21+s4], $0x100, $0x38;
	[tilespmem:$0x1E400] =	vst v63  }
0xb8: {  	_ =	swait.ge [sflag:s9], $0x2800  }
0xb9: {  	[sflag:s9] =	ssyncset.done $0x0  }
0xba: {  	s0 =	simm.s32 $0x180;
	[sflag:s9] =	ssyncadd.s32 $0xFFFFD800  }
0xbb: {  	[spmem:s3] =	stream.indirect.scatter.add.f32 [tilespmem:s26], [sflag:$0x6], $0x80, s0, s23, $0xb8;
	[tilespmem:$0x1E400] =	vst v63  }
0xbc: {  	_ =	swait.ge [sflag:s11], $0x2800  }
0xbd: {  	[sflag:s11] =	ssyncset.done $0x0  }
0xbe: {  	[sflag:s11] =	ssyncadd.s32 $0xFFFFD800  }
0xbf: {  	_ =	swait.ge [sflag:s12], $0x100  }
0xc0: {  	[sflag:s12] =	ssyncset.done $0x0  }
0xc1: {  	s0 =	rddreg [dreg:$0x9];
	[sflag:s12] =	ssyncadd.s32 $0xFFFFFF00  }
0xc2: {  	[tilespmem:s24], [sflag:$0x1] =	stream.indirect.gather [hbm4b:s2+s23], $0x80, s15, s23, $0xb8;
	[tilespmem:$0x1E400] =	vst v63  }
0xc3: {  	s28 =	simm.s32 $0x600;
	s21 =	sadd.s32 s19, s0  }
0xc4: {  	[tilespmem:s28], [sflag:$0xF] =	stream.linear.gather [hbm4b:s21+s4], $0x100, $0x38;
	[tilespmem:$0x1E400] =	vst v63  }
0xc5: {  	_ =	swait.ge [sflag:s14], $0x2800  }
0xc6: {  	[sflag:s14] =	ssyncset.done $0x0  }
0xc7: {  	s0 =	simm.s32 $0x280;
	[sflag:s14] =	ssyncadd.s32 $0xFFFFD800  }
0xc8: {  	[spmem:s3] =	stream.indirect.scatter.add.f32 [tilespmem:s29], [sflag:$0x7], $0x80, s0, s23, $0xb8;
	[tilespmem:$0x1E400] =	vst v63  }
0xc9: {  	_ =	swait.ge [sflag:s8], $0x2800  }
0xca: {  	[sflag:s8] =	ssyncset.done $0x0  }
0xcb: {  	[sflag:s8] =	ssyncadd.s32 $0xFFFFD800  }
0xcc: {  	_ =	swait.ge [sflag:s16], $0x100  }
0xcd: {  	[sflag:s16] =	ssyncset.done $0x0  }
0xce: {  	s15 =	rddreg [dreg:$0x8];
	[sflag:s16] =	ssyncadd.s32 $0xFFFFFF00  }
0xcf: {  	[tilespmem:s26], [sflag:$0x2] =	stream.indirect.gather [hbm4b:s2+s23], $0x80, s25, s23, $0xb8;
	[tilespmem:$0x1E400] =	vst v63  }
0xd0: {  	s0 =	simm.s32 $0x700;
	s21 =	sadd.s32 s19, s15  }
0xd1: {  	[tilespmem:s0], [sflag:$0x10] =	stream.linear.gather [hbm4b:s21+s4], $0x100, $0x38;
	[tilespmem:$0x1E400] =	vst v63  }
0xd2: {  	_ =	swait.ge [sflag:s17], $0x2800  }
0xd3: {  	[sflag:s17] =	ssyncset.done $0x0  }
0xd4: {  	s21 =	simm.s32 $0x380;
	[sflag:s17] =	ssyncadd.s32 $0xFFFFD800  }
0xd5: {  	[spmem:s3] =	stream.indirect.scatter.add.f32 [tilespmem:s1], [sflag:$0x8], $0x80, s21, s23, $0xb8;
	[tilespmem:$0x1E400] =	vst v63  }
0xd6: {  	_ =	swait.ge [sflag:s10], $0x2800  }
0xd7: {  	[sflag:s10] =	ssyncset.done $0x0  }
0xd8: {  	[sflag:s10] =	ssyncadd.s32 $0xFFFFD800  }
0xd9: {  	_ =	swait.ge [sflag:s7], $0x100  }
0xda: {  	s20 =	sadd.s32 $0x800, s20;
	[sflag:s7] =	ssyncset.done $0x0  }
0xdb: {  	s15 =	sshrl.u32 s20, $0x3;
	[sflag:s7] =	ssyncadd.s32 $0xFFFFFF00  }
0xdc: {  	[tilespmem:s29], [sflag:$0x3] =	stream.indirect.gather [hbm4b:s2+s23], $0x80, s28, s23, $0xb8;
	[tilespmem:$0x1E400] =	vst v63  }
0xdd: {  	s21 =	sadd.s32 s6, s15  }
0xde: {  	[tilespmem:s4], [sflag:$0x9] =	stream.linear.gather [hbm4b:s21+s4], $0x100, $0x38;
	[tilespmem:$0x1E400] =	vst v63  }
0xdf: {  	_ =	swait.ge [sflag:s30], $0x2800  }
0xe0: {  	[sflag:s30] =	ssyncset.done $0x0  }
0xe1: {  	s21 =	simm.s32 $0x480;
	[sflag:s30] =	ssyncadd.s32 $0xFFFFD800  }
0xe2: {  	[spmem:s3] =	stream.indirect.scatter.add.f32 [tilespmem:s24], [sflag:$0x5], $0x80, s21, s23, $0xb8;
	[tilespmem:$0x1E400] =	vst v63  }
0xe3: {  	_ =	swait.ge [sflag:s31], $0x2800  }
0xe4: {  	[sflag:s31] =	ssyncset.done $0x0  }
0xe5: {  	[sflag:s31] =	ssyncadd.s32 $0xFFFFD800  }
0xe6: {  	_ =	swait.ge [sflag:s5], $0x100  }
0xe7: {  	[sflag:s5] =	ssyncset.done $0x0  }
0xe8: {  	s15 =	rddreg [dreg:$0x7];
	[sflag:s5] =	ssyncadd.s32 $0xFFFFFF00  }
0xe9: {  	[tilespmem:s1], [sflag:$0x4] =	stream.indirect.gather [hbm4b:s2+s23], $0x80, s0, s23, $0xb8;
	[tilespmem:$0x1E400] =	vst v63  }
0xea: {  	s21 =	sadd.s32 s19, s15;
	s15 =	simm.s32 $0x100  }
0xeb: {  	[tilespmem:s15], [sflag:$0xA] =	stream.linear.gather [hbm4b:s21+s4], $0x100, $0x38;
	[tilespmem:$0x1E400] =	vst v63  }
0xec: {  	_ =	swait.ge [sflag:s9], $0x2800  }
0xed: {  	[sflag:s9] =	ssyncset.done $0x0  }
0xee: {  	s0 =	rddreg [dreg:$0xb];
	[sflag:s9] =	ssyncadd.s32 $0xFFFFD800  }
0xef: {  	[spmem:s3] =	stream.indirect.scatter.add.f32 [tilespmem:s26], [sflag:$0x6], $0x80, s0, s23, $0xb8;
	[tilespmem:$0x1E400] =	vst v63  }
0xf0: {  	_ =	swait.ge [sflag:s11], $0x2800  }
0xf1: {  	[sflag:s11] =	ssyncset.done $0x0  }
0xf2: {  	[sflag:s11] =	ssyncadd.s32 $0xFFFFD800  }
0xf3: {  	_ =	swait.ge [sflag:s22], $0x100  }
0xf4: {  	[sflag:s22] =	ssyncset.done $0x0  }
0xf5: {  	s0 =	rddreg [dreg:$0x6];
	[sflag:s22] =	ssyncadd.s32 $0xFFFFFF00  }
0xf6: {  	[tilespmem:s24], [sflag:$0x1] =	stream.indirect.gather [hbm4b:s2+s23], $0x80, s4, s23, $0xb8;
	[tilespmem:$0x1E400] =	vst v63  }
0xf7: {  	s21 =	sadd.s32 s19, s0;
	s22 =	simm.s32 $0x200  }
0xf8: {  	[tilespmem:s22], [sflag:$0xB] =	stream.linear.gather [hbm4b:s21+s4], $0x100, $0x38;
	[tilespmem:$0x1E400] =	vst v63  }
0xf9: {  	_ =	swait.ge [sflag:s14], $0x2800  }
0xfa: {  	[sflag:s14] =	ssyncset.done $0x0  }
0xfb: {  	s0 =	rddreg [dreg:$0xc];
	[sflag:s14] =	ssyncadd.s32 $0xFFFFD800  }
0xfc: {  	[spmem:s3] =	stream.indirect.scatter.add.f32 [tilespmem:s29], [sflag:$0x7], $0x80, s0, s23, $0xb8;
	[tilespmem:$0x1E400] =	vst v63  }
0xfd: {  	_ =	swait.ge [sflag:s8], $0x2800  }
0xfe: {  	[sflag:s8] =	ssyncset.done $0x0  }
0xff: {  	s25 =	simm.s32 $0xA;
	[sflag:s8] =	ssyncadd.s32 $0xFFFFD800  }
0x100: {  	_ =	swait.ge [sflag:s25], $0x100  }
0x101: {  	[sflag:s25] =	ssyncset.done $0x0  }
0x102: {  	s0 =	rddreg [dreg:$0x5];
	[sflag:s25] =	ssyncadd.s32 $0xFFFFFF00  }
0x103: {  	[tilespmem:s26], [sflag:$0x2] =	stream.indirect.gather [hbm4b:s2+s23], $0x80, s15, s23, $0xb8;
	[tilespmem:$0x1E400] =	vst v63  }
0x104: {  	s21 =	sadd.s32 s19, s0  }
0x105: {  	[tilespmem:s13], [sflag:$0xC] =	stream.linear.gather [hbm4b:s21+s4], $0x100, $0x38;
	[tilespmem:$0x1E400] =	vst v63  }
0x106: {  	_ =	swait.ge [sflag:s17], $0x2800  }
0x107: {  	[sflag:s17] =	ssyncset.done $0x0  }
0x108: {  	s13 =	rddreg [dreg:$0xd];
	[sflag:s17] =	ssyncadd.s32 $0xFFFFD800  }
0x109: {  	[spmem:s3] =	stream.indirect.scatter.add.f32 [tilespmem:s1], [sflag:$0x8], $0x80, s13, s23, $0xb8;
	[tilespmem:$0x1E400] =	vst v63  }
0x10a: {  	_ =	swait.ge [sflag:s10], $0x2800  }
0x10b: {  	s18 =	sadd.s32 $0x100, s18;
	[sflag:s10] =	ssyncset.done $0x0  }
0x10c: {  	p0 =	sne.s32 s18, $0xF00;
	s28 =	simm.s32 $0xB;
	[sflag:s10] =	ssyncadd.s32 $0xFFFFD800  }
.Ltmp0:
0x10d: {  	_ =	swait.ge [sflag:s28], $0x100;
	(pc) =	sbr.rel @p0 .LBB2_2-.Ltmp0, $4  }
0x10e: {  	[sflag:s28] =	ssyncset.done $0x0  }
0x10f: {  	[sflag:s28] =	ssyncadd.s32 $0xFFFFFF00  }
0x110: {  	[tilespmem:s29], [sflag:$0x3] =	stream.indirect.gather [hbm4b:s2+s23], $0x80, s22, s23, $0xb8;
	[tilespmem:$0x1E400] =	vst v63  }
0x111: {  	s15 =	simm.s32 $0x300;
	s21 =	rddreg [dreg:$0x4];
	s22 =	simm.s32 $0x9  }
0x112: {  	s18 =	sadd.s32 s19, s21;
	s13 =	simm.s32 $0x400  }
0x113: {  	[tilespmem:s13], [sflag:$0xD] =	stream.linear.gather [hbm4b:s18+s4], $0x100, $0x38;
	[tilespmem:$0x1E400] =	vst v63  }
0x114: {  	_ =	swait.ge [sflag:s30], $0x2800  }
0x115: {  	[sflag:s30] =	ssyncset.done $0x0  }
0x116: {  	s21 =	simm.s32 $0x80;
	[sflag:s30] =	ssyncadd.s32 $0xFFFFD800  }
0x117: {  	[spmem:s3] =	stream.indirect.scatter.add.f32 [tilespmem:s24], [sflag:$0x5], $0x80, s21, s23, $0xb8;
	[tilespmem:$0x1E400] =	vst v63  }
0x118: {  	_ =	swait.ge [sflag:s31], $0x2800  }
0x119: {  	[sflag:s31] =	ssyncset.done $0x0  }
0x11a: {  	s0 =	simm.s32 $0xC;
	[sflag:s31] =	ssyncadd.s32 $0xFFFFD800  }
0x11b: {  	_ =	swait.ge [sflag:s0], $0x100  }
0x11c: {  	[sflag:s0] =	ssyncset.done $0x0  }
0x11d: {  	[sflag:s0] =	ssyncadd.s32 $0xFFFFFF00  }
0x11e: {  	[tilespmem:s1], [sflag:$0x4] =	stream.indirect.gather [hbm4b:s2+s23], $0x80, s15, s23, $0xb8;
	[tilespmem:$0x1E400] =	vst v63  }
0x11f: {  	_ =	swait.ge [sflag:s9], $0x2800  }
0x120: {  	[sflag:s9] =	ssyncset.done $0x0  }
0x121: {  	s0 =	simm.s32 $0x180;
	[sflag:s9] =	ssyncadd.s32 $0xFFFFD800  }
0x122: {  	[spmem:s3] =	stream.indirect.scatter.add.f32 [tilespmem:s26], [sflag:$0x6], $0x80, s0, s23, $0xb8;
	[tilespmem:$0x1E400] =	vst v63  }
0x123: {  	_ =	swait.ge [sflag:s11], $0x2800  }
0x124: {  	[sflag:s11] =	ssyncset.done $0x0  }
0x125: {  	[sflag:s11] =	ssyncadd.s32 $0xFFFFD800  }
0x126: {  	_ =	swait.ge [sflag:s12], $0x100  }
0x127: {  	[sflag:s12] =	ssyncset.done $0x0  }
0x128: {  	[sflag:s12] =	ssyncadd.s32 $0xFFFFFF00  }
0x129: {  	[tilespmem:s24], [sflag:$0x1] =	stream.indirect.gather [hbm4b:s2+s23], $0x80, s13, s23, $0xb8;
	[tilespmem:$0x1E400] =	vst v63  }
0x12a: {  	_ =	swait.ge [sflag:s14], $0x2800  }
0x12b: {  	[sflag:s14] =	ssyncset.done $0x0  }
0x12c: {  	s18 =	simm.s32 $0x280;
	[sflag:s14] =	ssyncadd.s32 $0xFFFFD800  }
0x12d: {  	[spmem:s3] =	stream.indirect.scatter.add.f32 [tilespmem:s29], [sflag:$0x7], $0x80, s18, s23, $0xb8;
	[tilespmem:$0x1E400] =	vst v63  }
0x12e: {  	_ =	swait.ge [sflag:s8], $0x2800  }
0x12f: {  	[sflag:s8] =	ssyncset.done $0x0  }
0x130: {  	[sflag:s8] =	ssyncadd.s32 $0xFFFFD800  }
0x131: {  	_ =	swait.ge [sflag:s17], $0x2800  }
0x132: {  	[sflag:s17] =	ssyncset.done $0x0  }
0x133: {  	s19 =	simm.s32 $0x380;
	[sflag:s17] =	ssyncadd.s32 $0xFFFFD800  }
0x134: {  	[spmem:s3] =	stream.indirect.scatter.add.f32 [tilespmem:s1], [sflag:$0x8], $0x80, s19, s23, $0xb8;
	[tilespmem:$0x1E400] =	vst v63  }
0x135: {  	_ =	swait.ge [sflag:s10], $0x2800  }
0x136: {  	[sflag:s10] =	ssyncset.done $0x0  }
0x137: {  	[sflag:s10] =	ssyncadd.s32 $0xFFFFD800  }
0x138: {  	_ =	swait.ge [sflag:s30], $0x2800  }
0x139: {  	[sflag:s30] =	ssyncset.done $0x0  }
0x13a: {  	s20 =	simm.s32 $0x480;
	[sflag:s30] =	ssyncadd.s32 $0xFFFFD800  }
0x13b: {  	[spmem:s3] =	stream.indirect.scatter.add.f32 [tilespmem:s24], [sflag:$0x5], $0x80, s20, s23, $0xb8;
	[tilespmem:$0x1E400] =	vst v63  }
0x13c: {  	_ =	swait.ge [sflag:s31], $0x2800  }
0x13d: {  	[sflag:s31] =	ssyncset.done $0x0  }
0x13e: {  	[sflag:s31] =	ssyncadd.s32 $0xFFFFD800  }
0x13f: {  	_ =	swait.ge [sflag:s11], $0x2800  }
0x140: {  	[sflag:s11] =	ssyncset.done $0x0  }
0x141: {  	[sflag:s11] =	ssyncadd.s32 $0xFFFFD800  }
0x142: {  	[bflag:$0x0] =	sbarrier.arrive $0xFFFF  }
0x143: {  	s18 =	rddreg [dreg:$0x10]  }
0x144: {  	s21 =	rddreg [dreg:$0x15]  }
0x145: {  	s20 =	rddreg [dreg:$0x18]  }
0x146: {  	[hbm:s21], [sflag:s18] =	dma.local [spmem:s20], $0x2780  }
0x147: {  	s21 =	simm.s32 $0x11  }
0x148: {  	_ =	swait.ge [sflag:s21], $0x2780  }
0x149: {  	s0 =	rddreg [dreg:$0x19]  }
0x14a: {  	s15 =	rddreg [dreg:$0x16];
	s13 =	sadd.s32 $0x1, s0  }
0x14b: {  	p0 =	sne.s32 s13, s15  }
.Ltmp1:
0x14c: {  	_ = 	snop;
	(pc) =	sbr.rel @p0 .LBB2_1-.Ltmp1, $3  }
0x14d: {  	_ =	sdelay $0x1  }
0x14e: {  	[sflag:s21] =	ssyncset.done $0x0  }
0x14f: {  	s19 =	smov.u32 s6;
	[sflag:s21] =	ssyncadd.s32 $0xFFFFD880  }
0x150: {  	_ =	sfence.sel $0x180000  }
0x151: {  	[bflag:$0x0] =	sbarrier.arrive $0xFFFF  }
0x152: {  	_ =	strace $0x9000004D  }
0x153: {  	s0 =	stileid.u32;
	[bflag:$0x2] =	sbarrier.arrive $0xFFFF  }
0x154: {  	p0 =	sne.s32 s0, $0x0;
	s0 =	rddreg [dreg:$0x3]  }
0x155: {  	s0 =	sadd.s32 @!p0 $0x100000, s0  }
0x156: {  	[sflag:s0] =	ssyncadd.tile.s32 @!p0 $0x1;
	_ =	shalt  }
.Lfunc_end2:
_tile_overlayer_lowered:
.L_overlay_start_2:
0x157: {  	(tag) =	ssettag $0x2  }
0x158: {  	s0 =	rddreg [dreg:$0x0];
	s2 =	stileid.u32  }
0x159: {  	s1 =	rddreg [dreg:$0x1];
	p0 =	sne.s32 s2, $0x0  }
0x15a: {  	s3 =	rddreg [dreg:$0x2];
	[bflag:$0x3] =	sbarrier.arrive $0xFFFF;
	s2 =	simm.s32 @!p0 $0x1C11  }
0x15b: {  	[timem:s3], [sflag:s2] =	dma.local @!p0 [hbm:s0], s1  }
0x15c: {  	s0 =	simm.s32 @!p0 $0x11  }
0x15d: {  	_ =	swait.ge @!p0 [sflag:s0], s1  }
0x15e: {  	s1 =	ssub.s32 @!p0 $0x0, s1;
	[sflag:s0] =	ssyncset.done @!p0 $0x0  }
0x15f: {  	[sflag:s0] =	ssyncadd.s32 @!p0 s1  }
0x160: {  	[bflag:$0x3] =	sbarrier.arrive $0xFFFF  }
0x161: {  	_ =	shalt  }

// kernel: kernel.8.cloned.1.call-start
scs
__scs_entry_jumppad:
0x0: {  	(pc) =	sbr.rel $0x88, $3  }
0x1: {  	(tag) =	ssettag $0x0;
	lr =	simm.s32 $0x1  }
0x2: {  	[smem:$0x3F9B] =	sst lr;
	_ =	strace $0xD0000000  }
0x3: {  	_ = 	snop  }
0x4: {  	_ = 	snop  }
0x5: {  	_ = 	snop  }
0x6: {  	_ = 	snop  }
0x7: {  	_ = 	snop  }
__scs_overlays_trampoline_lowered:
0x8: {  	[smem:$0x3FAA] =	sst s0  }
0x9: {  	[smem:$0x3FAB] =	sst s1  }
0xa: {  	[smem:$0x3FAC] =	sst s2  }
0xb: {  	[smem:$0x3FAD] =	sst s3  }
0xc: {  	[smem:$0x3FAE] =	sst s4  }
0xd: {  	[smem:$0x3FAF] =	sst s5  }
0xe: {  	[smem:$0x3FB0] =	sst s6  }
0xf: {  	[smem:$0x3FB1] =	sst s7  }
0x10: {  	[smem:$0x3FB2] =	sst s8  }
0x11: {  	[smem:$0x3FB3] =	sst s9;
	s0 =	simm.s32 @!p0 $0x0  }
0x12: {  	s1 =	sld [smem:$0x3F99];
	s0 =	simm.s32 @p0 $0x1  }
0x13: {  	[smem:$0x3FB4] =	sst s0;
	s0 =	simm.s32 @!p1 $0x0  }
0x14: {  	s2 =	sld [smem:$0x3F98];
	s0 =	simm.s32 @p1 $0x1  }
0x15: {  	[smem:$0x3FB5] =	sst s0;
	s0 =	simm.s32 @!p2 $0x0  }
0x16: {  	s3 =	sld [smem:$0x3FDB];
	s0 =	simm.s32 @p2 $0x1  }
0x17: {  	s4 =	simm.s32 $0x1BF5;
	[smem:$0x3FB7] =	sst s0  }
0x18: {  	s0 =	sld [smem:$0x3F9A];
	_ =	swait.ge [sflag:s4], $0x0  }
0x19: {  	s7 =	sld [smem:$0x3F9B]  }
0x1a: {  	s8 =	sadd.s32 $0xFFFFE003, lr  }
0x1b: {  	s9 =	sadd.s32 $0xFFFFFEF7, lr;
	s5 =	simm.s32 $0xFFFFFFFF;
	p2 =	slt.u32 s8, $0xFFFFF086  }
0x1c: {  	p1 =	slt.u32 s9, $0xF7A;
	s5 =	simm.s32 @!p2 $0x0  }
0x1d: {  	s5 =	simm.s32 @p1 $0x1;
	p0 =	seq.s32 s7, s2  }
0x1e: {  	s7 =	smul.u32 @!p0 $0xF7A, s2;
	p2 =	seq.s32 @!p0 s5, $0x0  }
0x1f: {  	s9 =	smul.u32 $0xF7A, s1;
	s8 =	simm.s32 @!p0 $0x1BF5;
	p2 =	por !p2, p0  }
0x20: {  	[sflag:s8] =	ssyncset.s32 @!p0 $0xFFFFF086;
	s6 =	sadd.s32 @!p0 s3, s7;
	s7 =	simm.s32 @!p0 $0x108  }
0x21: {  	s3 =	sadd.s32 s3, s9;
	s6 =	sadd.s32 @!p0 $0x88, s6;
	s7 =	simm.s32 @p2 $0x1082  }
0x22: {  	[simem:s7], [sflag:s8] =	dma.local @!p0 [hbm:s6], $0xF7A  }
0x23: {  	s9 =	sor.u32 $0xD0000000, s2;
	s6 =	simm.s32 $0x108;
	_ =	swait.ge @!p0 [sflag:s8], $0x0  }
0x24: {  	s3 =	sadd.s32 $0x88, s3;
	s6 =	simm.s32 @!p1 $0x1082;
	[sflag:s4] =	ssyncset.s32 $0xFFFFF086  }
0x25: {  	[simem:s6], [sflag:s4] =	dma.local [hbm:s3], $0xF7A  }
0x26: {  	[smem:$0x3F9B] =	sst s1;
	(tag) =	ssettag s2;
	_ =	strace s9  }
0x27: {  	s1 =	sld [smem:$0x3FAB]  }
0x28: {  	s2 =	sld [smem:$0x3FAC]  }
0x29: {  	s4 =	sld [smem:$0x3FAE]  }
0x2a: {  	p0 =	seq.s32 s5, $0x0;
	s5 =	sld [smem:$0x3FAF]  }
0x2b: {  	s6 =	sld [smem:$0x3FB0]  }
0x2c: {  	s7 =	sld [smem:$0x3FB1]  }
0x2d: {  	s3 =	simm.s32 $0x108;
	s8 =	sld [smem:$0x3FB2]  }
0x2e: {  	s3 =	simm.s32 @!p0 $0x1082;
	s9 =	sld [smem:$0x3FB3]  }
0x2f: {  	lr =	sadd.s32 s0, s3;
	s0 =	sld [smem:$0x3FAA]  }
0x30: {  	s3 =	sld [smem:$0x3FAD]  }
0x31: {  	[smem:$0x3FB6] =	sst s10  }
0x32: {  	s10 =	sld [smem:$0x3FB4];
	_ =	sdelay $0x3  }
0x33: {  	p0 =	seq.s32 s10, $0x1;
	s10 =	sld [smem:$0x3FB6];
	_ =	sdelay $0x3  }
0x34: {  	[smem:$0x3FB6] =	sst s10  }
0x35: {  	s10 =	sld [smem:$0x3FB5];
	_ =	sdelay $0x3  }
0x36: {  	p1 =	seq.s32 s10, $0x1;
	s10 =	sld [smem:$0x3FB6];
	_ =	sdelay $0x3  }
0x37: {  	[smem:$0x3FB6] =	sst s10  }
0x38: {  	s10 =	sld [smem:$0x3FB7]  }
0x39: {  	_ = 	snop;
	(pc) =	sbr.ind lr, $3  }
0x3a: {  	_ = 	snop  }
0x3b: {  	_ = 	snop  }
0x3c: {  	p2 =	seq.s32 s10, $0x1;
	s10 =	sld [smem:$0x3FB6]  }
0x3d: {  	_ =	shalt  }
0x3e: {  	_ =	shalt  }
0x3f: {  	_ =	shalt  }
0x40: {  	_ =	shalt  }
0x41: {  	_ =	shalt  }
0x42: {  	_ =	shalt  }
0x43: {  	_ =	shalt  }
0x44: {  	_ =	shalt  }
0x45: {  	_ =	shalt  }
0x46: {  	_ =	shalt  }
0x47: {  	_ =	shalt  }
0x48: {  	_ =	shalt  }
0x49: {  	_ =	shalt  }
0x4a: {  	_ =	shalt  }
0x4b: {  	_ =	shalt  }
0x4c: {  	_ =	shalt  }
0x4d: {  	_ =	shalt  }
0x4e: {  	_ =	shalt  }
0x4f: {  	_ =	shalt  }
0x50: {  	_ =	shalt  }
0x51: {  	_ =	shalt  }
0x52: {  	_ =	shalt  }
0x53: {  	_ =	shalt  }
0x54: {  	_ =	shalt  }
0x55: {  	_ =	shalt  }
0x56: {  	_ =	shalt  }
0x57: {  	_ =	shalt  }
0x58: {  	_ =	shalt  }
0x59: {  	_ =	shalt  }
0x5a: {  	_ =	shalt  }
0x5b: {  	_ =	shalt  }
0x5c: {  	_ =	shalt  }
0x5d: {  	_ =	shalt  }
0x5e: {  	_ =	shalt  }
0x5f: {  	_ =	shalt  }
0x60: {  	_ =	shalt  }
0x61: {  	_ =	shalt  }
0x62: {  	_ =	shalt  }
0x63: {  	_ =	shalt  }
0x64: {  	_ =	shalt  }
0x65: {  	_ =	shalt  }
0x66: {  	_ =	shalt  }
0x67: {  	_ =	shalt  }
0x68: {  	_ =	shalt  }
0x69: {  	_ =	shalt  }
0x6a: {  	_ =	shalt  }
0x6b: {  	_ =	shalt  }
0x6c: {  	_ =	shalt  }
0x6d: {  	_ =	shalt  }
0x6e: {  	_ =	shalt  }
0x6f: {  	_ =	shalt  }
0x70: {  	_ =	shalt  }
0x71: {  	_ =	shalt  }
0x72: {  	_ =	shalt  }
0x73: {  	_ =	shalt  }
0x74: {  	_ =	shalt  }
0x75: {  	_ =	shalt  }
0x76: {  	_ =	shalt  }
0x77: {  	_ =	shalt  }
0x78: {  	_ =	shalt  }
0x79: {  	_ =	shalt  }
0x7a: {  	_ =	shalt  }
0x7b: {  	_ =	shalt  }
0x7c: {  	_ =	shalt  }
0x7d: {  	_ =	shalt  }
0x7e: {  	_ =	shalt  }
0x7f: {  	_ =	shalt  }
0x80: {  	_ =	shalt  }
0x81: {  	_ =	shalt  }
0x82: {  	_ =	shalt  }
0x83: {  	_ =	shalt  }
0x84: {  	_ =	shalt  }
0x85: {  	_ =	shalt  }
0x86: {  	_ =	shalt  }
0x87: {  	_ =	shalt  }
.Lfunc_end0:
.L_simem_size_0:
called_computation_lowered:
.L_overlay_start_0:
0x88: {  	s2 =	sld [smem:$0x3FD9]  }
0x89: {  	s3 =	sld [smem:$0x3FFE];
	_ =	sdelay $0x1  }
0x8a: {  	s1 =	srdreg.scid  }
0x8b: {  	s0 =	sand.u32 $0x1, s1  }
0x8c: {  	s17 =	sshll.u32 s0, $0xA;
	s2 =	sadd.s32 s3, s2  }
0x8d: {  	s2 =	sadd.s32 s2, s17  }
0x8e: {  	[smem:$0x3FC2] =	sst s2  }
0x8f: {  	_ = 	snop  }
0x90: {  	s2 =	sld [smem:$0x3FD0];
	(tm) =	ssettm $0x1  }
0x91: {  	s18 =	sld [smem:$0x3FFB];
	_ =	sdelay $0x3  }
0x92: {  	_ =	strace s18  }
0x93: {  	s3 =	sld [smem:$0x3FFC];
	_ =	sdelay $0x3  }
0x94: {  	_ =	strace s3  }
0x95: {  	s3 =	sld [smem:$0x3FFD];
	_ =	sdelay $0x3  }
0x96: {  	_ =	strace s3  }
0x97: {  	_ =	strace $0x8FFFFFFF  }
0x98: {  	s19 =	sld [smem:$0x3FDB];
	_ =	sdelay $0x1  }
0x99: {  	s4 =	simm.s32 $_scs_section_size  }
0x9a: {  	s5 =	simm.s32 $_size__tile_overlayer_lowered;
	s6 =	simm.s32 $_tile_overlayer_lowered  }
0x9b: {  	s22 =	simm.s32 $0x1BFF;
	s21 =	sshll.u32 s6, $0x1;
	s3 =	sadd.s32 s4, s19  }
0x9c: {  	s7 =	simm.s32 $0x0;
	s20 =	sshll.u32 s5, $0x1;
	s5 =	sadd.s32 s21, s3  }
0x9d: {  	[timem:s7], [sflag:s22] =	dma.local [hbm:s5], s20  }
0x9e: {  	_ =	swait.ge [sflag:s22], s20  }
0x9f: {  	s4 =	ssub.s32 $0x0, s20;
	[sflag:s22] =	ssyncset.done $0x0  }
0xa0: {  	[sflag:s22] =	ssyncadd.s32 s4;
	_ =	sdelay $0x1  }
0xa1: {  	s23 =	simm.s32 $0x1B8B  }
0xa2: {  	_ =	swait.ge [sflag:s23], $0x1  }
0xa3: {  	[sflag:s23] =	ssyncset.done $0x0  }
0xa4: {  	s25 =	simm.s32 $0x1B8E;
	s24 =	sld [smem:$0x3FFE];
	[sflag:s23] =	ssyncadd.s32 $0xFFFFFFFF  }
0xa5: {  	s26 =	simm.s32 $execute0_lowered;
	[smem:$0x3FD2] =	sst s25  }
0xa6: {  	s5 =	sshll.u32 s26, $0x1;
	_ =	strace $0x80000046;
	[dreg:$0x1] =	wrdreg $0xFFFFFFFF  }
0xa7: {  	s28 =	simm.s32 $_size_execute0_lowered;
	s3 =	sadd.s32 s3, s5;
	[dreg:$0x0] =	wrdreg $0x0  }
0xa8: {  	s5 =	sshll.u32 s28, $0x1;
	[dreg:$0x2] =	wrdreg s3  }
0xa9: {  	[dreg:$0x3] =	wrdreg s5  }
0xaa: {  	[dreg:$0x4] =	wrdreg $0xC0  }
0xab: {  	_ =	task [dreg:s7], $0x5FFFF  }
0xac: {  	[dreg:$0x1] =	wrdreg $0xFFFFFFFF  }
0xad: {  	[dreg:$0x0] =	wrdreg $0x60  }
0xae: {  	[dreg:$0x2] =	wrdreg s24  }
0xaf: {  	[dreg:$0x3] =	wrdreg s2  }
0xb0: {  	[dreg:$0x4] =	wrdreg $0x9  }
0xb1: {  	_ =	task.clear_ibuf [dreg:s7], $0x5FFFF;
	_ =	strace $0x90000046  }
0xb2: {  	s29 =	simm.s32 $0x9;
	_ =	strace $0x80000048  }
0xb3: {  	_ =	swait.ge [sflag:s29], $0x1  }
0xb4: {  	[sflag:s29] =	ssyncadd.s32 $0xFFFFFFFF  }
0xb5: {  	_ =	strace $0x90000048  }
0xb6: {  	_ =	sfence  }
0xb7: {  	s30 =	sld [smem:$0x0];
	_ =	sdelay $0x2  }
0xb8: {  	s31 =	sshll.u32 s1, $0xD;
	s1 =	sshrl.u32 s1, $0x2  }
0xb9: {  	s3 =	sand.u32 $0x4000, s31;
	s1 =	sadd.s32 s1, s30  }
0xba: {  	s0 =	sor.u32 s3, s0;
	s1 =	sshll.u32 s1, $0x11  }
0xbb: {  	s0 =	sor.u32 s1, s0  }
0xbc: {  	s0 =	sadd.s32 $0x8F2B, s0  }
0xbd: {  	[sflag:s0] =	ssyncadd.remote.s32 $0x1  }
0xbe: {  	_ =	sfence.sel $0xFFFF  }
0xbf: {  	[dreg:$0x0] =	wrdreg $0xFFFFFFFF;
	(pc) =	sbr.abs _section_cstart, $3  }
0xc0: {  	[dreg:$0x1] =	wrdreg $0xFFFFFFFF  }
0xc1: {  	_ =	task.clear_ibuf [dreg:s7], $0x2FFFF;
	_ =	strace $0x9FFFFFFF  }
0xc2: {  	(tm) =	ssettm $0x7FFFFFFF  }
0xc3: {  	_ =	shalt  }
tec
execute0_lowered:
.L_overlay_start_1:
0x0: {  	(tag) =	ssettag $0x1  }
0x1: {  	s0 =	srdreg.scid;
	s3 =	rddreg [dreg:$0x0]  }
0x2: {  	s5 =	rddreg [dreg:$0x1];
	s1 =	stileid.u32  }
0x3: {  	s9 =	simm.s32 $0x80;
	s10 =	simm.s32 $0x400;
	s4 =	sand.u32 $0x1, s0  }
0x4: {  	s11 =	simm.s32 $0x0;
	s8 =	sshll.u32 s1, $0x7;
	s2 =	sshll.u32 s4, $0x4  }
0x5: {  	s0 =	rddreg [dreg:$0x2];
	s8 =	sand.u32 $0x380, s8;
	s6 =	sor.u32 s1, s2  }
0x6: {  	s2 =	simm.s32 $0x0;
	s7 =	smul.u32 $0x4E2, s6;
	s6 =	sshrl.u32 s6, $0x3  }
0x7: {  	s4 =	ssub.s32 $0x2, s4;
	[smem:$0x7FF] =	sst s2;
	s6 =	smul.u32 $0x13C00, s6  }
0x8: {  	s31 =	sshrl.u32 s4, $0x1;
	_ =	strace $0x80000047;
	s7 =	sadd.s32 s7, s3  }
0x9: {  	s3 =	sadd.s32 $0xC000, s3;
	s6 =	sor.u32 s8, s6;
	s8 =	ssub.s32 s4, s31  }
0xa: {  	s4 =	sadd.s32 $0x2200, s7;
	s7 =	simm.s32 $0x1;
	s6 =	sshrl.u32 s6, $0x3  }
0xb: {  	v0 =	vimm.f32 $1.000000000e+00;
	s5 =	sadd.s32 s5, s6;
	s6 =	smax.u32 s8, $0x1;
	s8 =	simm.s32 $0x2780  }
.LBB2_1:
0xc: {  	[tilespmem:s2], [sflag:$0x1] =	stream.linear.gather [hbm4b:s4+s2], $0x2710, $0x38;
	[tilespmem:$0x4F00] =	vst v63  }
0xd: {  	_ =	swait.ge [sflag:s7], $0x2710  }
0xe: {  	[sflag:s7] =	ssyncset.done $0x0  }
0xf: {  	[sflag:s7] =	ssyncadd.s32 $0xFFFFD8F0  }
0x10: {  	[tilespmem:s8], [sflag:$0x1] =	stream.linear.gather [hbm4b:s3+s2], $0x2780, $0x38;
	[tilespmem:$0x4F00] =	vst v63  }
0x11: {  	_ =	swait.ge [sflag:s7], $0x2780  }
0x12: {  	[sflag:s7] =	ssyncset.done $0x0  }
0x13: {  	s13 =	simm.s32 $0x0;
	s12 =	simm.s32 $0x40;
	[sflag:s7] =	ssyncadd.s32 $0xFFFFD880  }
.LBB2_2:
0x14: {  	p0 =	sne.s32 s12, $0x9C00;
	v1 =	vld [tilespmem:s13+$0x0];
	_ =	sdelay $0x3  }
.Ltmp0:
0x15: {  	(pc) =	sbr.rel @p0 .LBB2_2-.Ltmp0, $2  }
0x16: {  	_ =	sdelay $0x2  }
0x17: {  	s13 =	sshra.s32 s12, $0x2;
	s12 =	sadd.s32 $0x40, s12;
	[tilespmem:v1+s8+$0x0] =	vst.idx.add.f32.msk $0xffff, v0  }
0x18: {  	v1 =	vld [tilespmem:s13+$0x0];
	_ =	sdelay $0x5  }
0x19: {  	s11 =	sadd.s32 $0x1, s11  }
0x1a: {  	p0 =	sne.s32 s11, s6  }
.Ltmp1:
0x1b: {  	[tilespmem:v1+s8+$0x0] =	vst.idx.add.f32.msk $0xffff, v0;
	(pc) =	sbr.rel @p0 .LBB2_1-.Ltmp1, $4  }
0x1c: {  	[hbm4b:s5+s9] =	stream.strided.scatter [tilespmem:s8], [sflag:$0x1], $0x2780, s10, s9, $0x38;
	[tilespmem:$0x4F00] =	vst v63  }
0x1d: {  	_ =	swait.ge [sflag:s7], $0x2780  }
0x1e: {  	[sflag:s7] =	ssyncset.done $0x0  }
0x1f: {  	[sflag:s7] =	ssyncadd.s32 $0xFFFFD880  }
0x20: {  	_ =	sfence.sel $0x180000  }
0x21: {  	[bflag:$0x0] =	sbarrier.arrive $0xFFFF  }
0x22: {  	p0 =	sne.s32 s1, $0x0;
	_ =	strace $0x90000047  }
0x23: {  	s0 =	sadd.s32 @!p0 $0x100000, s0;
	[bflag:$0x2] =	sbarrier.arrive $0xFFFF  }
0x24: {  	[sflag:s0] =	ssyncadd.tile.s32 @!p0 $0x1;
	_ =	shalt  }
.Lfunc_end2:
_tile_overlayer_lowered:
.L_overlay_start_2:
0x25: {  	(tag) =	ssettag $0x2  }
0x26: {  	s0 =	rddreg [dreg:$0x0];
	s2 =	stileid.u32  }
0x27: {  	s1 =	rddreg [dreg:$0x1];
	p0 =	sne.s32 s2, $0x0  }
0x28: {  	s3 =	rddreg [dreg:$0x2];
	[bflag:$0x3] =	sbarrier.arrive $0xFFFF;
	s2 =	simm.s32 @!p0 $0x1C01  }
0x29: {  	[timem:s3], [sflag:s2] =	dma.local @!p0 [hbm:s0], s1  }
0x2a: {  	s0 =	simm.s32 @!p0 $0x1  }
0x2b: {  	_ =	swait.ge @!p0 [sflag:s0], s1  }
0x2c: {  	s1 =	ssub.s32 @!p0 $0x0, s1;
	[sflag:s0] =	ssyncset.done @!p0 $0x0  }
0x2d: {  	[sflag:s0] =	ssyncadd.s32 @!p0 s1  }
0x2e: {  	[bflag:$0x3] =	sbarrier.arrive $0xFFFF  }
0x2f: {  	_ =	shalt  }

</sc_bundles>
